<compile_context>
chip_gen: v7x
topology: tpu7x:2x2x1
jax: 0.10.2.dev20260603
libtpu: 0.0.44.dev20260713+nightly
codegen_flags: <defaults>
</compile_context>

<pallas_src>
import functools

import jax
import jax.numpy as jnp
from jax import lax
from jax.experimental import pallas as pl
from jax.experimental.pallas import tpu as pltpu
from jax.experimental.pallas import tpu_sc as plsc

_F = 26
_V = 100000
_E = 16
_D = 128
_B = 4096
_L = 20

_VP = 100096
_FP = 32
_T = _B * _L
_NC = 2
_NS = 16
_NW = _NC * _NS
_TPW = _T // _NW
_K = 128
_TKC = 256
_NHALF = _TKC // _K
_OUTER = _TPW // _TKC


_VC = 5888
_NVB = _VP // _VC
_NFB = _FP // 8
_TROWS = _NFB * _VP


def _detile_body(t_ref, o_ref):
    x = t_ref[...]
    x = x.reshape(8 * _E, _VC)
    o_ref[...] = jnp.transpose(x, (1, 0))


def _tc_detile(tt):
    return pl.pallas_call(
        _detile_body,
        grid=(_NFB, _NVB),
        in_specs=[pl.BlockSpec((8, _E, _VC), lambda fb, c: (fb, 0, c))],
        out_specs=pl.BlockSpec((_VC, 128), lambda fb, c: (fb * _NVB + c, 0)),
        out_shape=jax.ShapeDtypeStruct((_TROWS, 128), jnp.float32),
    )(tt)



def _sc_gather_body(table_hbm, idx_hbm, outs, idx_v, rows_v, sem):
    wid = lax.axis_index("s") * _NC + lax.axis_index("c")

    for c in range(4):
        out_c = outs[c]

        def chunk(i, carry, c=c, out_c=out_c):
            tok0 = wid * _TPW + i * _TKC
            l0 = tok0 // _B
            b0 = tok0 % _B
            pltpu.sync_copy(
                idx_hbm.at[pl.ds(c * 8, 8), l0, pl.ds(b0, _TKC)], idx_v)
            copies = []
            for fl in range(8):
                for k in range(_NHALF):
                    copies.append(
                        pltpu.async_copy(
                            table_hbm.at[idx_v.at[fl, pl.ds(k * _K, _K)]],
                            rows_v.at[fl, pl.ds(k * _K, _K)],
                            sem,
                        )
                    )
            for cp in copies:
                cp.wait()
            for fl in range(8):
                pltpu.sync_copy(
                    rows_v.at[fl],
                    out_c.at[pl.ds(tok0, _TKC), pl.ds(fl * _E, _E)])
            return carry

        lax.fori_loop(0, _OUTER, chunk, 0)


@functools.partial(
    pl.kernel,
    out_type=tuple(
        jax.ShapeDtypeStruct((_T, _D), jnp.float32) for _ in range(4)
    ),
    mesh=plsc.VectorSubcoreMesh(
        core_axis_name="c", subcore_axis_name="s",
        num_cores=_NC, num_subcores=_NS,
    ),
    scratch_types=[
        pltpu.VMEM((8, _TKC), jnp.int32),
        pltpu.VMEM((8, _TKC, _E), jnp.float32),
        pltpu.SemaphoreType.DMA,
    ],
    compiler_params=pltpu.CompilerParams(use_tc_tiling_on_sc=False),
)
def _sc_gather(table_hbm, idx_hbm, o0, o1, o2, o3, idx_v, rows_v, sem):
    _sc_gather_body(table_hbm, idx_hbm, (o0, o1, o2, o3), idx_v, rows_v, sem)



_BM = 1024


def _proj_body(x0, x1, x2, x3, w0, w1, w2, w3, b_ref, g_ref, bt_ref, o_ref):
    h = jnp.dot(x0[...], w0[...], preferred_element_type=jnp.float32)
    h += jnp.dot(x1[...], w1[...], preferred_element_type=jnp.float32)
    h += jnp.dot(x2[...], w2[...], preferred_element_type=jnp.float32)
    h += jnp.dot(x3[...], w3[...], preferred_element_type=jnp.float32)
    h += b_ref[...]
    h = h * jax.nn.sigmoid(h)
    m = jnp.mean(h, axis=-1, keepdims=True)
    cen = h - m
    v = jnp.mean(cen * cen, axis=-1, keepdims=True)
    o_ref[...] = cen * lax.rsqrt(v + 1e-5) * g_ref[...] + bt_ref[...]


def _tc_project(xs, ws, b1, gamma, beta):
    xspec = pl.BlockSpec((_BM, _D), lambda i: (i, 0))
    wspec = pl.BlockSpec((_D, _D), lambda i: (0, 0))
    vspec = pl.BlockSpec((1, _D), lambda i: (0, 0))
    return pl.pallas_call(
        _proj_body,
        grid=(_T // _BM,),
        in_specs=[xspec] * 4 + [wspec] * 4 + [vspec] * 3,
        out_specs=pl.BlockSpec((_BM, _D), lambda i: (i, 0)),
        out_shape=jax.ShapeDtypeStruct((_T, _D), jnp.float32),
    )(*xs, *ws, b1.reshape(1, _D), gamma.reshape(1, _D), beta.reshape(1, _D))


def kernel(sequence, tables, W1, b1, gamma, beta):
    tt = jnp.transpose(tables, (0, 2, 1))
    tlin = _tc_detile(tt)
    table_rows = tlin.reshape(_TROWS * 8, _E)

    seq_fm = jnp.transpose(sequence, (1, 2, 0))
    farange = jnp.arange(_F, dtype=jnp.int32)[:, None, None]
    offs = (farange // 8) * (_VP * 8) + (farange % 8)
    idx_real = jnp.clip(seq_fm, 0, _V).astype(jnp.int32) * 8 + offs
    padj = jnp.arange(_FP - _F, dtype=jnp.int32)[:, None, None]
    tok = (jnp.arange(_L, dtype=jnp.int32)[None, :, None] * _B
           + jnp.arange(_B, dtype=jnp.int32)[None, None, :])
    pad_idx = ((padj * _T + tok) % 90000) * 8
    idx = jnp.concatenate([idx_real, pad_idx], axis=0)

    xs = list(_sc_gather(table_rows, idx))

    w1p = jnp.concatenate(
        [W1, jnp.zeros((_FP * _E - _F * _E, _D), W1.dtype)], axis=0)
    ws = [w1p[c * _D:(c + 1) * _D] for c in range(4)]

    out = _tc_project(xs, ws, b1, gamma, beta)
    return jnp.transpose(out.reshape(_L, _B, _D), (1, 0, 2))

# --- scband reference (transcript-rebuilt; emitter-appended) ---
"""Pipeline reference for scband-sequence-tokenizer-77498389889628 (READ-ONLY COPY).

The authoritative reference and input builder live on the scoring server;
editing this copy changes nothing except your own understanding.
"""

import jax, jax.numpy as jnp
import numpy as np

F = 26
V = 100000
E = 16
D = 128
B = 4096
L = 20


def setup_inputs(seed: int = 0) -> dict:
    key = jax.random.key(seed)
    ks = jax.random.split(key, 4)
    sequence = jax.random.randint(ks[0], (B, F, L), 0, V)
    # one embedding table per feature, vocab_size+1 rows, padding row 0 zeroed
    tables = jax.random.normal(ks[1], (F, V + 1, E), dtype=jnp.float32) * 0.05
    tables = tables.at[:, 0, :].set(0.0)
    W1 = jax.random.normal(ks[2], (F * E, D), dtype=jnp.float32) * 0.02
    b1 = jnp.zeros((D,), dtype=jnp.float32)
    gamma = jnp.ones((D,), dtype=jnp.float32)
    beta = jnp.zeros((D,), dtype=jnp.float32)
    return {"sequence": sequence, "tables": tables, "W1": W1, "b1": b1, "gamma": gamma, "beta": beta}


def reference(sequence, tables, W1, b1, gamma, beta):
    # per-feature embedding lookup with clamp(min=0, max=vocab_size)
    vals = jnp.clip(sequence, 0, V)                      # [B, F, L]
    vals_f = jnp.transpose(vals, (1, 0, 2))              # [F, B, L]
    gathered = jax.vmap(lambda t, v: t[v])(tables, vals_f)  # [F, B, L, E]
    # concat along last dim in feature order -> [B, L, F*E]
    token_input = jnp.transpose(gathered, (1, 2, 0, 3)).reshape(B, L, F * E)
    # project: Linear -> SiLU -> LayerNorm
    h = token_input @ W1 + b1
    h = h * jax.nn.sigmoid(h)
    mean = jnp.mean(h, axis=-1, keepdims=True)
    var = jnp.var(h, axis=-1, keepdims=True)
    tokens = (h - mean) / jnp.sqrt(var + 1e-5) * gamma + beta
    return tokens

if __name__ == "__main__":
    import jax
    _d = setup_inputs()
    print(jax.jit(kernel)(*tuple(_d.values())))

</pallas_src>

<mosaic_0001>
#map = affine_map<(d0, d1) -> (0, 0)>
#map1 = affine_map<(d0, d1) -> (0, 0, 0)>
module attributes {stable_mosaic.version = 14 : i64} {
  func.func @_sc_gather(%arg0: i32, %arg1: i32, %arg2: memref<3203072x16xf32, #tpu.memory_space<hbm>>, %arg3: memref<32x20x4096xi32, #tpu.memory_space<hbm>>, %arg4: memref<81920x128xf32, #tpu.memory_space<hbm>>, %arg5: memref<81920x128xf32, #tpu.memory_space<hbm>>, %arg6: memref<81920x128xf32, #tpu.memory_space<hbm>>, %arg7: memref<81920x128xf32, #tpu.memory_space<hbm>>, %arg8: memref<8x256xi32, #tpu.memory_space<vmem>>, %arg9: memref<8x256x16xf32, #tpu.memory_space<vmem>>, %arg10: memref<!tpu.dma_semaphore, #tpu.memory_space<semaphore_mem>>) attributes {dimension_semantics = [#tpu.dimension_semantics<core_parallel>, #tpu.dimension_semantics<subcore_parallel>], iteration_bounds = array<i64: 2, 16>, scalar_prefetch = 0 : i64, scratch_operands = 3 : i64, tpu.core_type = #tpu.core_type<sc_vector_subcore>, window_params = [{transform_indices = #map}, {transform_indices = #map1}, {transform_indices = #map}, {transform_indices = #map}, {transform_indices = #map}, {transform_indices = #map}]} {
    %mul3A = arith.constant 2 : i32
    %mul3A_0 = arith.muli %arg1, %mul3A : i32
    %add3A = arith.addi %mul3A_0, %arg0 : i32
    %scan3A = arith.constant 0 : i32
    %scan3A_1 = arith.constant 0 : i32
    %scan3A_2 = arith.constant 10 : i32
    %scan3A_3 = arith.addi %scan3A_1, %scan3A_2 : i32
    %scan3A_4 = arith.constant 1 : i32
    scf.for %scan3A_24 = %scan3A_1 to %scan3A_3 step %scan3A_4  : i32 {
      %mul3A_25 = arith.constant 2560 : i32
      %mul3A_26 = arith.muli %add3A, %mul3A_25 : i32
      %mul3A_27 = arith.constant 256 : i32
      %mul3A_28 = arith.muli %scan3A_24, %mul3A_27 : i32
      %add3A_29 = arith.addi %mul3A_26, %mul3A_28 : i32
      %jit3A = arith.constant 4096 : i32
      %div3A = arith.divsi %add3A_29, %jit3A : i32
      %sign3A = arith.constant 0 : i32
      %sign3A_30 = arith.cmpi sgt, %add3A_29, %sign3A : i32
      %sign3A_31 = arith.extui %sign3A_30 : i1 to i32
      %sign3A_32 = arith.constant 0 : i32
      %sign3A_33 = arith.cmpi slt, %add3A_29, %sign3A_32 : i32
      %sign3A_34 = arith.extui %sign3A_33 : i1 to i32
      %sign3A_35 = arith.subi %sign3A_31, %sign3A_34 : i32
      %sign3A_36 = arith.constant 0 : i32
      %sign3A_37 = arith.cmpi sgt, %jit3A, %sign3A_36 : i32
      %sign3A_38 = arith.extui %sign3A_37 : i1 to i32
      %sign3A_39 = arith.constant 0 : i32
      %sign3A_40 = arith.cmpi slt, %jit3A, %sign3A_39 : i32
      %sign3A_41 = arith.extui %sign3A_40 : i1 to i32
      %sign3A_42 = arith.subi %sign3A_38, %sign3A_41 : i32
      %ne3A = arith.cmpi ne, %sign3A_35, %sign3A_42 : i32
      %rem3A = arith.remsi %add3A_29, %jit3A : i32
      %ne3A_43 = arith.constant 0 : i32
      %ne3A_44 = arith.cmpi ne, %rem3A, %ne3A_43 : i32
      %and3A = arith.andi %ne3A, %ne3A_44 : i1
      %sub3A = arith.constant 1 : i32
      %sub3A_45 = arith.subi %div3A, %sub3A : i32
      %select_n3A = arith.select %and3A, %sub3A_45, %div3A : i32
      %jit3A_46 = arith.constant 4096 : i32
      %eq3A = arith.constant 0 : i32
      %eq3A_47 = arith.cmpi eq, %jit3A_46, %eq3A : i32
      %jit3A_48 = arith.constant 1 : i32
      %select_n3A_49 = arith.select %eq3A_47, %jit3A_48, %jit3A_46 : i32
      %rem3A_50 = arith.remsi %add3A_29, %select_n3A_49 : i32
      %ne3A_51 = arith.constant 0 : i32
      %ne3A_52 = arith.cmpi ne, %rem3A_50, %ne3A_51 : i32
      %lt3A = arith.constant 0 : i32
      %lt3A_53 = arith.cmpi slt, %rem3A_50, %lt3A : i32
      %lt3A_54 = arith.constant 0 : i32
      %lt3A_55 = arith.cmpi slt, %select_n3A_49, %lt3A_54 : i32
      %ne3A_56 = arith.xori %lt3A_53, %lt3A_55 : i1
      %and3A_57 = arith.andi %ne3A_56, %ne3A_52 : i1
      %add3A_58 = arith.addi %rem3A_50, %select_n3A_49 : i32
      %select_n3A_59 = arith.select %and3A_57, %add3A_58, %rem3A_50 : i32
      "tpu.region"() ({
        %run_scoped3A_449 = tpu.sem_alloc : memref<!tpu.dma_semaphore, #tpu.memory_space<semaphore_mem>>
        %dma_start3A_450 = arith.constant 0 : i32
        %dma_start3A_451 = tpu.memref_slice %arg3[%dma_start3A_450, %select_n3A, %select_n3A_59] : memref<32x20x4096xi32, #tpu.memory_space<hbm>> -> memref<8x1x256xi32, #tpu.memory_space<hbm>>
        %dma_start3A_452 = tpu.memref_squeeze %dma_start3A_451 : memref<8x1x256xi32, #tpu.memory_space<hbm>> -> memref<8x256xi32, #tpu.memory_space<hbm>>
        %dma_start3A_453 = arith.constant 0 : i32
        %dma_start3A_454 = tpu.memref_slice %arg3[%dma_start3A_453, %select_n3A, %select_n3A_59] : memref<32x20x4096xi32, #tpu.memory_space<hbm>> -> memref<8x1x256xi32, #tpu.memory_space<hbm>>
        %dma_start3A_455 = tpu.memref_squeeze %dma_start3A_454 : memref<8x1x256xi32, #tpu.memory_space<hbm>> -> memref<8x256xi32, #tpu.memory_space<hbm>>
        tpu.enqueue_dma source(%dma_start3A_455 : memref<8x256xi32, #tpu.memory_space<hbm>>) target(%arg8 : memref<8x256xi32, #tpu.memory_space<vmem>>) target_semaphore(%run_scoped3A_449 : memref<!tpu.dma_semaphore, #tpu.memory_space<semaphore_mem>>)
        %dma_wait3A_456 = arith.constant 0 : i32
        %dma_wait3A_457 = tpu.memref_slice %arg3[%dma_wait3A_456, %select_n3A, %select_n3A_59] : memref<32x20x4096xi32, #tpu.memory_space<hbm>> -> memref<8x1x256xi32, #tpu.memory_space<hbm>>
        %dma_wait3A_458 = tpu.memref_squeeze %dma_wait3A_457 : memref<8x1x256xi32, #tpu.memory_space<hbm>> -> memref<8x256xi32, #tpu.memory_space<hbm>>
        %dma_wait3A_459 = arith.constant 0 : i32
        %dma_wait3A_460 = tpu.memref_slice %arg3[%dma_wait3A_459, %select_n3A, %select_n3A_59] : memref<32x20x4096xi32, #tpu.memory_space<hbm>> -> memref<8x1x256xi32, #tpu.memory_space<hbm>>
        %dma_wait3A_461 = tpu.memref_squeeze %dma_wait3A_460 : memref<8x1x256xi32, #tpu.memory_space<hbm>> -> memref<8x256xi32, #tpu.memory_space<hbm>>
        tpu.wait_dma2 semaphore(%run_scoped3A_449 : memref<!tpu.dma_semaphore, #tpu.memory_space<semaphore_mem>>) src(%dma_wait3A_461 : memref<8x256xi32, #tpu.memory_space<hbm>>) dst(%arg8 : memref<8x256xi32, #tpu.memory_space<vmem>>)
        tpu.yield
      }) : () -> ()
      %dma_start3A = arith.constant 0 : i32
      %dma_start3A_60 = arith.constant 0 : i32
      %dma_start3A_61 = arith.constant 0 : i32
      %dma_start3A_62 = arith.constant 0 : i32
      %dma_start3A_63 = tpu.memref_slice %arg9[%dma_start3A_60, %dma_start3A_61, %dma_start3A_62] : memref<8x256x16xf32, #tpu.memory_space<vmem>> -> memref<1x128x16xf32, #tpu.memory_space<vmem>>
      %dma_start3A_64 = tpu.memref_squeeze %dma_start3A_63 : memref<1x128x16xf32, #tpu.memory_space<vmem>> -> memref<128x16xf32, #tpu.memory_space<vmem>>
      %dma_start3A_65 = arith.constant 0 : i32
      %dma_start3A_66 = tpu.memref_slice %arg8[%dma_start3A, %dma_start3A_65] : memref<8x256xi32, #tpu.memory_space<vmem>> -> memref<1x128xi32, #tpu.memory_space<vmem>>
      %dma_start3A_67 = tpu.memref_squeeze %dma_start3A_66 : memref<1x128xi32, #tpu.memory_space<vmem>> -> memref<128xi32, #tpu.memory_space<vmem>>
      %dma_start3A_68 = arith.constant 0 : i32
      %dma_start3A_69 = arith.constant 0 : i32
      %dma_start3A_70 = tpu.memref_slice %arg2[%dma_start3A_68, %dma_start3A_69] : memref<3203072x16xf32, #tpu.memory_space<hbm>> -> memref<3203072x16xf32, #tpu.memory_space<hbm>>
      tpu.enqueue_indirect_dma source(%dma_start3A_70 : memref<3203072x16xf32, #tpu.memory_space<hbm>>) target(%dma_start3A_64 : memref<128x16xf32, #tpu.memory_space<vmem>>) offsets(%dma_start3A_67 : memref<128xi32, #tpu.memory_space<vmem>>) semaphore(%arg10 : memref<!tpu.dma_semaphore, #tpu.memory_space<semaphore_mem>>)
      %dma_start3A_71 = arith.constant 0 : i32
      %dma_start3A_72 = arith.constant 0 : i32
      %dma_start3A_73 = arith.constant 128 : i32
      %dma_start3A_74 = arith.constant 0 : i32
      %dma_start3A_75 = tpu.memref_slice %arg9[%dma_start3A_72, %dma_start3A_73, %dma_start3A_74] : memref<8x256x16xf32, #tpu.memory_space<vmem>> -> memref<1x128x16xf32, #tpu.memory_space<vmem>>
      %dma_start3A_76 = tpu.memref_squeeze %dma_start3A_75 : memref<1x128x16xf32, #tpu.memory_space<vmem>> -> memref<128x16xf32, #tpu.memory_space<vmem>>
      %dma_start3A_77 = arith.constant 128 : i32
      %dma_start3A_78 = tpu.memref_slice %arg8[%dma_start3A_71, %dma_start3A_77] : memref<8x256xi32, #tpu.memory_space<vmem>> -> memref<1x128xi32, #tpu.memory_space<vmem>>
      %dma_start3A_79 = tpu.memref_squeeze %dma_start3A_78 : memref<1x128xi32, #tpu.memory_space<vmem>> -> memref<128xi32, #tpu.memory_space<vmem>>
      %dma_start3A_80 = arith.constant 0 : i32
      %dma_start3A_81 = arith.constant 0 : i32
      %dma_start3A_82 = tpu.memref_slice %arg2[%dma_start3A_80, %dma_start3A_81] : memref<3203072x16xf32, #tpu.memory_space<hbm>> -> memref<3203072x16xf32, #tpu.memory_space<hbm>>
      tpu.enqueue_indirect_dma source(%dma_start3A_82 : memref<3203072x16xf32, #tpu.memory_space<hbm>>) target(%dma_start3A_76 : memref<128x16xf32, #tpu.memory_space<vmem>>) offsets(%dma_start3A_79 : memref<128xi32, #tpu.memory_space<vmem>>) semaphore(%arg10 : memref<!tpu.dma_semaphore, #tpu.memory_space<semaphore_mem>>)
      %dma_start3A_83 = arith.constant 1 : i32
      %dma_start3A_84 = arith.constant 1 : i32
      %dma_start3A_85 = arith.constant 0 : i32
      %dma_start3A_86 = arith.constant 0 : i32
      %dma_start3A_87 = tpu.memref_slice %arg9[%dma_start3A_84, %dma_start3A_85, %dma_start3A_86] : memref<8x256x16xf32, #tpu.memory_space<vmem>> -> memref<1x128x16xf32, #tpu.memory_space<vmem>>
      %dma_start3A_88 = tpu.memref_squeeze %dma_start3A_87 : memref<1x128x16xf32, #tpu.memory_space<vmem>> -> memref<128x16xf32, #tpu.memory_space<vmem>>
      %dma_start3A_89 = arith.constant 0 : i32
      %dma_start3A_90 = tpu.memref_slice %arg8[%dma_start3A_83, %dma_start3A_89] : memref<8x256xi32, #tpu.memory_space<vmem>> -> memref<1x128xi32, #tpu.memory_space<vmem>>
      %dma_start3A_91 = tpu.memref_squeeze %dma_start3A_90 : memref<1x128xi32, #tpu.memory_space<vmem>> -> memref<128xi32, #tpu.memory_space<vmem>>
      %dma_start3A_92 = arith.constant 0 : i32
      %dma_start3A_93 = arith.constant 0 : i32
      %dma_start3A_94 = tpu.memref_slice %arg2[%dma_start3A_92, %dma_start3A_93] : memref<3203072x16xf32, #tpu.memory_space<hbm>> -> memref<3203072x16xf32, #tpu.memory_space<hbm>>
      tpu.enqueue_indirect_dma source(%dma_start3A_94 : memref<3203072x16xf32, #tpu.memory_space<hbm>>) target(%dma_start3A_88 : memref<128x16xf32, #tpu.memory_space<vmem>>) offsets(%dma_start3A_91 : memref<128xi32, #tpu.memory_space<vmem>>) semaphore(%arg10 : memref<!tpu.dma_semaphore, #tpu.memory_space<semaphore_mem>>)
      %dma_start3A_95 = arith.constant 1 : i32
      %dma_start3A_96 = arith.constant 1 : i32
      %dma_start3A_97 = arith.constant 128 : i32
      %dma_start3A_98 = arith.constant 0 : i32
      %dma_start3A_99 = tpu.memref_slice %arg9[%dma_start3A_96, %dma_start3A_97, %dma_start3A_98] : memref<8x256x16xf32, #tpu.memory_space<vmem>> -> memref<1x128x16xf32, #tpu.memory_space<vmem>>
      %dma_start3A_100 = tpu.memref_squeeze %dma_start3A_99 : memref<1x128x16xf32, #tpu.memory_space<vmem>> -> memref<128x16xf32, #tpu.memory_space<vmem>>
      %dma_start3A_101 = arith.constant 128 : i32
      %dma_start3A_102 = tpu.memref_slice %arg8[%dma_start3A_95, %dma_start3A_101] : memref<8x256xi32, #tpu.memory_space<vmem>> -> memref<1x128xi32, #tpu.memory_space<vmem>>
      %dma_start3A_103 = tpu.memref_squeeze %dma_start3A_102 : memref<1x128xi32, #tpu.memory_space<vmem>> -> memref<128xi32, #tpu.memory_space<vmem>>
      %dma_start3A_104 = arith.constant 0 : i32
      %dma_start3A_105 = arith.constant 0 : i32
      %dma_start3A_106 = tpu.memref_slice %arg2[%dma_start3A_104, %dma_start3A_105] : memref<3203072x16xf32, #tpu.memory_space<hbm>> -> memref<3203072x16xf32, #tpu.memory_space<hbm>>
      tpu.enqueue_indirect_dma source(%dma_start3A_106 : memref<3203072x16xf32, #tpu.memory_space<hbm>>) target(%dma_start3A_100 : memref<128x16xf32, #tpu.memory_space<vmem>>) offsets(%dma_start3A_103 : memref<128xi32, #tpu.memory_space<vmem>>) semaphore(%arg10 : memref<!tpu.dma_semaphore, #tpu.memory_space<semaphore_mem>>)
      %dma_start3A_107 = arith.constant 2 : i32
      %dma_start3A_108 = arith.constant 2 : i32
      %dma_start3A_109 = arith.constant 0 : i32
      %dma_start3A_110 = arith.constant 0 : i32
      %dma_start3A_111 = tpu.memref_slice %arg9[%dma_start3A_108, %dma_start3A_109, %dma_start3A_110] : memref<8x256x16xf32, #tpu.memory_space<vmem>> -> memref<1x128x16xf32, #tpu.memory_space<vmem>>
      %dma_start3A_112 = tpu.memref_squeeze %dma_start3A_111 : memref<1x128x16xf32, #tpu.memory_space<vmem>> -> memref<128x16xf32, #tpu.memory_space<vmem>>
      %dma_start3A_113 = arith.constant 0 : i32
      %dma_start3A_114 = tpu.memref_slice %arg8[%dma_start3A_107, %dma_start3A_113] : memref<8x256xi32, #tpu.memory_space<vmem>> -> memref<1x128xi32, #tpu.memory_space<vmem>>
      %dma_start3A_115 = tpu.memref_squeeze %dma_start3A_114 : memref<1x128xi32, #tpu.memory_space<vmem>> -> memref<128xi32, #tpu.memory_space<vmem>>
      %dma_start3A_116 = arith.constant 0 : i32
      %dma_start3A_117 = arith.constant 0 : i32
      %dma_start3A_118 = tpu.memref_slice %arg2[%dma_start3A_116, %dma_start3A_117] : memref<3203072x16xf32, #tpu.memory_space<hbm>> -> memref<3203072x16xf32, #tpu.memory_space<hbm>>
      tpu.enqueue_indirect_dma source(%dma_start3A_118 : memref<3203072x16xf32, #tpu.memory_space<hbm>>) target(%dma_start3A_112 : memref<128x16xf32, #tpu.memory_space<vmem>>) offsets(%dma_start3A_115 : memref<128xi32, #tpu.memory_space<vmem>>) semaphore(%arg10 : memref<!tpu.dma_semaphore, #tpu.memory_space<semaphore_mem>>)
      %dma_start3A_119 = arith.constant 2 : i32
      %dma_start3A_120 = arith.constant 2 : i32
      %dma_start3A_121 = arith.constant 128 : i32
      %dma_start3A_122 = arith.constant 0 : i32
      %dma_start3A_123 = tpu.memref_slice %arg9[%dma_start3A_120, %dma_start3A_121, %dma_start3A_122] : memref<8x256x16xf32, #tpu.memory_space<vmem>> -> memref<1x128x16xf32, #tpu.memory_space<vmem>>
      %dma_start3A_124 = tpu.memref_squeeze %dma_start3A_123 : memref<1x128x16xf32, #tpu.memory_space<vmem>> -> memref<128x16xf32, #tpu.memory_space<vmem>>
      %dma_start3A_125 = arith.constant 128 : i32
      %dma_start3A_126 = tpu.memref_slice %arg8[%dma_start3A_119, %dma_start3A_125] : memref<8x256xi32, #tpu.memory_space<vmem>> -> memref<1x128xi32, #tpu.memory_space<vmem>>
      %dma_start3A_127 = tpu.memref_squeeze %dma_start3A_126 : memref<1x128xi32, #tpu.memory_space<vmem>> -> memref<128xi32, #tpu.memory_space<vmem>>
      %dma_start3A_128 = arith.constant 0 : i32
      %dma_start3A_129 = arith.constant 0 : i32
      %dma_start3A_130 = tpu.memref_slice %arg2[%dma_start3A_128, %dma_start3A_129] : memref<3203072x16xf32, #tpu.memory_space<hbm>> -> memref<3203072x16xf32, #tpu.memory_space<hbm>>
      tpu.enqueue_indirect_dma source(%dma_start3A_130 : memref<3203072x16xf32, #tpu.memory_space<hbm>>) target(%dma_start3A_124 : memref<128x16xf32, #tpu.memory_space<vmem>>) offsets(%dma_start3A_127 : memref<128xi32, #tpu.memory_space<vmem>>) semaphore(%arg10 : memref<!tpu.dma_semaphore, #tpu.memory_space<semaphore_mem>>)
      %dma_start3A_131 = arith.constant 3 : i32
      %dma_start3A_132 = arith.constant 3 : i32
      %dma_start3A_133 = arith.constant 0 : i32
      %dma_start3A_134 = arith.constant 0 : i32
      %dma_start3A_135 = tpu.memref_slice %arg9[%dma_start3A_132, %dma_start3A_133, %dma_start3A_134] : memref<8x256x16xf32, #tpu.memory_space<vmem>> -> memref<1x128x16xf32, #tpu.memory_space<vmem>>
      %dma_start3A_136 = tpu.memref_squeeze %dma_start3A_135 : memref<1x128x16xf32, #tpu.memory_space<vmem>> -> memref<128x16xf32, #tpu.memory_space<vmem>>
      %dma_start3A_137 = arith.constant 0 : i32
      %dma_start3A_138 = tpu.memref_slice %arg8[%dma_start3A_131, %dma_start3A_137] : memref<8x256xi32, #tpu.memory_space<vmem>> -> memref<1x128xi32, #tpu.memory_space<vmem>>
      %dma_start3A_139 = tpu.memref_squeeze %dma_start3A_138 : memref<1x128xi32, #tpu.memory_space<vmem>> -> memref<128xi32, #tpu.memory_space<vmem>>
      %dma_start3A_140 = arith.constant 0 : i32
      %dma_start3A_141 = arith.constant 0 : i32
      %dma_start3A_142 = tpu.memref_slice %arg2[%dma_start3A_140, %dma_start3A_141] : memref<3203072x16xf32, #tpu.memory_space<hbm>> -> memref<3203072x16xf32, #tpu.memory_space<hbm>>
      tpu.enqueue_indirect_dma source(%dma_start3A_142 : memref<3203072x16xf32, #tpu.memory_space<hbm>>) target(%dma_start3A_136 : memref<128x16xf32, #tpu.memory_space<vmem>>) offsets(%dma_start3A_139 : memref<128xi32, #tpu.memory_space<vmem>>) semaphore(%arg10 : memref<!tpu.dma_semaphore, #tpu.memory_space<semaphore_mem>>)
      %dma_start3A_143 = arith.constant 3 : i32
      %dma_start3A_144 = arith.constant 3 : i32
      %dma_start3A_145 = arith.constant 128 : i32
      %dma_start3A_146 = arith.constant 0 : i32
      %dma_start3A_147 = tpu.memref_slice %arg9[%dma_start3A_144, %dma_start3A_145, %dma_start3A_146] : memref<8x256x16xf32, #tpu.memory_space<vmem>> -> memref<1x128x16xf32, #tpu.memory_space<vmem>>
      %dma_start3A_148 = tpu.memref_squeeze %dma_start3A_147 : memref<1x128x16xf32, #tpu.memory_space<vmem>> -> memref<128x16xf32, #tpu.memory_space<vmem>>
      %dma_start3A_149 = arith.constant 128 : i32
      %dma_start3A_150 = tpu.memref_slice %arg8[%dma_start3A_143, %dma_start3A_149] : memref<8x256xi32, #tpu.memory_space<vmem>> -> memref<1x128xi32, #tpu.memory_space<vmem>>
      %dma_start3A_151 = tpu.memref_squeeze %dma_start3A_150 : memref<1x128xi32, #tpu.memory_space<vmem>> -> memref<128xi32, #tpu.memory_space<vmem>>
      %dma_start3A_152 = arith.constant 0 : i32
      %dma_start3A_153 = arith.constant 0 : i32
      %dma_start3A_154 = tpu.memref_slice %arg2[%dma_start3A_152, %dma_start3A_153] : memref<3203072x16xf32, #tpu.memory_space<hbm>> -> memref<3203072x16xf32, #tpu.memory_space<hbm>>
      tpu.enqueue_indirect_dma source(%dma_start3A_154 : memref<3203072x16xf32, #tpu.memory_space<hbm>>) target(%dma_start3A_148 : memref<128x16xf32, #tpu.memory_space<vmem>>) offsets(%dma_start3A_151 : memref<128xi32, #tpu.memory_space<vmem>>) semaphore(%arg10 : memref<!tpu.dma_semaphore, #tpu.memory_space<semaphore_mem>>)
      %dma_start3A_155 = arith.constant 4 : i32
      %dma_start3A_156 = arith.constant 4 : i32
      %dma_start3A_157 = arith.constant 0 : i32
      %dma_start3A_158 = arith.constant 0 : i32
      %dma_start3A_159 = tpu.memref_slice %arg9[%dma_start3A_156, %dma_start3A_157, %dma_start3A_158] : memref<8x256x16xf32, #tpu.memory_space<vmem>> -> memref<1x128x16xf32, #tpu.memory_space<vmem>>
      %dma_start3A_160 = tpu.memref_squeeze %dma_start3A_159 : memref<1x128x16xf32, #tpu.memory_space<vmem>> -> memref<128x16xf32, #tpu.memory_space<vmem>>
      %dma_start3A_161 = arith.constant 0 : i32
      %dma_start3A_162 = tpu.memref_slice %arg8[%dma_start3A_155, %dma_start3A_161] : memref<8x256xi32, #tpu.memory_space<vmem>> -> memref<1x128xi32, #tpu.memory_space<vmem>>
      %dma_start3A_163 = tpu.memref_squeeze %dma_start3A_162 : memref<1x128xi32, #tpu.memory_space<vmem>> -> memref<128xi32, #tpu.memory_space<vmem>>
      %dma_start3A_164 = arith.constant 0 : i32
      %dma_start3A_165 = arith.constant 0 : i32
      %dma_start3A_166 = tpu.memref_slice %arg2[%dma_start3A_164, %dma_start3A_165] : memref<3203072x16xf32, #tpu.memory_space<hbm>> -> memref<3203072x16xf32, #tpu.memory_space<hbm>>
      tpu.enqueue_indirect_dma source(%dma_start3A_166 : memref<3203072x16xf32, #tpu.memory_space<hbm>>) target(%dma_start3A_160 : memref<128x16xf32, #tpu.memory_space<vmem>>) offsets(%dma_start3A_163 : memref<128xi32, #tpu.memory_space<vmem>>) semaphore(%arg10 : memref<!tpu.dma_semaphore, #tpu.memory_space<semaphore_mem>>)
      %dma_start3A_167 = arith.constant 4 : i32
      %dma_start3A_168 = arith.constant 4 : i32
      %dma_start3A_169 = arith.constant 128 : i32
      %dma_start3A_170 = arith.constant 0 : i32
      %dma_start3A_171 = tpu.memref_slice %arg9[%dma_start3A_168, %dma_start3A_169, %dma_start3A_170] : memref<8x256x16xf32, #tpu.memory_space<vmem>> -> memref<1x128x16xf32, #tpu.memory_space<vmem>>
      %dma_start3A_172 = tpu.memref_squeeze %dma_start3A_171 : memref<1x128x16xf32, #tpu.memory_space<vmem>> -> memref<128x16xf32, #tpu.memory_space<vmem>>
      %dma_start3A_173 = arith.constant 128 : i32
      %dma_start3A_174 = tpu.memref_slice %arg8[%dma_start3A_167, %dma_start3A_173] : memref<8x256xi32, #tpu.memory_space<vmem>> -> memref<1x128xi32, #tpu.memory_space<vmem>>
      %dma_start3A_175 = tpu.memref_squeeze %dma_start3A_174 : memref<1x128xi32, #tpu.memory_space<vmem>> -> memref<128xi32, #tpu.memory_space<vmem>>
      %dma_start3A_176 = arith.constant 0 : i32
      %dma_start3A_177 = arith.constant 0 : i32
      %dma_start3A_178 = tpu.memref_slice %arg2[%dma_start3A_176, %dma_start3A_177] : memref<3203072x16xf32, #tpu.memory_space<hbm>> -> memref<3203072x16xf32, #tpu.memory_space<hbm>>
      tpu.enqueue_indirect_dma source(%dma_start3A_178 : memref<3203072x16xf32, #tpu.memory_space<hbm>>) target(%dma_start3A_172 : memref<128x16xf32, #tpu.memory_space<vmem>>) offsets(%dma_start3A_175 : memref<128xi32, #tpu.memory_space<vmem>>) semaphore(%arg10 : memref<!tpu.dma_semaphore, #tpu.memory_space<semaphore_mem>>)
      %dma_start3A_179 = arith.constant 5 : i32
      %dma_start3A_180 = arith.constant 5 : i32
      %dma_start3A_181 = arith.constant 0 : i32
      %dma_start3A_182 = arith.constant 0 : i32
      %dma_start3A_183 = tpu.memref_slice %arg9[%dma_start3A_180, %dma_start3A_181, %dma_start3A_182] : memref<8x256x16xf32, #tpu.memory_space<vmem>> -> memref<1x128x16xf32, #tpu.memory_space<vmem>>
      %dma_start3A_184 = tpu.memref_squeeze %dma_start3A_183 : memref<1x128x16xf32, #tpu.memory_space<vmem>> -> memref<128x16xf32, #tpu.memory_space<vmem>>
      %dma_start3A_185 = arith.constant 0 : i32
      %dma_start3A_186 = tpu.memref_slice %arg8[%dma_start3A_179, %dma_start3A_185] : memref<8x256xi32, #tpu.memory_space<vmem>> -> memref<1x128xi32, #tpu.memory_space<vmem>>
      %dma_start3A_187 = tpu.memref_squeeze %dma_start3A_186 : memref<1x128xi32, #tpu.memory_space<vmem>> -> memref<128xi32, #tpu.memory_space<vmem>>
      %dma_start3A_188 = arith.constant 0 : i32
      %dma_start3A_189 = arith.constant 0 : i32
      %dma_start3A_190 = tpu.memref_slice %arg2[%dma_start3A_188, %dma_start3A_189] : memref<3203072x16xf32, #tpu.memory_space<hbm>> -> memref<3203072x16xf32, #tpu.memory_space<hbm>>
      tpu.enqueue_indirect_dma source(%dma_start3A_190 : memref<3203072x16xf32, #tpu.memory_space<hbm>>) target(%dma_start3A_184 : memref<128x16xf32, #tpu.memory_space<vmem>>) offsets(%dma_start3A_187 : memref<128xi32, #tpu.memory_space<vmem>>) semaphore(%arg10 : memref<!tpu.dma_semaphore, #tpu.memory_space<semaphore_mem>>)
      %dma_start3A_191 = arith.constant 5 : i32
      %dma_start3A_192 = arith.constant 5 : i32
      %dma_start3A_193 = arith.constant 128 : i32
      %dma_start3A_194 = arith.constant 0 : i32
      %dma_start3A_195 = tpu.memref_slice %arg9[%dma_start3A_192, %dma_start3A_193, %dma_start3A_194] : memref<8x256x16xf32, #tpu.memory_space<vmem>> -> memref<1x128x16xf32, #tpu.memory_space<vmem>>
      %dma_start3A_196 = tpu.memref_squeeze %dma_start3A_195 : memref<1x128x16xf32, #tpu.memory_space<vmem>> -> memref<128x16xf32, #tpu.memory_space<vmem>>
      %dma_start3A_197 = arith.constant 128 : i32
      %dma_start3A_198 = tpu.memref_slice %arg8[%dma_start3A_191, %dma_start3A_197] : memref<8x256xi32, #tpu.memory_space<vmem>> -> memref<1x128xi32, #tpu.memory_space<vmem>>
      %dma_start3A_199 = tpu.memref_squeeze %dma_start3A_198 : memref<1x128xi32, #tpu.memory_space<vmem>> -> memref<128xi32, #tpu.memory_space<vmem>>
      %dma_start3A_200 = arith.constant 0 : i32
      %dma_start3A_201 = arith.constant 0 : i32
      %dma_start3A_202 = tpu.memref_slice %arg2[%dma_start3A_200, %dma_start3A_201] : memref<3203072x16xf32, #tpu.memory_space<hbm>> -> memref<3203072x16xf32, #tpu.memory_space<hbm>>
      tpu.enqueue_indirect_dma source(%dma_start3A_202 : memref<3203072x16xf32, #tpu.memory_space<hbm>>) target(%dma_start3A_196 : memref<128x16xf32, #tpu.memory_space<vmem>>) offsets(%dma_start3A_199 : memref<128xi32, #tpu.memory_space<vmem>>) semaphore(%arg10 : memref<!tpu.dma_semaphore, #tpu.memory_space<semaphore_mem>>)
      %dma_start3A_203 = arith.constant 6 : i32
      %dma_start3A_204 = arith.constant 6 : i32
      %dma_start3A_205 = arith.constant 0 : i32
      %dma_start3A_206 = arith.constant 0 : i32
      %dma_start3A_207 = tpu.memref_slice %arg9[%dma_start3A_204, %dma_start3A_205, %dma_start3A_206] : memref<8x256x16xf32, #tpu.memory_space<vmem>> -> memref<1x128x16xf32, #tpu.memory_space<vmem>>
      %dma_start3A_208 = tpu.memref_squeeze %dma_start3A_207 : memref<1x128x16xf32, #tpu.memory_space<vmem>> -> memref<128x16xf32, #tpu.memory_space<vmem>>
      %dma_start3A_209 = arith.constant 0 : i32
      %dma_start3A_210 = tpu.memref_slice %arg8[%dma_start3A_203, %dma_start3A_209] : memref<8x256xi32, #tpu.memory_space<vmem>> -> memref<1x128xi32, #tpu.memory_space<vmem>>
      %dma_start3A_211 = tpu.memref_squeeze %dma_start3A_210 : memref<1x128xi32, #tpu.memory_space<vmem>> -> memref<128xi32, #tpu.memory_space<vmem>>
      %dma_start3A_212 = arith.constant 0 : i32
      %dma_start3A_213 = arith.constant 0 : i32
      %dma_start3A_214 = tpu.memref_slice %arg2[%dma_start3A_212, %dma_start3A_213] : memref<3203072x16xf32, #tpu.memory_space<hbm>> -> memref<3203072x16xf32, #tpu.memory_space<hbm>>
      tpu.enqueue_indirect_dma source(%dma_start3A_214 : memref<3203072x16xf32, #tpu.memory_space<hbm>>) target(%dma_start3A_208 : memref<128x16xf32, #tpu.memory_space<vmem>>) offsets(%dma_start3A_211 : memref<128xi32, #tpu.memory_space<vmem>>) semaphore(%arg10 : memref<!tpu.dma_semaphore, #tpu.memory_space<semaphore_mem>>)
      %dma_start3A_215 = arith.constant 6 : i32
      %dma_start3A_216 = arith.constant 6 : i32
      %dma_start3A_217 = arith.constant 128 : i32
      %dma_start3A_218 = arith.constant 0 : i32
      %dma_start3A_219 = tpu.memref_slice %arg9[%dma_start3A_216, %dma_start3A_217, %dma_start3A_218] : memref<8x256x16xf32, #tpu.memory_space<vmem>> -> memref<1x128x16xf32, #tpu.memory_space<vmem>>
      %dma_start3A_220 = tpu.memref_squeeze %dma_start3A_219 : memref<1x128x16xf32, #tpu.memory_space<vmem>> -> memref<128x16xf32, #tpu.memory_space<vmem>>
      %dma_start3A_221 = arith.constant 128 : i32
      %dma_start3A_222 = tpu.memref_slice %arg8[%dma_start3A_215, %dma_start3A_221] : memref<8x256xi32, #tpu.memory_space<vmem>> -> memref<1x128xi32, #tpu.memory_space<vmem>>
      %dma_start3A_223 = tpu.memref_squeeze %dma_start3A_222 : memref<1x128xi32, #tpu.memory_space<vmem>> -> memref<128xi32, #tpu.memory_space<vmem>>
      %dma_start3A_224 = arith.constant 0 : i32
      %dma_start3A_225 = arith.constant 0 : i32
      %dma_start3A_226 = tpu.memref_slice %arg2[%dma_start3A_224, %dma_start3A_225] : memref<3203072x16xf32, #tpu.memory_space<hbm>> -> memref<3203072x16xf32, #tpu.memory_space<hbm>>
      tpu.enqueue_indirect_dma source(%dma_start3A_226 : memref<3203072x16xf32, #tpu.memory_space<hbm>>) target(%dma_start3A_220 : memref<128x16xf32, #tpu.memory_space<vmem>>) offsets(%dma_start3A_223 : memref<128xi32, #tpu.memory_space<vmem>>) semaphore(%arg10 : memref<!tpu.dma_semaphore, #tpu.memory_space<semaphore_mem>>)
      %dma_start3A_227 = arith.constant 7 : i32
      %dma_start3A_228 = arith.constant 7 : i32
      %dma_start3A_229 = arith.constant 0 : i32
      %dma_start3A_230 = arith.constant 0 : i32
      %dma_start3A_231 = tpu.memref_slice %arg9[%dma_start3A_228, %dma_start3A_229, %dma_start3A_230] : memref<8x256x16xf32, #tpu.memory_space<vmem>> -> memref<1x128x16xf32, #tpu.memory_space<vmem>>
      %dma_start3A_232 = tpu.memref_squeeze %dma_start3A_231 : memref<1x128x16xf32, #tpu.memory_space<vmem>> -> memref<128x16xf32, #tpu.memory_space<vmem>>
      %dma_start3A_233 = arith.constant 0 : i32
      %dma_start3A_234 = tpu.memref_slice %arg8[%dma_start3A_227, %dma_start3A_233] : memref<8x256xi32, #tpu.memory_space<vmem>> -> memref<1x128xi32, #tpu.memory_space<vmem>>
      %dma_start3A_235 = tpu.memref_squeeze %dma_start3A_234 : memref<1x128xi32, #tpu.memory_space<vmem>> -> memref<128xi32, #tpu.memory_space<vmem>>
      %dma_start3A_236 = arith.constant 0 : i32
      %dma_start3A_237 = arith.constant 0 : i32
      %dma_start3A_238 = tpu.memref_slice %arg2[%dma_start3A_236, %dma_start3A_237] : memref<3203072x16xf32, #tpu.memory_space<hbm>> -> memref<3203072x16xf32, #tpu.memory_space<hbm>>
      tpu.enqueue_indirect_dma source(%dma_start3A_238 : memref<3203072x16xf32, #tpu.memory_space<hbm>>) target(%dma_start3A_232 : memref<128x16xf32, #tpu.memory_space<vmem>>) offsets(%dma_start3A_235 : memref<128xi32, #tpu.memory_space<vmem>>) semaphore(%arg10 : memref<!tpu.dma_semaphore, #tpu.memory_space<semaphore_mem>>)
      %dma_start3A_239 = arith.constant 7 : i32
      %dma_start3A_240 = arith.constant 7 : i32
      %dma_start3A_241 = arith.constant 128 : i32
      %dma_start3A_242 = arith.constant 0 : i32
      %dma_start3A_243 = tpu.memref_slice %arg9[%dma_start3A_240, %dma_start3A_241, %dma_start3A_242] : memref<8x256x16xf32, #tpu.memory_space<vmem>> -> memref<1x128x16xf32, #tpu.memory_space<vmem>>
      %dma_start3A_244 = tpu.memref_squeeze %dma_start3A_243 : memref<1x128x16xf32, #tpu.memory_space<vmem>> -> memref<128x16xf32, #tpu.memory_space<vmem>>
      %dma_start3A_245 = arith.constant 128 : i32
      %dma_start3A_246 = tpu.memref_slice %arg8[%dma_start3A_239, %dma_start3A_245] : memref<8x256xi32, #tpu.memory_space<vmem>> -> memref<1x128xi32, #tpu.memory_space<vmem>>
      %dma_start3A_247 = tpu.memref_squeeze %dma_start3A_246 : memref<1x128xi32, #tpu.memory_space<vmem>> -> memref<128xi32, #tpu.memory_space<vmem>>
      %dma_start3A_248 = arith.constant 0 : i32
      %dma_start3A_249 = arith.constant 0 : i32
      %dma_start3A_250 = tpu.memref_slice %arg2[%dma_start3A_248, %dma_start3A_249] : memref<3203072x16xf32, #tpu.memory_space<hbm>> -> memref<3203072x16xf32, #tpu.memory_space<hbm>>
      tpu.enqueue_indirect_dma source(%dma_start3A_250 : memref<3203072x16xf32, #tpu.memory_space<hbm>>) target(%dma_start3A_244 : memref<128x16xf32, #tpu.memory_space<vmem>>) offsets(%dma_start3A_247 : memref<128xi32, #tpu.memory_space<vmem>>) semaphore(%arg10 : memref<!tpu.dma_semaphore, #tpu.memory_space<semaphore_mem>>)
      %dma_wait3A = arith.constant 0 : i32
      %dma_wait3A_251 = arith.constant 0 : i32
      %dma_wait3A_252 = arith.constant 0 : i32
      %dma_wait3A_253 = arith.constant 0 : i32
      %dma_wait3A_254 = tpu.memref_slice %arg9[%dma_wait3A_251, %dma_wait3A_252, %dma_wait3A_253] : memref<8x256x16xf32, #tpu.memory_space<vmem>> -> memref<1x128x16xf32, #tpu.memory_space<vmem>>
      %dma_wait3A_255 = tpu.memref_squeeze %dma_wait3A_254 : memref<1x128x16xf32, #tpu.memory_space<vmem>> -> memref<128x16xf32, #tpu.memory_space<vmem>>
      %dma_wait3A_256 = arith.constant 0 : i32
      %dma_wait3A_257 = tpu.memref_slice %arg8[%dma_wait3A, %dma_wait3A_256] : memref<8x256xi32, #tpu.memory_space<vmem>> -> memref<1x128xi32, #tpu.memory_space<vmem>>
      %dma_wait3A_258 = tpu.memref_squeeze %dma_wait3A_257 : memref<1x128xi32, #tpu.memory_space<vmem>> -> memref<128xi32, #tpu.memory_space<vmem>>
      %dma_wait3A_259 = arith.constant 0 : i32
      %dma_wait3A_260 = arith.constant 0 : i32
      %dma_wait3A_261 = tpu.memref_slice %arg2[%dma_wait3A_259, %dma_wait3A_260] : memref<3203072x16xf32, #tpu.memory_space<hbm>> -> memref<3203072x16xf32, #tpu.memory_space<hbm>>
      tpu.wait_indirect_dma semaphore(%arg10 : memref<!tpu.dma_semaphore, #tpu.memory_space<semaphore_mem>>) src(%dma_wait3A_261 : memref<3203072x16xf32, #tpu.memory_space<hbm>>) dst(%dma_wait3A_255 : memref<128x16xf32, #tpu.memory_space<vmem>>)
      %dma_wait3A_262 = arith.constant 0 : i32
      %dma_wait3A_263 = arith.constant 0 : i32
      %dma_wait3A_264 = arith.constant 128 : i32
      %dma_wait3A_265 = arith.constant 0 : i32
      %dma_wait3A_266 = tpu.memref_slice %arg9[%dma_wait3A_263, %dma_wait3A_264, %dma_wait3A_265] : memref<8x256x16xf32, #tpu.memory_space<vmem>> -> memref<1x128x16xf32, #tpu.memory_space<vmem>>
      %dma_wait3A_267 = tpu.memref_squeeze %dma_wait3A_266 : memref<1x128x16xf32, #tpu.memory_space<vmem>> -> memref<128x16xf32, #tpu.memory_space<vmem>>
      %dma_wait3A_268 = arith.constant 128 : i32
      %dma_wait3A_269 = tpu.memref_slice %arg8[%dma_wait3A_262, %dma_wait3A_268] : memref<8x256xi32, #tpu.memory_space<vmem>> -> memref<1x128xi32, #tpu.memory_space<vmem>>
      %dma_wait3A_270 = tpu.memref_squeeze %dma_wait3A_269 : memref<1x128xi32, #tpu.memory_space<vmem>> -> memref<128xi32, #tpu.memory_space<vmem>>
      %dma_wait3A_271 = arith.constant 0 : i32
      %dma_wait3A_272 = arith.constant 0 : i32
      %dma_wait3A_273 = tpu.memref_slice %arg2[%dma_wait3A_271, %dma_wait3A_272] : memref<3203072x16xf32, #tpu.memory_space<hbm>> -> memref<3203072x16xf32, #tpu.memory_space<hbm>>
      tpu.wait_indirect_dma semaphore(%arg10 : memref<!tpu.dma_semaphore, #tpu.memory_space<semaphore_mem>>) src(%dma_wait3A_273 : memref<3203072x16xf32, #tpu.memory_space<hbm>>) dst(%dma_wait3A_267 : memref<128x16xf32, #tpu.memory_space<vmem>>)
      %dma_wait3A_274 = arith.constant 1 : i32
      %dma_wait3A_275 = arith.constant 1 : i32
      %dma_wait3A_276 = arith.constant 0 : i32
      %dma_wait3A_277 = arith.constant 0 : i32
      %dma_wait3A_278 = tpu.memref_slice %arg9[%dma_wait3A_275, %dma_wait3A_276, %dma_wait3A_277] : memref<8x256x16xf32, #tpu.memory_space<vmem>> -> memref<1x128x16xf32, #tpu.memory_space<vmem>>
      %dma_wait3A_279 = tpu.memref_squeeze %dma_wait3A_278 : memref<1x128x16xf32, #tpu.memory_space<vmem>> -> memref<128x16xf32, #tpu.memory_space<vmem>>
      %dma_wait3A_280 = arith.constant 0 : i32
      %dma_wait3A_281 = tpu.memref_slice %arg8[%dma_wait3A_274, %dma_wait3A_280] : memref<8x256xi32, #tpu.memory_space<vmem>> -> memref<1x128xi32, #tpu.memory_space<vmem>>
      %dma_wait3A_282 = tpu.memref_squeeze %dma_wait3A_281 : memref<1x128xi32, #tpu.memory_space<vmem>> -> memref<128xi32, #tpu.memory_space<vmem>>
      %dma_wait3A_283 = arith.constant 0 : i32
      %dma_wait3A_284 = arith.constant 0 : i32
      %dma_wait3A_285 = tpu.memref_slice %arg2[%dma_wait3A_283, %dma_wait3A_284] : memref<3203072x16xf32, #tpu.memory_space<hbm>> -> memref<3203072x16xf32, #tpu.memory_space<hbm>>
      tpu.wait_indirect_dma semaphore(%arg10 : memref<!tpu.dma_semaphore, #tpu.memory_space<semaphore_mem>>) src(%dma_wait3A_285 : memref<3203072x16xf32, #tpu.memory_space<hbm>>) dst(%dma_wait3A_279 : memref<128x16xf32, #tpu.memory_space<vmem>>)
      %dma_wait3A_286 = arith.constant 1 : i32
      %dma_wait3A_287 = arith.constant 1 : i32
      %dma_wait3A_288 = arith.constant 128 : i32
      %dma_wait3A_289 = arith.constant 0 : i32
      %dma_wait3A_290 = tpu.memref_slice %arg9[%dma_wait3A_287, %dma_wait3A_288, %dma_wait3A_289] : memref<8x256x16xf32, #tpu.memory_space<vmem>> -> memref<1x128x16xf32, #tpu.memory_space<vmem>>
      %dma_wait3A_291 = tpu.memref_squeeze %dma_wait3A_290 : memref<1x128x16xf32, #tpu.memory_space<vmem>> -> memref<128x16xf32, #tpu.memory_space<vmem>>
      %dma_wait3A_292 = arith.constant 128 : i32
      %dma_wait3A_293 = tpu.memref_slice %arg8[%dma_wait3A_286, %dma_wait3A_292] : memref<8x256xi32, #tpu.memory_space<vmem>> -> memref<1x128xi32, #tpu.memory_space<vmem>>
      %dma_wait3A_294 = tpu.memref_squeeze %dma_wait3A_293 : memref<1x128xi32, #tpu.memory_space<vmem>> -> memref<128xi32, #tpu.memory_space<vmem>>
      %dma_wait3A_295 = arith.constant 0 : i32
      %dma_wait3A_296 = arith.constant 0 : i32
      %dma_wait3A_297 = tpu.memref_slice %arg2[%dma_wait3A_295, %dma_wait3A_296] : memref<3203072x16xf32, #tpu.memory_space<hbm>> -> memref<3203072x16xf32, #tpu.memory_space<hbm>>
      tpu.wait_indirect_dma semaphore(%arg10 : memref<!tpu.dma_semaphore, #tpu.memory_space<semaphore_mem>>) src(%dma_wait3A_297 : memref<3203072x16xf32, #tpu.memory_space<hbm>>) dst(%dma_wait3A_291 : memref<128x16xf32, #tpu.memory_space<vmem>>)
      %dma_wait3A_298 = arith.constant 2 : i32
      %dma_wait3A_299 = arith.constant 2 : i32
      %dma_wait3A_300 = arith.constant 0 : i32
      %dma_wait3A_301 = arith.constant 0 : i32
      %dma_wait3A_302 = tpu.memref_slice %arg9[%dma_wait3A_299, %dma_wait3A_300, %dma_wait3A_301] : memref<8x256x16xf32, #tpu.memory_space<vmem>> -> memref<1x128x16xf32, #tpu.memory_space<vmem>>
      %dma_wait3A_303 = tpu.memref_squeeze %dma_wait3A_302 : memref<1x128x16xf32, #tpu.memory_space<vmem>> -> memref<128x16xf32, #tpu.memory_space<vmem>>
      %dma_wait3A_304 = arith.constant 0 : i32
      %dma_wait3A_305 = tpu.memref_slice %arg8[%dma_wait3A_298, %dma_wait3A_304] : memref<8x256xi32, #tpu.memory_space<vmem>> -> memref<1x128xi32, #tpu.memory_space<vmem>>
      %dma_wait3A_306 = tpu.memref_squeeze %dma_wait3A_305 : memref<1x128xi32, #tpu.memory_space<vmem>> -> memref<128xi32, #tpu.memory_space<vmem>>
      %dma_wait3A_307 = arith.constant 0 : i32
      %dma_wait3A_308 = arith.constant 0 : i32
      %dma_wait3A_309 = tpu.memref_slice %arg2[%dma_wait3A_307, %dma_wait3A_308] : memref<3203072x16xf32, #tpu.memory_space<hbm>> -> memref<3203072x16xf32, #tpu.memory_space<hbm>>
      tpu.wait_indirect_dma semaphore(%arg10 : memref<!tpu.dma_semaphore, #tpu.memory_space<semaphore_mem>>) src(%dma_wait3A_309 : memref<3203072x16xf32, #tpu.memory_space<hbm>>) dst(%dma_wait3A_303 : memref<128x16xf32, #tpu.memory_space<vmem>>)
      %dma_wait3A_310 = arith.constant 2 : i32
      %dma_wait3A_311 = arith.constant 2 : i32
      %dma_wait3A_312 = arith.constant 128 : i32
      %dma_wait3A_313 = arith.constant 0 : i32
      %dma_wait3A_314 = tpu.memref_slice %arg9[%dma_wait3A_311, %dma_wait3A_312, %dma_wait3A_313] : memref<8x256x16xf32, #tpu.memory_space<vmem>> -> memref<1x128x16xf32, #tpu.memory_space<vmem>>
      %dma_wait3A_315 = tpu.memref_squeeze %dma_wait3A_314 : memref<1x128x16xf32, #tpu.memory_space<vmem>> -> memref<128x16xf32, #tpu.memory_space<vmem>>
      %dma_wait3A_316 = arith.constant 128 : i32
      %dma_wait3A_317 = tpu.memref_slice %arg8[%dma_wait3A_310, %dma_wait3A_316] : memref<8x256xi32, #tpu.memory_space<vmem>> -> memref<1x128xi32, #tpu.memory_space<vmem>>
      %dma_wait3A_318 = tpu.memref_squeeze %dma_wait3A_317 : memref<1x128xi32, #tpu.memory_space<vmem>> -> memref<128xi32, #tpu.memory_space<vmem>>
      %dma_wait3A_319 = arith.constant 0 : i32
      %dma_wait3A_320 = arith.constant 0 : i32
      %dma_wait3A_321 = tpu.memref_slice %arg2[%dma_wait3A_319, %dma_wait3A_320] : memref<3203072x16xf32, #tpu.memory_space<hbm>> -> memref<3203072x16xf32, #tpu.memory_space<hbm>>
      tpu.wait_indirect_dma semaphore(%arg10 : memref<!tpu.dma_semaphore, #tpu.memory_space<semaphore_mem>>) src(%dma_wait3A_321 : memref<3203072x16xf32, #tpu.memory_space<hbm>>) dst(%dma_wait3A_315 : memref<128x16xf32, #tpu.memory_space<vmem>>)
      %dma_wait3A_322 = arith.constant 3 : i32
      %dma_wait3A_323 = arith.constant 3 : i32
      %dma_wait3A_324 = arith.constant 0 : i32
      %dma_wait3A_325 = arith.constant 0 : i32
      %dma_wait3A_326 = tpu.memref_slice %arg9[%dma_wait3A_323, %dma_wait3A_324, %dma_wait3A_325] : memref<8x256x16xf32, #tpu.memory_space<vmem>> -> memref<1x128x16xf32, #tpu.memory_space<vmem>>
      %dma_wait3A_327 = tpu.memref_squeeze %dma_wait3A_326 : memref<1x128x16xf32, #tpu.memory_space<vmem>> -> memref<128x16xf32, #tpu.memory_space<vmem>>
      %dma_wait3A_328 = arith.constant 0 : i32
      %dma_wait3A_329 = tpu.memref_slice %arg8[%dma_wait3A_322, %dma_wait3A_328] : memref<8x256xi32, #tpu.memory_space<vmem>> -> memref<1x128xi32, #tpu.memory_space<vmem>>
      %dma_wait3A_330 = tpu.memref_squeeze %dma_wait3A_329 : memref<1x128xi32, #tpu.memory_space<vmem>> -> memref<128xi32, #tpu.memory_space<vmem>>
      %dma_wait3A_331 = arith.constant 0 : i32
      %dma_wait3A_332 = arith.constant 0 : i32
      %dma_wait3A_333 = tpu.memref_slice %arg2[%dma_wait3A_331, %dma_wait3A_332] : memref<3203072x16xf32, #tpu.memory_space<hbm>> -> memref<3203072x16xf32, #tpu.memory_space<hbm>>
      tpu.wait_indirect_dma semaphore(%arg10 : memref<!tpu.dma_semaphore, #tpu.memory_space<semaphore_mem>>) src(%dma_wait3A_333 : memref<3203072x16xf32, #tpu.memory_space<hbm>>) dst(%dma_wait3A_327 : memref<128x16xf32, #tpu.memory_space<vmem>>)
      %dma_wait3A_334 = arith.constant 3 : i32
      %dma_wait3A_335 = arith.constant 3 : i32
      %dma_wait3A_336 = arith.constant 128 : i32
      %dma_wait3A_337 = arith.constant 0 : i32
      %dma_wait3A_338 = tpu.memref_slice %arg9[%dma_wait3A_335, %dma_wait3A_336, %dma_wait3A_337] : memref<8x256x16xf32, #tpu.memory_space<vmem>> -> memref<1x128x16xf32, #tpu.memory_space<vmem>>
      %dma_wait3A_339 = tpu.memref_squeeze %dma_wait3A_338 : memref<1x128x16xf32, #tpu.memory_space<vmem>> -> memref<128x16xf32, #tpu.memory_space<vmem>>
      %dma_wait3A_340 = arith.constant 128 : i32
      %dma_wait3A_341 = tpu.memref_slice %arg8[%dma_wait3A_334, %dma_wait3A_340] : memref<8x256xi32, #tpu.memory_space<vmem>> -> memref<1x128xi32, #tpu.memory_space<vmem>>
      %dma_wait3A_342 = tpu.memref_squeeze %dma_wait3A_341 : memref<1x128xi32, #tpu.memory_space<vmem>> -> memref<128xi32, #tpu.memory_space<vmem>>
      %dma_wait3A_343 = arith.constant 0 : i32
      %dma_wait3A_344 = arith.constant 0 : i32
      %dma_wait3A_345 = tpu.memref_slice %arg2[%dma_wait3A_343, %dma_wait3A_344] : memref<3203072x16xf32, #tpu.memory_space<hbm>> -> memref<3203072x16xf32, #tpu.memory_space<hbm>>
      tpu.wait_indirect_dma semaphore(%arg10 : memref<!tpu.dma_semaphore, #tpu.memory_space<semaphore_mem>>) src(%dma_wait3A_345 : memref<3203072x16xf32, #tpu.memory_space<hbm>>) dst(%dma_wait3A_339 : memref<128x16xf32, #tpu.memory_space<vmem>>)
      %dma_wait3A_346 = arith.constant 4 : i32
      %dma_wait3A_347 = arith.constant 4 : i32
      %dma_wait3A_348 = arith.constant 0 : i32
      %dma_wait3A_349 = arith.constant 0 : i32
      %dma_wait3A_350 = tpu.memref_slice %arg9[%dma_wait3A_347, %dma_wait3A_348, %dma_wait3A_349] : memref<8x256x16xf32, #tpu.memory_space<vmem>> -> memref<1x128x16xf32, #tpu.memory_space<vmem>>
      %dma_wait3A_351 = tpu.memref_squeeze %dma_wait3A_350 : memref<1x128x16xf32, #tpu.memory_space<vmem>> -> memref<128x16xf32, #tpu.memory_space<vmem>>
      %dma_wait3A_352 = arith.constant 0 : i32
      %dma_wait3A_353 = tpu.memref_slice %arg8[%dma_wait3A_346, %dma_wait3A_352] : memref<8x256xi32, #tpu.memory_space<vmem>> -> memref<1x128xi32, #tpu.memory_space<vmem>>
      %dma_wait3A_354 = tpu.memref_squeeze %dma_wait3A_353 : memref<1x128xi32, #tpu.memory_space<vmem>> -> memref<128xi32, #tpu.memory_space<vmem>>
      %dma_wait3A_355 = arith.constant 0 : i32
      %dma_wait3A_356 = arith.constant 0 : i32
      %dma_wait3A_357 = tpu.memref_slice %arg2[%dma_wait3A_355, %dma_wait3A_356] : memref<3203072x16xf32, #tpu.memory_space<hbm>> -> memref<3203072x16xf32, #tpu.memory_space<hbm>>
      tpu.wait_indirect_dma semaphore(%arg10 : memref<!tpu.dma_semaphore, #tpu.memory_space<semaphore_mem>>) src(%dma_wait3A_357 : memref<3203072x16xf32, #tpu.memory_space<hbm>>) dst(%dma_wait3A_351 : memref<128x16xf32, #tpu.memory_space<vmem>>)
      %dma_wait3A_358 = arith.constant 4 : i32
      %dma_wait3A_359 = arith.constant 4 : i32
      %dma_wait3A_360 = arith.constant 128 : i32
      %dma_wait3A_361 = arith.constant 0 : i32
      %dma_wait3A_362 = tpu.memref_slice %arg9[%dma_wait3A_359, %dma_wait3A_360, %dma_wait3A_361] : memref<8x256x16xf32, #tpu.memory_space<vmem>> -> memref<1x128x16xf32, #tpu.memory_space<vmem>>
      %dma_wait3A_363 = tpu.memref_squeeze %dma_wait3A_362 : memref<1x128x16xf32, #tpu.memory_space<vmem>> -> memref<128x16xf32, #tpu.memory_space<vmem>>
      %dma_wait3A_364 = arith.constant 128 : i32
      %dma_wait3A_365 = tpu.memref_slice %arg8[%dma_wait3A_358, %dma_wait3A_364] : memref<8x256xi32, #tpu.memory_space<vmem>> -> memref<1x128xi32, #tpu.memory_space<vmem>>
      %dma_wait3A_366 = tpu.memref_squeeze %dma_wait3A_365 : memref<1x128xi32, #tpu.memory_space<vmem>> -> memref<128xi32, #tpu.memory_space<vmem>>
      %dma_wait3A_367 = arith.constant 0 : i32
      %dma_wait3A_368 = arith.constant 0 : i32
      %dma_wait3A_369 = tpu.memref_slice %arg2[%dma_wait3A_367, %dma_wait3A_368] : memref<3203072x16xf32, #tpu.memory_space<hbm>> -> memref<3203072x16xf32, #tpu.memory_space<hbm>>
      tpu.wait_indirect_dma semaphore(%arg10 : memref<!tpu.dma_semaphore, #tpu.memory_space<semaphore_mem>>) src(%dma_wait3A_369 : memref<3203072x16xf32, #tpu.memory_space<hbm>>) dst(%dma_wait3A_363 : memref<128x16xf32, #tpu.memory_space<vmem>>)
      %dma_wait3A_370 = arith.constant 5 : i32
      %dma_wait3A_371 = arith.constant 5 : i32
      %dma_wait3A_372 = arith.constant 0 : i32
      %dma_wait3A_373 = arith.constant 0 : i32
      %dma_wait3A_374 = tpu.memref_slice %arg9[%dma_wait3A_371, %dma_wait3A_372, %dma_wait3A_373] : memref<8x256x16xf32, #tpu.memory_space<vmem>> -> memref<1x128x16xf32, #tpu.memory_space<vmem>>
      %dma_wait3A_375 = tpu.memref_squeeze %dma_wait3A_374 : memref<1x128x16xf32, #tpu.memory_space<vmem>> -> memref<128x16xf32, #tpu.memory_space<vmem>>
      %dma_wait3A_376 = arith.constant 0 : i32
      %dma_wait3A_377 = tpu.memref_slice %arg8[%dma_wait3A_370, %dma_wait3A_376] : memref<8x256xi32, #tpu.memory_space<vmem>> -> memref<1x128xi32, #tpu.memory_space<vmem>>
      %dma_wait3A_378 = tpu.memref_squeeze %dma_wait3A_377 : memref<1x128xi32, #tpu.memory_space<vmem>> -> memref<128xi32, #tpu.memory_space<vmem>>
      %dma_wait3A_379 = arith.constant 0 : i32
      %dma_wait3A_380 = arith.constant 0 : i32
      %dma_wait3A_381 = tpu.memref_slice %arg2[%dma_wait3A_379, %dma_wait3A_380] : memref<3203072x16xf32, #tpu.memory_space<hbm>> -> memref<3203072x16xf32, #tpu.memory_space<hbm>>
      tpu.wait_indirect_dma semaphore(%arg10 : memref<!tpu.dma_semaphore, #tpu.memory_space<semaphore_mem>>) src(%dma_wait3A_381 : memref<3203072x16xf32, #tpu.memory_space<hbm>>) dst(%dma_wait3A_375 : memref<128x16xf32, #tpu.memory_space<vmem>>)
      %dma_wait3A_382 = arith.constant 5 : i32
      %dma_wait3A_383 = arith.constant 5 : i32
      %dma_wait3A_384 = arith.constant 128 : i32
      %dma_wait3A_385 = arith.constant 0 : i32
      %dma_wait3A_386 = tpu.memref_slice %arg9[%dma_wait3A_383, %dma_wait3A_384, %dma_wait3A_385] : memref<8x256x16xf32, #tpu.memory_space<vmem>> -> memref<1x128x16xf32, #tpu.memory_space<vmem>>
      %dma_wait3A_387 = tpu.memref_squeeze %dma_wait3A_386 : memref<1x128x16xf32, #tpu.memory_space<vmem>> -> memref<128x16xf32, #tpu.memory_space<vmem>>
      %dma_wait3A_388 = arith.constant 128 : i32
      %dma_wait3A_389 = tpu.memref_slice %arg8[%dma_wait3A_382, %dma_wait3A_388] : memref<8x256xi32, #tpu.memory_space<vmem>> -> memref<1x128xi32, #tpu.memory_space<vmem>>
      %dma_wait3A_390 = tpu.memref_squeeze %dma_wait3A_389 : memref<1x128xi32, #tpu.memory_space<vmem>> -> memref<128xi32, #tpu.memory_space<vmem>>
      %dma_wait3A_391 = arith.constant 0 : i32
      %dma_wait3A_392 = arith.constant 0 : i32
      %dma_wait3A_393 = tpu.memref_slice %arg2[%dma_wait3A_391, %dma_wait3A_392] : memref<3203072x16xf32, #tpu.memory_space<hbm>> -> memref<3203072x16xf32, #tpu.memory_space<hbm>>
      tpu.wait_indirect_dma semaphore(%arg10 : memref<!tpu.dma_semaphore, #tpu.memory_space<semaphore_mem>>) src(%dma_wait3A_393 : memref<3203072x16xf32, #tpu.memory_space<hbm>>) dst(%dma_wait3A_387 : memref<128x16xf32, #tpu.memory_space<vmem>>)
      %dma_wait3A_394 = arith.constant 6 : i32
      %dma_wait3A_395 = arith.constant 6 : i32
      %dma_wait3A_396 = arith.constant 0 : i32
      %dma_wait3A_397 = arith.constant 0 : i32
      %dma_wait3A_398 = tpu.memref_slice %arg9[%dma_wait3A_395, %dma_wait3A_396, %dma_wait3A_397] : memref<8x256x16xf32, #tpu.memory_space<vmem>> -> memref<1x128x16xf32, #tpu.memory_space<vmem>>
      %dma_wait3A_399 = tpu.memref_squeeze %dma_wait3A_398 : memref<1x128x16xf32, #tpu.memory_space<vmem>> -> memref<128x16xf32, #tpu.memory_space<vmem>>
      %dma_wait3A_400 = arith.constant 0 : i32
      %dma_wait3A_401 = tpu.memref_slice %arg8[%dma_wait3A_394, %dma_wait3A_400] : memref<8x256xi32, #tpu.memory_space<vmem>> -> memref<1x128xi32, #tpu.memory_space<vmem>>
      %dma_wait3A_402 = tpu.memref_squeeze %dma_wait3A_401 : memref<1x128xi32, #tpu.memory_space<vmem>> -> memref<128xi32, #tpu.memory_space<vmem>>
      %dma_wait3A_403 = arith.constant 0 : i32
      %dma_wait3A_404 = arith.constant 0 : i32
      %dma_wait3A_405 = tpu.memref_slice %arg2[%dma_wait3A_403, %dma_wait3A_404] : memref<3203072x16xf32, #tpu.memory_space<hbm>> -> memref<3203072x16xf32, #tpu.memory_space<hbm>>
      tpu.wait_indirect_dma semaphore(%arg10 : memref<!tpu.dma_semaphore, #tpu.memory_space<semaphore_mem>>) src(%dma_wait3A_405 : memref<3203072x16xf32, #tpu.memory_space<hbm>>) dst(%dma_wait3A_399 : memref<128x16xf32, #tpu.memory_space<vmem>>)
      %dma_wait3A_406 = arith.constant 6 : i32
      %dma_wait3A_407 = arith.constant 6 : i32
      %dma_wait3A_408 = arith.constant 128 : i32
      %dma_wait3A_409 = arith.constant 0 : i32
      %dma_wait3A_410 = tpu.memref_slice %arg9[%dma_wait3A_407, %dma_wait3A_408, %dma_wait3A_409] : memref<8x256x16xf32, #tpu.memory_space<vmem>> -> memref<1x128x16xf32, #tpu.memory_space<vmem>>
      %dma_wait3A_411 = tpu.memref_squeeze %dma_wait3A_410 : memref<1x128x16xf32, #tpu.memory_space<vmem>> -> memref<128x16xf32, #tpu.memory_space<vmem>>
      %dma_wait3A_412 = arith.constant 128 : i32
      %dma_wait3A_413 = tpu.memref_slice %arg8[%dma_wait3A_406, %dma_wait3A_412] : memref<8x256xi32, #tpu.memory_space<vmem>> -> memref<1x128xi32, #tpu.memory_space<vmem>>
      %dma_wait3A_414 = tpu.memref_squeeze %dma_wait3A_413 : memref<1x128xi32, #tpu.memory_space<vmem>> -> memref<128xi32, #tpu.memory_space<vmem>>
      %dma_wait3A_415 = arith.constant 0 : i32
      %dma_wait3A_416 = arith.constant 0 : i32
      %dma_wait3A_417 = tpu.memref_slice %arg2[%dma_wait3A_415, %dma_wait3A_416] : memref<3203072x16xf32, #tpu.memory_space<hbm>> -> memref<3203072x16xf32, #tpu.memory_space<hbm>>
      tpu.wait_indirect_dma semaphore(%arg10 : memref<!tpu.dma_semaphore, #tpu.memory_space<semaphore_mem>>) src(%dma_wait3A_417 : memref<3203072x16xf32, #tpu.memory_space<hbm>>) dst(%dma_wait3A_411 : memref<128x16xf32, #tpu.memory_space<vmem>>)
      %dma_wait3A_418 = arith.constant 7 : i32
      %dma_wait3A_419 = arith.constant 7 : i32
      %dma_wait3A_420 = arith.constant 0 : i32
      %dma_wait3A_421 = arith.constant 0 : i32
      %dma_wait3A_422 = tpu.memref_slice %arg9[%dma_wait3A_419, %dma_wait3A_420, %dma_wait3A_421] : memref<8x256x16xf32, #tpu.memory_space<vmem>> -> memref<1x128x16xf32, #tpu.memory_space<vmem>>
      %dma_wait3A_423 = tpu.memref_squeeze %dma_wait3A_422 : memref<1x128x16xf32, #tpu.memory_space<vmem>> -> memref<128x16xf32, #tpu.memory_space<vmem>>
      %dma_wait3A_424 = arith.constant 0 : i32
      %dma_wait3A_425 = tpu.memref_slice %arg8[%dma_wait3A_418, %dma_wait3A_424] : memref<8x256xi32, #tpu.memory_space<vmem>> -> memref<1x128xi32, #tpu.memory_space<vmem>>
      %dma_wait3A_426 = tpu.memref_squeeze %dma_wait3A_425 : memref<1x128xi32, #tpu.memory_space<vmem>> -> memref<128xi32, #tpu.memory_space<vmem>>
      %dma_wait3A_427 = arith.constant 0 : i32
      %dma_wait3A_428 = arith.constant 0 : i32
      %dma_wait3A_429 = tpu.memref_slice %arg2[%dma_wait3A_427, %dma_wait3A_428] : memref<3203072x16xf32, #tpu.memory_space<hbm>> -> memref<3203072x16xf32, #tpu.memory_space<hbm>>
      tpu.wait_indirect_dma semaphore(%arg10 : memref<!tpu.dma_semaphore, #tpu.memory_space<semaphore_mem>>) src(%dma_wait3A_429 : memref<3203072x16xf32, #tpu.memory_space<hbm>>) dst(%dma_wait3A_423 : memref<128x16xf32, #tpu.memory_space<vmem>>)
      %dma_wait3A_430 = arith.constant 7 : i32
      %dma_wait3A_431 = arith.constant 7 : i32
      %dma_wait3A_432 = arith.constant 128 : i32
      %dma_wait3A_433 = arith.constant 0 : i32
      %dma_wait3A_434 = tpu.memref_slice %arg9[%dma_wait3A_431, %dma_wait3A_432, %dma_wait3A_433] : memref<8x256x16xf32, #tpu.memory_space<vmem>> -> memref<1x128x16xf32, #tpu.memory_space<vmem>>
      %dma_wait3A_435 = tpu.memref_squeeze %dma_wait3A_434 : memref<1x128x16xf32, #tpu.memory_space<vmem>> -> memref<128x16xf32, #tpu.memory_space<vmem>>
      %dma_wait3A_436 = arith.constant 128 : i32
      %dma_wait3A_437 = tpu.memref_slice %arg8[%dma_wait3A_430, %dma_wait3A_436] : memref<8x256xi32, #tpu.memory_space<vmem>> -> memref<1x128xi32, #tpu.memory_space<vmem>>
      %dma_wait3A_438 = tpu.memref_squeeze %dma_wait3A_437 : memref<1x128xi32, #tpu.memory_space<vmem>> -> memref<128xi32, #tpu.memory_space<vmem>>
      %dma_wait3A_439 = arith.constant 0 : i32
      %dma_wait3A_440 = arith.constant 0 : i32
      %dma_wait3A_441 = tpu.memref_slice %arg2[%dma_wait3A_439, %dma_wait3A_440] : memref<3203072x16xf32, #tpu.memory_space<hbm>> -> memref<3203072x16xf32, #tpu.memory_space<hbm>>
      tpu.wait_indirect_dma semaphore(%arg10 : memref<!tpu.dma_semaphore, #tpu.memory_space<semaphore_mem>>) src(%dma_wait3A_441 : memref<3203072x16xf32, #tpu.memory_space<hbm>>) dst(%dma_wait3A_435 : memref<128x16xf32, #tpu.memory_space<vmem>>)
      %run_scoped3A = arith.constant 0 : i32
      "tpu.region"() ({
        %run_scoped3A_449 = tpu.sem_alloc : memref<!tpu.dma_semaphore, #tpu.memory_space<semaphore_mem>>
        %dma_start3A_450 = arith.constant 0 : i32
        %dma_start3A_451 = arith.constant 0 : i32
        %dma_start3A_452 = tpu.memref_slice %arg9[%run_scoped3A, %dma_start3A_450, %dma_start3A_451] : memref<8x256x16xf32, #tpu.memory_space<vmem>> -> memref<1x256x16xf32, #tpu.memory_space<vmem>>
        %dma_start3A_453 = tpu.memref_squeeze %dma_start3A_452 : memref<1x256x16xf32, #tpu.memory_space<vmem>> -> memref<256x16xf32, #tpu.memory_space<vmem>>
        %dma_start3A_454 = arith.constant 0 : i32
        %dma_start3A_455 = tpu.memref_slice %arg4[%add3A_29, %dma_start3A_454] : memref<81920x128xf32, #tpu.memory_space<hbm>> -> memref<256x16xf32, #tpu.memory_space<hbm>>
        %dma_start3A_456 = arith.constant 0 : i32
        %dma_start3A_457 = tpu.memref_slice %arg4[%add3A_29, %dma_start3A_456] : memref<81920x128xf32, #tpu.memory_space<hbm>> -> memref<256x16xf32, #tpu.memory_space<hbm>>
        %dma_start3A_458 = arith.constant 0 : i32
        %dma_start3A_459 = arith.constant 0 : i32
        %dma_start3A_460 = tpu.memref_slice %arg9[%run_scoped3A, %dma_start3A_458, %dma_start3A_459] : memref<8x256x16xf32, #tpu.memory_space<vmem>> -> memref<1x256x16xf32, #tpu.memory_space<vmem>>
        %dma_start3A_461 = tpu.memref_squeeze %dma_start3A_460 : memref<1x256x16xf32, #tpu.memory_space<vmem>> -> memref<256x16xf32, #tpu.memory_space<vmem>>
        tpu.enqueue_dma source(%dma_start3A_461 : memref<256x16xf32, #tpu.memory_space<vmem>>) target(%dma_start3A_457 : memref<256x16xf32, #tpu.memory_space<hbm>>) target_semaphore(%run_scoped3A_449 : memref<!tpu.dma_semaphore, #tpu.memory_space<semaphore_mem>>)
        %dma_wait3A_462 = arith.constant 0 : i32
        %dma_wait3A_463 = arith.constant 0 : i32
        %dma_wait3A_464 = tpu.memref_slice %arg9[%run_scoped3A, %dma_wait3A_462, %dma_wait3A_463] : memref<8x256x16xf32, #tpu.memory_space<vmem>> -> memref<1x256x16xf32, #tpu.memory_space<vmem>>
        %dma_wait3A_465 = tpu.memref_squeeze %dma_wait3A_464 : memref<1x256x16xf32, #tpu.memory_space<vmem>> -> memref<256x16xf32, #tpu.memory_space<vmem>>
        %dma_wait3A_466 = arith.constant 0 : i32
        %dma_wait3A_467 = tpu.memref_slice %arg4[%add3A_29, %dma_wait3A_466] : memref<81920x128xf32, #tpu.memory_space<hbm>> -> memref<256x16xf32, #tpu.memory_space<hbm>>
        %dma_wait3A_468 = arith.constant 0 : i32
        %dma_wait3A_469 = tpu.memref_slice %arg4[%add3A_29, %dma_wait3A_468] : memref<81920x128xf32, #tpu.memory_space<hbm>> -> memref<256x16xf32, #tpu.memory_space<hbm>>
        %dma_wait3A_470 = arith.constant 0 : i32
        %dma_wait3A_471 = arith.constant 0 : i32
        %dma_wait3A_472 = tpu.memref_slice %arg9[%run_scoped3A, %dma_wait3A_470, %dma_wait3A_471] : memref<8x256x16xf32, #tpu.memory_space<vmem>> -> memref<1x256x16xf32, #tpu.memory_space<vmem>>
        %dma_wait3A_473 = tpu.memref_squeeze %dma_wait3A_472 : memref<1x256x16xf32, #tpu.memory_space<vmem>> -> memref<256x16xf32, #tpu.memory_space<vmem>>
        tpu.wait_dma2 semaphore(%run_scoped3A_449 : memref<!tpu.dma_semaphore, #tpu.memory_space<semaphore_mem>>) src(%dma_wait3A_473 : memref<256x16xf32, #tpu.memory_space<vmem>>) dst(%dma_wait3A_469 : memref<256x16xf32, #tpu.memory_space<hbm>>)
        tpu.yield
      }) : () -> ()
      %run_scoped3A_442 = arith.constant 1 : i32
      "tpu.region"() ({
        %run_scoped3A_449 = tpu.sem_alloc : memref<!tpu.dma_semaphore, #tpu.memory_space<semaphore_mem>>
        %dma_start3A_450 = arith.constant 0 : i32
        %dma_start3A_451 = arith.constant 0 : i32
        %dma_start3A_452 = tpu.memref_slice %arg9[%run_scoped3A_442, %dma_start3A_450, %dma_start3A_451] : memref<8x256x16xf32, #tpu.memory_space<vmem>> -> memref<1x256x16xf32, #tpu.memory_space<vmem>>
        %dma_start3A_453 = tpu.memref_squeeze %dma_start3A_452 : memref<1x256x16xf32, #tpu.memory_space<vmem>> -> memref<256x16xf32, #tpu.memory_space<vmem>>
        %dma_start3A_454 = arith.constant 16 : i32
        %dma_start3A_455 = tpu.memref_slice %arg4[%add3A_29, %dma_start3A_454] : memref<81920x128xf32, #tpu.memory_space<hbm>> -> memref<256x16xf32, #tpu.memory_space<hbm>>
        %dma_start3A_456 = arith.constant 16 : i32
        %dma_start3A_457 = tpu.memref_slice %arg4[%add3A_29, %dma_start3A_456] : memref<81920x128xf32, #tpu.memory_space<hbm>> -> memref<256x16xf32, #tpu.memory_space<hbm>>
        %dma_start3A_458 = arith.constant 0 : i32
        %dma_start3A_459 = arith.constant 0 : i32
        %dma_start3A_460 = tpu.memref_slice %arg9[%run_scoped3A_442, %dma_start3A_458, %dma_start3A_459] : memref<8x256x16xf32, #tpu.memory_space<vmem>> -> memref<1x256x16xf32, #tpu.memory_space<vmem>>
        %dma_start3A_461 = tpu.memref_squeeze %dma_start3A_460 : memref<1x256x16xf32, #tpu.memory_space<vmem>> -> memref<256x16xf32, #tpu.memory_space<vmem>>
        tpu.enqueue_dma source(%dma_start3A_461 : memref<256x16xf32, #tpu.memory_space<vmem>>) target(%dma_start3A_457 : memref<256x16xf32, #tpu.memory_space<hbm>>) target_semaphore(%run_scoped3A_449 : memref<!tpu.dma_semaphore, #tpu.memory_space<semaphore_mem>>)
        %dma_wait3A_462 = arith.constant 0 : i32
        %dma_wait3A_463 = arith.constant 0 : i32
        %dma_wait3A_464 = tpu.memref_slice %arg9[%run_scoped3A_442, %dma_wait3A_462, %dma_wait3A_463] : memref<8x256x16xf32, #tpu.memory_space<vmem>> -> memref<1x256x16xf32, #tpu.memory_space<vmem>>
        %dma_wait3A_465 = tpu.memref_squeeze %dma_wait3A_464 : memref<1x256x16xf32, #tpu.memory_space<vmem>> -> memref<256x16xf32, #tpu.memory_space<vmem>>
        %dma_wait3A_466 = arith.constant 16 : i32
        %dma_wait3A_467 = tpu.memref_slice %arg4[%add3A_29, %dma_wait3A_466] : memref<81920x128xf32, #tpu.memory_space<hbm>> -> memref<256x16xf32, #tpu.memory_space<hbm>>
        %dma_wait3A_468 = arith.constant 16 : i32
        %dma_wait3A_469 = tpu.memref_slice %arg4[%add3A_29, %dma_wait3A_468] : memref<81920x128xf32, #tpu.memory_space<hbm>> -> memref<256x16xf32, #tpu.memory_space<hbm>>
        %dma_wait3A_470 = arith.constant 0 : i32
        %dma_wait3A_471 = arith.constant 0 : i32
        %dma_wait3A_472 = tpu.memref_slice %arg9[%run_scoped3A_442, %dma_wait3A_470, %dma_wait3A_471] : memref<8x256x16xf32, #tpu.memory_space<vmem>> -> memref<1x256x16xf32, #tpu.memory_space<vmem>>
        %dma_wait3A_473 = tpu.memref_squeeze %dma_wait3A_472 : memref<1x256x16xf32, #tpu.memory_space<vmem>> -> memref<256x16xf32, #tpu.memory_space<vmem>>
        tpu.wait_dma2 semaphore(%run_scoped3A_449 : memref<!tpu.dma_semaphore, #tpu.memory_space<semaphore_mem>>) src(%dma_wait3A_473 : memref<256x16xf32, #tpu.memory_space<vmem>>) dst(%dma_wait3A_469 : memref<256x16xf32, #tpu.memory_space<hbm>>)
        tpu.yield
      }) : () -> ()
      %run_scoped3A_443 = arith.constant 2 : i32
      "tpu.region"() ({
        %run_scoped3A_449 = tpu.sem_alloc : memref<!tpu.dma_semaphore, #tpu.memory_space<semaphore_mem>>
        %dma_start3A_450 = arith.constant 0 : i32
        %dma_start3A_451 = arith.constant 0 : i32
        %dma_start3A_452 = tpu.memref_slice %arg9[%run_scoped3A_443, %dma_start3A_450, %dma_start3A_451] : memref<8x256x16xf32, #tpu.memory_space<vmem>> -> memref<1x256x16xf32, #tpu.memory_space<vmem>>
        %dma_start3A_453 = tpu.memref_squeeze %dma_start3A_452 : memref<1x256x16xf32, #tpu.memory_space<vmem>> -> memref<256x16xf32, #tpu.memory_space<vmem>>
        %dma_start3A_454 = arith.constant 32 : i32
        %dma_start3A_455 = tpu.memref_slice %arg4[%add3A_29, %dma_start3A_454] : memref<81920x128xf32, #tpu.memory_space<hbm>> -> memref<256x16xf32, #tpu.memory_space<hbm>>
        %dma_start3A_456 = arith.constant 32 : i32
        %dma_start3A_457 = tpu.memref_slice %arg4[%add3A_29, %dma_start3A_456] : memref<81920x128xf32, #tpu.memory_space<hbm>> -> memref<256x16xf32, #tpu.memory_space<hbm>>
        %dma_start3A_458 = arith.constant 0 : i32
        %dma_start3A_459 = arith.constant 0 : i32
        %dma_start3A_460 = tpu.memref_slice %arg9[%run_scoped3A_443, %dma_start3A_458, %dma_start3A_459] : memref<8x256x16xf32, #tpu.memory_space<vmem>> -> memref<1x256x16xf32, #tpu.memory_space<vmem>>
        %dma_start3A_461 = tpu.memref_squeeze %dma_start3A_460 : memref<1x256x16xf32, #tpu.memory_space<vmem>> -> memref<256x16xf32, #tpu.memory_space<vmem>>
        tpu.enqueue_dma source(%dma_start3A_461 : memref<256x16xf32, #tpu.memory_space<vmem>>) target(%dma_start3A_457 : memref<256x16xf32, #tpu.memory_space<hbm>>) target_semaphore(%run_scoped3A_449 : memref<!tpu.dma_semaphore, #tpu.memory_space<semaphore_mem>>)
        %dma_wait3A_462 = arith.constant 0 : i32
        %dma_wait3A_463 = arith.constant 0 : i32
        %dma_wait3A_464 = tpu.memref_slice %arg9[%run_scoped3A_443, %dma_wait3A_462, %dma_wait3A_463] : memref<8x256x16xf32, #tpu.memory_space<vmem>> -> memref<1x256x16xf32, #tpu.memory_space<vmem>>
        %dma_wait3A_465 = tpu.memref_squeeze %dma_wait3A_464 : memref<1x256x16xf32, #tpu.memory_space<vmem>> -> memref<256x16xf32, #tpu.memory_space<vmem>>
        %dma_wait3A_466 = arith.constant 32 : i32
        %dma_wait3A_467 = tpu.memref_slice %arg4[%add3A_29, %dma_wait3A_466] : memref<81920x128xf32, #tpu.memory_space<hbm>> -> memref<256x16xf32, #tpu.memory_space<hbm>>
        %dma_wait3A_468 = arith.constant 32 : i32
        %dma_wait3A_469 = tpu.memref_slice %arg4[%add3A_29, %dma_wait3A_468] : memref<81920x128xf32, #tpu.memory_space<hbm>> -> memref<256x16xf32, #tpu.memory_space<hbm>>
        %dma_wait3A_470 = arith.constant 0 : i32
        %dma_wait3A_471 = arith.constant 0 : i32
        %dma_wait3A_472 = tpu.memref_slice %arg9[%run_scoped3A_443, %dma_wait3A_470, %dma_wait3A_471] : memref<8x256x16xf32, #tpu.memory_space<vmem>> -> memref<1x256x16xf32, #tpu.memory_space<vmem>>
        %dma_wait3A_473 = tpu.memref_squeeze %dma_wait3A_472 : memref<1x256x16xf32, #tpu.memory_space<vmem>> -> memref<256x16xf32, #tpu.memory_space<vmem>>
        tpu.wait_dma2 semaphore(%run_scoped3A_449 : memref<!tpu.dma_semaphore, #tpu.memory_space<semaphore_mem>>) src(%dma_wait3A_473 : memref<256x16xf32, #tpu.memory_space<vmem>>) dst(%dma_wait3A_469 : memref<256x16xf32, #tpu.memory_space<hbm>>)
        tpu.yield
      }) : () -> ()
      %run_scoped3A_444 = arith.constant 3 : i32
      "tpu.region"() ({
        %run_scoped3A_449 = tpu.sem_alloc : memref<!tpu.dma_semaphore, #tpu.memory_space<semaphore_mem>>
        %dma_start3A_450 = arith.constant 0 : i32
        %dma_start3A_451 = arith.constant 0 : i32
        %dma_start3A_452 = tpu.memref_slice %arg9[%run_scoped3A_444, %dma_start3A_450, %dma_start3A_451] : memref<8x256x16xf32, #tpu.memory_space<vmem>> -> memref<1x256x16xf32, #tpu.memory_space<vmem>>
        %dma_start3A_453 = tpu.memref_squeeze %dma_start3A_452 : memref<1x256x16xf32, #tpu.memory_space<vmem>> -> memref<256x16xf32, #tpu.memory_space<vmem>>
        %dma_start3A_454 = arith.constant 48 : i32
        %dma_start3A_455 = tpu.memref_slice %arg4[%add3A_29, %dma_start3A_454] : memref<81920x128xf32, #tpu.memory_space<hbm>> -> memref<256x16xf32, #tpu.memory_space<hbm>>
        %dma_start3A_456 = arith.constant 48 : i32
        %dma_start3A_457 = tpu.memref_slice %arg4[%add3A_29, %dma_start3A_456] : memref<81920x128xf32, #tpu.memory_space<hbm>> -> memref<256x16xf32, #tpu.memory_space<hbm>>
        %dma_start3A_458 = arith.constant 0 : i32
        %dma_start3A_459 = arith.constant 0 : i32
        %dma_start3A_460 = tpu.memref_slice %arg9[%run_scoped3A_444, %dma_start3A_458, %dma_start3A_459] : memref<8x256x16xf32, #tpu.memory_space<vmem>> -> memref<1x256x16xf32, #tpu.memory_space<vmem>>
        %dma_start3A_461 = tpu.memref_squeeze %dma_start3A_460 : memref<1x256x16xf32, #tpu.memory_space<vmem>> -> memref<256x16xf32, #tpu.memory_space<vmem>>
        tpu.enqueue_dma source(%dma_start3A_461 : memref<256x16xf32, #tpu.memory_space<vmem>>) target(%dma_start3A_457 : memref<256x16xf32, #tpu.memory_space<hbm>>) target_semaphore(%run_scoped3A_449 : memref<!tpu.dma_semaphore, #tpu.memory_space<semaphore_mem>>)
        %dma_wait3A_462 = arith.constant 0 : i32
        %dma_wait3A_463 = arith.constant 0 : i32
        %dma_wait3A_464 = tpu.memref_slice %arg9[%run_scoped3A_444, %dma_wait3A_462, %dma_wait3A_463] : memref<8x256x16xf32, #tpu.memory_space<vmem>> -> memref<1x256x16xf32, #tpu.memory_space<vmem>>
        %dma_wait3A_465 = tpu.memref_squeeze %dma_wait3A_464 : memref<1x256x16xf32, #tpu.memory_space<vmem>> -> memref<256x16xf32, #tpu.memory_space<vmem>>
        %dma_wait3A_466 = arith.constant 48 : i32
        %dma_wait3A_467 = tpu.memref_slice %arg4[%add3A_29, %dma_wait3A_466] : memref<81920x128xf32, #tpu.memory_space<hbm>> -> memref<256x16xf32, #tpu.memory_space<hbm>>
        %dma_wait3A_468 = arith.constant 48 : i32
        %dma_wait3A_469 = tpu.memref_slice %arg4[%add3A_29, %dma_wait3A_468] : memref<81920x128xf32, #tpu.memory_space<hbm>> -> memref<256x16xf32, #tpu.memory_space<hbm>>
        %dma_wait3A_470 = arith.constant 0 : i32
        %dma_wait3A_471 = arith.constant 0 : i32
        %dma_wait3A_472 = tpu.memref_slice %arg9[%run_scoped3A_444, %dma_wait3A_470, %dma_wait3A_471] : memref<8x256x16xf32, #tpu.memory_space<vmem>> -> memref<1x256x16xf32, #tpu.memory_space<vmem>>
        %dma_wait3A_473 = tpu.memref_squeeze %dma_wait3A_472 : memref<1x256x16xf32, #tpu.memory_space<vmem>> -> memref<256x16xf32, #tpu.memory_space<vmem>>
        tpu.wait_dma2 semaphore(%run_scoped3A_449 : memref<!tpu.dma_semaphore, #tpu.memory_space<semaphore_mem>>) src(%dma_wait3A_473 : memref<256x16xf32, #tpu.memory_space<vmem>>) dst(%dma_wait3A_469 : memref<256x16xf32, #tpu.memory_space<hbm>>)
        tpu.yield
      }) : () -> ()
      %run_scoped3A_445 = arith.constant 4 : i32
      "tpu.region"() ({
        %run_scoped3A_449 = tpu.sem_alloc : memref<!tpu.dma_semaphore, #tpu.memory_space<semaphore_mem>>
        %dma_start3A_450 = arith.constant 0 : i32
        %dma_start3A_451 = arith.constant 0 : i32
        %dma_start3A_452 = tpu.memref_slice %arg9[%run_scoped3A_445, %dma_start3A_450, %dma_start3A_451] : memref<8x256x16xf32, #tpu.memory_space<vmem>> -> memref<1x256x16xf32, #tpu.memory_space<vmem>>
        %dma_start3A_453 = tpu.memref_squeeze %dma_start3A_452 : memref<1x256x16xf32, #tpu.memory_space<vmem>> -> memref<256x16xf32, #tpu.memory_space<vmem>>
        %dma_start3A_454 = arith.constant 64 : i32
        %dma_start3A_455 = tpu.memref_slice %arg4[%add3A_29, %dma_start3A_454] : memref<81920x128xf32, #tpu.memory_space<hbm>> -> memref<256x16xf32, #tpu.memory_space<hbm>>
        %dma_start3A_456 = arith.constant 64 : i32
        %dma_start3A_457 = tpu.memref_slice %arg4[%add3A_29, %dma_start3A_456] : memref<81920x128xf32, #tpu.memory_space<hbm>> -> memref<256x16xf32, #tpu.memory_space<hbm>>
        %dma_start3A_458 = arith.constant 0 : i32
        %dma_start3A_459 = arith.constant 0 : i32
        %dma_start3A_460 = tpu.memref_slice %arg9[%run_scoped3A_445, %dma_start3A_458, %dma_start3A_459] : memref<8x256x16xf32, #tpu.memory_space<vmem>> -> memref<1x256x16xf32, #tpu.memory_space<vmem>>
        %dma_start3A_461 = tpu.memref_squeeze %dma_start3A_460 : memref<1x256x16xf32, #tpu.memory_space<vmem>> -> memref<256x16xf32, #tpu.memory_space<vmem>>
        tpu.enqueue_dma source(%dma_start3A_461 : memref<256x16xf32, #tpu.memory_space<vmem>>) target(%dma_start3A_457 : memref<256x16xf32, #tpu.memory_space<hbm>>) target_semaphore(%run_scoped3A_449 : memref<!tpu.dma_semaphore, #tpu.memory_space<semaphore_mem>>)
        %dma_wait3A_462 = arith.constant 0 : i32
        %dma_wait3A_463 = arith.constant 0 : i32
        %dma_wait3A_464 = tpu.memref_slice %arg9[%run_scoped3A_445, %dma_wait3A_462, %dma_wait3A_463] : memref<8x256x16xf32, #tpu.memory_space<vmem>> -> memref<1x256x16xf32, #tpu.memory_space<vmem>>
        %dma_wait3A_465 = tpu.memref_squeeze %dma_wait3A_464 : memref<1x256x16xf32, #tpu.memory_space<vmem>> -> memref<256x16xf32, #tpu.memory_space<vmem>>
        %dma_wait3A_466 = arith.constant 64 : i32
        %dma_wait3A_467 = tpu.memref_slice %arg4[%add3A_29, %dma_wait3A_466] : memref<81920x128xf32, #tpu.memory_space<hbm>> -> memref<256x16xf32, #tpu.memory_space<hbm>>
        %dma_wait3A_468 = arith.constant 64 : i32
        %dma_wait3A_469 = tpu.memref_slice %arg4[%add3A_29, %dma_wait3A_468] : memref<81920x128xf32, #tpu.memory_space<hbm>> -> memref<256x16xf32, #tpu.memory_space<hbm>>
        %dma_wait3A_470 = arith.constant 0 : i32
        %dma_wait3A_471 = arith.constant 0 : i32
        %dma_wait3A_472 = tpu.memref_slice %arg9[%run_scoped3A_445, %dma_wait3A_470, %dma_wait3A_471] : memref<8x256x16xf32, #tpu.memory_space<vmem>> -> memref<1x256x16xf32, #tpu.memory_space<vmem>>
        %dma_wait3A_473 = tpu.memref_squeeze %dma_wait3A_472 : memref<1x256x16xf32, #tpu.memory_space<vmem>> -> memref<256x16xf32, #tpu.memory_space<vmem>>
        tpu.wait_dma2 semaphore(%run_scoped3A_449 : memref<!tpu.dma_semaphore, #tpu.memory_space<semaphore_mem>>) src(%dma_wait3A_473 : memref<256x16xf32, #tpu.memory_space<vmem>>) dst(%dma_wait3A_469 : memref<256x16xf32, #tpu.memory_space<hbm>>)
        tpu.yield
      }) : () -> ()
      %run_scoped3A_446 = arith.constant 5 : i32
      "tpu.region"() ({
        %run_scoped3A_449 = tpu.sem_alloc : memref<!tpu.dma_semaphore, #tpu.memory_space<semaphore_mem>>
        %dma_start3A_450 = arith.constant 0 : i32
        %dma_start3A_451 = arith.constant 0 : i32
        %dma_start3A_452 = tpu.memref_slice %arg9[%run_scoped3A_446, %dma_start3A_450, %dma_start3A_451] : memref<8x256x16xf32, #tpu.memory_space<vmem>> -> memref<1x256x16xf32, #tpu.memory_space<vmem>>
        %dma_start3A_453 = tpu.memref_squeeze %dma_start3A_452 : memref<1x256x16xf32, #tpu.memory_space<vmem>> -> memref<256x16xf32, #tpu.memory_space<vmem>>
        %dma_start3A_454 = arith.constant 80 : i32
        %dma_start3A_455 = tpu.memref_slice %arg4[%add3A_29, %dma_start3A_454] : memref<81920x128xf32, #tpu.memory_space<hbm>> -> memref<256x16xf32, #tpu.memory_space<hbm>>
        %dma_start3A_456 = arith.constant 80 : i32
        %dma_start3A_457 = tpu.memref_slice %arg4[%add3A_29, %dma_start3A_456] : memref<81920x128xf32, #tpu.memory_space<hbm>> -> memref<256x16xf32, #tpu.memory_space<hbm>>
        %dma_start3A_458 = arith.constant 0 : i32
        %dma_start3A_459 = arith.constant 0 : i32
        %dma_start3A_460 = tpu.memref_slice %arg9[%run_scoped3A_446, %dma_start3A_458, %dma_start3A_459] : memref<8x256x16xf32, #tpu.memory_space<vmem>> -> memref<1x256x16xf32, #tpu.memory_space<vmem>>
        %dma_start3A_461 = tpu.memref_squeeze %dma_start3A_460 : memref<1x256x16xf32, #tpu.memory_space<vmem>> -> memref<256x16xf32, #tpu.memory_space<vmem>>
        tpu.enqueue_dma source(%dma_start3A_461 : memref<256x16xf32, #tpu.memory_space<vmem>>) target(%dma_start3A_457 : memref<256x16xf32, #tpu.memory_space<hbm>>) target_semaphore(%run_scoped3A_449 : memref<!tpu.dma_semaphore, #tpu.memory_space<semaphore_mem>>)
        %dma_wait3A_462 = arith.constant 0 : i32
        %dma_wait3A_463 = arith.constant 0 : i32
        %dma_wait3A_464 = tpu.memref_slice %arg9[%run_scoped3A_446, %dma_wait3A_462, %dma_wait3A_463] : memref<8x256x16xf32, #tpu.memory_space<vmem>> -> memref<1x256x16xf32, #tpu.memory_space<vmem>>
        %dma_wait3A_465 = tpu.memref_squeeze %dma_wait3A_464 : memref<1x256x16xf32, #tpu.memory_space<vmem>> -> memref<256x16xf32, #tpu.memory_space<vmem>>
        %dma_wait3A_466 = arith.constant 80 : i32
        %dma_wait3A_467 = tpu.memref_slice %arg4[%add3A_29, %dma_wait3A_466] : memref<81920x128xf32, #tpu.memory_space<hbm>> -> memref<256x16xf32, #tpu.memory_space<hbm>>
        %dma_wait3A_468 = arith.constant 80 : i32
        %dma_wait3A_469 = tpu.memref_slice %arg4[%add3A_29, %dma_wait3A_468] : memref<81920x128xf32, #tpu.memory_space<hbm>> -> memref<256x16xf32, #tpu.memory_space<hbm>>
        %dma_wait3A_470 = arith.constant 0 : i32
        %dma_wait3A_471 = arith.constant 0 : i32
        %dma_wait3A_472 = tpu.memref_slice %arg9[%run_scoped3A_446, %dma_wait3A_470, %dma_wait3A_471] : memref<8x256x16xf32, #tpu.memory_space<vmem>> -> memref<1x256x16xf32, #tpu.memory_space<vmem>>
        %dma_wait3A_473 = tpu.memref_squeeze %dma_wait3A_472 : memref<1x256x16xf32, #tpu.memory_space<vmem>> -> memref<256x16xf32, #tpu.memory_space<vmem>>
        tpu.wait_dma2 semaphore(%run_scoped3A_449 : memref<!tpu.dma_semaphore, #tpu.memory_space<semaphore_mem>>) src(%dma_wait3A_473 : memref<256x16xf32, #tpu.memory_space<vmem>>) dst(%dma_wait3A_469 : memref<256x16xf32, #tpu.memory_space<hbm>>)
        tpu.yield
      }) : () -> ()
      %run_scoped3A_447 = arith.constant 6 : i32
      "tpu.region"() ({
        %run_scoped3A_449 = tpu.sem_alloc : memref<!tpu.dma_semaphore, #tpu.memory_space<semaphore_mem>>
        %dma_start3A_450 = arith.constant 0 : i32
        %dma_start3A_451 = arith.constant 0 : i32
        %dma_start3A_452 = tpu.memref_slice %arg9[%run_scoped3A_447, %dma_start3A_450, %dma_start3A_451] : memref<8x256x16xf32, #tpu.memory_space<vmem>> -> memref<1x256x16xf32, #tpu.memory_space<vmem>>
        %dma_start3A_453 = tpu.memref_squeeze %dma_start3A_452 : memref<1x256x16xf32, #tpu.memory_space<vmem>> -> memref<256x16xf32, #tpu.memory_space<vmem>>
        %dma_start3A_454 = arith.constant 96 : i32
        %dma_start3A_455 = tpu.memref_slice %arg4[%add3A_29, %dma_start3A_454] : memref<81920x128xf32, #tpu.memory_space<hbm>> -> memref<256x16xf32, #tpu.memory_space<hbm>>
        %dma_start3A_456 = arith.constant 96 : i32
        %dma_start3A_457 = tpu.memref_slice %arg4[%add3A_29, %dma_start3A_456] : memref<81920x128xf32, #tpu.memory_space<hbm>> -> memref<256x16xf32, #tpu.memory_space<hbm>>
        %dma_start3A_458 = arith.constant 0 : i32
        %dma_start3A_459 = arith.constant 0 : i32
        %dma_start3A_460 = tpu.memref_slice %arg9[%run_scoped3A_447, %dma_start3A_458, %dma_start3A_459] : memref<8x256x16xf32, #tpu.memory_space<vmem>> -> memref<1x256x16xf32, #tpu.memory_space<vmem>>
        %dma_start3A_461 = tpu.memref_squeeze %dma_start3A_460 : memref<1x256x16xf32, #tpu.memory_space<vmem>> -> memref<256x16xf32, #tpu.memory_space<vmem>>
        tpu.enqueue_dma source(%dma_start3A_461 : memref<256x16xf32, #tpu.memory_space<vmem>>) target(%dma_start3A_457 : memref<256x16xf32, #tpu.memory_space<hbm>>) target_semaphore(%run_scoped3A_449 : memref<!tpu.dma_semaphore, #tpu.memory_space<semaphore_mem>>)
        %dma_wait3A_462 = arith.constant 0 : i32
        %dma_wait3A_463 = arith.constant 0 : i32
        %dma_wait3A_464 = tpu.memref_slice %arg9[%run_scoped3A_447, %dma_wait3A_462, %dma_wait3A_463] : memref<8x256x16xf32, #tpu.memory_space<vmem>> -> memref<1x256x16xf32, #tpu.memory_space<vmem>>
        %dma_wait3A_465 = tpu.memref_squeeze %dma_wait3A_464 : memref<1x256x16xf32, #tpu.memory_space<vmem>> -> memref<256x16xf32, #tpu.memory_space<vmem>>
        %dma_wait3A_466 = arith.constant 96 : i32
        %dma_wait3A_467 = tpu.memref_slice %arg4[%add3A_29, %dma_wait3A_466] : memref<81920x128xf32, #tpu.memory_space<hbm>> -> memref<256x16xf32, #tpu.memory_space<hbm>>
        %dma_wait3A_468 = arith.constant 96 : i32
        %dma_wait3A_469 = tpu.memref_slice %arg4[%add3A_29, %dma_wait3A_468] : memref<81920x128xf32, #tpu.memory_space<hbm>> -> memref<256x16xf32, #tpu.memory_space<hbm>>
        %dma_wait3A_470 = arith.constant 0 : i32
        %dma_wait3A_471 = arith.constant 0 : i32
        %dma_wait3A_472 = tpu.memref_slice %arg9[%run_scoped3A_447, %dma_wait3A_470, %dma_wait3A_471] : memref<8x256x16xf32, #tpu.memory_space<vmem>> -> memref<1x256x16xf32, #tpu.memory_space<vmem>>
        %dma_wait3A_473 = tpu.memref_squeeze %dma_wait3A_472 : memref<1x256x16xf32, #tpu.memory_space<vmem>> -> memref<256x16xf32, #tpu.memory_space<vmem>>
        tpu.wait_dma2 semaphore(%run_scoped3A_449 : memref<!tpu.dma_semaphore, #tpu.memory_space<semaphore_mem>>) src(%dma_wait3A_473 : memref<256x16xf32, #tpu.memory_space<vmem>>) dst(%dma_wait3A_469 : memref<256x16xf32, #tpu.memory_space<hbm>>)
        tpu.yield
      }) : () -> ()
      %run_scoped3A_448 = arith.constant 7 : i32
      "tpu.region"() ({
        %run_scoped3A_449 = tpu.sem_alloc : memref<!tpu.dma_semaphore, #tpu.memory_space<semaphore_mem>>
        %dma_start3A_450 = arith.constant 0 : i32
        %dma_start3A_451 = arith.constant 0 : i32
        %dma_start3A_452 = tpu.memref_slice %arg9[%run_scoped3A_448, %dma_start3A_450, %dma_start3A_451] : memref<8x256x16xf32, #tpu.memory_space<vmem>> -> memref<1x256x16xf32, #tpu.memory_space<vmem>>
        %dma_start3A_453 = tpu.memref_squeeze %dma_start3A_452 : memref<1x256x16xf32, #tpu.memory_space<vmem>> -> memref<256x16xf32, #tpu.memory_space<vmem>>
        %dma_start3A_454 = arith.constant 112 : i32
        %dma_start3A_455 = tpu.memref_slice %arg4[%add3A_29, %dma_start3A_454] : memref<81920x128xf32, #tpu.memory_space<hbm>> -> memref<256x16xf32, #tpu.memory_space<hbm>>
        %dma_start3A_456 = arith.constant 112 : i32
        %dma_start3A_457 = tpu.memref_slice %arg4[%add3A_29, %dma_start3A_456] : memref<81920x128xf32, #tpu.memory_space<hbm>> -> memref<256x16xf32, #tpu.memory_space<hbm>>
        %dma_start3A_458 = arith.constant 0 : i32
        %dma_start3A_459 = arith.constant 0 : i32
        %dma_start3A_460 = tpu.memref_slice %arg9[%run_scoped3A_448, %dma_start3A_458, %dma_start3A_459] : memref<8x256x16xf32, #tpu.memory_space<vmem>> -> memref<1x256x16xf32, #tpu.memory_space<vmem>>
        %dma_start3A_461 = tpu.memref_squeeze %dma_start3A_460 : memref<1x256x16xf32, #tpu.memory_space<vmem>> -> memref<256x16xf32, #tpu.memory_space<vmem>>
        tpu.enqueue_dma source(%dma_start3A_461 : memref<256x16xf32, #tpu.memory_space<vmem>>) target(%dma_start3A_457 : memref<256x16xf32, #tpu.memory_space<hbm>>) target_semaphore(%run_scoped3A_449 : memref<!tpu.dma_semaphore, #tpu.memory_space<semaphore_mem>>)
        %dma_wait3A_462 = arith.constant 0 : i32
        %dma_wait3A_463 = arith.constant 0 : i32
        %dma_wait3A_464 = tpu.memref_slice %arg9[%run_scoped3A_448, %dma_wait3A_462, %dma_wait3A_463] : memref<8x256x16xf32, #tpu.memory_space<vmem>> -> memref<1x256x16xf32, #tpu.memory_space<vmem>>
        %dma_wait3A_465 = tpu.memref_squeeze %dma_wait3A_464 : memref<1x256x16xf32, #tpu.memory_space<vmem>> -> memref<256x16xf32, #tpu.memory_space<vmem>>
        %dma_wait3A_466 = arith.constant 112 : i32
        %dma_wait3A_467 = tpu.memref_slice %arg4[%add3A_29, %dma_wait3A_466] : memref<81920x128xf32, #tpu.memory_space<hbm>> -> memref<256x16xf32, #tpu.memory_space<hbm>>
        %dma_wait3A_468 = arith.constant 112 : i32
        %dma_wait3A_469 = tpu.memref_slice %arg4[%add3A_29, %dma_wait3A_468] : memref<81920x128xf32, #tpu.memory_space<hbm>> -> memref<256x16xf32, #tpu.memory_space<hbm>>
        %dma_wait3A_470 = arith.constant 0 : i32
        %dma_wait3A_471 = arith.constant 0 : i32
        %dma_wait3A_472 = tpu.memref_slice %arg9[%run_scoped3A_448, %dma_wait3A_470, %dma_wait3A_471] : memref<8x256x16xf32, #tpu.memory_space<vmem>> -> memref<1x256x16xf32, #tpu.memory_space<vmem>>
        %dma_wait3A_473 = tpu.memref_squeeze %dma_wait3A_472 : memref<1x256x16xf32, #tpu.memory_space<vmem>> -> memref<256x16xf32, #tpu.memory_space<vmem>>
        tpu.wait_dma2 semaphore(%run_scoped3A_449 : memref<!tpu.dma_semaphore, #tpu.memory_space<semaphore_mem>>) src(%dma_wait3A_473 : memref<256x16xf32, #tpu.memory_space<vmem>>) dst(%dma_wait3A_469 : memref<256x16xf32, #tpu.memory_space<hbm>>)
        tpu.yield
      }) : () -> ()
    }
    %scan3A_5 = arith.constant 10 : i32
    %scan3A_6 = arith.constant 0 : i32
    %scan3A_7 = arith.constant 0 : i32
    %scan3A_8 = arith.constant 10 : i32
    %scan3A_9 = arith.addi %scan3A_7, %scan3A_8 : i32
    %scan3A_10 = arith.constant 1 : i32
    scf.for %scan3A_24 = %scan3A_7 to %scan3A_9 step %scan3A_10  : i32 {
      %mul3A_25 = arith.constant 2560 : i32
      %mul3A_26 = arith.muli %add3A, %mul3A_25 : i32
      %mul3A_27 = arith.constant 256 : i32
      %mul3A_28 = arith.muli %scan3A_24, %mul3A_27 : i32
      %add3A_29 = arith.addi %mul3A_26, %mul3A_28 : i32
      %jit3A = arith.constant 4096 : i32
      %div3A = arith.divsi %add3A_29, %jit3A : i32
      %sign3A = arith.constant 0 : i32
      %sign3A_30 = arith.cmpi sgt, %add3A_29, %sign3A : i32
      %sign3A_31 = arith.extui %sign3A_30 : i1 to i32
      %sign3A_32 = arith.constant 0 : i32
      %sign3A_33 = arith.cmpi slt, %add3A_29, %sign3A_32 : i32
      %sign3A_34 = arith.extui %sign3A_33 : i1 to i32
      %sign3A_35 = arith.subi %sign3A_31, %sign3A_34 : i32
      %sign3A_36 = arith.constant 0 : i32
      %sign3A_37 = arith.cmpi sgt, %jit3A, %sign3A_36 : i32
      %sign3A_38 = arith.extui %sign3A_37 : i1 to i32
      %sign3A_39 = arith.constant 0 : i32
      %sign3A_40 = arith.cmpi slt, %jit3A, %sign3A_39 : i32
      %sign3A_41 = arith.extui %sign3A_40 : i1 to i32
      %sign3A_42 = arith.subi %sign3A_38, %sign3A_41 : i32
      %ne3A = arith.cmpi ne, %sign3A_35, %sign3A_42 : i32
      %rem3A = arith.remsi %add3A_29, %jit3A : i32
      %ne3A_43 = arith.constant 0 : i32
      %ne3A_44 = arith.cmpi ne, %rem3A, %ne3A_43 : i32
      %and3A = arith.andi %ne3A, %ne3A_44 : i1
      %sub3A = arith.constant 1 : i32
      %sub3A_45 = arith.subi %div3A, %sub3A : i32
      %select_n3A = arith.select %and3A, %sub3A_45, %div3A : i32
      %jit3A_46 = arith.constant 4096 : i32
      %eq3A = arith.constant 0 : i32
      %eq3A_47 = arith.cmpi eq, %jit3A_46, %eq3A : i32
      %jit3A_48 = arith.constant 1 : i32
      %select_n3A_49 = arith.select %eq3A_47, %jit3A_48, %jit3A_46 : i32
      %rem3A_50 = arith.remsi %add3A_29, %select_n3A_49 : i32
      %ne3A_51 = arith.constant 0 : i32
      %ne3A_52 = arith.cmpi ne, %rem3A_50, %ne3A_51 : i32
      %lt3A = arith.constant 0 : i32
      %lt3A_53 = arith.cmpi slt, %rem3A_50, %lt3A : i32
      %lt3A_54 = arith.constant 0 : i32
      %lt3A_55 = arith.cmpi slt, %select_n3A_49, %lt3A_54 : i32
      %ne3A_56 = arith.xori %lt3A_53, %lt3A_55 : i1
      %and3A_57 = arith.andi %ne3A_56, %ne3A_52 : i1
      %add3A_58 = arith.addi %rem3A_50, %select_n3A_49 : i32
      %select_n3A_59 = arith.select %and3A_57, %add3A_58, %rem3A_50 : i32
      "tpu.region"() ({
        %run_scoped3A_449 = tpu.sem_alloc : memref<!tpu.dma_semaphore, #tpu.memory_space<semaphore_mem>>
        %dma_start3A_450 = arith.constant 8 : i32
        %dma_start3A_451 = tpu.memref_slice %arg3[%dma_start3A_450, %select_n3A, %select_n3A_59] : memref<32x20x4096xi32, #tpu.memory_space<hbm>> -> memref<8x1x256xi32, #tpu.memory_space<hbm>>
        %dma_start3A_452 = tpu.memref_squeeze %dma_start3A_451 : memref<8x1x256xi32, #tpu.memory_space<hbm>> -> memref<8x256xi32, #tpu.memory_space<hbm>>
        %dma_start3A_453 = arith.constant 8 : i32
        %dma_start3A_454 = tpu.memref_slice %arg3[%dma_start3A_453, %select_n3A, %select_n3A_59] : memref<32x20x4096xi32, #tpu.memory_space<hbm>> -> memref<8x1x256xi32, #tpu.memory_space<hbm>>
        %dma_start3A_455 = tpu.memref_squeeze %dma_start3A_454 : memref<8x1x256xi32, #tpu.memory_space<hbm>> -> memref<8x256xi32, #tpu.memory_space<hbm>>
        tpu.enqueue_dma source(%dma_start3A_455 : memref<8x256xi32, #tpu.memory_space<hbm>>) target(%arg8 : memref<8x256xi32, #tpu.memory_space<vmem>>) target_semaphore(%run_scoped3A_449 : memref<!tpu.dma_semaphore, #tpu.memory_space<semaphore_mem>>)
        %dma_wait3A_456 = arith.constant 8 : i32
        %dma_wait3A_457 = tpu.memref_slice %arg3[%dma_wait3A_456, %select_n3A, %select_n3A_59] : memref<32x20x4096xi32, #tpu.memory_space<hbm>> -> memref<8x1x256xi32, #tpu.memory_space<hbm>>
        %dma_wait3A_458 = tpu.memref_squeeze %dma_wait3A_457 : memref<8x1x256xi32, #tpu.memory_space<hbm>> -> memref<8x256xi32, #tpu.memory_space<hbm>>
        %dma_wait3A_459 = arith.constant 8 : i32
        %dma_wait3A_460 = tpu.memref_slice %arg3[%dma_wait3A_459, %select_n3A, %select_n3A_59] : memref<32x20x4096xi32, #tpu.memory_space<hbm>> -> memref<8x1x256xi32, #tpu.memory_space<hbm>>
        %dma_wait3A_461 = tpu.memref_squeeze %dma_wait3A_460 : memref<8x1x256xi32, #tpu.memory_space<hbm>> -> memref<8x256xi32, #tpu.memory_space<hbm>>
        tpu.wait_dma2 semaphore(%run_scoped3A_449 : memref<!tpu.dma_semaphore, #tpu.memory_space<semaphore_mem>>) src(%dma_wait3A_461 : memref<8x256xi32, #tpu.memory_space<hbm>>) dst(%arg8 : memref<8x256xi32, #tpu.memory_space<vmem>>)
        tpu.yield
      }) : () -> ()
      %dma_start3A = arith.constant 0 : i32
      %dma_start3A_60 = arith.constant 0 : i32
      %dma_start3A_61 = arith.constant 0 : i32
      %dma_start3A_62 = arith.constant 0 : i32
      %dma_start3A_63 = tpu.memref_slice %arg9[%dma_start3A_60, %dma_start3A_61, %dma_start3A_62] : memref<8x256x16xf32, #tpu.memory_space<vmem>> -> memref<1x128x16xf32, #tpu.memory_space<vmem>>
      %dma_start3A_64 = tpu.memref_squeeze %dma_start3A_63 : memref<1x128x16xf32, #tpu.memory_space<vmem>> -> memref<128x16xf32, #tpu.memory_space<vmem>>
      %dma_start3A_65 = arith.constant 0 : i32
      %dma_start3A_66 = tpu.memref_slice %arg8[%dma_start3A, %dma_start3A_65] : memref<8x256xi32, #tpu.memory_space<vmem>> -> memref<1x128xi32, #tpu.memory_space<vmem>>
      %dma_start3A_67 = tpu.memref_squeeze %dma_start3A_66 : memref<1x128xi32, #tpu.memory_space<vmem>> -> memref<128xi32, #tpu.memory_space<vmem>>
      %dma_start3A_68 = arith.constant 0 : i32
      %dma_start3A_69 = arith.constant 0 : i32
      %dma_start3A_70 = tpu.memref_slice %arg2[%dma_start3A_68, %dma_start3A_69] : memref<3203072x16xf32, #tpu.memory_space<hbm>> -> memref<3203072x16xf32, #tpu.memory_space<hbm>>
      tpu.enqueue_indirect_dma source(%dma_start3A_70 : memref<3203072x16xf32, #tpu.memory_space<hbm>>) target(%dma_start3A_64 : memref<128x16xf32, #tpu.memory_space<vmem>>) offsets(%dma_start3A_67 : memref<128xi32, #tpu.memory_space<vmem>>) semaphore(%arg10 : memref<!tpu.dma_semaphore, #tpu.memory_space<semaphore_mem>>)
      %dma_start3A_71 = arith.constant 0 : i32
      %dma_start3A_72 = arith.constant 0 : i32
      %dma_start3A_73 = arith.constant 128 : i32
      %dma_start3A_74 = arith.constant 0 : i32
      %dma_start3A_75 = tpu.memref_slice %arg9[%dma_start3A_72, %dma_start3A_73, %dma_start3A_74] : memref<8x256x16xf32, #tpu.memory_space<vmem>> -> memref<1x128x16xf32, #tpu.memory_space<vmem>>
      %dma_start3A_76 = tpu.memref_squeeze %dma_start3A_75 : memref<1x128x16xf32, #tpu.memory_space<vmem>> -> memref<128x16xf32, #tpu.memory_space<vmem>>
      %dma_start3A_77 = arith.constant 128 : i32
      %dma_start3A_78 = tpu.memref_slice %arg8[%dma_start3A_71, %dma_start3A_77] : memref<8x256xi32, #tpu.memory_space<vmem>> -> memref<1x128xi32, #tpu.memory_space<vmem>>
      %dma_start3A_79 = tpu.memref_squeeze %dma_start3A_78 : memref<1x128xi32, #tpu.memory_space<vmem>> -> memref<128xi32, #tpu.memory_space<vmem>>
      %dma_start3A_80 = arith.constant 0 : i32
      %dma_start3A_81 = arith.constant 0 : i32
      %dma_start3A_82 = tpu.memref_slice %arg2[%dma_start3A_80, %dma_start3A_81] : memref<3203072x16xf32, #tpu.memory_space<hbm>> -> memref<3203072x16xf32, #tpu.memory_space<hbm>>
      tpu.enqueue_indirect_dma source(%dma_start3A_82 : memref<3203072x16xf32, #tpu.memory_space<hbm>>) target(%dma_start3A_76 : memref<128x16xf32, #tpu.memory_space<vmem>>) offsets(%dma_start3A_79 : memref<128xi32, #tpu.memory_space<vmem>>) semaphore(%arg10 : memref<!tpu.dma_semaphore, #tpu.memory_space<semaphore_mem>>)
      %dma_start3A_83 = arith.constant 1 : i32
      %dma_start3A_84 = arith.constant 1 : i32
      %dma_start3A_85 = arith.constant 0 : i32
      %dma_start3A_86 = arith.constant 0 : i32
      %dma_start3A_87 = tpu.memref_slice %arg9[%dma_start3A_84, %dma_start3A_85, %dma_start3A_86] : memref<8x256x16xf32, #tpu.memory_space<vmem>> -> memref<1x128x16xf32, #tpu.memory_space<vmem>>
      %dma_start3A_88 = tpu.memref_squeeze %dma_start3A_87 : memref<1x128x16xf32, #tpu.memory_space<vmem>> -> memref<128x16xf32, #tpu.memory_space<vmem>>
      %dma_start3A_89 = arith.constant 0 : i32
      %dma_start3A_90 = tpu.memref_slice %arg8[%dma_start3A_83, %dma_start3A_89] : memref<8x256xi32, #tpu.memory_space<vmem>> -> memref<1x128xi32, #tpu.memory_space<vmem>>
      %dma_start3A_91 = tpu.memref_squeeze %dma_start3A_90 : memref<1x128xi32, #tpu.memory_space<vmem>> -> memref<128xi32, #tpu.memory_space<vmem>>
      %dma_start3A_92 = arith.constant 0 : i32
      %dma_start3A_93 = arith.constant 0 : i32
      %dma_start3A_94 = tpu.memref_slice %arg2[%dma_start3A_92, %dma_start3A_93] : memref<3203072x16xf32, #tpu.memory_space<hbm>> -> memref<3203072x16xf32, #tpu.memory_space<hbm>>
      tpu.enqueue_indirect_dma source(%dma_start3A_94 : memref<3203072x16xf32, #tpu.memory_space<hbm>>) target(%dma_start3A_88 : memref<128x16xf32, #tpu.memory_space<vmem>>) offsets(%dma_start3A_91 : memref<128xi32, #tpu.memory_space<vmem>>) semaphore(%arg10 : memref<!tpu.dma_semaphore, #tpu.memory_space<semaphore_mem>>)
      %dma_start3A_95 = arith.constant 1 : i32
      %dma_start3A_96 = arith.constant 1 : i32
      %dma_start3A_97 = arith.constant 128 : i32
      %dma_start3A_98 = arith.constant 0 : i32
      %dma_start3A_99 = tpu.memref_slice %arg9[%dma_start3A_96, %dma_start3A_97, %dma_start3A_98] : memref<8x256x16xf32, #tpu.memory_space<vmem>> -> memref<1x128x16xf32, #tpu.memory_space<vmem>>
      %dma_start3A_100 = tpu.memref_squeeze %dma_start3A_99 : memref<1x128x16xf32, #tpu.memory_space<vmem>> -> memref<128x16xf32, #tpu.memory_space<vmem>>
      %dma_start3A_101 = arith.constant 128 : i32
      %dma_start3A_102 = tpu.memref_slice %arg8[%dma_start3A_95, %dma_start3A_101] : memref<8x256xi32, #tpu.memory_space<vmem>> -> memref<1x128xi32, #tpu.memory_space<vmem>>
      %dma_start3A_103 = tpu.memref_squeeze %dma_start3A_102 : memref<1x128xi32, #tpu.memory_space<vmem>> -> memref<128xi32, #tpu.memory_space<vmem>>
      %dma_start3A_104 = arith.constant 0 : i32
      %dma_start3A_105 = arith.constant 0 : i32
      %dma_start3A_106 = tpu.memref_slice %arg2[%dma_start3A_104, %dma_start3A_105] : memref<3203072x16xf32, #tpu.memory_space<hbm>> -> memref<3203072x16xf32, #tpu.memory_space<hbm>>
      tpu.enqueue_indirect_dma source(%dma_start3A_106 : memref<3203072x16xf32, #tpu.memory_space<hbm>>) target(%dma_start3A_100 : memref<128x16xf32, #tpu.memory_space<vmem>>) offsets(%dma_start3A_103 : memref<128xi32, #tpu.memory_space<vmem>>) semaphore(%arg10 : memref<!tpu.dma_semaphore, #tpu.memory_space<semaphore_mem>>)
      %dma_start3A_107 = arith.constant 2 : i32
      %dma_start3A_108 = arith.constant 2 : i32
      %dma_start3A_109 = arith.constant 0 : i32
      %dma_start3A_110 = arith.constant 0 : i32
      %dma_start3A_111 = tpu.memref_slice %arg9[%dma_start3A_108, %dma_start3A_109, %dma_start3A_110] : memref<8x256x16xf32, #tpu.memory_space<vmem>> -> memref<1x128x16xf32, #tpu.memory_space<vmem>>
      %dma_start3A_112 = tpu.memref_squeeze %dma_start3A_111 : memref<1x128x16xf32, #tpu.memory_space<vmem>> -> memref<128x16xf32, #tpu.memory_space<vmem>>
      %dma_start3A_113 = arith.constant 0 : i32
      %dma_start3A_114 = tpu.memref_slice %arg8[%dma_start3A_107, %dma_start3A_113] : memref<8x256xi32, #tpu.memory_space<vmem>> -> memref<1x128xi32, #tpu.memory_space<vmem>>
      %dma_start3A_115 = tpu.memref_squeeze %dma_start3A_114 : memref<1x128xi32, #tpu.memory_space<vmem>> -> memref<128xi32, #tpu.memory_space<vmem>>
      %dma_start3A_116 = arith.constant 0 : i32
      %dma_start3A_117 = arith.constant 0 : i32
      %dma_start3A_118 = tpu.memref_slice %arg2[%dma_start3A_116, %dma_start3A_117] : memref<3203072x16xf32, #tpu.memory_space<hbm>> -> memref<3203072x16xf32, #tpu.memory_space<hbm>>
      tpu.enqueue_indirect_dma source(%dma_start3A_118 : memref<3203072x16xf32, #tpu.memory_space<hbm>>) target(%dma_start3A_112 : memref<128x16xf32, #tpu.memory_space<vmem>>) offsets(%dma_start3A_115 : memref<128xi32, #tpu.memory_space<vmem>>) semaphore(%arg10 : memref<!tpu.dma_semaphore, #tpu.memory_space<semaphore_mem>>)
      %dma_start3A_119 = arith.constant 2 : i32
      %dma_start3A_120 = arith.constant 2 : i32
      %dma_start3A_121 = arith.constant 128 : i32
      %dma_start3A_122 = arith.constant 0 : i32
      %dma_start3A_123 = tpu.memref_slice %arg9[%dma_start3A_120, %dma_start3A_121, %dma_start3A_122] : memref<8x256x16xf32, #tpu.memory_space<vmem>> -> memref<1x128x16xf32, #tpu.memory_space<vmem>>
      %dma_start3A_124 = tpu.memref_squeeze %dma_start3A_123 : memref<1x128x16xf32, #tpu.memory_space<vmem>> -> memref<128x16xf32, #tpu.memory_space<vmem>>
      %dma_start3A_125 = arith.constant 128 : i32
      %dma_start3A_126 = tpu.memref_slice %arg8[%dma_start3A_119, %dma_start3A_125] : memref<8x256xi32, #tpu.memory_space<vmem>> -> memref<1x128xi32, #tpu.memory_space<vmem>>
      %dma_start3A_127 = tpu.memref_squeeze %dma_start3A_126 : memref<1x128xi32, #tpu.memory_space<vmem>> -> memref<128xi32, #tpu.memory_space<vmem>>
      %dma_start3A_128 = arith.constant 0 : i32
      %dma_start3A_129 = arith.constant 0 : i32
      %dma_start3A_130 = tpu.memref_slice %arg2[%dma_start3A_128, %dma_start3A_129] : memref<3203072x16xf32, #tpu.memory_space<hbm>> -> memref<3203072x16xf32, #tpu.memory_space<hbm>>
      tpu.enqueue_indirect_dma source(%dma_start3A_130 : memref<3203072x16xf32, #tpu.memory_space<hbm>>) target(%dma_start3A_124 : memref<128x16xf32, #tpu.memory_space<vmem>>) offsets(%dma_start3A_127 : memref<128xi32, #tpu.memory_space<vmem>>) semaphore(%arg10 : memref<!tpu.dma_semaphore, #tpu.memory_space<semaphore_mem>>)
      %dma_start3A_131 = arith.constant 3 : i32
      %dma_start3A_132 = arith.constant 3 : i32
      %dma_start3A_133 = arith.constant 0 : i32
      %dma_start3A_134 = arith.constant 0 : i32
      %dma_start3A_135 = tpu.memref_slice %arg9[%dma_start3A_132, %dma_start3A_133, %dma_start3A_134] : memref<8x256x16xf32, #tpu.memory_space<vmem>> -> memref<1x128x16xf32, #tpu.memory_space<vmem>>
      %dma_start3A_136 = tpu.memref_squeeze %dma_start3A_135 : memref<1x128x16xf32, #tpu.memory_space<vmem>> -> memref<128x16xf32, #tpu.memory_space<vmem>>
      %dma_start3A_137 = arith.constant 0 : i32
      %dma_start3A_138 = tpu.memref_slice %arg8[%dma_start3A_131, %dma_start3A_137] : memref<8x256xi32, #tpu.memory_space<vmem>> -> memref<1x128xi32, #tpu.memory_space<vmem>>
      %dma_start3A_139 = tpu.memref_squeeze %dma_start3A_138 : memref<1x128xi32, #tpu.memory_space<vmem>> -> memref<128xi32, #tpu.memory_space<vmem>>
      %dma_start3A_140 = arith.constant 0 : i32
      %dma_start3A_141 = arith.constant 0 : i32
      %dma_start3A_142 = tpu.memref_slice %arg2[%dma_start3A_140, %dma_start3A_141] : memref<3203072x16xf32, #tpu.memory_space<hbm>> -> memref<3203072x16xf32, #tpu.memory_space<hbm>>
      tpu.enqueue_indirect_dma source(%dma_start3A_142 : memref<3203072x16xf32, #tpu.memory_space<hbm>>) target(%dma_start3A_136 : memref<128x16xf32, #tpu.memory_space<vmem>>) offsets(%dma_start3A_139 : memref<128xi32, #tpu.memory_space<vmem>>) semaphore(%arg10 : memref<!tpu.dma_semaphore, #tpu.memory_space<semaphore_mem>>)
      %dma_start3A_143 = arith.constant 3 : i32
      %dma_start3A_144 = arith.constant 3 : i32
      %dma_start3A_145 = arith.constant 128 : i32
      %dma_start3A_146 = arith.constant 0 : i32
      %dma_start3A_147 = tpu.memref_slice %arg9[%dma_start3A_144, %dma_start3A_145, %dma_start3A_146] : memref<8x256x16xf32, #tpu.memory_space<vmem>> -> memref<1x128x16xf32, #tpu.memory_space<vmem>>
      %dma_start3A_148 = tpu.memref_squeeze %dma_start3A_147 : memref<1x128x16xf32, #tpu.memory_space<vmem>> -> memref<128x16xf32, #tpu.memory_space<vmem>>
      %dma_start3A_149 = arith.constant 128 : i32
      %dma_start3A_150 = tpu.memref_slice %arg8[%dma_start3A_143, %dma_start3A_149] : memref<8x256xi32, #tpu.memory_space<vmem>> -> memref<1x128xi32, #tpu.memory_space<vmem>>
      %dma_start3A_151 = tpu.memref_squeeze %dma_start3A_150 : memref<1x128xi32, #tpu.memory_space<vmem>> -> memref<128xi32, #tpu.memory_space<vmem>>
      %dma_start3A_152 = arith.constant 0 : i32
      %dma_start3A_153 = arith.constant 0 : i32
      %dma_start3A_154 = tpu.memref_slice %arg2[%dma_start3A_152, %dma_start3A_153] : memref<3203072x16xf32, #tpu.memory_space<hbm>> -> memref<3203072x16xf32, #tpu.memory_space<hbm>>
      tpu.enqueue_indirect_dma source(%dma_start3A_154 : memref<3203072x16xf32, #tpu.memory_space<hbm>>) target(%dma_start3A_148 : memref<128x16xf32, #tpu.memory_space<vmem>>) offsets(%dma_start3A_151 : memref<128xi32, #tpu.memory_space<vmem>>) semaphore(%arg10 : memref<!tpu.dma_semaphore, #tpu.memory_space<semaphore_mem>>)
      %dma_start3A_155 = arith.constant 4 : i32
      %dma_start3A_156 = arith.constant 4 : i32
      %dma_start3A_157 = arith.constant 0 : i32
      %dma_start3A_158 = arith.constant 0 : i32
      %dma_start3A_159 = tpu.memref_slice %arg9[%dma_start3A_156, %dma_start3A_157, %dma_start3A_158] : memref<8x256x16xf32, #tpu.memory_space<vmem>> -> memref<1x128x16xf32, #tpu.memory_space<vmem>>
      %dma_start3A_160 = tpu.memref_squeeze %dma_start3A_159 : memref<1x128x16xf32, #tpu.memory_space<vmem>> -> memref<128x16xf32, #tpu.memory_space<vmem>>
      %dma_start3A_161 = arith.constant 0 : i32
      %dma_start3A_162 = tpu.memref_slice %arg8[%dma_start3A_155, %dma_start3A_161] : memref<8x256xi32, #tpu.memory_space<vmem>> -> memref<1x128xi32, #tpu.memory_space<vmem>>
      %dma_start3A_163 = tpu.memref_squeeze %dma_start3A_162 : memref<1x128xi32, #tpu.memory_space<vmem>> -> memref<128xi32, #tpu.memory_space<vmem>>
      %dma_start3A_164 = arith.constant 0 : i32
      %dma_start3A_165 = arith.constant 0 : i32
      %dma_start3A_166 = tpu.memref_slice %arg2[%dma_start3A_164, %dma_start3A_165] : memref<3203072x16xf32, #tpu.memory_space<hbm>> -> memref<3203072x16xf32, #tpu.memory_space<hbm>>
      tpu.enqueue_indirect_dma source(%dma_start3A_166 : memref<3203072x16xf32, #tpu.memory_space<hbm>>) target(%dma_start3A_160 : memref<128x16xf32, #tpu.memory_space<vmem>>) offsets(%dma_start3A_163 : memref<128xi32, #tpu.memory_space<vmem>>) semaphore(%arg10 : memref<!tpu.dma_semaphore, #tpu.memory_space<semaphore_mem>>)
      %dma_start3A_167 = arith.constant 4 : i32
      %dma_start3A_168 = arith.constant 4 : i32
      %dma_start3A_169 = arith.constant 128 : i32
      %dma_start3A_170 = arith.constant 0 : i32
      %dma_start3A_171 = tpu.memref_slice %arg9[%dma_start3A_168, %dma_start3A_169, %dma_start3A_170] : memref<8x256x16xf32, #tpu.memory_space<vmem>> -> memref<1x128x16xf32, #tpu.memory_space<vmem>>
      %dma_start3A_172 = tpu.memref_squeeze %dma_start3A_171 : memref<1x128x16xf32, #tpu.memory_space<vmem>> -> memref<128x16xf32, #tpu.memory_space<vmem>>
      %dma_start3A_173 = arith.constant 128 : i32
      %dma_start3A_174 = tpu.memref_slice %arg8[%dma_start3A_167, %dma_start3A_173] : memref<8x256xi32, #tpu.memory_space<vmem>> -> memref<1x128xi32, #tpu.memory_space<vmem>>
      %dma_start3A_175 = tpu.memref_squeeze %dma_start3A_174 : memref<1x128xi32, #tpu.memory_space<vmem>> -> memref<128xi32, #tpu.memory_space<vmem>>
      %dma_start3A_176 = arith.constant 0 : i32
      %dma_start3A_177 = arith.constant 0 : i32
      %dma_start3A_178 = tpu.memref_slice %arg2[%dma_start3A_176, %dma_start3A_177] : memref<3203072x16xf32, #tpu.memory_space<hbm>> -> memref<3203072x16xf32, #tpu.memory_space<hbm>>
      tpu.enqueue_indirect_dma source(%dma_start3A_178 : memref<3203072x16xf32, #tpu.memory_space<hbm>>) target(%dma_start3A_172 : memref<128x16xf32, #tpu.memory_space<vmem>>) offsets(%dma_start3A_175 : memref<128xi32, #tpu.memory_space<vmem>>) semaphore(%arg10 : memref<!tpu.dma_semaphore, #tpu.memory_space<semaphore_mem>>)
      %dma_start3A_179 = arith.constant 5 : i32
      %dma_start3A_180 = arith.constant 5 : i32
      %dma_start3A_181 = arith.constant 0 : i32
      %dma_start3A_182 = arith.constant 0 : i32
      %dma_start3A_183 = tpu.memref_slice %arg9[%dma_start3A_180, %dma_start3A_181, %dma_start3A_182] : memref<8x256x16xf32, #tpu.memory_space<vmem>> -> memref<1x128x16xf32, #tpu.memory_space<vmem>>
      %dma_start3A_184 = tpu.memref_squeeze %dma_start3A_183 : memref<1x128x16xf32, #tpu.memory_space<vmem>> -> memref<128x16xf32, #tpu.memory_space<vmem>>
      %dma_start3A_185 = arith.constant 0 : i32
      %dma_start3A_186 = tpu.memref_slice %arg8[%dma_start3A_179, %dma_start3A_185] : memref<8x256xi32, #tpu.memory_space<vmem>> -> memref<1x128xi32, #tpu.memory_space<vmem>>
      %dma_start3A_187 = tpu.memref_squeeze %dma_start3A_186 : memref<1x128xi32, #tpu.memory_space<vmem>> -> memref<128xi32, #tpu.memory_space<vmem>>
      %dma_start3A_188 = arith.constant 0 : i32
      %dma_start3A_189 = arith.constant 0 : i32
      %dma_start3A_190 = tpu.memref_slice %arg2[%dma_start3A_188, %dma_start3A_189] : memref<3203072x16xf32, #tpu.memory_space<hbm>> -> memref<3203072x16xf32, #tpu.memory_space<hbm>>
      tpu.enqueue_indirect_dma source(%dma_start3A_190 : memref<3203072x16xf32, #tpu.memory_space<hbm>>) target(%dma_start3A_184 : memref<128x16xf32, #tpu.memory_space<vmem>>) offsets(%dma_start3A_187 : memref<128xi32, #tpu.memory_space<vmem>>) semaphore(%arg10 : memref<!tpu.dma_semaphore, #tpu.memory_space<semaphore_mem>>)
      %dma_start3A_191 = arith.constant 5 : i32
      %dma_start3A_192 = arith.constant 5 : i32
      %dma_start3A_193 = arith.constant 128 : i32
      %dma_start3A_194 = arith.constant 0 : i32
      %dma_start3A_195 = tpu.memref_slice %arg9[%dma_start3A_192, %dma_start3A_193, %dma_start3A_194] : memref<8x256x16xf32, #tpu.memory_space<vmem>> -> memref<1x128x16xf32, #tpu.memory_space<vmem>>
      %dma_start3A_196 = tpu.memref_squeeze %dma_start3A_195 : memref<1x128x16xf32, #tpu.memory_space<vmem>> -> memref<128x16xf32, #tpu.memory_space<vmem>>
      %dma_start3A_197 = arith.constant 128 : i32
      %dma_start3A_198 = tpu.memref_slice %arg8[%dma_start3A_191, %dma_start3A_197] : memref<8x256xi32, #tpu.memory_space<vmem>> -> memref<1x128xi32, #tpu.memory_space<vmem>>
      %dma_start3A_199 = tpu.memref_squeeze %dma_start3A_198 : memref<1x128xi32, #tpu.memory_space<vmem>> -> memref<128xi32, #tpu.memory_space<vmem>>
      %dma_start3A_200 = arith.constant 0 : i32
      %dma_start3A_201 = arith.constant 0 : i32
      %dma_start3A_202 = tpu.memref_slice %arg2[%dma_start3A_200, %dma_start3A_201] : memref<3203072x16xf32, #tpu.memory_space<hbm>> -> memref<3203072x16xf32, #tpu.memory_space<hbm>>
      tpu.enqueue_indirect_dma source(%dma_start3A_202 : memref<3203072x16xf32, #tpu.memory_space<hbm>>) target(%dma_start3A_196 : memref<128x16xf32, #tpu.memory_space<vmem>>) offsets(%dma_start3A_199 : memref<128xi32, #tpu.memory_space<vmem>>) semaphore(%arg10 : memref<!tpu.dma_semaphore, #tpu.memory_space<semaphore_mem>>)
      %dma_start3A_203 = arith.constant 6 : i32
      %dma_start3A_204 = arith.constant 6 : i32
      %dma_start3A_205 = arith.constant 0 : i32
      %dma_start3A_206 = arith.constant 0 : i32
      %dma_start3A_207 = tpu.memref_slice %arg9[%dma_start3A_204, %dma_start3A_205, %dma_start3A_206] : memref<8x256x16xf32, #tpu.memory_space<vmem>> -> memref<1x128x16xf32, #tpu.memory_space<vmem>>
      %dma_start3A_208 = tpu.memref_squeeze %dma_start3A_207 : memref<1x128x16xf32, #tpu.memory_space<vmem>> -> memref<128x16xf32, #tpu.memory_space<vmem>>
      %dma_start3A_209 = arith.constant 0 : i32
      %dma_start3A_210 = tpu.memref_slice %arg8[%dma_start3A_203, %dma_start3A_209] : memref<8x256xi32, #tpu.memory_space<vmem>> -> memref<1x128xi32, #tpu.memory_space<vmem>>
      %dma_start3A_211 = tpu.memref_squeeze %dma_start3A_210 : memref<1x128xi32, #tpu.memory_space<vmem>> -> memref<128xi32, #tpu.memory_space<vmem>>
      %dma_start3A_212 = arith.constant 0 : i32
      %dma_start3A_213 = arith.constant 0 : i32
      %dma_start3A_214 = tpu.memref_slice %arg2[%dma_start3A_212, %dma_start3A_213] : memref<3203072x16xf32, #tpu.memory_space<hbm>> -> memref<3203072x16xf32, #tpu.memory_space<hbm>>
      tpu.enqueue_indirect_dma source(%dma_start3A_214 : memref<3203072x16xf32, #tpu.memory_space<hbm>>) target(%dma_start3A_208 : memref<128x16xf32, #tpu.memory_space<vmem>>) offsets(%dma_start3A_211 : memref<128xi32, #tpu.memory_space<vmem>>) semaphore(%arg10 : memref<!tpu.dma_semaphore, #tpu.memory_space<semaphore_mem>>)
      %dma_start3A_215 = arith.constant 6 : i32
      %dma_start3A_216 = arith.constant 6 : i32
      %dma_start3A_217 = arith.constant 128 : i32
      %dma_start3A_218 = arith.constant 0 : i32
      %dma_start3A_219 = tpu.memref_slice %arg9[%dma_start3A_216, %dma_start3A_217, %dma_start3A_218] : memref<8x256x16xf32, #tpu.memory_space<vmem>> -> memref<1x128x16xf32, #tpu.memory_space<vmem>>
      %dma_start3A_220 = tpu.memref_squeeze %dma_start3A_219 : memref<1x128x16xf32, #tpu.memory_space<vmem>> -> memref<128x16xf32, #tpu.memory_space<vmem>>
      %dma_start3A_221 = arith.constant 128 : i32
      %dma_start3A_222 = tpu.memref_slice %arg8[%dma_start3A_215, %dma_start3A_221] : memref<8x256xi32, #tpu.memory_space<vmem>> -> memref<1x128xi32, #tpu.memory_space<vmem>>
      %dma_start3A_223 = tpu.memref_squeeze %dma_start3A_222 : memref<1x128xi32, #tpu.memory_space<vmem>> -> memref<128xi32, #tpu.memory_space<vmem>>
      %dma_start3A_224 = arith.constant 0 : i32
      %dma_start3A_225 = arith.constant 0 : i32
      %dma_start3A_226 = tpu.memref_slice %arg2[%dma_start3A_224, %dma_start3A_225] : memref<3203072x16xf32, #tpu.memory_space<hbm>> -> memref<3203072x16xf32, #tpu.memory_space<hbm>>
      tpu.enqueue_indirect_dma source(%dma_start3A_226 : memref<3203072x16xf32, #tpu.memory_space<hbm>>) target(%dma_start3A_220 : memref<128x16xf32, #tpu.memory_space<vmem>>) offsets(%dma_start3A_223 : memref<128xi32, #tpu.memory_space<vmem>>) semaphore(%arg10 : memref<!tpu.dma_semaphore, #tpu.memory_space<semaphore_mem>>)
      %dma_start3A_227 = arith.constant 7 : i32
      %dma_start3A_228 = arith.constant 7 : i32
      %dma_start3A_229 = arith.constant 0 : i32
      %dma_start3A_230 = arith.constant 0 : i32
      %dma_start3A_231 = tpu.memref_slice %arg9[%dma_start3A_228, %dma_start3A_229, %dma_start3A_230] : memref<8x256x16xf32, #tpu.memory_space<vmem>> -> memref<1x128x16xf32, #tpu.memory_space<vmem>>
      %dma_start3A_232 = tpu.memref_squeeze %dma_start3A_231 : memref<1x128x16xf32, #tpu.memory_space<vmem>> -> memref<128x16xf32, #tpu.memory_space<vmem>>
      %dma_start3A_233 = arith.constant 0 : i32
      %dma_start3A_234 = tpu.memref_slice %arg8[%dma_start3A_227, %dma_start3A_233] : memref<8x256xi32, #tpu.memory_space<vmem>> -> memref<1x128xi32, #tpu.memory_space<vmem>>
      %dma_start3A_235 = tpu.memref_squeeze %dma_start3A_234 : memref<1x128xi32, #tpu.memory_space<vmem>> -> memref<128xi32, #tpu.memory_space<vmem>>
      %dma_start3A_236 = arith.constant 0 : i32
      %dma_start3A_237 = arith.constant 0 : i32
      %dma_start3A_238 = tpu.memref_slice %arg2[%dma_start3A_236, %dma_start3A_237] : memref<3203072x16xf32, #tpu.memory_space<hbm>> -> memref<3203072x16xf32, #tpu.memory_space<hbm>>
      tpu.enqueue_indirect_dma source(%dma_start3A_238 : memref<3203072x16xf32, #tpu.memory_space<hbm>>) target(%dma_start3A_232 : memref<128x16xf32, #tpu.memory_space<vmem>>) offsets(%dma_start3A_235 : memref<128xi32, #tpu.memory_space<vmem>>) semaphore(%arg10 : memref<!tpu.dma_semaphore, #tpu.memory_space<semaphore_mem>>)
      %dma_start3A_239 = arith.constant 7 : i32
      %dma_start3A_240 = arith.constant 7 : i32
      %dma_start3A_241 = arith.constant 128 : i32
      %dma_start3A_242 = arith.constant 0 : i32
      %dma_start3A_243 = tpu.memref_slice %arg9[%dma_start3A_240, %dma_start3A_241, %dma_start3A_242] : memref<8x256x16xf32, #tpu.memory_space<vmem>> -> memref<1x128x16xf32, #tpu.memory_space<vmem>>
      %dma_start3A_244 = tpu.memref_squeeze %dma_start3A_243 : memref<1x128x16xf32, #tpu.memory_space<vmem>> -> memref<128x16xf32, #tpu.memory_space<vmem>>
      %dma_start3A_245 = arith.constant 128 : i32
      %dma_start3A_246 = tpu.memref_slice %arg8[%dma_start3A_239, %dma_start3A_245] : memref<8x256xi32, #tpu.memory_space<vmem>> -> memref<1x128xi32, #tpu.memory_space<vmem>>
      %dma_start3A_247 = tpu.memref_squeeze %dma_start3A_246 : memref<1x128xi32, #tpu.memory_space<vmem>> -> memref<128xi32, #tpu.memory_space<vmem>>
      %dma_start3A_248 = arith.constant 0 : i32
      %dma_start3A_249 = arith.constant 0 : i32
      %dma_start3A_250 = tpu.memref_slice %arg2[%dma_start3A_248, %dma_start3A_249] : memref<3203072x16xf32, #tpu.memory_space<hbm>> -> memref<3203072x16xf32, #tpu.memory_space<hbm>>
      tpu.enqueue_indirect_dma source(%dma_start3A_250 : memref<3203072x16xf32, #tpu.memory_space<hbm>>) target(%dma_start3A_244 : memref<128x16xf32, #tpu.memory_space<vmem>>) offsets(%dma_start3A_247 : memref<128xi32, #tpu.memory_space<vmem>>) semaphore(%arg10 : memref<!tpu.dma_semaphore, #tpu.memory_space<semaphore_mem>>)
      %dma_wait3A = arith.constant 0 : i32
      %dma_wait3A_251 = arith.constant 0 : i32
      %dma_wait3A_252 = arith.constant 0 : i32
      %dma_wait3A_253 = arith.constant 0 : i32
      %dma_wait3A_254 = tpu.memref_slice %arg9[%dma_wait3A_251, %dma_wait3A_252, %dma_wait3A_253] : memref<8x256x16xf32, #tpu.memory_space<vmem>> -> memref<1x128x16xf32, #tpu.memory_space<vmem>>
      %dma_wait3A_255 = tpu.memref_squeeze %dma_wait3A_254 : memref<1x128x16xf32, #tpu.memory_space<vmem>> -> memref<128x16xf32, #tpu.memory_space<vmem>>
      %dma_wait3A_256 = arith.constant 0 : i32
      %dma_wait3A_257 = tpu.memref_slice %arg8[%dma_wait3A, %dma_wait3A_256] : memref<8x256xi32, #tpu.memory_space<vmem>> -> memref<1x128xi32, #tpu.memory_space<vmem>>
      %dma_wait3A_258 = tpu.memref_squeeze %dma_wait3A_257 : memref<1x128xi32, #tpu.memory_space<vmem>> -> memref<128xi32, #tpu.memory_space<vmem>>
      %dma_wait3A_259 = arith.constant 0 : i32
      %dma_wait3A_260 = arith.constant 0 : i32
      %dma_wait3A_261 = tpu.memref_slice %arg2[%dma_wait3A_259, %dma_wait3A_260] : memref<3203072x16xf32, #tpu.memory_space<hbm>> -> memref<3203072x16xf32, #tpu.memory_space<hbm>>
      tpu.wait_indirect_dma semaphore(%arg10 : memref<!tpu.dma_semaphore, #tpu.memory_space<semaphore_mem>>) src(%dma_wait3A_261 : memref<3203072x16xf32, #tpu.memory_space<hbm>>) dst(%dma_wait3A_255 : memref<128x16xf32, #tpu.memory_space<vmem>>)
      %dma_wait3A_262 = arith.constant 0 : i32
      %dma_wait3A_263 = arith.constant 0 : i32
      %dma_wait3A_264 = arith.constant 128 : i32
      %dma_wait3A_265 = arith.constant 0 : i32
      %dma_wait3A_266 = tpu.memref_slice %arg9[%dma_wait3A_263, %dma_wait3A_264, %dma_wait3A_265] : memref<8x256x16xf32, #tpu.memory_space<vmem>> -> memref<1x128x16xf32, #tpu.memory_space<vmem>>
      %dma_wait3A_267 = tpu.memref_squeeze %dma_wait3A_266 : memref<1x128x16xf32, #tpu.memory_space<vmem>> -> memref<128x16xf32, #tpu.memory_space<vmem>>
      %dma_wait3A_268 = arith.constant 128 : i32
      %dma_wait3A_269 = tpu.memref_slice %arg8[%dma_wait3A_262, %dma_wait3A_268] : memref<8x256xi32, #tpu.memory_space<vmem>> -> memref<1x128xi32, #tpu.memory_space<vmem>>
      %dma_wait3A_270 = tpu.memref_squeeze %dma_wait3A_269 : memref<1x128xi32, #tpu.memory_space<vmem>> -> memref<128xi32, #tpu.memory_space<vmem>>
      %dma_wait3A_271 = arith.constant 0 : i32
      %dma_wait3A_272 = arith.constant 0 : i32
      %dma_wait3A_273 = tpu.memref_slice %arg2[%dma_wait3A_271, %dma_wait3A_272] : memref<3203072x16xf32, #tpu.memory_space<hbm>> -> memref<3203072x16xf32, #tpu.memory_space<hbm>>
      tpu.wait_indirect_dma semaphore(%arg10 : memref<!tpu.dma_semaphore, #tpu.memory_space<semaphore_mem>>) src(%dma_wait3A_273 : memref<3203072x16xf32, #tpu.memory_space<hbm>>) dst(%dma_wait3A_267 : memref<128x16xf32, #tpu.memory_space<vmem>>)
      %dma_wait3A_274 = arith.constant 1 : i32
      %dma_wait3A_275 = arith.constant 1 : i32
      %dma_wait3A_276 = arith.constant 0 : i32
      %dma_wait3A_277 = arith.constant 0 : i32
      %dma_wait3A_278 = tpu.memref_slice %arg9[%dma_wait3A_275, %dma_wait3A_276, %dma_wait3A_277] : memref<8x256x16xf32, #tpu.memory_space<vmem>> -> memref<1x128x16xf32, #tpu.memory_space<vmem>>
      %dma_wait3A_279 = tpu.memref_squeeze %dma_wait3A_278 : memref<1x128x16xf32, #tpu.memory_space<vmem>> -> memref<128x16xf32, #tpu.memory_space<vmem>>
      %dma_wait3A_280 = arith.constant 0 : i32
      %dma_wait3A_281 = tpu.memref_slice %arg8[%dma_wait3A_274, %dma_wait3A_280] : memref<8x256xi32, #tpu.memory_space<vmem>> -> memref<1x128xi32, #tpu.memory_space<vmem>>
      %dma_wait3A_282 = tpu.memref_squeeze %dma_wait3A_281 : memref<1x128xi32, #tpu.memory_space<vmem>> -> memref<128xi32, #tpu.memory_space<vmem>>
      %dma_wait3A_283 = arith.constant 0 : i32
      %dma_wait3A_284 = arith.constant 0 : i32
      %dma_wait3A_285 = tpu.memref_slice %arg2[%dma_wait3A_283, %dma_wait3A_284] : memref<3203072x16xf32, #tpu.memory_space<hbm>> -> memref<3203072x16xf32, #tpu.memory_space<hbm>>
      tpu.wait_indirect_dma semaphore(%arg10 : memref<!tpu.dma_semaphore, #tpu.memory_space<semaphore_mem>>) src(%dma_wait3A_285 : memref<3203072x16xf32, #tpu.memory_space<hbm>>) dst(%dma_wait3A_279 : memref<128x16xf32, #tpu.memory_space<vmem>>)
      %dma_wait3A_286 = arith.constant 1 : i32
      %dma_wait3A_287 = arith.constant 1 : i32
      %dma_wait3A_288 = arith.constant 128 : i32
      %dma_wait3A_289 = arith.constant 0 : i32
      %dma_wait3A_290 = tpu.memref_slice %arg9[%dma_wait3A_287, %dma_wait3A_288, %dma_wait3A_289] : memref<8x256x16xf32, #tpu.memory_space<vmem>> -> memref<1x128x16xf32, #tpu.memory_space<vmem>>
      %dma_wait3A_291 = tpu.memref_squeeze %dma_wait3A_290 : memref<1x128x16xf32, #tpu.memory_space<vmem>> -> memref<128x16xf32, #tpu.memory_space<vmem>>
      %dma_wait3A_292 = arith.constant 128 : i32
      %dma_wait3A_293 = tpu.memref_slice %arg8[%dma_wait3A_286, %dma_wait3A_292] : memref<8x256xi32, #tpu.memory_space<vmem>> -> memref<1x128xi32, #tpu.memory_space<vmem>>
      %dma_wait3A_294 = tpu.memref_squeeze %dma_wait3A_293 : memref<1x128xi32, #tpu.memory_space<vmem>> -> memref<128xi32, #tpu.memory_space<vmem>>
      %dma_wait3A_295 = arith.constant 0 : i32
      %dma_wait3A_296 = arith.constant 0 : i32
      %dma_wait3A_297 = tpu.memref_slice %arg2[%dma_wait3A_295, %dma_wait3A_296] : memref<3203072x16xf32, #tpu.memory_space<hbm>> -> memref<3203072x16xf32, #tpu.memory_space<hbm>>
      tpu.wait_indirect_dma semaphore(%arg10 : memref<!tpu.dma_semaphore, #tpu.memory_space<semaphore_mem>>) src(%dma_wait3A_297 : memref<3203072x16xf32, #tpu.memory_space<hbm>>) dst(%dma_wait3A_291 : memref<128x16xf32, #tpu.memory_space<vmem>>)
      %dma_wait3A_298 = arith.constant 2 : i32
      %dma_wait3A_299 = arith.constant 2 : i32
      %dma_wait3A_300 = arith.constant 0 : i32
      %dma_wait3A_301 = arith.constant 0 : i32
      %dma_wait3A_302 = tpu.memref_slice %arg9[%dma_wait3A_299, %dma_wait3A_300, %dma_wait3A_301] : memref<8x256x16xf32, #tpu.memory_space<vmem>> -> memref<1x128x16xf32, #tpu.memory_space<vmem>>
      %dma_wait3A_303 = tpu.memref_squeeze %dma_wait3A_302 : memref<1x128x16xf32, #tpu.memory_space<vmem>> -> memref<128x16xf32, #tpu.memory_space<vmem>>
      %dma_wait3A_304 = arith.constant 0 : i32
      %dma_wait3A_305 = tpu.memref_slice %arg8[%dma_wait3A_298, %dma_wait3A_304] : memref<8x256xi32, #tpu.memory_space<vmem>> -> memref<1x128xi32, #tpu.memory_space<vmem>>
      %dma_wait3A_306 = tpu.memref_squeeze %dma_wait3A_305 : memref<1x128xi32, #tpu.memory_space<vmem>> -> memref<128xi32, #tpu.memory_space<vmem>>
      %dma_wait3A_307 = arith.constant 0 : i32
      %dma_wait3A_308 = arith.constant 0 : i32
      %dma_wait3A_309 = tpu.memref_slice %arg2[%dma_wait3A_307, %dma_wait3A_308] : memref<3203072x16xf32, #tpu.memory_space<hbm>> -> memref<3203072x16xf32, #tpu.memory_space<hbm>>
      tpu.wait_indirect_dma semaphore(%arg10 : memref<!tpu.dma_semaphore, #tpu.memory_space<semaphore_mem>>) src(%dma_wait3A_309 : memref<3203072x16xf32, #tpu.memory_space<hbm>>) dst(%dma_wait3A_303 : memref<128x16xf32, #tpu.memory_space<vmem>>)
      %dma_wait3A_310 = arith.constant 2 : i32
      %dma_wait3A_311 = arith.constant 2 : i32
      %dma_wait3A_312 = arith.constant 128 : i32
      %dma_wait3A_313 = arith.constant 0 : i32
      %dma_wait3A_314 = tpu.memref_slice %arg9[%dma_wait3A_311, %dma_wait3A_312, %dma_wait3A_313] : memref<8x256x16xf32, #tpu.memory_space<vmem>> -> memref<1x128x16xf32, #tpu.memory_space<vmem>>
      %dma_wait3A_315 = tpu.memref_squeeze %dma_wait3A_314 : memref<1x128x16xf32, #tpu.memory_space<vmem>> -> memref<128x16xf32, #tpu.memory_space<vmem>>
      %dma_wait3A_316 = arith.constant 128 : i32
      %dma_wait3A_317 = tpu.memref_slice %arg8[%dma_wait3A_310, %dma_wait3A_316] : memref<8x256xi32, #tpu.memory_space<vmem>> -> memref<1x128xi32, #tpu.memory_space<vmem>>
      %dma_wait3A_318 = tpu.memref_squeeze %dma_wait3A_317 : memref<1x128xi32, #tpu.memory_space<vmem>> -> memref<128xi32, #tpu.memory_space<vmem>>
      %dma_wait3A_319 = arith.constant 0 : i32
      %dma_wait3A_320 = arith.constant 0 : i32
      %dma_wait3A_321 = tpu.memref_slice %arg2[%dma_wait3A_319, %dma_wait3A_320] : memref<3203072x16xf32, #tpu.memory_space<hbm>> -> memref<3203072x16xf32, #tpu.memory_space<hbm>>
      tpu.wait_indirect_dma semaphore(%arg10 : memref<!tpu.dma_semaphore, #tpu.memory_space<semaphore_mem>>) src(%dma_wait3A_321 : memref<3203072x16xf32, #tpu.memory_space<hbm>>) dst(%dma_wait3A_315 : memref<128x16xf32, #tpu.memory_space<vmem>>)
      %dma_wait3A_322 = arith.constant 3 : i32
      %dma_wait3A_323 = arith.constant 3 : i32
      %dma_wait3A_324 = arith.constant 0 : i32
      %dma_wait3A_325 = arith.constant 0 : i32
      %dma_wait3A_326 = tpu.memref_slice %arg9[%dma_wait3A_323, %dma_wait3A_324, %dma_wait3A_325] : memref<8x256x16xf32, #tpu.memory_space<vmem>> -> memref<1x128x16xf32, #tpu.memory_space<vmem>>
      %dma_wait3A_327 = tpu.memref_squeeze %dma_wait3A_326 : memref<1x128x16xf32, #tpu.memory_space<vmem>> -> memref<128x16xf32, #tpu.memory_space<vmem>>
      %dma_wait3A_328 = arith.constant 0 : i32
      %dma_wait3A_329 = tpu.memref_slice %arg8[%dma_wait3A_322, %dma_wait3A_328] : memref<8x256xi32, #tpu.memory_space<vmem>> -> memref<1x128xi32, #tpu.memory_space<vmem>>
      %dma_wait3A_330 = tpu.memref_squeeze %dma_wait3A_329 : memref<1x128xi32, #tpu.memory_space<vmem>> -> memref<128xi32, #tpu.memory_space<vmem>>
      %dma_wait3A_331 = arith.constant 0 : i32
      %dma_wait3A_332 = arith.constant 0 : i32
      %dma_wait3A_333 = tpu.memref_slice %arg2[%dma_wait3A_331, %dma_wait3A_332] : memref<3203072x16xf32, #tpu.memory_space<hbm>> -> memref<3203072x16xf32, #tpu.memory_space<hbm>>
      tpu.wait_indirect_dma semaphore(%arg10 : memref<!tpu.dma_semaphore, #tpu.memory_space<semaphore_mem>>) src(%dma_wait3A_333 : memref<3203072x16xf32, #tpu.memory_space<hbm>>) dst(%dma_wait3A_327 : memref<128x16xf32, #tpu.memory_space<vmem>>)
      %dma_wait3A_334 = arith.constant 3 : i32
      %dma_wait3A_335 = arith.constant 3 : i32
      %dma_wait3A_336 = arith.constant 128 : i32
      %dma_wait3A_337 = arith.constant 0 : i32
      %dma_wait3A_338 = tpu.memref_slice %arg9[%dma_wait3A_335, %dma_wait3A_336, %dma_wait3A_337] : memref<8x256x16xf32, #tpu.memory_space<vmem>> -> memref<1x128x16xf32, #tpu.memory_space<vmem>>
      %dma_wait3A_339 = tpu.memref_squeeze %dma_wait3A_338 : memref<1x128x16xf32, #tpu.memory_space<vmem>> -> memref<128x16xf32, #tpu.memory_space<vmem>>
      %dma_wait3A_340 = arith.constant 128 : i32
      %dma_wait3A_341 = tpu.memref_slice %arg8[%dma_wait3A_334, %dma_wait3A_340] : memref<8x256xi32, #tpu.memory_space<vmem>> -> memref<1x128xi32, #tpu.memory_space<vmem>>
      %dma_wait3A_342 = tpu.memref_squeeze %dma_wait3A_341 : memref<1x128xi32, #tpu.memory_space<vmem>> -> memref<128xi32, #tpu.memory_space<vmem>>
      %dma_wait3A_343 = arith.constant 0 : i32
      %dma_wait3A_344 = arith.constant 0 : i32
      %dma_wait3A_345 = tpu.memref_slice %arg2[%dma_wait3A_343, %dma_wait3A_344] : memref<3203072x16xf32, #tpu.memory_space<hbm>> -> memref<3203072x16xf32, #tpu.memory_space<hbm>>
      tpu.wait_indirect_dma semaphore(%arg10 : memref<!tpu.dma_semaphore, #tpu.memory_space<semaphore_mem>>) src(%dma_wait3A_345 : memref<3203072x16xf32, #tpu.memory_space<hbm>>) dst(%dma_wait3A_339 : memref<128x16xf32, #tpu.memory_space<vmem>>)
      %dma_wait3A_346 = arith.constant 4 : i32
      %dma_wait3A_347 = arith.constant 4 : i32
      %dma_wait3A_348 = arith.constant 0 : i32
      %dma_wait3A_349 = arith.constant 0 : i32
      %dma_wait3A_350 = tpu.memref_slice %arg9[%dma_wait3A_347, %dma_wait3A_348, %dma_wait3A_349] : memref<8x256x16xf32, #tpu.memory_space<vmem>> -> memref<1x128x16xf32, #tpu.memory_space<vmem>>
      %dma_wait3A_351 = tpu.memref_squeeze %dma_wait3A_350 : memref<1x128x16xf32, #tpu.memory_space<vmem>> -> memref<128x16xf32, #tpu.memory_space<vmem>>
      %dma_wait3A_352 = arith.constant 0 : i32
      %dma_wait3A_353 = tpu.memref_slice %arg8[%dma_wait3A_346, %dma_wait3A_352] : memref<8x256xi32, #tpu.memory_space<vmem>> -> memref<1x128xi32, #tpu.memory_space<vmem>>
      %dma_wait3A_354 = tpu.memref_squeeze %dma_wait3A_353 : memref<1x128xi32, #tpu.memory_space<vmem>> -> memref<128xi32, #tpu.memory_space<vmem>>
      %dma_wait3A_355 = arith.constant 0 : i32
      %dma_wait3A_356 = arith.constant 0 : i32
      %dma_wait3A_357 = tpu.memref_slice %arg2[%dma_wait3A_355, %dma_wait3A_356] : memref<3203072x16xf32, #tpu.memory_space<hbm>> -> memref<3203072x16xf32, #tpu.memory_space<hbm>>
      tpu.wait_indirect_dma semaphore(%arg10 : memref<!tpu.dma_semaphore, #tpu.memory_space<semaphore_mem>>) src(%dma_wait3A_357 : memref<3203072x16xf32, #tpu.memory_space<hbm>>) dst(%dma_wait3A_351 : memref<128x16xf32, #tpu.memory_space<vmem>>)
      %dma_wait3A_358 = arith.constant 4 : i32
      %dma_wait3A_359 = arith.constant 4 : i32
      %dma_wait3A_360 = arith.constant 128 : i32
      %dma_wait3A_361 = arith.constant 0 : i32
      %dma_wait3A_362 = tpu.memref_slice %arg9[%dma_wait3A_359, %dma_wait3A_360, %dma_wait3A_361] : memref<8x256x16xf32, #tpu.memory_space<vmem>> -> memref<1x128x16xf32, #tpu.memory_space<vmem>>
      %dma_wait3A_363 = tpu.memref_squeeze %dma_wait3A_362 : memref<1x128x16xf32, #tpu.memory_space<vmem>> -> memref<128x16xf32, #tpu.memory_space<vmem>>
      %dma_wait3A_364 = arith.constant 128 : i32
      %dma_wait3A_365 = tpu.memref_slice %arg8[%dma_wait3A_358, %dma_wait3A_364] : memref<8x256xi32, #tpu.memory_space<vmem>> -> memref<1x128xi32, #tpu.memory_space<vmem>>
      %dma_wait3A_366 = tpu.memref_squeeze %dma_wait3A_365 : memref<1x128xi32, #tpu.memory_space<vmem>> -> memref<128xi32, #tpu.memory_space<vmem>>
      %dma_wait3A_367 = arith.constant 0 : i32
      %dma_wait3A_368 = arith.constant 0 : i32
      %dma_wait3A_369 = tpu.memref_slice %arg2[%dma_wait3A_367, %dma_wait3A_368] : memref<3203072x16xf32, #tpu.memory_space<hbm>> -> memref<3203072x16xf32, #tpu.memory_space<hbm>>
      tpu.wait_indirect_dma semaphore(%arg10 : memref<!tpu.dma_semaphore, #tpu.memory_space<semaphore_mem>>) src(%dma_wait3A_369 : memref<3203072x16xf32, #tpu.memory_space<hbm>>) dst(%dma_wait3A_363 : memref<128x16xf32, #tpu.memory_space<vmem>>)
      %dma_wait3A_370 = arith.constant 5 : i32
      %dma_wait3A_371 = arith.constant 5 : i32
      %dma_wait3A_372 = arith.constant 0 : i32
      %dma_wait3A_373 = arith.constant 0 : i32
      %dma_wait3A_374 = tpu.memref_slice %arg9[%dma_wait3A_371, %dma_wait3A_372, %dma_wait3A_373] : memref<8x256x16xf32, #tpu.memory_space<vmem>> -> memref<1x128x16xf32, #tpu.memory_space<vmem>>
      %dma_wait3A_375 = tpu.memref_squeeze %dma_wait3A_374 : memref<1x128x16xf32, #tpu.memory_space<vmem>> -> memref<128x16xf32, #tpu.memory_space<vmem>>
      %dma_wait3A_376 = arith.constant 0 : i32
      %dma_wait3A_377 = tpu.memref_slice %arg8[%dma_wait3A_370, %dma_wait3A_376] : memref<8x256xi32, #tpu.memory_space<vmem>> -> memref<1x128xi32, #tpu.memory_space<vmem>>
      %dma_wait3A_378 = tpu.memref_squeeze %dma_wait3A_377 : memref<1x128xi32, #tpu.memory_space<vmem>> -> memref<128xi32, #tpu.memory_space<vmem>>
      %dma_wait3A_379 = arith.constant 0 : i32
      %dma_wait3A_380 = arith.constant 0 : i32
      %dma_wait3A_381 = tpu.memref_slice %arg2[%dma_wait3A_379, %dma_wait3A_380] : memref<3203072x16xf32, #tpu.memory_space<hbm>> -> memref<3203072x16xf32, #tpu.memory_space<hbm>>
      tpu.wait_indirect_dma semaphore(%arg10 : memref<!tpu.dma_semaphore, #tpu.memory_space<semaphore_mem>>) src(%dma_wait3A_381 : memref<3203072x16xf32, #tpu.memory_space<hbm>>) dst(%dma_wait3A_375 : memref<128x16xf32, #tpu.memory_space<vmem>>)
      %dma_wait3A_382 = arith.constant 5 : i32
      %dma_wait3A_383 = arith.constant 5 : i32
      %dma_wait3A_384 = arith.constant 128 : i32
      %dma_wait3A_385 = arith.constant 0 : i32
      %dma_wait3A_386 = tpu.memref_slice %arg9[%dma_wait3A_383, %dma_wait3A_384, %dma_wait3A_385] : memref<8x256x16xf32, #tpu.memory_space<vmem>> -> memref<1x128x16xf32, #tpu.memory_space<vmem>>
      %dma_wait3A_387 = tpu.memref_squeeze %dma_wait3A_386 : memref<1x128x16xf32, #tpu.memory_space<vmem>> -> memref<128x16xf32, #tpu.memory_space<vmem>>
      %dma_wait3A_388 = arith.constant 128 : i32
      %dma_wait3A_389 = tpu.memref_slice %arg8[%dma_wait3A_382, %dma_wait3A_388] : memref<8x256xi32, #tpu.memory_space<vmem>> -> memref<1x128xi32, #tpu.memory_space<vmem>>
      %dma_wait3A_390 = tpu.memref_squeeze %dma_wait3A_389 : memref<1x128xi32, #tpu.memory_space<vmem>> -> memref<128xi32, #tpu.memory_space<vmem>>
      %dma_wait3A_391 = arith.constant 0 : i32
      %dma_wait3A_392 = arith.constant 0 : i32
      %dma_wait3A_393 = tpu.memref_slice %arg2[%dma_wait3A_391, %dma_wait3A_392] : memref<3203072x16xf32, #tpu.memory_space<hbm>> -> memref<3203072x16xf32, #tpu.memory_space<hbm>>
      tpu.wait_indirect_dma semaphore(%arg10 : memref<!tpu.dma_semaphore, #tpu.memory_space<semaphore_mem>>) src(%dma_wait3A_393 : memref<3203072x16xf32, #tpu.memory_space<hbm>>) dst(%dma_wait3A_387 : memref<128x16xf32, #tpu.memory_space<vmem>>)
      %dma_wait3A_394 = arith.constant 6 : i32
      %dma_wait3A_395 = arith.constant 6 : i32
      %dma_wait3A_396 = arith.constant 0 : i32
      %dma_wait3A_397 = arith.constant 0 : i32
      %dma_wait3A_398 = tpu.memref_slice %arg9[%dma_wait3A_395, %dma_wait3A_396, %dma_wait3A_397] : memref<8x256x16xf32, #tpu.memory_space<vmem>> -> memref<1x128x16xf32, #tpu.memory_space<vmem>>
      %dma_wait3A_399 = tpu.memref_squeeze %dma_wait3A_398 : memref<1x128x16xf32, #tpu.memory_space<vmem>> -> memref<128x16xf32, #tpu.memory_space<vmem>>
      %dma_wait3A_400 = arith.constant 0 : i32
      %dma_wait3A_401 = tpu.memref_slice %arg8[%dma_wait3A_394, %dma_wait3A_400] : memref<8x256xi32, #tpu.memory_space<vmem>> -> memref<1x128xi32, #tpu.memory_space<vmem>>
      %dma_wait3A_402 = tpu.memref_squeeze %dma_wait3A_401 : memref<1x128xi32, #tpu.memory_space<vmem>> -> memref<128xi32, #tpu.memory_space<vmem>>
      %dma_wait3A_403 = arith.constant 0 : i32
      %dma_wait3A_404 = arith.constant 0 : i32
      %dma_wait3A_405 = tpu.memref_slice %arg2[%dma_wait3A_403, %dma_wait3A_404] : memref<3203072x16xf32, #tpu.memory_space<hbm>> -> memref<3203072x16xf32, #tpu.memory_space<hbm>>
      tpu.wait_indirect_dma semaphore(%arg10 : memref<!tpu.dma_semaphore, #tpu.memory_space<semaphore_mem>>) src(%dma_wait3A_405 : memref<3203072x16xf32, #tpu.memory_space<hbm>>) dst(%dma_wait3A_399 : memref<128x16xf32, #tpu.memory_space<vmem>>)
      %dma_wait3A_406 = arith.constant 6 : i32
      %dma_wait3A_407 = arith.constant 6 : i32
      %dma_wait3A_408 = arith.constant 128 : i32
      %dma_wait3A_409 = arith.constant 0 : i32
      %dma_wait3A_410 = tpu.memref_slice %arg9[%dma_wait3A_407, %dma_wait3A_408, %dma_wait3A_409] : memref<8x256x16xf32, #tpu.memory_space<vmem>> -> memref<1x128x16xf32, #tpu.memory_space<vmem>>
      %dma_wait3A_411 = tpu.memref_squeeze %dma_wait3A_410 : memref<1x128x16xf32, #tpu.memory_space<vmem>> -> memref<128x16xf32, #tpu.memory_space<vmem>>
      %dma_wait3A_412 = arith.constant 128 : i32
      %dma_wait3A_413 = tpu.memref_slice %arg8[%dma_wait3A_406, %dma_wait3A_412] : memref<8x256xi32, #tpu.memory_space<vmem>> -> memref<1x128xi32, #tpu.memory_space<vmem>>
      %dma_wait3A_414 = tpu.memref_squeeze %dma_wait3A_413 : memref<1x128xi32, #tpu.memory_space<vmem>> -> memref<128xi32, #tpu.memory_space<vmem>>
      %dma_wait3A_415 = arith.constant 0 : i32
      %dma_wait3A_416 = arith.constant 0 : i32
      %dma_wait3A_417 = tpu.memref_slice %arg2[%dma_wait3A_415, %dma_wait3A_416] : memref<3203072x16xf32, #tpu.memory_space<hbm>> -> memref<3203072x16xf32, #tpu.memory_space<hbm>>
      tpu.wait_indirect_dma semaphore(%arg10 : memref<!tpu.dma_semaphore, #tpu.memory_space<semaphore_mem>>) src(%dma_wait3A_417 : memref<3203072x16xf32, #tpu.memory_space<hbm>>) dst(%dma_wait3A_411 : memref<128x16xf32, #tpu.memory_space<vmem>>)
      %dma_wait3A_418 = arith.constant 7 : i32
      %dma_wait3A_419 = arith.constant 7 : i32
      %dma_wait3A_420 = arith.constant 0 : i32
      %dma_wait3A_421 = arith.constant 0 : i32
      %dma_wait3A_422 = tpu.memref_slice %arg9[%dma_wait3A_419, %dma_wait3A_420, %dma_wait3A_421] : memref<8x256x16xf32, #tpu.memory_space<vmem>> -> memref<1x128x16xf32, #tpu.memory_space<vmem>>
      %dma_wait3A_423 = tpu.memref_squeeze %dma_wait3A_422 : memref<1x128x16xf32, #tpu.memory_space<vmem>> -> memref<128x16xf32, #tpu.memory_space<vmem>>
      %dma_wait3A_424 = arith.constant 0 : i32
      %dma_wait3A_425 = tpu.memref_slice %arg8[%dma_wait3A_418, %dma_wait3A_424] : memref<8x256xi32, #tpu.memory_space<vmem>> -> memref<1x128xi32, #tpu.memory_space<vmem>>
      %dma_wait3A_426 = tpu.memref_squeeze %dma_wait3A_425 : memref<1x128xi32, #tpu.memory_space<vmem>> -> memref<128xi32, #tpu.memory_space<vmem>>
      %dma_wait3A_427 = arith.constant 0 : i32
      %dma_wait3A_428 = arith.constant 0 : i32
      %dma_wait3A_429 = tpu.memref_slice %arg2[%dma_wait3A_427, %dma_wait3A_428] : memref<3203072x16xf32, #tpu.memory_space<hbm>> -> memref<3203072x16xf32, #tpu.memory_space<hbm>>
      tpu.wait_indirect_dma semaphore(%arg10 : memref<!tpu.dma_semaphore, #tpu.memory_space<semaphore_mem>>) src(%dma_wait3A_429 : memref<3203072x16xf32, #tpu.memory_space<hbm>>) dst(%dma_wait3A_423 : memref<128x16xf32, #tpu.memory_space<vmem>>)
      %dma_wait3A_430 = arith.constant 7 : i32
      %dma_wait3A_431 = arith.constant 7 : i32
      %dma_wait3A_432 = arith.constant 128 : i32
      %dma_wait3A_433 = arith.constant 0 : i32
      %dma_wait3A_434 = tpu.memref_slice %arg9[%dma_wait3A_431, %dma_wait3A_432, %dma_wait3A_433] : memref<8x256x16xf32, #tpu.memory_space<vmem>> -> memref<1x128x16xf32, #tpu.memory_space<vmem>>
      %dma_wait3A_435 = tpu.memref_squeeze %dma_wait3A_434 : memref<1x128x16xf32, #tpu.memory_space<vmem>> -> memref<128x16xf32, #tpu.memory_space<vmem>>
      %dma_wait3A_436 = arith.constant 128 : i32
      %dma_wait3A_437 = tpu.memref_slice %arg8[%dma_wait3A_430, %dma_wait3A_436] : memref<8x256xi32, #tpu.memory_space<vmem>> -> memref<1x128xi32, #tpu.memory_space<vmem>>
      %dma_wait3A_438 = tpu.memref_squeeze %dma_wait3A_437 : memref<1x128xi32, #tpu.memory_space<vmem>> -> memref<128xi32, #tpu.memory_space<vmem>>
      %dma_wait3A_439 = arith.constant 0 : i32
      %dma_wait3A_440 = arith.constant 0 : i32
      %dma_wait3A_441 = tpu.memref_slice %arg2[%dma_wait3A_439, %dma_wait3A_440] : memref<3203072x16xf32, #tpu.memory_space<hbm>> -> memref<3203072x16xf32, #tpu.memory_space<hbm>>
      tpu.wait_indirect_dma semaphore(%arg10 : memref<!tpu.dma_semaphore, #tpu.memory_space<semaphore_mem>>) src(%dma_wait3A_441 : memref<3203072x16xf32, #tpu.memory_space<hbm>>) dst(%dma_wait3A_435 : memref<128x16xf32, #tpu.memory_space<vmem>>)
      %run_scoped3A = arith.constant 0 : i32
      "tpu.region"() ({
        %run_scoped3A_449 = tpu.sem_alloc : memref<!tpu.dma_semaphore, #tpu.memory_space<semaphore_mem>>
        %dma_start3A_450 = arith.constant 0 : i32
        %dma_start3A_451 = arith.constant 0 : i32
        %dma_start3A_452 = tpu.memref_slice %arg9[%run_scoped3A, %dma_start3A_450, %dma_start3A_451] : memref<8x256x16xf32, #tpu.memory_space<vmem>> -> memref<1x256x16xf32, #tpu.memory_space<vmem>>
        %dma_start3A_453 = tpu.memref_squeeze %dma_start3A_452 : memref<1x256x16xf32, #tpu.memory_space<vmem>> -> memref<256x16xf32, #tpu.memory_space<vmem>>
        %dma_start3A_454 = arith.constant 0 : i32
        %dma_start3A_455 = tpu.memref_slice %arg5[%add3A_29, %dma_start3A_454] : memref<81920x128xf32, #tpu.memory_space<hbm>> -> memref<256x16xf32, #tpu.memory_space<hbm>>
        %dma_start3A_456 = arith.constant 0 : i32
        %dma_start3A_457 = tpu.memref_slice %arg5[%add3A_29, %dma_start3A_456] : memref<81920x128xf32, #tpu.memory_space<hbm>> -> memref<256x16xf32, #tpu.memory_space<hbm>>
        %dma_start3A_458 = arith.constant 0 : i32
        %dma_start3A_459 = arith.constant 0 : i32
        %dma_start3A_460 = tpu.memref_slice %arg9[%run_scoped3A, %dma_start3A_458, %dma_start3A_459] : memref<8x256x16xf32, #tpu.memory_space<vmem>> -> memref<1x256x16xf32, #tpu.memory_space<vmem>>
        %dma_start3A_461 = tpu.memref_squeeze %dma_start3A_460 : memref<1x256x16xf32, #tpu.memory_space<vmem>> -> memref<256x16xf32, #tpu.memory_space<vmem>>
        tpu.enqueue_dma source(%dma_start3A_461 : memref<256x16xf32, #tpu.memory_space<vmem>>) target(%dma_start3A_457 : memref<256x16xf32, #tpu.memory_space<hbm>>) target_semaphore(%run_scoped3A_449 : memref<!tpu.dma_semaphore, #tpu.memory_space<semaphore_mem>>)
        %dma_wait3A_462 = arith.constant 0 : i32
        %dma_wait3A_463 = arith.constant 0 : i32
        %dma_wait3A_464 = tpu.memref_slice %arg9[%run_scoped3A, %dma_wait3A_462, %dma_wait3A_463] : memref<8x256x16xf32, #tpu.memory_space<vmem>> -> memref<1x256x16xf32, #tpu.memory_space<vmem>>
        %dma_wait3A_465 = tpu.memref_squeeze %dma_wait3A_464 : memref<1x256x16xf32, #tpu.memory_space<vmem>> -> memref<256x16xf32, #tpu.memory_space<vmem>>
        %dma_wait3A_466 = arith.constant 0 : i32
        %dma_wait3A_467 = tpu.memref_slice %arg5[%add3A_29, %dma_wait3A_466] : memref<81920x128xf32, #tpu.memory_space<hbm>> -> memref<256x16xf32, #tpu.memory_space<hbm>>
        %dma_wait3A_468 = arith.constant 0 : i32
        %dma_wait3A_469 = tpu.memref_slice %arg5[%add3A_29, %dma_wait3A_468] : memref<81920x128xf32, #tpu.memory_space<hbm>> -> memref<256x16xf32, #tpu.memory_space<hbm>>
        %dma_wait3A_470 = arith.constant 0 : i32
        %dma_wait3A_471 = arith.constant 0 : i32
        %dma_wait3A_472 = tpu.memref_slice %arg9[%run_scoped3A, %dma_wait3A_470, %dma_wait3A_471] : memref<8x256x16xf32, #tpu.memory_space<vmem>> -> memref<1x256x16xf32, #tpu.memory_space<vmem>>
        %dma_wait3A_473 = tpu.memref_squeeze %dma_wait3A_472 : memref<1x256x16xf32, #tpu.memory_space<vmem>> -> memref<256x16xf32, #tpu.memory_space<vmem>>
        tpu.wait_dma2 semaphore(%run_scoped3A_449 : memref<!tpu.dma_semaphore, #tpu.memory_space<semaphore_mem>>) src(%dma_wait3A_473 : memref<256x16xf32, #tpu.memory_space<vmem>>) dst(%dma_wait3A_469 : memref<256x16xf32, #tpu.memory_space<hbm>>)
        tpu.yield
      }) : () -> ()
      %run_scoped3A_442 = arith.constant 1 : i32
      "tpu.region"() ({
        %run_scoped3A_449 = tpu.sem_alloc : memref<!tpu.dma_semaphore, #tpu.memory_space<semaphore_mem>>
        %dma_start3A_450 = arith.constant 0 : i32
        %dma_start3A_451 = arith.constant 0 : i32
        %dma_start3A_452 = tpu.memref_slice %arg9[%run_scoped3A_442, %dma_start3A_450, %dma_start3A_451] : memref<8x256x16xf32, #tpu.memory_space<vmem>> -> memref<1x256x16xf32, #tpu.memory_space<vmem>>
        %dma_start3A_453 = tpu.memref_squeeze %dma_start3A_452 : memref<1x256x16xf32, #tpu.memory_space<vmem>> -> memref<256x16xf32, #tpu.memory_space<vmem>>
        %dma_start3A_454 = arith.constant 16 : i32
        %dma_start3A_455 = tpu.memref_slice %arg5[%add3A_29, %dma_start3A_454] : memref<81920x128xf32, #tpu.memory_space<hbm>> -> memref<256x16xf32, #tpu.memory_space<hbm>>
        %dma_start3A_456 = arith.constant 16 : i32
        %dma_start3A_457 = tpu.memref_slice %arg5[%add3A_29, %dma_start3A_456] : memref<81920x128xf32, #tpu.memory_space<hbm>> -> memref<256x16xf32, #tpu.memory_space<hbm>>
        %dma_start3A_458 = arith.constant 0 : i32
        %dma_start3A_459 = arith.constant 0 : i32
        %dma_start3A_460 = tpu.memref_slice %arg9[%run_scoped3A_442, %dma_start3A_458, %dma_start3A_459] : memref<8x256x16xf32, #tpu.memory_space<vmem>> -> memref<1x256x16xf32, #tpu.memory_space<vmem>>
        %dma_start3A_461 = tpu.memref_squeeze %dma_start3A_460 : memref<1x256x16xf32, #tpu.memory_space<vmem>> -> memref<256x16xf32, #tpu.memory_space<vmem>>
        tpu.enqueue_dma source(%dma_start3A_461 : memref<256x16xf32, #tpu.memory_space<vmem>>) target(%dma_start3A_457 : memref<256x16xf32, #tpu.memory_space<hbm>>) target_semaphore(%run_scoped3A_449 : memref<!tpu.dma_semaphore, #tpu.memory_space<semaphore_mem>>)
        %dma_wait3A_462 = arith.constant 0 : i32
        %dma_wait3A_463 = arith.constant 0 : i32
        %dma_wait3A_464 = tpu.memref_slice %arg9[%run_scoped3A_442, %dma_wait3A_462, %dma_wait3A_463] : memref<8x256x16xf32, #tpu.memory_space<vmem>> -> memref<1x256x16xf32, #tpu.memory_space<vmem>>
        %dma_wait3A_465 = tpu.memref_squeeze %dma_wait3A_464 : memref<1x256x16xf32, #tpu.memory_space<vmem>> -> memref<256x16xf32, #tpu.memory_space<vmem>>
        %dma_wait3A_466 = arith.constant 16 : i32
        %dma_wait3A_467 = tpu.memref_slice %arg5[%add3A_29, %dma_wait3A_466] : memref<81920x128xf32, #tpu.memory_space<hbm>> -> memref<256x16xf32, #tpu.memory_space<hbm>>
        %dma_wait3A_468 = arith.constant 16 : i32
        %dma_wait3A_469 = tpu.memref_slice %arg5[%add3A_29, %dma_wait3A_468] : memref<81920x128xf32, #tpu.memory_space<hbm>> -> memref<256x16xf32, #tpu.memory_space<hbm>>
        %dma_wait3A_470 = arith.constant 0 : i32
        %dma_wait3A_471 = arith.constant 0 : i32
        %dma_wait3A_472 = tpu.memref_slice %arg9[%run_scoped3A_442, %dma_wait3A_470, %dma_wait3A_471] : memref<8x256x16xf32, #tpu.memory_space<vmem>> -> memref<1x256x16xf32, #tpu.memory_space<vmem>>
        %dma_wait3A_473 = tpu.memref_squeeze %dma_wait3A_472 : memref<1x256x16xf32, #tpu.memory_space<vmem>> -> memref<256x16xf32, #tpu.memory_space<vmem>>
        tpu.wait_dma2 semaphore(%run_scoped3A_449 : memref<!tpu.dma_semaphore, #tpu.memory_space<semaphore_mem>>) src(%dma_wait3A_473 : memref<256x16xf32, #tpu.memory_space<vmem>>) dst(%dma_wait3A_469 : memref<256x16xf32, #tpu.memory_space<hbm>>)
        tpu.yield
      }) : () -> ()
      %run_scoped3A_443 = arith.constant 2 : i32
      "tpu.region"() ({
        %run_scoped3A_449 = tpu.sem_alloc : memref<!tpu.dma_semaphore, #tpu.memory_space<semaphore_mem>>
        %dma_start3A_450 = arith.constant 0 : i32
        %dma_start3A_451 = arith.constant 0 : i32
        %dma_start3A_452 = tpu.memref_slice %arg9[%run_scoped3A_443, %dma_start3A_450, %dma_start3A_451] : memref<8x256x16xf32, #tpu.memory_space<vmem>> -> memref<1x256x16xf32, #tpu.memory_space<vmem>>
        %dma_start3A_453 = tpu.memref_squeeze %dma_start3A_452 : memref<1x256x16xf32, #tpu.memory_space<vmem>> -> memref<256x16xf32, #tpu.memory_space<vmem>>
        %dma_start3A_454 = arith.constant 32 : i32
        %dma_start3A_455 = tpu.memref_slice %arg5[%add3A_29, %dma_start3A_454] : memref<81920x128xf32, #tpu.memory_space<hbm>> -> memref<256x16xf32, #tpu.memory_space<hbm>>
        %dma_start3A_456 = arith.constant 32 : i32
        %dma_start3A_457 = tpu.memref_slice %arg5[%add3A_29, %dma_start3A_456] : memref<81920x128xf32, #tpu.memory_space<hbm>> -> memref<256x16xf32, #tpu.memory_space<hbm>>
        %dma_start3A_458 = arith.constant 0 : i32
        %dma_start3A_459 = arith.constant 0 : i32
        %dma_start3A_460 = tpu.memref_slice %arg9[%run_scoped3A_443, %dma_start3A_458, %dma_start3A_459] : memref<8x256x16xf32, #tpu.memory_space<vmem>> -> memref<1x256x16xf32, #tpu.memory_space<vmem>>
        %dma_start3A_461 = tpu.memref_squeeze %dma_start3A_460 : memref<1x256x16xf32, #tpu.memory_space<vmem>> -> memref<256x16xf32, #tpu.memory_space<vmem>>
        tpu.enqueue_dma source(%dma_start3A_461 : memref<256x16xf32, #tpu.memory_space<vmem>>) target(%dma_start3A_457 : memref<256x16xf32, #tpu.memory_space<hbm>>) target_semaphore(%run_scoped3A_449 : memref<!tpu.dma_semaphore, #tpu.memory_space<semaphore_mem>>)
        %dma_wait3A_462 = arith.constant 0 : i32
        %dma_wait3A_463 = arith.constant 0 : i32
        %dma_wait3A_464 = tpu.memref_slice %arg9[%run_scoped3A_443, %dma_wait3A_462, %dma_wait3A_463] : memref<8x256x16xf32, #tpu.memory_space<vmem>> -> memref<1x256x16xf32, #tpu.memory_space<vmem>>
        %dma_wait3A_465 = tpu.memref_squeeze %dma_wait3A_464 : memref<1x256x16xf32, #tpu.memory_space<vmem>> -> memref<256x16xf32, #tpu.memory_space<vmem>>
        %dma_wait3A_466 = arith.constant 32 : i32
        %dma_wait3A_467 = tpu.memref_slice %arg5[%add3A_29, %dma_wait3A_466] : memref<81920x128xf32, #tpu.memory_space<hbm>> -> memref<256x16xf32, #tpu.memory_space<hbm>>
        %dma_wait3A_468 = arith.constant 32 : i32
        %dma_wait3A_469 = tpu.memref_slice %arg5[%add3A_29, %dma_wait3A_468] : memref<81920x128xf32, #tpu.memory_space<hbm>> -> memref<256x16xf32, #tpu.memory_space<hbm>>
        %dma_wait3A_470 = arith.constant 0 : i32
        %dma_wait3A_471 = arith.constant 0 : i32
        %dma_wait3A_472 = tpu.memref_slice %arg9[%run_scoped3A_443, %dma_wait3A_470, %dma_wait3A_471] : memref<8x256x16xf32, #tpu.memory_space<vmem>> -> memref<1x256x16xf32, #tpu.memory_space<vmem>>
        %dma_wait3A_473 = tpu.memref_squeeze %dma_wait3A_472 : memref<1x256x16xf32, #tpu.memory_space<vmem>> -> memref<256x16xf32, #tpu.memory_space<vmem>>
        tpu.wait_dma2 semaphore(%run_scoped3A_449 : memref<!tpu.dma_semaphore, #tpu.memory_space<semaphore_mem>>) src(%dma_wait3A_473 : memref<256x16xf32, #tpu.memory_space<vmem>>) dst(%dma_wait3A_469 : memref<256x16xf32, #tpu.memory_space<hbm>>)
        tpu.yield
      }) : () -> ()
      %run_scoped3A_444 = arith.constant 3 : i32
      "tpu.region"() ({
        %run_scoped3A_449 = tpu.sem_alloc : memref<!tpu.dma_semaphore, #tpu.memory_space<semaphore_mem>>
        %dma_start3A_450 = arith.constant 0 : i32
        %dma_start3A_451 = arith.constant 0 : i32
        %dma_start3A_452 = tpu.memref_slice %arg9[%run_scoped3A_444, %dma_start3A_450, %dma_start3A_451] : memref<8x256x16xf32, #tpu.memory_space<vmem>> -> memref<1x256x16xf32, #tpu.memory_space<vmem>>
        %dma_start3A_453 = tpu.memref_squeeze %dma_start3A_452 : memref<1x256x16xf32, #tpu.memory_space<vmem>> -> memref<256x16xf32, #tpu.memory_space<vmem>>
        %dma_start3A_454 = arith.constant 48 : i32
        %dma_start3A_455 = tpu.memref_slice %arg5[%add3A_29, %dma_start3A_454] : memref<81920x128xf32, #tpu.memory_space<hbm>> -> memref<256x16xf32, #tpu.memory_space<hbm>>
        %dma_start3A_456 = arith.constant 48 : i32
        %dma_start3A_457 = tpu.memref_slice %arg5[%add3A_29, %dma_start3A_456] : memref<81920x128xf32, #tpu.memory_space<hbm>> -> memref<256x16xf32, #tpu.memory_space<hbm>>
        %dma_start3A_458 = arith.constant 0 : i32
        %dma_start3A_459 = arith.constant 0 : i32
        %dma_start3A_460 = tpu.memref_slice %arg9[%run_scoped3A_444, %dma_start3A_458, %dma_start3A_459] : memref<8x256x16xf32, #tpu.memory_space<vmem>> -> memref<1x256x16xf32, #tpu.memory_space<vmem>>
        %dma_start3A_461 = tpu.memref_squeeze %dma_start3A_460 : memref<1x256x16xf32, #tpu.memory_space<vmem>> -> memref<256x16xf32, #tpu.memory_space<vmem>>
        tpu.enqueue_dma source(%dma_start3A_461 : memref<256x16xf32, #tpu.memory_space<vmem>>) target(%dma_start3A_457 : memref<256x16xf32, #tpu.memory_space<hbm>>) target_semaphore(%run_scoped3A_449 : memref<!tpu.dma_semaphore, #tpu.memory_space<semaphore_mem>>)
        %dma_wait3A_462 = arith.constant 0 : i32
        %dma_wait3A_463 = arith.constant 0 : i32
        %dma_wait3A_464 = tpu.memref_slice %arg9[%run_scoped3A_444, %dma_wait3A_462, %dma_wait3A_463] : memref<8x256x16xf32, #tpu.memory_space<vmem>> -> memref<1x256x16xf32, #tpu.memory_space<vmem>>
        %dma_wait3A_465 = tpu.memref_squeeze %dma_wait3A_464 : memref<1x256x16xf32, #tpu.memory_space<vmem>> -> memref<256x16xf32, #tpu.memory_space<vmem>>
        %dma_wait3A_466 = arith.constant 48 : i32
        %dma_wait3A_467 = tpu.memref_slice %arg5[%add3A_29, %dma_wait3A_466] : memref<81920x128xf32, #tpu.memory_space<hbm>> -> memref<256x16xf32, #tpu.memory_space<hbm>>
        %dma_wait3A_468 = arith.constant 48 : i32
        %dma_wait3A_469 = tpu.memref_slice %arg5[%add3A_29, %dma_wait3A_468] : memref<81920x128xf32, #tpu.memory_space<hbm>> -> memref<256x16xf32, #tpu.memory_space<hbm>>
        %dma_wait3A_470 = arith.constant 0 : i32
        %dma_wait3A_471 = arith.constant 0 : i32
        %dma_wait3A_472 = tpu.memref_slice %arg9[%run_scoped3A_444, %dma_wait3A_470, %dma_wait3A_471] : memref<8x256x16xf32, #tpu.memory_space<vmem>> -> memref<1x256x16xf32, #tpu.memory_space<vmem>>
        %dma_wait3A_473 = tpu.memref_squeeze %dma_wait3A_472 : memref<1x256x16xf32, #tpu.memory_space<vmem>> -> memref<256x16xf32, #tpu.memory_space<vmem>>
        tpu.wait_dma2 semaphore(%run_scoped3A_449 : memref<!tpu.dma_semaphore, #tpu.memory_space<semaphore_mem>>) src(%dma_wait3A_473 : memref<256x16xf32, #tpu.memory_space<vmem>>) dst(%dma_wait3A_469 : memref<256x16xf32, #tpu.memory_space<hbm>>)
        tpu.yield
      }) : () -> ()
      %run_scoped3A_445 = arith.constant 4 : i32
      "tpu.region"() ({
        %run_scoped3A_449 = tpu.sem_alloc : memref<!tpu.dma_semaphore, #tpu.memory_space<semaphore_mem>>
        %dma_start3A_450 = arith.constant 0 : i32
        %dma_start3A_451 = arith.constant 0 : i32
        %dma_start3A_452 = tpu.memref_slice %arg9[%run_scoped3A_445, %dma_start3A_450, %dma_start3A_451] : memref<8x256x16xf32, #tpu.memory_space<vmem>> -> memref<1x256x16xf32, #tpu.memory_space<vmem>>
        %dma_start3A_453 = tpu.memref_squeeze %dma_start3A_452 : memref<1x256x16xf32, #tpu.memory_space<vmem>> -> memref<256x16xf32, #tpu.memory_space<vmem>>
        %dma_start3A_454 = arith.constant 64 : i32
        %dma_start3A_455 = tpu.memref_slice %arg5[%add3A_29, %dma_start3A_454] : memref<81920x128xf32, #tpu.memory_space<hbm>> -> memref<256x16xf32, #tpu.memory_space<hbm>>
        %dma_start3A_456 = arith.constant 64 : i32
        %dma_start3A_457 = tpu.memref_slice %arg5[%add3A_29, %dma_start3A_456] : memref<81920x128xf32, #tpu.memory_space<hbm>> -> memref<256x16xf32, #tpu.memory_space<hbm>>
        %dma_start3A_458 = arith.constant 0 : i32
        %dma_start3A_459 = arith.constant 0 : i32
        %dma_start3A_460 = tpu.memref_slice %arg9[%run_scoped3A_445, %dma_start3A_458, %dma_start3A_459] : memref<8x256x16xf32, #tpu.memory_space<vmem>> -> memref<1x256x16xf32, #tpu.memory_space<vmem>>
        %dma_start3A_461 = tpu.memref_squeeze %dma_start3A_460 : memref<1x256x16xf32, #tpu.memory_space<vmem>> -> memref<256x16xf32, #tpu.memory_space<vmem>>
        tpu.enqueue_dma source(%dma_start3A_461 : memref<256x16xf32, #tpu.memory_space<vmem>>) target(%dma_start3A_457 : memref<256x16xf32, #tpu.memory_space<hbm>>) target_semaphore(%run_scoped3A_449 : memref<!tpu.dma_semaphore, #tpu.memory_space<semaphore_mem>>)
        %dma_wait3A_462 = arith.constant 0 : i32
        %dma_wait3A_463 = arith.constant 0 : i32
        %dma_wait3A_464 = tpu.memref_slice %arg9[%run_scoped3A_445, %dma_wait3A_462, %dma_wait3A_463] : memref<8x256x16xf32, #tpu.memory_space<vmem>> -> memref<1x256x16xf32, #tpu.memory_space<vmem>>
        %dma_wait3A_465 = tpu.memref_squeeze %dma_wait3A_464 : memref<1x256x16xf32, #tpu.memory_space<vmem>> -> memref<256x16xf32, #tpu.memory_space<vmem>>
        %dma_wait3A_466 = arith.constant 64 : i32
        %dma_wait3A_467 = tpu.memref_slice %arg5[%add3A_29, %dma_wait3A_466] : memref<81920x128xf32, #tpu.memory_space<hbm>> -> memref<256x16xf32, #tpu.memory_space<hbm>>
        %dma_wait3A_468 = arith.constant 64 : i32
        %dma_wait3A_469 = tpu.memref_slice %arg5[%add3A_29, %dma_wait3A_468] : memref<81920x128xf32, #tpu.memory_space<hbm>> -> memref<256x16xf32, #tpu.memory_space<hbm>>
        %dma_wait3A_470 = arith.constant 0 : i32
        %dma_wait3A_471 = arith.constant 0 : i32
        %dma_wait3A_472 = tpu.memref_slice %arg9[%run_scoped3A_445, %dma_wait3A_470, %dma_wait3A_471] : memref<8x256x16xf32, #tpu.memory_space<vmem>> -> memref<1x256x16xf32, #tpu.memory_space<vmem>>
        %dma_wait3A_473 = tpu.memref_squeeze %dma_wait3A_472 : memref<1x256x16xf32, #tpu.memory_space<vmem>> -> memref<256x16xf32, #tpu.memory_space<vmem>>
        tpu.wait_dma2 semaphore(%run_scoped3A_449 : memref<!tpu.dma_semaphore, #tpu.memory_space<semaphore_mem>>) src(%dma_wait3A_473 : memref<256x16xf32, #tpu.memory_space<vmem>>) dst(%dma_wait3A_469 : memref<256x16xf32, #tpu.memory_space<hbm>>)
        tpu.yield
      }) : () -> ()
      %run_scoped3A_446 = arith.constant 5 : i32
      "tpu.region"() ({
        %run_scoped3A_449 = tpu.sem_alloc : memref<!tpu.dma_semaphore, #tpu.memory_space<semaphore_mem>>
        %dma_start3A_450 = arith.constant 0 : i32
        %dma_start3A_451 = arith.constant 0 : i32
        %dma_start3A_452 = tpu.memref_slice %arg9[%run_scoped3A_446, %dma_start3A_450, %dma_start3A_451] : memref<8x256x16xf32, #tpu.memory_space<vmem>> -> memref<1x256x16xf32, #tpu.memory_space<vmem>>
        %dma_start3A_453 = tpu.memref_squeeze %dma_start3A_452 : memref<1x256x16xf32, #tpu.memory_space<vmem>> -> memref<256x16xf32, #tpu.memory_space<vmem>>
        %dma_start3A_454 = arith.constant 80 : i32
        %dma_start3A_455 = tpu.memref_slice %arg5[%add3A_29, %dma_start3A_454] : memref<81920x128xf32, #tpu.memory_space<hbm>> -> memref<256x16xf32, #tpu.memory_space<hbm>>
        %dma_start3A_456 = arith.constant 80 : i32
        %dma_start3A_457 = tpu.memref_slice %arg5[%add3A_29, %dma_start3A_456] : memref<81920x128xf32, #tpu.memory_space<hbm>> -> memref<256x16xf32, #tpu.memory_space<hbm>>
        %dma_start3A_458 = arith.constant 0 : i32
        %dma_start3A_459 = arith.constant 0 : i32
        %dma_start3A_460 = tpu.memref_slice %arg9[%run_scoped3A_446, %dma_start3A_458, %dma_start3A_459] : memref<8x256x16xf32, #tpu.memory_space<vmem>> -> memref<1x256x16xf32, #tpu.memory_space<vmem>>
        %dma_start3A_461 = tpu.memref_squeeze %dma_start3A_460 : memref<1x256x16xf32, #tpu.memory_space<vmem>> -> memref<256x16xf32, #tpu.memory_space<vmem>>
        tpu.enqueue_dma source(%dma_start3A_461 : memref<256x16xf32, #tpu.memory_space<vmem>>) target(%dma_start3A_457 : memref<256x16xf32, #tpu.memory_space<hbm>>) target_semaphore(%run_scoped3A_449 : memref<!tpu.dma_semaphore, #tpu.memory_space<semaphore_mem>>)
        %dma_wait3A_462 = arith.constant 0 : i32
        %dma_wait3A_463 = arith.constant 0 : i32
        %dma_wait3A_464 = tpu.memref_slice %arg9[%run_scoped3A_446, %dma_wait3A_462, %dma_wait3A_463] : memref<8x256x16xf32, #tpu.memory_space<vmem>> -> memref<1x256x16xf32, #tpu.memory_space<vmem>>
        %dma_wait3A_465 = tpu.memref_squeeze %dma_wait3A_464 : memref<1x256x16xf32, #tpu.memory_space<vmem>> -> memref<256x16xf32, #tpu.memory_space<vmem>>
        %dma_wait3A_466 = arith.constant 80 : i32
        %dma_wait3A_467 = tpu.memref_slice %arg5[%add3A_29, %dma_wait3A_466] : memref<81920x128xf32, #tpu.memory_space<hbm>> -> memref<256x16xf32, #tpu.memory_space<hbm>>
        %dma_wait3A_468 = arith.constant 80 : i32
        %dma_wait3A_469 = tpu.memref_slice %arg5[%add3A_29, %dma_wait3A_468] : memref<81920x128xf32, #tpu.memory_space<hbm>> -> memref<256x16xf32, #tpu.memory_space<hbm>>
        %dma_wait3A_470 = arith.constant 0 : i32
        %dma_wait3A_471 = arith.constant 0 : i32
        %dma_wait3A_472 = tpu.memref_slice %arg9[%run_scoped3A_446, %dma_wait3A_470, %dma_wait3A_471] : memref<8x256x16xf32, #tpu.memory_space<vmem>> -> memref<1x256x16xf32, #tpu.memory_space<vmem>>
        %dma_wait3A_473 = tpu.memref_squeeze %dma_wait3A_472 : memref<1x256x16xf32, #tpu.memory_space<vmem>> -> memref<256x16xf32, #tpu.memory_space<vmem>>
        tpu.wait_dma2 semaphore(%run_scoped3A_449 : memref<!tpu.dma_semaphore, #tpu.memory_space<semaphore_mem>>) src(%dma_wait3A_473 : memref<256x16xf32, #tpu.memory_space<vmem>>) dst(%dma_wait3A_469 : memref<256x16xf32, #tpu.memory_space<hbm>>)
        tpu.yield
      }) : () -> ()
      %run_scoped3A_447 = arith.constant 6 : i32
      "tpu.region"() ({
        %run_scoped3A_449 = tpu.sem_alloc : memref<!tpu.dma_semaphore, #tpu.memory_space<semaphore_mem>>
        %dma_start3A_450 = arith.constant 0 : i32
        %dma_start3A_451 = arith.constant 0 : i32
        %dma_start3A_452 = tpu.memref_slice %arg9[%run_scoped3A_447, %dma_start3A_450, %dma_start3A_451] : memref<8x256x16xf32, #tpu.memory_space<vmem>> -> memref<1x256x16xf32, #tpu.memory_space<vmem>>
        %dma_start3A_453 = tpu.memref_squeeze %dma_start3A_452 : memref<1x256x16xf32, #tpu.memory_space<vmem>> -> memref<256x16xf32, #tpu.memory_space<vmem>>
        %dma_start3A_454 = arith.constant 96 : i32
        %dma_start3A_455 = tpu.memref_slice %arg5[%add3A_29, %dma_start3A_454] : memref<81920x128xf32, #tpu.memory_space<hbm>> -> memref<256x16xf32, #tpu.memory_space<hbm>>
        %dma_start3A_456 = arith.constant 96 : i32
        %dma_start3A_457 = tpu.memref_slice %arg5[%add3A_29, %dma_start3A_456] : memref<81920x128xf32, #tpu.memory_space<hbm>> -> memref<256x16xf32, #tpu.memory_space<hbm>>
        %dma_start3A_458 = arith.constant 0 : i32
        %dma_start3A_459 = arith.constant 0 : i32
        %dma_start3A_460 = tpu.memref_slice %arg9[%run_scoped3A_447, %dma_start3A_458, %dma_start3A_459] : memref<8x256x16xf32, #tpu.memory_space<vmem>> -> memref<1x256x16xf32, #tpu.memory_space<vmem>>
        %dma_start3A_461 = tpu.memref_squeeze %dma_start3A_460 : memref<1x256x16xf32, #tpu.memory_space<vmem>> -> memref<256x16xf32, #tpu.memory_space<vmem>>
        tpu.enqueue_dma source(%dma_start3A_461 : memref<256x16xf32, #tpu.memory_space<vmem>>) target(%dma_start3A_457 : memref<256x16xf32, #tpu.memory_space<hbm>>) target_semaphore(%run_scoped3A_449 : memref<!tpu.dma_semaphore, #tpu.memory_space<semaphore_mem>>)
        %dma_wait3A_462 = arith.constant 0 : i32
        %dma_wait3A_463 = arith.constant 0 : i32
        %dma_wait3A_464 = tpu.memref_slice %arg9[%run_scoped3A_447, %dma_wait3A_462, %dma_wait3A_463] : memref<8x256x16xf32, #tpu.memory_space<vmem>> -> memref<1x256x16xf32, #tpu.memory_space<vmem>>
        %dma_wait3A_465 = tpu.memref_squeeze %dma_wait3A_464 : memref<1x256x16xf32, #tpu.memory_space<vmem>> -> memref<256x16xf32, #tpu.memory_space<vmem>>
        %dma_wait3A_466 = arith.constant 96 : i32
        %dma_wait3A_467 = tpu.memref_slice %arg5[%add3A_29, %dma_wait3A_466] : memref<81920x128xf32, #tpu.memory_space<hbm>> -> memref<256x16xf32, #tpu.memory_space<hbm>>
        %dma_wait3A_468 = arith.constant 96 : i32
        %dma_wait3A_469 = tpu.memref_slice %arg5[%add3A_29, %dma_wait3A_468] : memref<81920x128xf32, #tpu.memory_space<hbm>> -> memref<256x16xf32, #tpu.memory_space<hbm>>
        %dma_wait3A_470 = arith.constant 0 : i32
        %dma_wait3A_471 = arith.constant 0 : i32
        %dma_wait3A_472 = tpu.memref_slice %arg9[%run_scoped3A_447, %dma_wait3A_470, %dma_wait3A_471] : memref<8x256x16xf32, #tpu.memory_space<vmem>> -> memref<1x256x16xf32, #tpu.memory_space<vmem>>
        %dma_wait3A_473 = tpu.memref_squeeze %dma_wait3A_472 : memref<1x256x16xf32, #tpu.memory_space<vmem>> -> memref<256x16xf32, #tpu.memory_space<vmem>>
        tpu.wait_dma2 semaphore(%run_scoped3A_449 : memref<!tpu.dma_semaphore, #tpu.memory_space<semaphore_mem>>) src(%dma_wait3A_473 : memref<256x16xf32, #tpu.memory_space<vmem>>) dst(%dma_wait3A_469 : memref<256x16xf32, #tpu.memory_space<hbm>>)
        tpu.yield
      }) : () -> ()
      %run_scoped3A_448 = arith.constant 7 : i32
      "tpu.region"() ({
        %run_scoped3A_449 = tpu.sem_alloc : memref<!tpu.dma_semaphore, #tpu.memory_space<semaphore_mem>>
        %dma_start3A_450 = arith.constant 0 : i32
        %dma_start3A_451 = arith.constant 0 : i32
        %dma_start3A_452 = tpu.memref_slice %arg9[%run_scoped3A_448, %dma_start3A_450, %dma_start3A_451] : memref<8x256x16xf32, #tpu.memory_space<vmem>> -> memref<1x256x16xf32, #tpu.memory_space<vmem>>
        %dma_start3A_453 = tpu.memref_squeeze %dma_start3A_452 : memref<1x256x16xf32, #tpu.memory_space<vmem>> -> memref<256x16xf32, #tpu.memory_space<vmem>>
        %dma_start3A_454 = arith.constant 112 : i32
        %dma_start3A_455 = tpu.memref_slice %arg5[%add3A_29, %dma_start3A_454] : memref<81920x128xf32, #tpu.memory_space<hbm>> -> memref<256x16xf32, #tpu.memory_space<hbm>>
        %dma_start3A_456 = arith.constant 112 : i32
        %dma_start3A_457 = tpu.memref_slice %arg5[%add3A_29, %dma_start3A_456] : memref<81920x128xf32, #tpu.memory_space<hbm>> -> memref<256x16xf32, #tpu.memory_space<hbm>>
        %dma_start3A_458 = arith.constant 0 : i32
        %dma_start3A_459 = arith.constant 0 : i32
        %dma_start3A_460 = tpu.memref_slice %arg9[%run_scoped3A_448, %dma_start3A_458, %dma_start3A_459] : memref<8x256x16xf32, #tpu.memory_space<vmem>> -> memref<1x256x16xf32, #tpu.memory_space<vmem>>
        %dma_start3A_461 = tpu.memref_squeeze %dma_start3A_460 : memref<1x256x16xf32, #tpu.memory_space<vmem>> -> memref<256x16xf32, #tpu.memory_space<vmem>>
        tpu.enqueue_dma source(%dma_start3A_461 : memref<256x16xf32, #tpu.memory_space<vmem>>) target(%dma_start3A_457 : memref<256x16xf32, #tpu.memory_space<hbm>>) target_semaphore(%run_scoped3A_449 : memref<!tpu.dma_semaphore, #tpu.memory_space<semaphore_mem>>)
        %dma_wait3A_462 = arith.constant 0 : i32
        %dma_wait3A_463 = arith.constant 0 : i32
        %dma_wait3A_464 = tpu.memref_slice %arg9[%run_scoped3A_448, %dma_wait3A_462, %dma_wait3A_463] : memref<8x256x16xf32, #tpu.memory_space<vmem>> -> memref<1x256x16xf32, #tpu.memory_space<vmem>>
        %dma_wait3A_465 = tpu.memref_squeeze %dma_wait3A_464 : memref<1x256x16xf32, #tpu.memory_space<vmem>> -> memref<256x16xf32, #tpu.memory_space<vmem>>
        %dma_wait3A_466 = arith.constant 112 : i32
        %dma_wait3A_467 = tpu.memref_slice %arg5[%add3A_29, %dma_wait3A_466] : memref<81920x128xf32, #tpu.memory_space<hbm>> -> memref<256x16xf32, #tpu.memory_space<hbm>>
        %dma_wait3A_468 = arith.constant 112 : i32
        %dma_wait3A_469 = tpu.memref_slice %arg5[%add3A_29, %dma_wait3A_468] : memref<81920x128xf32, #tpu.memory_space<hbm>> -> memref<256x16xf32, #tpu.memory_space<hbm>>
        %dma_wait3A_470 = arith.constant 0 : i32
        %dma_wait3A_471 = arith.constant 0 : i32
        %dma_wait3A_472 = tpu.memref_slice %arg9[%run_scoped3A_448, %dma_wait3A_470, %dma_wait3A_471] : memref<8x256x16xf32, #tpu.memory_space<vmem>> -> memref<1x256x16xf32, #tpu.memory_space<vmem>>
        %dma_wait3A_473 = tpu.memref_squeeze %dma_wait3A_472 : memref<1x256x16xf32, #tpu.memory_space<vmem>> -> memref<256x16xf32, #tpu.memory_space<vmem>>
        tpu.wait_dma2 semaphore(%run_scoped3A_449 : memref<!tpu.dma_semaphore, #tpu.memory_space<semaphore_mem>>) src(%dma_wait3A_473 : memref<256x16xf32, #tpu.memory_space<vmem>>) dst(%dma_wait3A_469 : memref<256x16xf32, #tpu.memory_space<hbm>>)
        tpu.yield
      }) : () -> ()
    }
    %scan3A_11 = arith.constant 10 : i32
    %scan3A_12 = arith.constant 0 : i32
    %scan3A_13 = arith.constant 0 : i32
    %scan3A_14 = arith.constant 10 : i32
    %scan3A_15 = arith.addi %scan3A_13, %scan3A_14 : i32
    %scan3A_16 = arith.constant 1 : i32
    scf.for %scan3A_24 = %scan3A_13 to %scan3A_15 step %scan3A_16  : i32 {
      %mul3A_25 = arith.constant 2560 : i32
      %mul3A_26 = arith.muli %add3A, %mul3A_25 : i32
      %mul3A_27 = arith.constant 256 : i32
      %mul3A_28 = arith.muli %scan3A_24, %mul3A_27 : i32
      %add3A_29 = arith.addi %mul3A_26, %mul3A_28 : i32
      %jit3A = arith.constant 4096 : i32
      %div3A = arith.divsi %add3A_29, %jit3A : i32
      %sign3A = arith.constant 0 : i32
      %sign3A_30 = arith.cmpi sgt, %add3A_29, %sign3A : i32
      %sign3A_31 = arith.extui %sign3A_30 : i1 to i32
      %sign3A_32 = arith.constant 0 : i32
      %sign3A_33 = arith.cmpi slt, %add3A_29, %sign3A_32 : i32
      %sign3A_34 = arith.extui %sign3A_33 : i1 to i32
      %sign3A_35 = arith.subi %sign3A_31, %sign3A_34 : i32
      %sign3A_36 = arith.constant 0 : i32
      %sign3A_37 = arith.cmpi sgt, %jit3A, %sign3A_36 : i32
      %sign3A_38 = arith.extui %sign3A_37 : i1 to i32
      %sign3A_39 = arith.constant 0 : i32
      %sign3A_40 = arith.cmpi slt, %jit3A, %sign3A_39 : i32
      %sign3A_41 = arith.extui %sign3A_40 : i1 to i32
      %sign3A_42 = arith.subi %sign3A_38, %sign3A_41 : i32
      %ne3A = arith.cmpi ne, %sign3A_35, %sign3A_42 : i32
      %rem3A = arith.remsi %add3A_29, %jit3A : i32
      %ne3A_43 = arith.constant 0 : i32
      %ne3A_44 = arith.cmpi ne, %rem3A, %ne3A_43 : i32
      %and3A = arith.andi %ne3A, %ne3A_44 : i1
      %sub3A = arith.constant 1 : i32
      %sub3A_45 = arith.subi %div3A, %sub3A : i32
      %select_n3A = arith.select %and3A, %sub3A_45, %div3A : i32
      %jit3A_46 = arith.constant 4096 : i32
      %eq3A = arith.constant 0 : i32
      %eq3A_47 = arith.cmpi eq, %jit3A_46, %eq3A : i32
      %jit3A_48 = arith.constant 1 : i32
      %select_n3A_49 = arith.select %eq3A_47, %jit3A_48, %jit3A_46 : i32
      %rem3A_50 = arith.remsi %add3A_29, %select_n3A_49 : i32
      %ne3A_51 = arith.constant 0 : i32
      %ne3A_52 = arith.cmpi ne, %rem3A_50, %ne3A_51 : i32
      %lt3A = arith.constant 0 : i32
      %lt3A_53 = arith.cmpi slt, %rem3A_50, %lt3A : i32
      %lt3A_54 = arith.constant 0 : i32
      %lt3A_55 = arith.cmpi slt, %select_n3A_49, %lt3A_54 : i32
      %ne3A_56 = arith.xori %lt3A_53, %lt3A_55 : i1
      %and3A_57 = arith.andi %ne3A_56, %ne3A_52 : i1
      %add3A_58 = arith.addi %rem3A_50, %select_n3A_49 : i32
      %select_n3A_59 = arith.select %and3A_57, %add3A_58, %rem3A_50 : i32
      "tpu.region"() ({
        %run_scoped3A_449 = tpu.sem_alloc : memref<!tpu.dma_semaphore, #tpu.memory_space<semaphore_mem>>
        %dma_start3A_450 = arith.constant 16 : i32
        %dma_start3A_451 = tpu.memref_slice %arg3[%dma_start3A_450, %select_n3A, %select_n3A_59] : memref<32x20x4096xi32, #tpu.memory_space<hbm>> -> memref<8x1x256xi32, #tpu.memory_space<hbm>>
        %dma_start3A_452 = tpu.memref_squeeze %dma_start3A_451 : memref<8x1x256xi32, #tpu.memory_space<hbm>> -> memref<8x256xi32, #tpu.memory_space<hbm>>
        %dma_start3A_453 = arith.constant 16 : i32
        %dma_start3A_454 = tpu.memref_slice %arg3[%dma_start3A_453, %select_n3A, %select_n3A_59] : memref<32x20x4096xi32, #tpu.memory_space<hbm>> -> memref<8x1x256xi32, #tpu.memory_space<hbm>>
        %dma_start3A_455 = tpu.memref_squeeze %dma_start3A_454 : memref<8x1x256xi32, #tpu.memory_space<hbm>> -> memref<8x256xi32, #tpu.memory_space<hbm>>
        tpu.enqueue_dma source(%dma_start3A_455 : memref<8x256xi32, #tpu.memory_space<hbm>>) target(%arg8 : memref<8x256xi32, #tpu.memory_space<vmem>>) target_semaphore(%run_scoped3A_449 : memref<!tpu.dma_semaphore, #tpu.memory_space<semaphore_mem>>)
        %dma_wait3A_456 = arith.constant 16 : i32
        %dma_wait3A_457 = tpu.memref_slice %arg3[%dma_wait3A_456, %select_n3A, %select_n3A_59] : memref<32x20x4096xi32, #tpu.memory_space<hbm>> -> memref<8x1x256xi32, #tpu.memory_space<hbm>>
        %dma_wait3A_458 = tpu.memref_squeeze %dma_wait3A_457 : memref<8x1x256xi32, #tpu.memory_space<hbm>> -> memref<8x256xi32, #tpu.memory_space<hbm>>
        %dma_wait3A_459 = arith.constant 16 : i32
        %dma_wait3A_460 = tpu.memref_slice %arg3[%dma_wait3A_459, %select_n3A, %select_n3A_59] : memref<32x20x4096xi32, #tpu.memory_space<hbm>> -> memref<8x1x256xi32, #tpu.memory_space<hbm>>
        %dma_wait3A_461 = tpu.memref_squeeze %dma_wait3A_460 : memref<8x1x256xi32, #tpu.memory_space<hbm>> -> memref<8x256xi32, #tpu.memory_space<hbm>>
        tpu.wait_dma2 semaphore(%run_scoped3A_449 : memref<!tpu.dma_semaphore, #tpu.memory_space<semaphore_mem>>) src(%dma_wait3A_461 : memref<8x256xi32, #tpu.memory_space<hbm>>) dst(%arg8 : memref<8x256xi32, #tpu.memory_space<vmem>>)
        tpu.yield
      }) : () -> ()
      %dma_start3A = arith.constant 0 : i32
      %dma_start3A_60 = arith.constant 0 : i32
      %dma_start3A_61 = arith.constant 0 : i32
      %dma_start3A_62 = arith.constant 0 : i32
      %dma_start3A_63 = tpu.memref_slice %arg9[%dma_start3A_60, %dma_start3A_61, %dma_start3A_62] : memref<8x256x16xf32, #tpu.memory_space<vmem>> -> memref<1x128x16xf32, #tpu.memory_space<vmem>>
      %dma_start3A_64 = tpu.memref_squeeze %dma_start3A_63 : memref<1x128x16xf32, #tpu.memory_space<vmem>> -> memref<128x16xf32, #tpu.memory_space<vmem>>
      %dma_start3A_65 = arith.constant 0 : i32
      %dma_start3A_66 = tpu.memref_slice %arg8[%dma_start3A, %dma_start3A_65] : memref<8x256xi32, #tpu.memory_space<vmem>> -> memref<1x128xi32, #tpu.memory_space<vmem>>
      %dma_start3A_67 = tpu.memref_squeeze %dma_start3A_66 : memref<1x128xi32, #tpu.memory_space<vmem>> -> memref<128xi32, #tpu.memory_space<vmem>>
      %dma_start3A_68 = arith.constant 0 : i32
      %dma_start3A_69 = arith.constant 0 : i32
      %dma_start3A_70 = tpu.memref_slice %arg2[%dma_start3A_68, %dma_start3A_69] : memref<3203072x16xf32, #tpu.memory_space<hbm>> -> memref<3203072x16xf32, #tpu.memory_space<hbm>>
      tpu.enqueue_indirect_dma source(%dma_start3A_70 : memref<3203072x16xf32, #tpu.memory_space<hbm>>) target(%dma_start3A_64 : memref<128x16xf32, #tpu.memory_space<vmem>>) offsets(%dma_start3A_67 : memref<128xi32, #tpu.memory_space<vmem>>) semaphore(%arg10 : memref<!tpu.dma_semaphore, #tpu.memory_space<semaphore_mem>>)
      %dma_start3A_71 = arith.constant 0 : i32
      %dma_start3A_72 = arith.constant 0 : i32
      %dma_start3A_73 = arith.constant 128 : i32
      %dma_start3A_74 = arith.constant 0 : i32
      %dma_start3A_75 = tpu.memref_slice %arg9[%dma_start3A_72, %dma_start3A_73, %dma_start3A_74] : memref<8x256x16xf32, #tpu.memory_space<vmem>> -> memref<1x128x16xf32, #tpu.memory_space<vmem>>
      %dma_start3A_76 = tpu.memref_squeeze %dma_start3A_75 : memref<1x128x16xf32, #tpu.memory_space<vmem>> -> memref<128x16xf32, #tpu.memory_space<vmem>>
      %dma_start3A_77 = arith.constant 128 : i32
      %dma_start3A_78 = tpu.memref_slice %arg8[%dma_start3A_71, %dma_start3A_77] : memref<8x256xi32, #tpu.memory_space<vmem>> -> memref<1x128xi32, #tpu.memory_space<vmem>>
      %dma_start3A_79 = tpu.memref_squeeze %dma_start3A_78 : memref<1x128xi32, #tpu.memory_space<vmem>> -> memref<128xi32, #tpu.memory_space<vmem>>
      %dma_start3A_80 = arith.constant 0 : i32
      %dma_start3A_81 = arith.constant 0 : i32
      %dma_start3A_82 = tpu.memref_slice %arg2[%dma_start3A_80, %dma_start3A_81] : memref<3203072x16xf32, #tpu.memory_space<hbm>> -> memref<3203072x16xf32, #tpu.memory_space<hbm>>
      tpu.enqueue_indirect_dma source(%dma_start3A_82 : memref<3203072x16xf32, #tpu.memory_space<hbm>>) target(%dma_start3A_76 : memref<128x16xf32, #tpu.memory_space<vmem>>) offsets(%dma_start3A_79 : memref<128xi32, #tpu.memory_space<vmem>>) semaphore(%arg10 : memref<!tpu.dma_semaphore, #tpu.memory_space<semaphore_mem>>)
      %dma_start3A_83 = arith.constant 1 : i32
      %dma_start3A_84 = arith.constant 1 : i32
      %dma_start3A_85 = arith.constant 0 : i32
      %dma_start3A_86 = arith.constant 0 : i32
      %dma_start3A_87 = tpu.memref_slice %arg9[%dma_start3A_84, %dma_start3A_85, %dma_start3A_86] : memref<8x256x16xf32, #tpu.memory_space<vmem>> -> memref<1x128x16xf32, #tpu.memory_space<vmem>>
      %dma_start3A_88 = tpu.memref_squeeze %dma_start3A_87 : memref<1x128x16xf32, #tpu.memory_space<vmem>> -> memref<128x16xf32, #tpu.memory_space<vmem>>
      %dma_start3A_89 = arith.constant 0 : i32
      %dma_start3A_90 = tpu.memref_slice %arg8[%dma_start3A_83, %dma_start3A_89] : memref<8x256xi32, #tpu.memory_space<vmem>> -> memref<1x128xi32, #tpu.memory_space<vmem>>
      %dma_start3A_91 = tpu.memref_squeeze %dma_start3A_90 : memref<1x128xi32, #tpu.memory_space<vmem>> -> memref<128xi32, #tpu.memory_space<vmem>>
      %dma_start3A_92 = arith.constant 0 : i32
      %dma_start3A_93 = arith.constant 0 : i32
      %dma_start3A_94 = tpu.memref_slice %arg2[%dma_start3A_92, %dma_start3A_93] : memref<3203072x16xf32, #tpu.memory_space<hbm>> -> memref<3203072x16xf32, #tpu.memory_space<hbm>>
      tpu.enqueue_indirect_dma source(%dma_start3A_94 : memref<3203072x16xf32, #tpu.memory_space<hbm>>) target(%dma_start3A_88 : memref<128x16xf32, #tpu.memory_space<vmem>>) offsets(%dma_start3A_91 : memref<128xi32, #tpu.memory_space<vmem>>) semaphore(%arg10 : memref<!tpu.dma_semaphore, #tpu.memory_space<semaphore_mem>>)
      %dma_start3A_95 = arith.constant 1 : i32
      %dma_start3A_96 = arith.constant 1 : i32
      %dma_start3A_97 = arith.constant 128 : i32
      %dma_start3A_98 = arith.constant 0 : i32
      %dma_start3A_99 = tpu.memref_slice %arg9[%dma_start3A_96, %dma_start3A_97, %dma_start3A_98] : memref<8x256x16xf32, #tpu.memory_space<vmem>> -> memref<1x128x16xf32, #tpu.memory_space<vmem>>
      %dma_start3A_100 = tpu.memref_squeeze %dma_start3A_99 : memref<1x128x16xf32, #tpu.memory_space<vmem>> -> memref<128x16xf32, #tpu.memory_space<vmem>>
      %dma_start3A_101 = arith.constant 128 : i32
      %dma_start3A_102 = tpu.memref_slice %arg8[%dma_start3A_95, %dma_start3A_101] : memref<8x256xi32, #tpu.memory_space<vmem>> -> memref<1x128xi32, #tpu.memory_space<vmem>>
      %dma_start3A_103 = tpu.memref_squeeze %dma_start3A_102 : memref<1x128xi32, #tpu.memory_space<vmem>> -> memref<128xi32, #tpu.memory_space<vmem>>
      %dma_start3A_104 = arith.constant 0 : i32
      %dma_start3A_105 = arith.constant 0 : i32
      %dma_start3A_106 = tpu.memref_slice %arg2[%dma_start3A_104, %dma_start3A_105] : memref<3203072x16xf32, #tpu.memory_space<hbm>> -> memref<3203072x16xf32, #tpu.memory_space<hbm>>
      tpu.enqueue_indirect_dma source(%dma_start3A_106 : memref<3203072x16xf32, #tpu.memory_space<hbm>>) target(%dma_start3A_100 : memref<128x16xf32, #tpu.memory_space<vmem>>) offsets(%dma_start3A_103 : memref<128xi32, #tpu.memory_space<vmem>>) semaphore(%arg10 : memref<!tpu.dma_semaphore, #tpu.memory_space<semaphore_mem>>)
      %dma_start3A_107 = arith.constant 2 : i32
      %dma_start3A_108 = arith.constant 2 : i32
      %dma_start3A_109 = arith.constant 0 : i32
      %dma_start3A_110 = arith.constant 0 : i32
      %dma_start3A_111 = tpu.memref_slice %arg9[%dma_start3A_108, %dma_start3A_109, %dma_start3A_110] : memref<8x256x16xf32, #tpu.memory_space<vmem>> -> memref<1x128x16xf32, #tpu.memory_space<vmem>>
      %dma_start3A_112 = tpu.memref_squeeze %dma_start3A_111 : memref<1x128x16xf32, #tpu.memory_space<vmem>> -> memref<128x16xf32, #tpu.memory_space<vmem>>
      %dma_start3A_113 = arith.constant 0 : i32
      %dma_start3A_114 = tpu.memref_slice %arg8[%dma_start3A_107, %dma_start3A_113] : memref<8x256xi32, #tpu.memory_space<vmem>> -> memref<1x128xi32, #tpu.memory_space<vmem>>
      %dma_start3A_115 = tpu.memref_squeeze %dma_start3A_114 : memref<1x128xi32, #tpu.memory_space<vmem>> -> memref<128xi32, #tpu.memory_space<vmem>>
      %dma_start3A_116 = arith.constant 0 : i32
      %dma_start3A_117 = arith.constant 0 : i32
      %dma_start3A_118 = tpu.memref_slice %arg2[%dma_start3A_116, %dma_start3A_117] : memref<3203072x16xf32, #tpu.memory_space<hbm>> -> memref<3203072x16xf32, #tpu.memory_space<hbm>>
      tpu.enqueue_indirect_dma source(%dma_start3A_118 : memref<3203072x16xf32, #tpu.memory_space<hbm>>) target(%dma_start3A_112 : memref<128x16xf32, #tpu.memory_space<vmem>>) offsets(%dma_start3A_115 : memref<128xi32, #tpu.memory_space<vmem>>) semaphore(%arg10 : memref<!tpu.dma_semaphore, #tpu.memory_space<semaphore_mem>>)
      %dma_start3A_119 = arith.constant 2 : i32
      %dma_start3A_120 = arith.constant 2 : i32
      %dma_start3A_121 = arith.constant 128 : i32
      %dma_start3A_122 = arith.constant 0 : i32
      %dma_start3A_123 = tpu.memref_slice %arg9[%dma_start3A_120, %dma_start3A_121, %dma_start3A_122] : memref<8x256x16xf32, #tpu.memory_space<vmem>> -> memref<1x128x16xf32, #tpu.memory_space<vmem>>
      %dma_start3A_124 = tpu.memref_squeeze %dma_start3A_123 : memref<1x128x16xf32, #tpu.memory_space<vmem>> -> memref<128x16xf32, #tpu.memory_space<vmem>>
      %dma_start3A_125 = arith.constant 128 : i32
      %dma_start3A_126 = tpu.memref_slice %arg8[%dma_start3A_119, %dma_start3A_125] : memref<8x256xi32, #tpu.memory_space<vmem>> -> memref<1x128xi32, #tpu.memory_space<vmem>>
      %dma_start3A_127 = tpu.memref_squeeze %dma_start3A_126 : memref<1x128xi32, #tpu.memory_space<vmem>> -> memref<128xi32, #tpu.memory_space<vmem>>
      %dma_start3A_128 = arith.constant 0 : i32
      %dma_start3A_129 = arith.constant 0 : i32
      %dma_start3A_130 = tpu.memref_slice %arg2[%dma_start3A_128, %dma_start3A_129] : memref<3203072x16xf32, #tpu.memory_space<hbm>> -> memref<3203072x16xf32, #tpu.memory_space<hbm>>
      tpu.enqueue_indirect_dma source(%dma_start3A_130 : memref<3203072x16xf32, #tpu.memory_space<hbm>>) target(%dma_start3A_124 : memref<128x16xf32, #tpu.memory_space<vmem>>) offsets(%dma_start3A_127 : memref<128xi32, #tpu.memory_space<vmem>>) semaphore(%arg10 : memref<!tpu.dma_semaphore, #tpu.memory_space<semaphore_mem>>)
      %dma_start3A_131 = arith.constant 3 : i32
      %dma_start3A_132 = arith.constant 3 : i32
      %dma_start3A_133 = arith.constant 0 : i32
      %dma_start3A_134 = arith.constant 0 : i32
      %dma_start3A_135 = tpu.memref_slice %arg9[%dma_start3A_132, %dma_start3A_133, %dma_start3A_134] : memref<8x256x16xf32, #tpu.memory_space<vmem>> -> memref<1x128x16xf32, #tpu.memory_space<vmem>>
      %dma_start3A_136 = tpu.memref_squeeze %dma_start3A_135 : memref<1x128x16xf32, #tpu.memory_space<vmem>> -> memref<128x16xf32, #tpu.memory_space<vmem>>
      %dma_start3A_137 = arith.constant 0 : i32
      %dma_start3A_138 = tpu.memref_slice %arg8[%dma_start3A_131, %dma_start3A_137] : memref<8x256xi32, #tpu.memory_space<vmem>> -> memref<1x128xi32, #tpu.memory_space<vmem>>
      %dma_start3A_139 = tpu.memref_squeeze %dma_start3A_138 : memref<1x128xi32, #tpu.memory_space<vmem>> -> memref<128xi32, #tpu.memory_space<vmem>>
      %dma_start3A_140 = arith.constant 0 : i32
      %dma_start3A_141 = arith.constant 0 : i32
      %dma_start3A_142 = tpu.memref_slice %arg2[%dma_start3A_140, %dma_start3A_141] : memref<3203072x16xf32, #tpu.memory_space<hbm>> -> memref<3203072x16xf32, #tpu.memory_space<hbm>>
      tpu.enqueue_indirect_dma source(%dma_start3A_142 : memref<3203072x16xf32, #tpu.memory_space<hbm>>) target(%dma_start3A_136 : memref<128x16xf32, #tpu.memory_space<vmem>>) offsets(%dma_start3A_139 : memref<128xi32, #tpu.memory_space<vmem>>) semaphore(%arg10 : memref<!tpu.dma_semaphore, #tpu.memory_space<semaphore_mem>>)
      %dma_start3A_143 = arith.constant 3 : i32
      %dma_start3A_144 = arith.constant 3 : i32
      %dma_start3A_145 = arith.constant 128 : i32
      %dma_start3A_146 = arith.constant 0 : i32
      %dma_start3A_147 = tpu.memref_slice %arg9[%dma_start3A_144, %dma_start3A_145, %dma_start3A_146] : memref<8x256x16xf32, #tpu.memory_space<vmem>> -> memref<1x128x16xf32, #tpu.memory_space<vmem>>
      %dma_start3A_148 = tpu.memref_squeeze %dma_start3A_147 : memref<1x128x16xf32, #tpu.memory_space<vmem>> -> memref<128x16xf32, #tpu.memory_space<vmem>>
      %dma_start3A_149 = arith.constant 128 : i32
      %dma_start3A_150 = tpu.memref_slice %arg8[%dma_start3A_143, %dma_start3A_149] : memref<8x256xi32, #tpu.memory_space<vmem>> -> memref<1x128xi32, #tpu.memory_space<vmem>>
      %dma_start3A_151 = tpu.memref_squeeze %dma_start3A_150 : memref<1x128xi32, #tpu.memory_space<vmem>> -> memref<128xi32, #tpu.memory_space<vmem>>
      %dma_start3A_152 = arith.constant 0 : i32
      %dma_start3A_153 = arith.constant 0 : i32
      %dma_start3A_154 = tpu.memref_slice %arg2[%dma_start3A_152, %dma_start3A_153] : memref<3203072x16xf32, #tpu.memory_space<hbm>> -> memref<3203072x16xf32, #tpu.memory_space<hbm>>
      tpu.enqueue_indirect_dma source(%dma_start3A_154 : memref<3203072x16xf32, #tpu.memory_space<hbm>>) target(%dma_start3A_148 : memref<128x16xf32, #tpu.memory_space<vmem>>) offsets(%dma_start3A_151 : memref<128xi32, #tpu.memory_space<vmem>>) semaphore(%arg10 : memref<!tpu.dma_semaphore, #tpu.memory_space<semaphore_mem>>)
      %dma_start3A_155 = arith.constant 4 : i32
      %dma_start3A_156 = arith.constant 4 : i32
      %dma_start3A_157 = arith.constant 0 : i32
      %dma_start3A_158 = arith.constant 0 : i32
      %dma_start3A_159 = tpu.memref_slice %arg9[%dma_start3A_156, %dma_start3A_157, %dma_start3A_158] : memref<8x256x16xf32, #tpu.memory_space<vmem>> -> memref<1x128x16xf32, #tpu.memory_space<vmem>>
      %dma_start3A_160 = tpu.memref_squeeze %dma_start3A_159 : memref<1x128x16xf32, #tpu.memory_space<vmem>> -> memref<128x16xf32, #tpu.memory_space<vmem>>
      %dma_start3A_161 = arith.constant 0 : i32
      %dma_start3A_162 = tpu.memref_slice %arg8[%dma_start3A_155, %dma_start3A_161] : memref<8x256xi32, #tpu.memory_space<vmem>> -> memref<1x128xi32, #tpu.memory_space<vmem>>
      %dma_start3A_163 = tpu.memref_squeeze %dma_start3A_162 : memref<1x128xi32, #tpu.memory_space<vmem>> -> memref<128xi32, #tpu.memory_space<vmem>>
      %dma_start3A_164 = arith.constant 0 : i32
      %dma_start3A_165 = arith.constant 0 : i32
      %dma_start3A_166 = tpu.memref_slice %arg2[%dma_start3A_164, %dma_start3A_165] : memref<3203072x16xf32, #tpu.memory_space<hbm>> -> memref<3203072x16xf32, #tpu.memory_space<hbm>>
      tpu.enqueue_indirect_dma source(%dma_start3A_166 : memref<3203072x16xf32, #tpu.memory_space<hbm>>) target(%dma_start3A_160 : memref<128x16xf32, #tpu.memory_space<vmem>>) offsets(%dma_start3A_163 : memref<128xi32, #tpu.memory_space<vmem>>) semaphore(%arg10 : memref<!tpu.dma_semaphore, #tpu.memory_space<semaphore_mem>>)
      %dma_start3A_167 = arith.constant 4 : i32
      %dma_start3A_168 = arith.constant 4 : i32
      %dma_start3A_169 = arith.constant 128 : i32
      %dma_start3A_170 = arith.constant 0 : i32
      %dma_start3A_171 = tpu.memref_slice %arg9[%dma_start3A_168, %dma_start3A_169, %dma_start3A_170] : memref<8x256x16xf32, #tpu.memory_space<vmem>> -> memref<1x128x16xf32, #tpu.memory_space<vmem>>
      %dma_start3A_172 = tpu.memref_squeeze %dma_start3A_171 : memref<1x128x16xf32, #tpu.memory_space<vmem>> -> memref<128x16xf32, #tpu.memory_space<vmem>>
      %dma_start3A_173 = arith.constant 128 : i32
      %dma_start3A_174 = tpu.memref_slice %arg8[%dma_start3A_167, %dma_start3A_173] : memref<8x256xi32, #tpu.memory_space<vmem>> -> memref<1x128xi32, #tpu.memory_space<vmem>>
      %dma_start3A_175 = tpu.memref_squeeze %dma_start3A_174 : memref<1x128xi32, #tpu.memory_space<vmem>> -> memref<128xi32, #tpu.memory_space<vmem>>
      %dma_start3A_176 = arith.constant 0 : i32
      %dma_start3A_177 = arith.constant 0 : i32
      %dma_start3A_178 = tpu.memref_slice %arg2[%dma_start3A_176, %dma_start3A_177] : memref<3203072x16xf32, #tpu.memory_space<hbm>> -> memref<3203072x16xf32, #tpu.memory_space<hbm>>
      tpu.enqueue_indirect_dma source(%dma_start3A_178 : memref<3203072x16xf32, #tpu.memory_space<hbm>>) target(%dma_start3A_172 : memref<128x16xf32, #tpu.memory_space<vmem>>) offsets(%dma_start3A_175 : memref<128xi32, #tpu.memory_space<vmem>>) semaphore(%arg10 : memref<!tpu.dma_semaphore, #tpu.memory_space<semaphore_mem>>)
      %dma_start3A_179 = arith.constant 5 : i32
      %dma_start3A_180 = arith.constant 5 : i32
      %dma_start3A_181 = arith.constant 0 : i32
      %dma_start3A_182 = arith.constant 0 : i32
      %dma_start3A_183 = tpu.memref_slice %arg9[%dma_start3A_180, %dma_start3A_181, %dma_start3A_182] : memref<8x256x16xf32, #tpu.memory_space<vmem>> -> memref<1x128x16xf32, #tpu.memory_space<vmem>>
      %dma_start3A_184 = tpu.memref_squeeze %dma_start3A_183 : memref<1x128x16xf32, #tpu.memory_space<vmem>> -> memref<128x16xf32, #tpu.memory_space<vmem>>
      %dma_start3A_185 = arith.constant 0 : i32
      %dma_start3A_186 = tpu.memref_slice %arg8[%dma_start3A_179, %dma_start3A_185] : memref<8x256xi32, #tpu.memory_space<vmem>> -> memref<1x128xi32, #tpu.memory_space<vmem>>
      %dma_start3A_187 = tpu.memref_squeeze %dma_start3A_186 : memref<1x128xi32, #tpu.memory_space<vmem>> -> memref<128xi32, #tpu.memory_space<vmem>>
      %dma_start3A_188 = arith.constant 0 : i32
      %dma_start3A_189 = arith.constant 0 : i32
      %dma_start3A_190 = tpu.memref_slice %arg2[%dma_start3A_188, %dma_start3A_189] : memref<3203072x16xf32, #tpu.memory_space<hbm>> -> memref<3203072x16xf32, #tpu.memory_space<hbm>>
      tpu.enqueue_indirect_dma source(%dma_start3A_190 : memref<3203072x16xf32, #tpu.memory_space<hbm>>) target(%dma_start3A_184 : memref<128x16xf32, #tpu.memory_space<vmem>>) offsets(%dma_start3A_187 : memref<128xi32, #tpu.memory_space<vmem>>) semaphore(%arg10 : memref<!tpu.dma_semaphore, #tpu.memory_space<semaphore_mem>>)
      %dma_start3A_191 = arith.constant 5 : i32
      %dma_start3A_192 = arith.constant 5 : i32
      %dma_start3A_193 = arith.constant 128 : i32
      %dma_start3A_194 = arith.constant 0 : i32
      %dma_start3A_195 = tpu.memref_slice %arg9[%dma_start3A_192, %dma_start3A_193, %dma_start3A_194] : memref<8x256x16xf32, #tpu.memory_space<vmem>> -> memref<1x128x16xf32, #tpu.memory_space<vmem>>
      %dma_start3A_196 = tpu.memref_squeeze %dma_start3A_195 : memref<1x128x16xf32, #tpu.memory_space<vmem>> -> memref<128x16xf32, #tpu.memory_space<vmem>>
      %dma_start3A_197 = arith.constant 128 : i32
      %dma_start3A_198 = tpu.memref_slice %arg8[%dma_start3A_191, %dma_start3A_197] : memref<8x256xi32, #tpu.memory_space<vmem>> -> memref<1x128xi32, #tpu.memory_space<vmem>>
      %dma_start3A_199 = tpu.memref_squeeze %dma_start3A_198 : memref<1x128xi32, #tpu.memory_space<vmem>> -> memref<128xi32, #tpu.memory_space<vmem>>
      %dma_start3A_200 = arith.constant 0 : i32
      %dma_start3A_201 = arith.constant 0 : i32
      %dma_start3A_202 = tpu.memref_slice %arg2[%dma_start3A_200, %dma_start3A_201] : memref<3203072x16xf32, #tpu.memory_space<hbm>> -> memref<3203072x16xf32, #tpu.memory_space<hbm>>
      tpu.enqueue_indirect_dma source(%dma_start3A_202 : memref<3203072x16xf32, #tpu.memory_space<hbm>>) target(%dma_start3A_196 : memref<128x16xf32, #tpu.memory_space<vmem>>) offsets(%dma_start3A_199 : memref<128xi32, #tpu.memory_space<vmem>>) semaphore(%arg10 : memref<!tpu.dma_semaphore, #tpu.memory_space<semaphore_mem>>)
      %dma_start3A_203 = arith.constant 6 : i32
      %dma_start3A_204 = arith.constant 6 : i32
      %dma_start3A_205 = arith.constant 0 : i32
      %dma_start3A_206 = arith.constant 0 : i32
      %dma_start3A_207 = tpu.memref_slice %arg9[%dma_start3A_204, %dma_start3A_205, %dma_start3A_206] : memref<8x256x16xf32, #tpu.memory_space<vmem>> -> memref<1x128x16xf32, #tpu.memory_space<vmem>>
      %dma_start3A_208 = tpu.memref_squeeze %dma_start3A_207 : memref<1x128x16xf32, #tpu.memory_space<vmem>> -> memref<128x16xf32, #tpu.memory_space<vmem>>
      %dma_start3A_209 = arith.constant 0 : i32
      %dma_start3A_210 = tpu.memref_slice %arg8[%dma_start3A_203, %dma_start3A_209] : memref<8x256xi32, #tpu.memory_space<vmem>> -> memref<1x128xi32, #tpu.memory_space<vmem>>
      %dma_start3A_211 = tpu.memref_squeeze %dma_start3A_210 : memref<1x128xi32, #tpu.memory_space<vmem>> -> memref<128xi32, #tpu.memory_space<vmem>>
      %dma_start3A_212 = arith.constant 0 : i32
      %dma_start3A_213 = arith.constant 0 : i32
      %dma_start3A_214 = tpu.memref_slice %arg2[%dma_start3A_212, %dma_start3A_213] : memref<3203072x16xf32, #tpu.memory_space<hbm>> -> memref<3203072x16xf32, #tpu.memory_space<hbm>>
      tpu.enqueue_indirect_dma source(%dma_start3A_214 : memref<3203072x16xf32, #tpu.memory_space<hbm>>) target(%dma_start3A_208 : memref<128x16xf32, #tpu.memory_space<vmem>>) offsets(%dma_start3A_211 : memref<128xi32, #tpu.memory_space<vmem>>) semaphore(%arg10 : memref<!tpu.dma_semaphore, #tpu.memory_space<semaphore_mem>>)
      %dma_start3A_215 = arith.constant 6 : i32
      %dma_start3A_216 = arith.constant 6 : i32
      %dma_start3A_217 = arith.constant 128 : i32
      %dma_start3A_218 = arith.constant 0 : i32
      %dma_start3A_219 = tpu.memref_slice %arg9[%dma_start3A_216, %dma_start3A_217, %dma_start3A_218] : memref<8x256x16xf32, #tpu.memory_space<vmem>> -> memref<1x128x16xf32, #tpu.memory_space<vmem>>
      %dma_start3A_220 = tpu.memref_squeeze %dma_start3A_219 : memref<1x128x16xf32, #tpu.memory_space<vmem>> -> memref<128x16xf32, #tpu.memory_space<vmem>>
      %dma_start3A_221 = arith.constant 128 : i32
      %dma_start3A_222 = tpu.memref_slice %arg8[%dma_start3A_215, %dma_start3A_221] : memref<8x256xi32, #tpu.memory_space<vmem>> -> memref<1x128xi32, #tpu.memory_space<vmem>>
      %dma_start3A_223 = tpu.memref_squeeze %dma_start3A_222 : memref<1x128xi32, #tpu.memory_space<vmem>> -> memref<128xi32, #tpu.memory_space<vmem>>
      %dma_start3A_224 = arith.constant 0 : i32
      %dma_start3A_225 = arith.constant 0 : i32
      %dma_start3A_226 = tpu.memref_slice %arg2[%dma_start3A_224, %dma_start3A_225] : memref<3203072x16xf32, #tpu.memory_space<hbm>> -> memref<3203072x16xf32, #tpu.memory_space<hbm>>
      tpu.enqueue_indirect_dma source(%dma_start3A_226 : memref<3203072x16xf32, #tpu.memory_space<hbm>>) target(%dma_start3A_220 : memref<128x16xf32, #tpu.memory_space<vmem>>) offsets(%dma_start3A_223 : memref<128xi32, #tpu.memory_space<vmem>>) semaphore(%arg10 : memref<!tpu.dma_semaphore, #tpu.memory_space<semaphore_mem>>)
      %dma_start3A_227 = arith.constant 7 : i32
      %dma_start3A_228 = arith.constant 7 : i32
      %dma_start3A_229 = arith.constant 0 : i32
      %dma_start3A_230 = arith.constant 0 : i32
      %dma_start3A_231 = tpu.memref_slice %arg9[%dma_start3A_228, %dma_start3A_229, %dma_start3A_230] : memref<8x256x16xf32, #tpu.memory_space<vmem>> -> memref<1x128x16xf32, #tpu.memory_space<vmem>>
      %dma_start3A_232 = tpu.memref_squeeze %dma_start3A_231 : memref<1x128x16xf32, #tpu.memory_space<vmem>> -> memref<128x16xf32, #tpu.memory_space<vmem>>
      %dma_start3A_233 = arith.constant 0 : i32
      %dma_start3A_234 = tpu.memref_slice %arg8[%dma_start3A_227, %dma_start3A_233] : memref<8x256xi32, #tpu.memory_space<vmem>> -> memref<1x128xi32, #tpu.memory_space<vmem>>
      %dma_start3A_235 = tpu.memref_squeeze %dma_start3A_234 : memref<1x128xi32, #tpu.memory_space<vmem>> -> memref<128xi32, #tpu.memory_space<vmem>>
      %dma_start3A_236 = arith.constant 0 : i32
      %dma_start3A_237 = arith.constant 0 : i32
      %dma_start3A_238 = tpu.memref_slice %arg2[%dma_start3A_236, %dma_start3A_237] : memref<3203072x16xf32, #tpu.memory_space<hbm>> -> memref<3203072x16xf32, #tpu.memory_space<hbm>>
      tpu.enqueue_indirect_dma source(%dma_start3A_238 : memref<3203072x16xf32, #tpu.memory_space<hbm>>) target(%dma_start3A_232 : memref<128x16xf32, #tpu.memory_space<vmem>>) offsets(%dma_start3A_235 : memref<128xi32, #tpu.memory_space<vmem>>) semaphore(%arg10 : memref<!tpu.dma_semaphore, #tpu.memory_space<semaphore_mem>>)
      %dma_start3A_239 = arith.constant 7 : i32
      %dma_start3A_240 = arith.constant 7 : i32
      %dma_start3A_241 = arith.constant 128 : i32
      %dma_start3A_242 = arith.constant 0 : i32
      %dma_start3A_243 = tpu.memref_slice %arg9[%dma_start3A_240, %dma_start3A_241, %dma_start3A_242] : memref<8x256x16xf32, #tpu.memory_space<vmem>> -> memref<1x128x16xf32, #tpu.memory_space<vmem>>
      %dma_start3A_244 = tpu.memref_squeeze %dma_start3A_243 : memref<1x128x16xf32, #tpu.memory_space<vmem>> -> memref<128x16xf32, #tpu.memory_space<vmem>>
      %dma_start3A_245 = arith.constant 128 : i32
      %dma_start3A_246 = tpu.memref_slice %arg8[%dma_start3A_239, %dma_start3A_245] : memref<8x256xi32, #tpu.memory_space<vmem>> -> memref<1x128xi32, #tpu.memory_space<vmem>>
      %dma_start3A_247 = tpu.memref_squeeze %dma_start3A_246 : memref<1x128xi32, #tpu.memory_space<vmem>> -> memref<128xi32, #tpu.memory_space<vmem>>
      %dma_start3A_248 = arith.constant 0 : i32
      %dma_start3A_249 = arith.constant 0 : i32
      %dma_start3A_250 = tpu.memref_slice %arg2[%dma_start3A_248, %dma_start3A_249] : memref<3203072x16xf32, #tpu.memory_space<hbm>> -> memref<3203072x16xf32, #tpu.memory_space<hbm>>
      tpu.enqueue_indirect_dma source(%dma_start3A_250 : memref<3203072x16xf32, #tpu.memory_space<hbm>>) target(%dma_start3A_244 : memref<128x16xf32, #tpu.memory_space<vmem>>) offsets(%dma_start3A_247 : memref<128xi32, #tpu.memory_space<vmem>>) semaphore(%arg10 : memref<!tpu.dma_semaphore, #tpu.memory_space<semaphore_mem>>)
      %dma_wait3A = arith.constant 0 : i32
      %dma_wait3A_251 = arith.constant 0 : i32
      %dma_wait3A_252 = arith.constant 0 : i32
      %dma_wait3A_253 = arith.constant 0 : i32
      %dma_wait3A_254 = tpu.memref_slice %arg9[%dma_wait3A_251, %dma_wait3A_252, %dma_wait3A_253] : memref<8x256x16xf32, #tpu.memory_space<vmem>> -> memref<1x128x16xf32, #tpu.memory_space<vmem>>
      %dma_wait3A_255 = tpu.memref_squeeze %dma_wait3A_254 : memref<1x128x16xf32, #tpu.memory_space<vmem>> -> memref<128x16xf32, #tpu.memory_space<vmem>>
      %dma_wait3A_256 = arith.constant 0 : i32
      %dma_wait3A_257 = tpu.memref_slice %arg8[%dma_wait3A, %dma_wait3A_256] : memref<8x256xi32, #tpu.memory_space<vmem>> -> memref<1x128xi32, #tpu.memory_space<vmem>>
      %dma_wait3A_258 = tpu.memref_squeeze %dma_wait3A_257 : memref<1x128xi32, #tpu.memory_space<vmem>> -> memref<128xi32, #tpu.memory_space<vmem>>
      %dma_wait3A_259 = arith.constant 0 : i32
      %dma_wait3A_260 = arith.constant 0 : i32
      %dma_wait3A_261 = tpu.memref_slice %arg2[%dma_wait3A_259, %dma_wait3A_260] : memref<3203072x16xf32, #tpu.memory_space<hbm>> -> memref<3203072x16xf32, #tpu.memory_space<hbm>>
      tpu.wait_indirect_dma semaphore(%arg10 : memref<!tpu.dma_semaphore, #tpu.memory_space<semaphore_mem>>) src(%dma_wait3A_261 : memref<3203072x16xf32, #tpu.memory_space<hbm>>) dst(%dma_wait3A_255 : memref<128x16xf32, #tpu.memory_space<vmem>>)
      %dma_wait3A_262 = arith.constant 0 : i32
      %dma_wait3A_263 = arith.constant 0 : i32
      %dma_wait3A_264 = arith.constant 128 : i32
      %dma_wait3A_265 = arith.constant 0 : i32
      %dma_wait3A_266 = tpu.memref_slice %arg9[%dma_wait3A_263, %dma_wait3A_264, %dma_wait3A_265] : memref<8x256x16xf32, #tpu.memory_space<vmem>> -> memref<1x128x16xf32, #tpu.memory_space<vmem>>
      %dma_wait3A_267 = tpu.memref_squeeze %dma_wait3A_266 : memref<1x128x16xf32, #tpu.memory_space<vmem>> -> memref<128x16xf32, #tpu.memory_space<vmem>>
      %dma_wait3A_268 = arith.constant 128 : i32
      %dma_wait3A_269 = tpu.memref_slice %arg8[%dma_wait3A_262, %dma_wait3A_268] : memref<8x256xi32, #tpu.memory_space<vmem>> -> memref<1x128xi32, #tpu.memory_space<vmem>>
      %dma_wait3A_270 = tpu.memref_squeeze %dma_wait3A_269 : memref<1x128xi32, #tpu.memory_space<vmem>> -> memref<128xi32, #tpu.memory_space<vmem>>
      %dma_wait3A_271 = arith.constant 0 : i32
      %dma_wait3A_272 = arith.constant 0 : i32
      %dma_wait3A_273 = tpu.memref_slice %arg2[%dma_wait3A_271, %dma_wait3A_272] : memref<3203072x16xf32, #tpu.memory_space<hbm>> -> memref<3203072x16xf32, #tpu.memory_space<hbm>>
      tpu.wait_indirect_dma semaphore(%arg10 : memref<!tpu.dma_semaphore, #tpu.memory_space<semaphore_mem>>) src(%dma_wait3A_273 : memref<3203072x16xf32, #tpu.memory_space<hbm>>) dst(%dma_wait3A_267 : memref<128x16xf32, #tpu.memory_space<vmem>>)
      %dma_wait3A_274 = arith.constant 1 : i32
      %dma_wait3A_275 = arith.constant 1 : i32
      %dma_wait3A_276 = arith.constant 0 : i32
      %dma_wait3A_277 = arith.constant 0 : i32
      %dma_wait3A_278 = tpu.memref_slice %arg9[%dma_wait3A_275, %dma_wait3A_276, %dma_wait3A_277] : memref<8x256x16xf32, #tpu.memory_space<vmem>> -> memref<1x128x16xf32, #tpu.memory_space<vmem>>
      %dma_wait3A_279 = tpu.memref_squeeze %dma_wait3A_278 : memref<1x128x16xf32, #tpu.memory_space<vmem>> -> memref<128x16xf32, #tpu.memory_space<vmem>>
      %dma_wait3A_280 = arith.constant 0 : i32
      %dma_wait3A_281 = tpu.memref_slice %arg8[%dma_wait3A_274, %dma_wait3A_280] : memref<8x256xi32, #tpu.memory_space<vmem>> -> memref<1x128xi32, #tpu.memory_space<vmem>>
      %dma_wait3A_282 = tpu.memref_squeeze %dma_wait3A_281 : memref<1x128xi32, #tpu.memory_space<vmem>> -> memref<128xi32, #tpu.memory_space<vmem>>
      %dma_wait3A_283 = arith.constant 0 : i32
      %dma_wait3A_284 = arith.constant 0 : i32
      %dma_wait3A_285 = tpu.memref_slice %arg2[%dma_wait3A_283, %dma_wait3A_284] : memref<3203072x16xf32, #tpu.memory_space<hbm>> -> memref<3203072x16xf32, #tpu.memory_space<hbm>>
      tpu.wait_indirect_dma semaphore(%arg10 : memref<!tpu.dma_semaphore, #tpu.memory_space<semaphore_mem>>) src(%dma_wait3A_285 : memref<3203072x16xf32, #tpu.memory_space<hbm>>) dst(%dma_wait3A_279 : memref<128x16xf32, #tpu.memory_space<vmem>>)
      %dma_wait3A_286 = arith.constant 1 : i32
      %dma_wait3A_287 = arith.constant 1 : i32
      %dma_wait3A_288 = arith.constant 128 : i32
      %dma_wait3A_289 = arith.constant 0 : i32
      %dma_wait3A_290 = tpu.memref_slice %arg9[%dma_wait3A_287, %dma_wait3A_288, %dma_wait3A_289] : memref<8x256x16xf32, #tpu.memory_space<vmem>> -> memref<1x128x16xf32, #tpu.memory_space<vmem>>
      %dma_wait3A_291 = tpu.memref_squeeze %dma_wait3A_290 : memref<1x128x16xf32, #tpu.memory_space<vmem>> -> memref<128x16xf32, #tpu.memory_space<vmem>>
      %dma_wait3A_292 = arith.constant 128 : i32
      %dma_wait3A_293 = tpu.memref_slice %arg8[%dma_wait3A_286, %dma_wait3A_292] : memref<8x256xi32, #tpu.memory_space<vmem>> -> memref<1x128xi32, #tpu.memory_space<vmem>>
      %dma_wait3A_294 = tpu.memref_squeeze %dma_wait3A_293 : memref<1x128xi32, #tpu.memory_space<vmem>> -> memref<128xi32, #tpu.memory_space<vmem>>
      %dma_wait3A_295 = arith.constant 0 : i32
      %dma_wait3A_296 = arith.constant 0 : i32
      %dma_wait3A_297 = tpu.memref_slice %arg2[%dma_wait3A_295, %dma_wait3A_296] : memref<3203072x16xf32, #tpu.memory_space<hbm>> -> memref<3203072x16xf32, #tpu.memory_space<hbm>>
      tpu.wait_indirect_dma semaphore(%arg10 : memref<!tpu.dma_semaphore, #tpu.memory_space<semaphore_mem>>) src(%dma_wait3A_297 : memref<3203072x16xf32, #tpu.memory_space<hbm>>) dst(%dma_wait3A_291 : memref<128x16xf32, #tpu.memory_space<vmem>>)
      %dma_wait3A_298 = arith.constant 2 : i32
      %dma_wait3A_299 = arith.constant 2 : i32
      %dma_wait3A_300 = arith.constant 0 : i32
      %dma_wait3A_301 = arith.constant 0 : i32
      %dma_wait3A_302 = tpu.memref_slice %arg9[%dma_wait3A_299, %dma_wait3A_300, %dma_wait3A_301] : memref<8x256x16xf32, #tpu.memory_space<vmem>> -> memref<1x128x16xf32, #tpu.memory_space<vmem>>
      %dma_wait3A_303 = tpu.memref_squeeze %dma_wait3A_302 : memref<1x128x16xf32, #tpu.memory_space<vmem>> -> memref<128x16xf32, #tpu.memory_space<vmem>>
      %dma_wait3A_304 = arith.constant 0 : i32
      %dma_wait3A_305 = tpu.memref_slice %arg8[%dma_wait3A_298, %dma_wait3A_304] : memref<8x256xi32, #tpu.memory_space<vmem>> -> memref<1x128xi32, #tpu.memory_space<vmem>>
      %dma_wait3A_306 = tpu.memref_squeeze %dma_wait3A_305 : memref<1x128xi32, #tpu.memory_space<vmem>> -> memref<128xi32, #tpu.memory_space<vmem>>
      %dma_wait3A_307 = arith.constant 0 : i32
      %dma_wait3A_308 = arith.constant 0 : i32
      %dma_wait3A_309 = tpu.memref_slice %arg2[%dma_wait3A_307, %dma_wait3A_308] : memref<3203072x16xf32, #tpu.memory_space<hbm>> -> memref<3203072x16xf32, #tpu.memory_space<hbm>>
      tpu.wait_indirect_dma semaphore(%arg10 : memref<!tpu.dma_semaphore, #tpu.memory_space<semaphore_mem>>) src(%dma_wait3A_309 : memref<3203072x16xf32, #tpu.memory_space<hbm>>) dst(%dma_wait3A_303 : memref<128x16xf32, #tpu.memory_space<vmem>>)
      %dma_wait3A_310 = arith.constant 2 : i32
      %dma_wait3A_311 = arith.constant 2 : i32
      %dma_wait3A_312 = arith.constant 128 : i32
      %dma_wait3A_313 = arith.constant 0 : i32
      %dma_wait3A_314 = tpu.memref_slice %arg9[%dma_wait3A_311, %dma_wait3A_312, %dma_wait3A_313] : memref<8x256x16xf32, #tpu.memory_space<vmem>> -> memref<1x128x16xf32, #tpu.memory_space<vmem>>
      %dma_wait3A_315 = tpu.memref_squeeze %dma_wait3A_314 : memref<1x128x16xf32, #tpu.memory_space<vmem>> -> memref<128x16xf32, #tpu.memory_space<vmem>>
      %dma_wait3A_316 = arith.constant 128 : i32
      %dma_wait3A_317 = tpu.memref_slice %arg8[%dma_wait3A_310, %dma_wait3A_316] : memref<8x256xi32, #tpu.memory_space<vmem>> -> memref<1x128xi32, #tpu.memory_space<vmem>>
      %dma_wait3A_318 = tpu.memref_squeeze %dma_wait3A_317 : memref<1x128xi32, #tpu.memory_space<vmem>> -> memref<128xi32, #tpu.memory_space<vmem>>
      %dma_wait3A_319 = arith.constant 0 : i32
      %dma_wait3A_320 = arith.constant 0 : i32
      %dma_wait3A_321 = tpu.memref_slice %arg2[%dma_wait3A_319, %dma_wait3A_320] : memref<3203072x16xf32, #tpu.memory_space<hbm>> -> memref<3203072x16xf32, #tpu.memory_space<hbm>>
      tpu.wait_indirect_dma semaphore(%arg10 : memref<!tpu.dma_semaphore, #tpu.memory_space<semaphore_mem>>) src(%dma_wait3A_321 : memref<3203072x16xf32, #tpu.memory_space<hbm>>) dst(%dma_wait3A_315 : memref<128x16xf32, #tpu.memory_space<vmem>>)
      %dma_wait3A_322 = arith.constant 3 : i32
      %dma_wait3A_323 = arith.constant 3 : i32
      %dma_wait3A_324 = arith.constant 0 : i32
      %dma_wait3A_325 = arith.constant 0 : i32
      %dma_wait3A_326 = tpu.memref_slice %arg9[%dma_wait3A_323, %dma_wait3A_324, %dma_wait3A_325] : memref<8x256x16xf32, #tpu.memory_space<vmem>> -> memref<1x128x16xf32, #tpu.memory_space<vmem>>
      %dma_wait3A_327 = tpu.memref_squeeze %dma_wait3A_326 : memref<1x128x16xf32, #tpu.memory_space<vmem>> -> memref<128x16xf32, #tpu.memory_space<vmem>>
      %dma_wait3A_328 = arith.constant 0 : i32
      %dma_wait3A_329 = tpu.memref_slice %arg8[%dma_wait3A_322, %dma_wait3A_328] : memref<8x256xi32, #tpu.memory_space<vmem>> -> memref<1x128xi32, #tpu.memory_space<vmem>>
      %dma_wait3A_330 = tpu.memref_squeeze %dma_wait3A_329 : memref<1x128xi32, #tpu.memory_space<vmem>> -> memref<128xi32, #tpu.memory_space<vmem>>
      %dma_wait3A_331 = arith.constant 0 : i32
      %dma_wait3A_332 = arith.constant 0 : i32
      %dma_wait3A_333 = tpu.memref_slice %arg2[%dma_wait3A_331, %dma_wait3A_332] : memref<3203072x16xf32, #tpu.memory_space<hbm>> -> memref<3203072x16xf32, #tpu.memory_space<hbm>>
      tpu.wait_indirect_dma semaphore(%arg10 : memref<!tpu.dma_semaphore, #tpu.memory_space<semaphore_mem>>) src(%dma_wait3A_333 : memref<3203072x16xf32, #tpu.memory_space<hbm>>) dst(%dma_wait3A_327 : memref<128x16xf32, #tpu.memory_space<vmem>>)
      %dma_wait3A_334 = arith.constant 3 : i32
      %dma_wait3A_335 = arith.constant 3 : i32
      %dma_wait3A_336 = arith.constant 128 : i32
      %dma_wait3A_337 = arith.constant 0 : i32
      %dma_wait3A_338 = tpu.memref_slice %arg9[%dma_wait3A_335, %dma_wait3A_336, %dma_wait3A_337] : memref<8x256x16xf32, #tpu.memory_space<vmem>> -> memref<1x128x16xf32, #tpu.memory_space<vmem>>
      %dma_wait3A_339 = tpu.memref_squeeze %dma_wait3A_338 : memref<1x128x16xf32, #tpu.memory_space<vmem>> -> memref<128x16xf32, #tpu.memory_space<vmem>>
      %dma_wait3A_340 = arith.constant 128 : i32
      %dma_wait3A_341 = tpu.memref_slice %arg8[%dma_wait3A_334, %dma_wait3A_340] : memref<8x256xi32, #tpu.memory_space<vmem>> -> memref<1x128xi32, #tpu.memory_space<vmem>>
      %dma_wait3A_342 = tpu.memref_squeeze %dma_wait3A_341 : memref<1x128xi32, #tpu.memory_space<vmem>> -> memref<128xi32, #tpu.memory_space<vmem>>
      %dma_wait3A_343 = arith.constant 0 : i32
      %dma_wait3A_344 = arith.constant 0 : i32
      %dma_wait3A_345 = tpu.memref_slice %arg2[%dma_wait3A_343, %dma_wait3A_344] : memref<3203072x16xf32, #tpu.memory_space<hbm>> -> memref<3203072x16xf32, #tpu.memory_space<hbm>>
      tpu.wait_indirect_dma semaphore(%arg10 : memref<!tpu.dma_semaphore, #tpu.memory_space<semaphore_mem>>) src(%dma_wait3A_345 : memref<3203072x16xf32, #tpu.memory_space<hbm>>) dst(%dma_wait3A_339 : memref<128x16xf32, #tpu.memory_space<vmem>>)
      %dma_wait3A_346 = arith.constant 4 : i32
      %dma_wait3A_347 = arith.constant 4 : i32
      %dma_wait3A_348 = arith.constant 0 : i32
      %dma_wait3A_349 = arith.constant 0 : i32
      %dma_wait3A_350 = tpu.memref_slice %arg9[%dma_wait3A_347, %dma_wait3A_348, %dma_wait3A_349] : memref<8x256x16xf32, #tpu.memory_space<vmem>> -> memref<1x128x16xf32, #tpu.memory_space<vmem>>
      %dma_wait3A_351 = tpu.memref_squeeze %dma_wait3A_350 : memref<1x128x16xf32, #tpu.memory_space<vmem>> -> memref<128x16xf32, #tpu.memory_space<vmem>>
      %dma_wait3A_352 = arith.constant 0 : i32
      %dma_wait3A_353 = tpu.memref_slice %arg8[%dma_wait3A_346, %dma_wait3A_352] : memref<8x256xi32, #tpu.memory_space<vmem>> -> memref<1x128xi32, #tpu.memory_space<vmem>>
      %dma_wait3A_354 = tpu.memref_squeeze %dma_wait3A_353 : memref<1x128xi32, #tpu.memory_space<vmem>> -> memref<128xi32, #tpu.memory_space<vmem>>
      %dma_wait3A_355 = arith.constant 0 : i32
      %dma_wait3A_356 = arith.constant 0 : i32
      %dma_wait3A_357 = tpu.memref_slice %arg2[%dma_wait3A_355, %dma_wait3A_356] : memref<3203072x16xf32, #tpu.memory_space<hbm>> -> memref<3203072x16xf32, #tpu.memory_space<hbm>>
      tpu.wait_indirect_dma semaphore(%arg10 : memref<!tpu.dma_semaphore, #tpu.memory_space<semaphore_mem>>) src(%dma_wait3A_357 : memref<3203072x16xf32, #tpu.memory_space<hbm>>) dst(%dma_wait3A_351 : memref<128x16xf32, #tpu.memory_space<vmem>>)
      %dma_wait3A_358 = arith.constant 4 : i32
      %dma_wait3A_359 = arith.constant 4 : i32
      %dma_wait3A_360 = arith.constant 128 : i32
      %dma_wait3A_361 = arith.constant 0 : i32
      %dma_wait3A_362 = tpu.memref_slice %arg9[%dma_wait3A_359, %dma_wait3A_360, %dma_wait3A_361] : memref<8x256x16xf32, #tpu.memory_space<vmem>> -> memref<1x128x16xf32, #tpu.memory_space<vmem>>
      %dma_wait3A_363 = tpu.memref_squeeze %dma_wait3A_362 : memref<1x128x16xf32, #tpu.memory_space<vmem>> -> memref<128x16xf32, #tpu.memory_space<vmem>>
      %dma_wait3A_364 = arith.constant 128 : i32
      %dma_wait3A_365 = tpu.memref_slice %arg8[%dma_wait3A_358, %dma_wait3A_364] : memref<8x256xi32, #tpu.memory_space<vmem>> -> memref<1x128xi32, #tpu.memory_space<vmem>>
      %dma_wait3A_366 = tpu.memref_squeeze %dma_wait3A_365 : memref<1x128xi32, #tpu.memory_space<vmem>> -> memref<128xi32, #tpu.memory_space<vmem>>
      %dma_wait3A_367 = arith.constant 0 : i32
      %dma_wait3A_368 = arith.constant 0 : i32
      %dma_wait3A_369 = tpu.memref_slice %arg2[%dma_wait3A_367, %dma_wait3A_368] : memref<3203072x16xf32, #tpu.memory_space<hbm>> -> memref<3203072x16xf32, #tpu.memory_space<hbm>>
      tpu.wait_indirect_dma semaphore(%arg10 : memref<!tpu.dma_semaphore, #tpu.memory_space<semaphore_mem>>) src(%dma_wait3A_369 : memref<3203072x16xf32, #tpu.memory_space<hbm>>) dst(%dma_wait3A_363 : memref<128x16xf32, #tpu.memory_space<vmem>>)
      %dma_wait3A_370 = arith.constant 5 : i32
      %dma_wait3A_371 = arith.constant 5 : i32
      %dma_wait3A_372 = arith.constant 0 : i32
      %dma_wait3A_373 = arith.constant 0 : i32
      %dma_wait3A_374 = tpu.memref_slice %arg9[%dma_wait3A_371, %dma_wait3A_372, %dma_wait3A_373] : memref<8x256x16xf32, #tpu.memory_space<vmem>> -> memref<1x128x16xf32, #tpu.memory_space<vmem>>
      %dma_wait3A_375 = tpu.memref_squeeze %dma_wait3A_374 : memref<1x128x16xf32, #tpu.memory_space<vmem>> -> memref<128x16xf32, #tpu.memory_space<vmem>>
      %dma_wait3A_376 = arith.constant 0 : i32
      %dma_wait3A_377 = tpu.memref_slice %arg8[%dma_wait3A_370, %dma_wait3A_376] : memref<8x256xi32, #tpu.memory_space<vmem>> -> memref<1x128xi32, #tpu.memory_space<vmem>>
      %dma_wait3A_378 = tpu.memref_squeeze %dma_wait3A_377 : memref<1x128xi32, #tpu.memory_space<vmem>> -> memref<128xi32, #tpu.memory_space<vmem>>
      %dma_wait3A_379 = arith.constant 0 : i32
      %dma_wait3A_380 = arith.constant 0 : i32
      %dma_wait3A_381 = tpu.memref_slice %arg2[%dma_wait3A_379, %dma_wait3A_380] : memref<3203072x16xf32, #tpu.memory_space<hbm>> -> memref<3203072x16xf32, #tpu.memory_space<hbm>>
      tpu.wait_indirect_dma semaphore(%arg10 : memref<!tpu.dma_semaphore, #tpu.memory_space<semaphore_mem>>) src(%dma_wait3A_381 : memref<3203072x16xf32, #tpu.memory_space<hbm>>) dst(%dma_wait3A_375 : memref<128x16xf32, #tpu.memory_space<vmem>>)
      %dma_wait3A_382 = arith.constant 5 : i32
      %dma_wait3A_383 = arith.constant 5 : i32
      %dma_wait3A_384 = arith.constant 128 : i32
      %dma_wait3A_385 = arith.constant 0 : i32
      %dma_wait3A_386 = tpu.memref_slice %arg9[%dma_wait3A_383, %dma_wait3A_384, %dma_wait3A_385] : memref<8x256x16xf32, #tpu.memory_space<vmem>> -> memref<1x128x16xf32, #tpu.memory_space<vmem>>
      %dma_wait3A_387 = tpu.memref_squeeze %dma_wait3A_386 : memref<1x128x16xf32, #tpu.memory_space<vmem>> -> memref<128x16xf32, #tpu.memory_space<vmem>>
      %dma_wait3A_388 = arith.constant 128 : i32
      %dma_wait3A_389 = tpu.memref_slice %arg8[%dma_wait3A_382, %dma_wait3A_388] : memref<8x256xi32, #tpu.memory_space<vmem>> -> memref<1x128xi32, #tpu.memory_space<vmem>>
      %dma_wait3A_390 = tpu.memref_squeeze %dma_wait3A_389 : memref<1x128xi32, #tpu.memory_space<vmem>> -> memref<128xi32, #tpu.memory_space<vmem>>
      %dma_wait3A_391 = arith.constant 0 : i32
      %dma_wait3A_392 = arith.constant 0 : i32
      %dma_wait3A_393 = tpu.memref_slice %arg2[%dma_wait3A_391, %dma_wait3A_392] : memref<3203072x16xf32, #tpu.memory_space<hbm>> -> memref<3203072x16xf32, #tpu.memory_space<hbm>>
      tpu.wait_indirect_dma semaphore(%arg10 : memref<!tpu.dma_semaphore, #tpu.memory_space<semaphore_mem>>) src(%dma_wait3A_393 : memref<3203072x16xf32, #tpu.memory_space<hbm>>) dst(%dma_wait3A_387 : memref<128x16xf32, #tpu.memory_space<vmem>>)
      %dma_wait3A_394 = arith.constant 6 : i32
      %dma_wait3A_395 = arith.constant 6 : i32
      %dma_wait3A_396 = arith.constant 0 : i32
      %dma_wait3A_397 = arith.constant 0 : i32
      %dma_wait3A_398 = tpu.memref_slice %arg9[%dma_wait3A_395, %dma_wait3A_396, %dma_wait3A_397] : memref<8x256x16xf32, #tpu.memory_space<vmem>> -> memref<1x128x16xf32, #tpu.memory_space<vmem>>
      %dma_wait3A_399 = tpu.memref_squeeze %dma_wait3A_398 : memref<1x128x16xf32, #tpu.memory_space<vmem>> -> memref<128x16xf32, #tpu.memory_space<vmem>>
      %dma_wait3A_400 = arith.constant 0 : i32
      %dma_wait3A_401 = tpu.memref_slice %arg8[%dma_wait3A_394, %dma_wait3A_400] : memref<8x256xi32, #tpu.memory_space<vmem>> -> memref<1x128xi32, #tpu.memory_space<vmem>>
      %dma_wait3A_402 = tpu.memref_squeeze %dma_wait3A_401 : memref<1x128xi32, #tpu.memory_space<vmem>> -> memref<128xi32, #tpu.memory_space<vmem>>
      %dma_wait3A_403 = arith.constant 0 : i32
      %dma_wait3A_404 = arith.constant 0 : i32
      %dma_wait3A_405 = tpu.memref_slice %arg2[%dma_wait3A_403, %dma_wait3A_404] : memref<3203072x16xf32, #tpu.memory_space<hbm>> -> memref<3203072x16xf32, #tpu.memory_space<hbm>>
      tpu.wait_indirect_dma semaphore(%arg10 : memref<!tpu.dma_semaphore, #tpu.memory_space<semaphore_mem>>) src(%dma_wait3A_405 : memref<3203072x16xf32, #tpu.memory_space<hbm>>) dst(%dma_wait3A_399 : memref<128x16xf32, #tpu.memory_space<vmem>>)
      %dma_wait3A_406 = arith.constant 6 : i32
      %dma_wait3A_407 = arith.constant 6 : i32
      %dma_wait3A_408 = arith.constant 128 : i32
      %dma_wait3A_409 = arith.constant 0 : i32
      %dma_wait3A_410 = tpu.memref_slice %arg9[%dma_wait3A_407, %dma_wait3A_408, %dma_wait3A_409] : memref<8x256x16xf32, #tpu.memory_space<vmem>> -> memref<1x128x16xf32, #tpu.memory_space<vmem>>
      %dma_wait3A_411 = tpu.memref_squeeze %dma_wait3A_410 : memref<1x128x16xf32, #tpu.memory_space<vmem>> -> memref<128x16xf32, #tpu.memory_space<vmem>>
      %dma_wait3A_412 = arith.constant 128 : i32
      %dma_wait3A_413 = tpu.memref_slice %arg8[%dma_wait3A_406, %dma_wait3A_412] : memref<8x256xi32, #tpu.memory_space<vmem>> -> memref<1x128xi32, #tpu.memory_space<vmem>>
      %dma_wait3A_414 = tpu.memref_squeeze %dma_wait3A_413 : memref<1x128xi32, #tpu.memory_space<vmem>> -> memref<128xi32, #tpu.memory_space<vmem>>
      %dma_wait3A_415 = arith.constant 0 : i32
      %dma_wait3A_416 = arith.constant 0 : i32
      %dma_wait3A_417 = tpu.memref_slice %arg2[%dma_wait3A_415, %dma_wait3A_416] : memref<3203072x16xf32, #tpu.memory_space<hbm>> -> memref<3203072x16xf32, #tpu.memory_space<hbm>>
      tpu.wait_indirect_dma semaphore(%arg10 : memref<!tpu.dma_semaphore, #tpu.memory_space<semaphore_mem>>) src(%dma_wait3A_417 : memref<3203072x16xf32, #tpu.memory_space<hbm>>) dst(%dma_wait3A_411 : memref<128x16xf32, #tpu.memory_space<vmem>>)
      %dma_wait3A_418 = arith.constant 7 : i32
      %dma_wait3A_419 = arith.constant 7 : i32
      %dma_wait3A_420 = arith.constant 0 : i32
      %dma_wait3A_421 = arith.constant 0 : i32
      %dma_wait3A_422 = tpu.memref_slice %arg9[%dma_wait3A_419, %dma_wait3A_420, %dma_wait3A_421] : memref<8x256x16xf32, #tpu.memory_space<vmem>> -> memref<1x128x16xf32, #tpu.memory_space<vmem>>
      %dma_wait3A_423 = tpu.memref_squeeze %dma_wait3A_422 : memref<1x128x16xf32, #tpu.memory_space<vmem>> -> memref<128x16xf32, #tpu.memory_space<vmem>>
      %dma_wait3A_424 = arith.constant 0 : i32
      %dma_wait3A_425 = tpu.memref_slice %arg8[%dma_wait3A_418, %dma_wait3A_424] : memref<8x256xi32, #tpu.memory_space<vmem>> -> memref<1x128xi32, #tpu.memory_space<vmem>>
      %dma_wait3A_426 = tpu.memref_squeeze %dma_wait3A_425 : memref<1x128xi32, #tpu.memory_space<vmem>> -> memref<128xi32, #tpu.memory_space<vmem>>
      %dma_wait3A_427 = arith.constant 0 : i32
      %dma_wait3A_428 = arith.constant 0 : i32
      %dma_wait3A_429 = tpu.memref_slice %arg2[%dma_wait3A_427, %dma_wait3A_428] : memref<3203072x16xf32, #tpu.memory_space<hbm>> -> memref<3203072x16xf32, #tpu.memory_space<hbm>>
      tpu.wait_indirect_dma semaphore(%arg10 : memref<!tpu.dma_semaphore, #tpu.memory_space<semaphore_mem>>) src(%dma_wait3A_429 : memref<3203072x16xf32, #tpu.memory_space<hbm>>) dst(%dma_wait3A_423 : memref<128x16xf32, #tpu.memory_space<vmem>>)
      %dma_wait3A_430 = arith.constant 7 : i32
      %dma_wait3A_431 = arith.constant 7 : i32
      %dma_wait3A_432 = arith.constant 128 : i32
      %dma_wait3A_433 = arith.constant 0 : i32
      %dma_wait3A_434 = tpu.memref_slice %arg9[%dma_wait3A_431, %dma_wait3A_432, %dma_wait3A_433] : memref<8x256x16xf32, #tpu.memory_space<vmem>> -> memref<1x128x16xf32, #tpu.memory_space<vmem>>
      %dma_wait3A_435 = tpu.memref_squeeze %dma_wait3A_434 : memref<1x128x16xf32, #tpu.memory_space<vmem>> -> memref<128x16xf32, #tpu.memory_space<vmem>>
      %dma_wait3A_436 = arith.constant 128 : i32
      %dma_wait3A_437 = tpu.memref_slice %arg8[%dma_wait3A_430, %dma_wait3A_436] : memref<8x256xi32, #tpu.memory_space<vmem>> -> memref<1x128xi32, #tpu.memory_space<vmem>>
      %dma_wait3A_438 = tpu.memref_squeeze %dma_wait3A_437 : memref<1x128xi32, #tpu.memory_space<vmem>> -> memref<128xi32, #tpu.memory_space<vmem>>
      %dma_wait3A_439 = arith.constant 0 : i32
      %dma_wait3A_440 = arith.constant 0 : i32
      %dma_wait3A_441 = tpu.memref_slice %arg2[%dma_wait3A_439, %dma_wait3A_440] : memref<3203072x16xf32, #tpu.memory_space<hbm>> -> memref<3203072x16xf32, #tpu.memory_space<hbm>>
      tpu.wait_indirect_dma semaphore(%arg10 : memref<!tpu.dma_semaphore, #tpu.memory_space<semaphore_mem>>) src(%dma_wait3A_441 : memref<3203072x16xf32, #tpu.memory_space<hbm>>) dst(%dma_wait3A_435 : memref<128x16xf32, #tpu.memory_space<vmem>>)
      %run_scoped3A = arith.constant 0 : i32
      "tpu.region"() ({
        %run_scoped3A_449 = tpu.sem_alloc : memref<!tpu.dma_semaphore, #tpu.memory_space<semaphore_mem>>
        %dma_start3A_450 = arith.constant 0 : i32
        %dma_start3A_451 = arith.constant 0 : i32
        %dma_start3A_452 = tpu.memref_slice %arg9[%run_scoped3A, %dma_start3A_450, %dma_start3A_451] : memref<8x256x16xf32, #tpu.memory_space<vmem>> -> memref<1x256x16xf32, #tpu.memory_space<vmem>>
        %dma_start3A_453 = tpu.memref_squeeze %dma_start3A_452 : memref<1x256x16xf32, #tpu.memory_space<vmem>> -> memref<256x16xf32, #tpu.memory_space<vmem>>
        %dma_start3A_454 = arith.constant 0 : i32
        %dma_start3A_455 = tpu.memref_slice %arg6[%add3A_29, %dma_start3A_454] : memref<81920x128xf32, #tpu.memory_space<hbm>> -> memref<256x16xf32, #tpu.memory_space<hbm>>
        %dma_start3A_456 = arith.constant 0 : i32
        %dma_start3A_457 = tpu.memref_slice %arg6[%add3A_29, %dma_start3A_456] : memref<81920x128xf32, #tpu.memory_space<hbm>> -> memref<256x16xf32, #tpu.memory_space<hbm>>
        %dma_start3A_458 = arith.constant 0 : i32
        %dma_start3A_459 = arith.constant 0 : i32
        %dma_start3A_460 = tpu.memref_slice %arg9[%run_scoped3A, %dma_start3A_458, %dma_start3A_459] : memref<8x256x16xf32, #tpu.memory_space<vmem>> -> memref<1x256x16xf32, #tpu.memory_space<vmem>>
        %dma_start3A_461 = tpu.memref_squeeze %dma_start3A_460 : memref<1x256x16xf32, #tpu.memory_space<vmem>> -> memref<256x16xf32, #tpu.memory_space<vmem>>
        tpu.enqueue_dma source(%dma_start3A_461 : memref<256x16xf32, #tpu.memory_space<vmem>>) target(%dma_start3A_457 : memref<256x16xf32, #tpu.memory_space<hbm>>) target_semaphore(%run_scoped3A_449 : memref<!tpu.dma_semaphore, #tpu.memory_space<semaphore_mem>>)
        %dma_wait3A_462 = arith.constant 0 : i32
        %dma_wait3A_463 = arith.constant 0 : i32
        %dma_wait3A_464 = tpu.memref_slice %arg9[%run_scoped3A, %dma_wait3A_462, %dma_wait3A_463] : memref<8x256x16xf32, #tpu.memory_space<vmem>> -> memref<1x256x16xf32, #tpu.memory_space<vmem>>
        %dma_wait3A_465 = tpu.memref_squeeze %dma_wait3A_464 : memref<1x256x16xf32, #tpu.memory_space<vmem>> -> memref<256x16xf32, #tpu.memory_space<vmem>>
        %dma_wait3A_466 = arith.constant 0 : i32
        %dma_wait3A_467 = tpu.memref_slice %arg6[%add3A_29, %dma_wait3A_466] : memref<81920x128xf32, #tpu.memory_space<hbm>> -> memref<256x16xf32, #tpu.memory_space<hbm>>
        %dma_wait3A_468 = arith.constant 0 : i32
        %dma_wait3A_469 = tpu.memref_slice %arg6[%add3A_29, %dma_wait3A_468] : memref<81920x128xf32, #tpu.memory_space<hbm>> -> memref<256x16xf32, #tpu.memory_space<hbm>>
        %dma_wait3A_470 = arith.constant 0 : i32
        %dma_wait3A_471 = arith.constant 0 : i32
        %dma_wait3A_472 = tpu.memref_slice %arg9[%run_scoped3A, %dma_wait3A_470, %dma_wait3A_471] : memref<8x256x16xf32, #tpu.memory_space<vmem>> -> memref<1x256x16xf32, #tpu.memory_space<vmem>>
        %dma_wait3A_473 = tpu.memref_squeeze %dma_wait3A_472 : memref<1x256x16xf32, #tpu.memory_space<vmem>> -> memref<256x16xf32, #tpu.memory_space<vmem>>
        tpu.wait_dma2 semaphore(%run_scoped3A_449 : memref<!tpu.dma_semaphore, #tpu.memory_space<semaphore_mem>>) src(%dma_wait3A_473 : memref<256x16xf32, #tpu.memory_space<vmem>>) dst(%dma_wait3A_469 : memref<256x16xf32, #tpu.memory_space<hbm>>)
        tpu.yield
      }) : () -> ()
      %run_scoped3A_442 = arith.constant 1 : i32
      "tpu.region"() ({
        %run_scoped3A_449 = tpu.sem_alloc : memref<!tpu.dma_semaphore, #tpu.memory_space<semaphore_mem>>
        %dma_start3A_450 = arith.constant 0 : i32
        %dma_start3A_451 = arith.constant 0 : i32
        %dma_start3A_452 = tpu.memref_slice %arg9[%run_scoped3A_442, %dma_start3A_450, %dma_start3A_451] : memref<8x256x16xf32, #tpu.memory_space<vmem>> -> memref<1x256x16xf32, #tpu.memory_space<vmem>>
        %dma_start3A_453 = tpu.memref_squeeze %dma_start3A_452 : memref<1x256x16xf32, #tpu.memory_space<vmem>> -> memref<256x16xf32, #tpu.memory_space<vmem>>
        %dma_start3A_454 = arith.constant 16 : i32
        %dma_start3A_455 = tpu.memref_slice %arg6[%add3A_29, %dma_start3A_454] : memref<81920x128xf32, #tpu.memory_space<hbm>> -> memref<256x16xf32, #tpu.memory_space<hbm>>
        %dma_start3A_456 = arith.constant 16 : i32
        %dma_start3A_457 = tpu.memref_slice %arg6[%add3A_29, %dma_start3A_456] : memref<81920x128xf32, #tpu.memory_space<hbm>> -> memref<256x16xf32, #tpu.memory_space<hbm>>
        %dma_start3A_458 = arith.constant 0 : i32
        %dma_start3A_459 = arith.constant 0 : i32
        %dma_start3A_460 = tpu.memref_slice %arg9[%run_scoped3A_442, %dma_start3A_458, %dma_start3A_459] : memref<8x256x16xf32, #tpu.memory_space<vmem>> -> memref<1x256x16xf32, #tpu.memory_space<vmem>>
        %dma_start3A_461 = tpu.memref_squeeze %dma_start3A_460 : memref<1x256x16xf32, #tpu.memory_space<vmem>> -> memref<256x16xf32, #tpu.memory_space<vmem>>
        tpu.enqueue_dma source(%dma_start3A_461 : memref<256x16xf32, #tpu.memory_space<vmem>>) target(%dma_start3A_457 : memref<256x16xf32, #tpu.memory_space<hbm>>) target_semaphore(%run_scoped3A_449 : memref<!tpu.dma_semaphore, #tpu.memory_space<semaphore_mem>>)
        %dma_wait3A_462 = arith.constant 0 : i32
        %dma_wait3A_463 = arith.constant 0 : i32
        %dma_wait3A_464 = tpu.memref_slice %arg9[%run_scoped3A_442, %dma_wait3A_462, %dma_wait3A_463] : memref<8x256x16xf32, #tpu.memory_space<vmem>> -> memref<1x256x16xf32, #tpu.memory_space<vmem>>
        %dma_wait3A_465 = tpu.memref_squeeze %dma_wait3A_464 : memref<1x256x16xf32, #tpu.memory_space<vmem>> -> memref<256x16xf32, #tpu.memory_space<vmem>>
        %dma_wait3A_466 = arith.constant 16 : i32
        %dma_wait3A_467 = tpu.memref_slice %arg6[%add3A_29, %dma_wait3A_466] : memref<81920x128xf32, #tpu.memory_space<hbm>> -> memref<256x16xf32, #tpu.memory_space<hbm>>
        %dma_wait3A_468 = arith.constant 16 : i32
        %dma_wait3A_469 = tpu.memref_slice %arg6[%add3A_29, %dma_wait3A_468] : memref<81920x128xf32, #tpu.memory_space<hbm>> -> memref<256x16xf32, #tpu.memory_space<hbm>>
        %dma_wait3A_470 = arith.constant 0 : i32
        %dma_wait3A_471 = arith.constant 0 : i32
        %dma_wait3A_472 = tpu.memref_slice %arg9[%run_scoped3A_442, %dma_wait3A_470, %dma_wait3A_471] : memref<8x256x16xf32, #tpu.memory_space<vmem>> -> memref<1x256x16xf32, #tpu.memory_space<vmem>>
        %dma_wait3A_473 = tpu.memref_squeeze %dma_wait3A_472 : memref<1x256x16xf32, #tpu.memory_space<vmem>> -> memref<256x16xf32, #tpu.memory_space<vmem>>
        tpu.wait_dma2 semaphore(%run_scoped3A_449 : memref<!tpu.dma_semaphore, #tpu.memory_space<semaphore_mem>>) src(%dma_wait3A_473 : memref<256x16xf32, #tpu.memory_space<vmem>>) dst(%dma_wait3A_469 : memref<256x16xf32, #tpu.memory_space<hbm>>)
        tpu.yield
      }) : () -> ()
      %run_scoped3A_443 = arith.constant 2 : i32
      "tpu.region"() ({
        %run_scoped3A_449 = tpu.sem_alloc : memref<!tpu.dma_semaphore, #tpu.memory_space<semaphore_mem>>
        %dma_start3A_450 = arith.constant 0 : i32
        %dma_start3A_451 = arith.constant 0 : i32
        %dma_start3A_452 = tpu.memref_slice %arg9[%run_scoped3A_443, %dma_start3A_450, %dma_start3A_451] : memref<8x256x16xf32, #tpu.memory_space<vmem>> -> memref<1x256x16xf32, #tpu.memory_space<vmem>>
        %dma_start3A_453 = tpu.memref_squeeze %dma_start3A_452 : memref<1x256x16xf32, #tpu.memory_space<vmem>> -> memref<256x16xf32, #tpu.memory_space<vmem>>
        %dma_start3A_454 = arith.constant 32 : i32
        %dma_start3A_455 = tpu.memref_slice %arg6[%add3A_29, %dma_start3A_454] : memref<81920x128xf32, #tpu.memory_space<hbm>> -> memref<256x16xf32, #tpu.memory_space<hbm>>
        %dma_start3A_456 = arith.constant 32 : i32
        %dma_start3A_457 = tpu.memref_slice %arg6[%add3A_29, %dma_start3A_456] : memref<81920x128xf32, #tpu.memory_space<hbm>> -> memref<256x16xf32, #tpu.memory_space<hbm>>
        %dma_start3A_458 = arith.constant 0 : i32
        %dma_start3A_459 = arith.constant 0 : i32
        %dma_start3A_460 = tpu.memref_slice %arg9[%run_scoped3A_443, %dma_start3A_458, %dma_start3A_459] : memref<8x256x16xf32, #tpu.memory_space<vmem>> -> memref<1x256x16xf32, #tpu.memory_space<vmem>>
        %dma_start3A_461 = tpu.memref_squeeze %dma_start3A_460 : memref<1x256x16xf32, #tpu.memory_space<vmem>> -> memref<256x16xf32, #tpu.memory_space<vmem>>
        tpu.enqueue_dma source(%dma_start3A_461 : memref<256x16xf32, #tpu.memory_space<vmem>>) target(%dma_start3A_457 : memref<256x16xf32, #tpu.memory_space<hbm>>) target_semaphore(%run_scoped3A_449 : memref<!tpu.dma_semaphore, #tpu.memory_space<semaphore_mem>>)
        %dma_wait3A_462 = arith.constant 0 : i32
        %dma_wait3A_463 = arith.constant 0 : i32
        %dma_wait3A_464 = tpu.memref_slice %arg9[%run_scoped3A_443, %dma_wait3A_462, %dma_wait3A_463] : memref<8x256x16xf32, #tpu.memory_space<vmem>> -> memref<1x256x16xf32, #tpu.memory_space<vmem>>
        %dma_wait3A_465 = tpu.memref_squeeze %dma_wait3A_464 : memref<1x256x16xf32, #tpu.memory_space<vmem>> -> memref<256x16xf32, #tpu.memory_space<vmem>>
        %dma_wait3A_466 = arith.constant 32 : i32
        %dma_wait3A_467 = tpu.memref_slice %arg6[%add3A_29, %dma_wait3A_466] : memref<81920x128xf32, #tpu.memory_space<hbm>> -> memref<256x16xf32, #tpu.memory_space<hbm>>
        %dma_wait3A_468 = arith.constant 32 : i32
        %dma_wait3A_469 = tpu.memref_slice %arg6[%add3A_29, %dma_wait3A_468] : memref<81920x128xf32, #tpu.memory_space<hbm>> -> memref<256x16xf32, #tpu.memory_space<hbm>>
        %dma_wait3A_470 = arith.constant 0 : i32
        %dma_wait3A_471 = arith.constant 0 : i32
        %dma_wait3A_472 = tpu.memref_slice %arg9[%run_scoped3A_443, %dma_wait3A_470, %dma_wait3A_471] : memref<8x256x16xf32, #tpu.memory_space<vmem>> -> memref<1x256x16xf32, #tpu.memory_space<vmem>>
        %dma_wait3A_473 = tpu.memref_squeeze %dma_wait3A_472 : memref<1x256x16xf32, #tpu.memory_space<vmem>> -> memref<256x16xf32, #tpu.memory_space<vmem>>
        tpu.wait_dma2 semaphore(%run_scoped3A_449 : memref<!tpu.dma_semaphore, #tpu.memory_space<semaphore_mem>>) src(%dma_wait3A_473 : memref<256x16xf32, #tpu.memory_space<vmem>>) dst(%dma_wait3A_469 : memref<256x16xf32, #tpu.memory_space<hbm>>)
        tpu.yield
      }) : () -> ()
      %run_scoped3A_444 = arith.constant 3 : i32
      "tpu.region"() ({
        %run_scoped3A_449 = tpu.sem_alloc : memref<!tpu.dma_semaphore, #tpu.memory_space<semaphore_mem>>
        %dma_start3A_450 = arith.constant 0 : i32
        %dma_start3A_451 = arith.constant 0 : i32
        %dma_start3A_452 = tpu.memref_slice %arg9[%run_scoped3A_444, %dma_start3A_450, %dma_start3A_451] : memref<8x256x16xf32, #tpu.memory_space<vmem>> -> memref<1x256x16xf32, #tpu.memory_space<vmem>>
        %dma_start3A_453 = tpu.memref_squeeze %dma_start3A_452 : memref<1x256x16xf32, #tpu.memory_space<vmem>> -> memref<256x16xf32, #tpu.memory_space<vmem>>
        %dma_start3A_454 = arith.constant 48 : i32
        %dma_start3A_455 = tpu.memref_slice %arg6[%add3A_29, %dma_start3A_454] : memref<81920x128xf32, #tpu.memory_space<hbm>> -> memref<256x16xf32, #tpu.memory_space<hbm>>
        %dma_start3A_456 = arith.constant 48 : i32
        %dma_start3A_457 = tpu.memref_slice %arg6[%add3A_29, %dma_start3A_456] : memref<81920x128xf32, #tpu.memory_space<hbm>> -> memref<256x16xf32, #tpu.memory_space<hbm>>
        %dma_start3A_458 = arith.constant 0 : i32
        %dma_start3A_459 = arith.constant 0 : i32
        %dma_start3A_460 = tpu.memref_slice %arg9[%run_scoped3A_444, %dma_start3A_458, %dma_start3A_459] : memref<8x256x16xf32, #tpu.memory_space<vmem>> -> memref<1x256x16xf32, #tpu.memory_space<vmem>>
        %dma_start3A_461 = tpu.memref_squeeze %dma_start3A_460 : memref<1x256x16xf32, #tpu.memory_space<vmem>> -> memref<256x16xf32, #tpu.memory_space<vmem>>
        tpu.enqueue_dma source(%dma_start3A_461 : memref<256x16xf32, #tpu.memory_space<vmem>>) target(%dma_start3A_457 : memref<256x16xf32, #tpu.memory_space<hbm>>) target_semaphore(%run_scoped3A_449 : memref<!tpu.dma_semaphore, #tpu.memory_space<semaphore_mem>>)
        %dma_wait3A_462 = arith.constant 0 : i32
        %dma_wait3A_463 = arith.constant 0 : i32
        %dma_wait3A_464 = tpu.memref_slice %arg9[%run_scoped3A_444, %dma_wait3A_462, %dma_wait3A_463] : memref<8x256x16xf32, #tpu.memory_space<vmem>> -> memref<1x256x16xf32, #tpu.memory_space<vmem>>
        %dma_wait3A_465 = tpu.memref_squeeze %dma_wait3A_464 : memref<1x256x16xf32, #tpu.memory_space<vmem>> -> memref<256x16xf32, #tpu.memory_space<vmem>>
        %dma_wait3A_466 = arith.constant 48 : i32
        %dma_wait3A_467 = tpu.memref_slice %arg6[%add3A_29, %dma_wait3A_466] : memref<81920x128xf32, #tpu.memory_space<hbm>> -> memref<256x16xf32, #tpu.memory_space<hbm>>
        %dma_wait3A_468 = arith.constant 48 : i32
        %dma_wait3A_469 = tpu.memref_slice %arg6[%add3A_29, %dma_wait3A_468] : memref<81920x128xf32, #tpu.memory_space<hbm>> -> memref<256x16xf32, #tpu.memory_space<hbm>>
        %dma_wait3A_470 = arith.constant 0 : i32
        %dma_wait3A_471 = arith.constant 0 : i32
        %dma_wait3A_472 = tpu.memref_slice %arg9[%run_scoped3A_444, %dma_wait3A_470, %dma_wait3A_471] : memref<8x256x16xf32, #tpu.memory_space<vmem>> -> memref<1x256x16xf32, #tpu.memory_space<vmem>>
        %dma_wait3A_473 = tpu.memref_squeeze %dma_wait3A_472 : memref<1x256x16xf32, #tpu.memory_space<vmem>> -> memref<256x16xf32, #tpu.memory_space<vmem>>
        tpu.wait_dma2 semaphore(%run_scoped3A_449 : memref<!tpu.dma_semaphore, #tpu.memory_space<semaphore_mem>>) src(%dma_wait3A_473 : memref<256x16xf32, #tpu.memory_space<vmem>>) dst(%dma_wait3A_469 : memref<256x16xf32, #tpu.memory_space<hbm>>)
        tpu.yield
      }) : () -> ()
      %run_scoped3A_445 = arith.constant 4 : i32
      "tpu.region"() ({
        %run_scoped3A_449 = tpu.sem_alloc : memref<!tpu.dma_semaphore, #tpu.memory_space<semaphore_mem>>
        %dma_start3A_450 = arith.constant 0 : i32
        %dma_start3A_451 = arith.constant 0 : i32
        %dma_start3A_452 = tpu.memref_slice %arg9[%run_scoped3A_445, %dma_start3A_450, %dma_start3A_451] : memref<8x256x16xf32, #tpu.memory_space<vmem>> -> memref<1x256x16xf32, #tpu.memory_space<vmem>>
        %dma_start3A_453 = tpu.memref_squeeze %dma_start3A_452 : memref<1x256x16xf32, #tpu.memory_space<vmem>> -> memref<256x16xf32, #tpu.memory_space<vmem>>
        %dma_start3A_454 = arith.constant 64 : i32
        %dma_start3A_455 = tpu.memref_slice %arg6[%add3A_29, %dma_start3A_454] : memref<81920x128xf32, #tpu.memory_space<hbm>> -> memref<256x16xf32, #tpu.memory_space<hbm>>
        %dma_start3A_456 = arith.constant 64 : i32
        %dma_start3A_457 = tpu.memref_slice %arg6[%add3A_29, %dma_start3A_456] : memref<81920x128xf32, #tpu.memory_space<hbm>> -> memref<256x16xf32, #tpu.memory_space<hbm>>
        %dma_start3A_458 = arith.constant 0 : i32
        %dma_start3A_459 = arith.constant 0 : i32
        %dma_start3A_460 = tpu.memref_slice %arg9[%run_scoped3A_445, %dma_start3A_458, %dma_start3A_459] : memref<8x256x16xf32, #tpu.memory_space<vmem>> -> memref<1x256x16xf32, #tpu.memory_space<vmem>>
        %dma_start3A_461 = tpu.memref_squeeze %dma_start3A_460 : memref<1x256x16xf32, #tpu.memory_space<vmem>> -> memref<256x16xf32, #tpu.memory_space<vmem>>
        tpu.enqueue_dma source(%dma_start3A_461 : memref<256x16xf32, #tpu.memory_space<vmem>>) target(%dma_start3A_457 : memref<256x16xf32, #tpu.memory_space<hbm>>) target_semaphore(%run_scoped3A_449 : memref<!tpu.dma_semaphore, #tpu.memory_space<semaphore_mem>>)
        %dma_wait3A_462 = arith.constant 0 : i32
        %dma_wait3A_463 = arith.constant 0 : i32
        %dma_wait3A_464 = tpu.memref_slice %arg9[%run_scoped3A_445, %dma_wait3A_462, %dma_wait3A_463] : memref<8x256x16xf32, #tpu.memory_space<vmem>> -> memref<1x256x16xf32, #tpu.memory_space<vmem>>
        %dma_wait3A_465 = tpu.memref_squeeze %dma_wait3A_464 : memref<1x256x16xf32, #tpu.memory_space<vmem>> -> memref<256x16xf32, #tpu.memory_space<vmem>>
        %dma_wait3A_466 = arith.constant 64 : i32
        %dma_wait3A_467 = tpu.memref_slice %arg6[%add3A_29, %dma_wait3A_466] : memref<81920x128xf32, #tpu.memory_space<hbm>> -> memref<256x16xf32, #tpu.memory_space<hbm>>
        %dma_wait3A_468 = arith.constant 64 : i32
        %dma_wait3A_469 = tpu.memref_slice %arg6[%add3A_29, %dma_wait3A_468] : memref<81920x128xf32, #tpu.memory_space<hbm>> -> memref<256x16xf32, #tpu.memory_space<hbm>>
        %dma_wait3A_470 = arith.constant 0 : i32
        %dma_wait3A_471 = arith.constant 0 : i32
        %dma_wait3A_472 = tpu.memref_slice %arg9[%run_scoped3A_445, %dma_wait3A_470, %dma_wait3A_471] : memref<8x256x16xf32, #tpu.memory_space<vmem>> -> memref<1x256x16xf32, #tpu.memory_space<vmem>>
        %dma_wait3A_473 = tpu.memref_squeeze %dma_wait3A_472 : memref<1x256x16xf32, #tpu.memory_space<vmem>> -> memref<256x16xf32, #tpu.memory_space<vmem>>
        tpu.wait_dma2 semaphore(%run_scoped3A_449 : memref<!tpu.dma_semaphore, #tpu.memory_space<semaphore_mem>>) src(%dma_wait3A_473 : memref<256x16xf32, #tpu.memory_space<vmem>>) dst(%dma_wait3A_469 : memref<256x16xf32, #tpu.memory_space<hbm>>)
        tpu.yield
      }) : () -> ()
      %run_scoped3A_446 = arith.constant 5 : i32
      "tpu.region"() ({
        %run_scoped3A_449 = tpu.sem_alloc : memref<!tpu.dma_semaphore, #tpu.memory_space<semaphore_mem>>
        %dma_start3A_450 = arith.constant 0 : i32
        %dma_start3A_451 = arith.constant 0 : i32
        %dma_start3A_452 = tpu.memref_slice %arg9[%run_scoped3A_446, %dma_start3A_450, %dma_start3A_451] : memref<8x256x16xf32, #tpu.memory_space<vmem>> -> memref<1x256x16xf32, #tpu.memory_space<vmem>>
        %dma_start3A_453 = tpu.memref_squeeze %dma_start3A_452 : memref<1x256x16xf32, #tpu.memory_space<vmem>> -> memref<256x16xf32, #tpu.memory_space<vmem>>
        %dma_start3A_454 = arith.constant 80 : i32
        %dma_start3A_455 = tpu.memref_slice %arg6[%add3A_29, %dma_start3A_454] : memref<81920x128xf32, #tpu.memory_space<hbm>> -> memref<256x16xf32, #tpu.memory_space<hbm>>
        %dma_start3A_456 = arith.constant 80 : i32
        %dma_start3A_457 = tpu.memref_slice %arg6[%add3A_29, %dma_start3A_456] : memref<81920x128xf32, #tpu.memory_space<hbm>> -> memref<256x16xf32, #tpu.memory_space<hbm>>
        %dma_start3A_458 = arith.constant 0 : i32
        %dma_start3A_459 = arith.constant 0 : i32
        %dma_start3A_460 = tpu.memref_slice %arg9[%run_scoped3A_446, %dma_start3A_458, %dma_start3A_459] : memref<8x256x16xf32, #tpu.memory_space<vmem>> -> memref<1x256x16xf32, #tpu.memory_space<vmem>>
        %dma_start3A_461 = tpu.memref_squeeze %dma_start3A_460 : memref<1x256x16xf32, #tpu.memory_space<vmem>> -> memref<256x16xf32, #tpu.memory_space<vmem>>
        tpu.enqueue_dma source(%dma_start3A_461 : memref<256x16xf32, #tpu.memory_space<vmem>>) target(%dma_start3A_457 : memref<256x16xf32, #tpu.memory_space<hbm>>) target_semaphore(%run_scoped3A_449 : memref<!tpu.dma_semaphore, #tpu.memory_space<semaphore_mem>>)
        %dma_wait3A_462 = arith.constant 0 : i32
        %dma_wait3A_463 = arith.constant 0 : i32
        %dma_wait3A_464 = tpu.memref_slice %arg9[%run_scoped3A_446, %dma_wait3A_462, %dma_wait3A_463] : memref<8x256x16xf32, #tpu.memory_space<vmem>> -> memref<1x256x16xf32, #tpu.memory_space<vmem>>
        %dma_wait3A_465 = tpu.memref_squeeze %dma_wait3A_464 : memref<1x256x16xf32, #tpu.memory_space<vmem>> -> memref<256x16xf32, #tpu.memory_space<vmem>>
        %dma_wait3A_466 = arith.constant 80 : i32
        %dma_wait3A_467 = tpu.memref_slice %arg6[%add3A_29, %dma_wait3A_466] : memref<81920x128xf32, #tpu.memory_space<hbm>> -> memref<256x16xf32, #tpu.memory_space<hbm>>
        %dma_wait3A_468 = arith.constant 80 : i32
        %dma_wait3A_469 = tpu.memref_slice %arg6[%add3A_29, %dma_wait3A_468] : memref<81920x128xf32, #tpu.memory_space<hbm>> -> memref<256x16xf32, #tpu.memory_space<hbm>>
        %dma_wait3A_470 = arith.constant 0 : i32
        %dma_wait3A_471 = arith.constant 0 : i32
        %dma_wait3A_472 = tpu.memref_slice %arg9[%run_scoped3A_446, %dma_wait3A_470, %dma_wait3A_471] : memref<8x256x16xf32, #tpu.memory_space<vmem>> -> memref<1x256x16xf32, #tpu.memory_space<vmem>>
        %dma_wait3A_473 = tpu.memref_squeeze %dma_wait3A_472 : memref<1x256x16xf32, #tpu.memory_space<vmem>> -> memref<256x16xf32, #tpu.memory_space<vmem>>
        tpu.wait_dma2 semaphore(%run_scoped3A_449 : memref<!tpu.dma_semaphore, #tpu.memory_space<semaphore_mem>>) src(%dma_wait3A_473 : memref<256x16xf32, #tpu.memory_space<vmem>>) dst(%dma_wait3A_469 : memref<256x16xf32, #tpu.memory_space<hbm>>)
        tpu.yield
      }) : () -> ()
      %run_scoped3A_447 = arith.constant 6 : i32
      "tpu.region"() ({
        %run_scoped3A_449 = tpu.sem_alloc : memref<!tpu.dma_semaphore, #tpu.memory_space<semaphore_mem>>
        %dma_start3A_450 = arith.constant 0 : i32
        %dma_start3A_451 = arith.constant 0 : i32
        %dma_start3A_452 = tpu.memref_slice %arg9[%run_scoped3A_447, %dma_start3A_450, %dma_start3A_451] : memref<8x256x16xf32, #tpu.memory_space<vmem>> -> memref<1x256x16xf32, #tpu.memory_space<vmem>>
        %dma_start3A_453 = tpu.memref_squeeze %dma_start3A_452 : memref<1x256x16xf32, #tpu.memory_space<vmem>> -> memref<256x16xf32, #tpu.memory_space<vmem>>
        %dma_start3A_454 = arith.constant 96 : i32
        %dma_start3A_455 = tpu.memref_slice %arg6[%add3A_29, %dma_start3A_454] : memref<81920x128xf32, #tpu.memory_space<hbm>> -> memref<256x16xf32, #tpu.memory_space<hbm>>
        %dma_start3A_456 = arith.constant 96 : i32
        %dma_start3A_457 = tpu.memref_slice %arg6[%add3A_29, %dma_start3A_456] : memref<81920x128xf32, #tpu.memory_space<hbm>> -> memref<256x16xf32, #tpu.memory_space<hbm>>
        %dma_start3A_458 = arith.constant 0 : i32
        %dma_start3A_459 = arith.constant 0 : i32
        %dma_start3A_460 = tpu.memref_slice %arg9[%run_scoped3A_447, %dma_start3A_458, %dma_start3A_459] : memref<8x256x16xf32, #tpu.memory_space<vmem>> -> memref<1x256x16xf32, #tpu.memory_space<vmem>>
        %dma_start3A_461 = tpu.memref_squeeze %dma_start3A_460 : memref<1x256x16xf32, #tpu.memory_space<vmem>> -> memref<256x16xf32, #tpu.memory_space<vmem>>
        tpu.enqueue_dma source(%dma_start3A_461 : memref<256x16xf32, #tpu.memory_space<vmem>>) target(%dma_start3A_457 : memref<256x16xf32, #tpu.memory_space<hbm>>) target_semaphore(%run_scoped3A_449 : memref<!tpu.dma_semaphore, #tpu.memory_space<semaphore_mem>>)
        %dma_wait3A_462 = arith.constant 0 : i32
        %dma_wait3A_463 = arith.constant 0 : i32
        %dma_wait3A_464 = tpu.memref_slice %arg9[%run_scoped3A_447, %dma_wait3A_462, %dma_wait3A_463] : memref<8x256x16xf32, #tpu.memory_space<vmem>> -> memref<1x256x16xf32, #tpu.memory_space<vmem>>
        %dma_wait3A_465 = tpu.memref_squeeze %dma_wait3A_464 : memref<1x256x16xf32, #tpu.memory_space<vmem>> -> memref<256x16xf32, #tpu.memory_space<vmem>>
        %dma_wait3A_466 = arith.constant 96 : i32
        %dma_wait3A_467 = tpu.memref_slice %arg6[%add3A_29, %dma_wait3A_466] : memref<81920x128xf32, #tpu.memory_space<hbm>> -> memref<256x16xf32, #tpu.memory_space<hbm>>
        %dma_wait3A_468 = arith.constant 96 : i32
        %dma_wait3A_469 = tpu.memref_slice %arg6[%add3A_29, %dma_wait3A_468] : memref<81920x128xf32, #tpu.memory_space<hbm>> -> memref<256x16xf32, #tpu.memory_space<hbm>>
        %dma_wait3A_470 = arith.constant 0 : i32
        %dma_wait3A_471 = arith.constant 0 : i32
        %dma_wait3A_472 = tpu.memref_slice %arg9[%run_scoped3A_447, %dma_wait3A_470, %dma_wait3A_471] : memref<8x256x16xf32, #tpu.memory_space<vmem>> -> memref<1x256x16xf32, #tpu.memory_space<vmem>>
        %dma_wait3A_473 = tpu.memref_squeeze %dma_wait3A_472 : memref<1x256x16xf32, #tpu.memory_space<vmem>> -> memref<256x16xf32, #tpu.memory_space<vmem>>
        tpu.wait_dma2 semaphore(%run_scoped3A_449 : memref<!tpu.dma_semaphore, #tpu.memory_space<semaphore_mem>>) src(%dma_wait3A_473 : memref<256x16xf32, #tpu.memory_space<vmem>>) dst(%dma_wait3A_469 : memref<256x16xf32, #tpu.memory_space<hbm>>)
        tpu.yield
      }) : () -> ()
      %run_scoped3A_448 = arith.constant 7 : i32
      "tpu.region"() ({
        %run_scoped3A_449 = tpu.sem_alloc : memref<!tpu.dma_semaphore, #tpu.memory_space<semaphore_mem>>
        %dma_start3A_450 = arith.constant 0 : i32
        %dma_start3A_451 = arith.constant 0 : i32
        %dma_start3A_452 = tpu.memref_slice %arg9[%run_scoped3A_448, %dma_start3A_450, %dma_start3A_451] : memref<8x256x16xf32, #tpu.memory_space<vmem>> -> memref<1x256x16xf32, #tpu.memory_space<vmem>>
        %dma_start3A_453 = tpu.memref_squeeze %dma_start3A_452 : memref<1x256x16xf32, #tpu.memory_space<vmem>> -> memref<256x16xf32, #tpu.memory_space<vmem>>
        %dma_start3A_454 = arith.constant 112 : i32
        %dma_start3A_455 = tpu.memref_slice %arg6[%add3A_29, %dma_start3A_454] : memref<81920x128xf32, #tpu.memory_space<hbm>> -> memref<256x16xf32, #tpu.memory_space<hbm>>
        %dma_start3A_456 = arith.constant 112 : i32
        %dma_start3A_457 = tpu.memref_slice %arg6[%add3A_29, %dma_start3A_456] : memref<81920x128xf32, #tpu.memory_space<hbm>> -> memref<256x16xf32, #tpu.memory_space<hbm>>
        %dma_start3A_458 = arith.constant 0 : i32
        %dma_start3A_459 = arith.constant 0 : i32
        %dma_start3A_460 = tpu.memref_slice %arg9[%run_scoped3A_448, %dma_start3A_458, %dma_start3A_459] : memref<8x256x16xf32, #tpu.memory_space<vmem>> -> memref<1x256x16xf32, #tpu.memory_space<vmem>>
        %dma_start3A_461 = tpu.memref_squeeze %dma_start3A_460 : memref<1x256x16xf32, #tpu.memory_space<vmem>> -> memref<256x16xf32, #tpu.memory_space<vmem>>
        tpu.enqueue_dma source(%dma_start3A_461 : memref<256x16xf32, #tpu.memory_space<vmem>>) target(%dma_start3A_457 : memref<256x16xf32, #tpu.memory_space<hbm>>) target_semaphore(%run_scoped3A_449 : memref<!tpu.dma_semaphore, #tpu.memory_space<semaphore_mem>>)
        %dma_wait3A_462 = arith.constant 0 : i32
        %dma_wait3A_463 = arith.constant 0 : i32
        %dma_wait3A_464 = tpu.memref_slice %arg9[%run_scoped3A_448, %dma_wait3A_462, %dma_wait3A_463] : memref<8x256x16xf32, #tpu.memory_space<vmem>> -> memref<1x256x16xf32, #tpu.memory_space<vmem>>
        %dma_wait3A_465 = tpu.memref_squeeze %dma_wait3A_464 : memref<1x256x16xf32, #tpu.memory_space<vmem>> -> memref<256x16xf32, #tpu.memory_space<vmem>>
        %dma_wait3A_466 = arith.constant 112 : i32
        %dma_wait3A_467 = tpu.memref_slice %arg6[%add3A_29, %dma_wait3A_466] : memref<81920x128xf32, #tpu.memory_space<hbm>> -> memref<256x16xf32, #tpu.memory_space<hbm>>
        %dma_wait3A_468 = arith.constant 112 : i32
        %dma_wait3A_469 = tpu.memref_slice %arg6[%add3A_29, %dma_wait3A_468] : memref<81920x128xf32, #tpu.memory_space<hbm>> -> memref<256x16xf32, #tpu.memory_space<hbm>>
        %dma_wait3A_470 = arith.constant 0 : i32
        %dma_wait3A_471 = arith.constant 0 : i32
        %dma_wait3A_472 = tpu.memref_slice %arg9[%run_scoped3A_448, %dma_wait3A_470, %dma_wait3A_471] : memref<8x256x16xf32, #tpu.memory_space<vmem>> -> memref<1x256x16xf32, #tpu.memory_space<vmem>>
        %dma_wait3A_473 = tpu.memref_squeeze %dma_wait3A_472 : memref<1x256x16xf32, #tpu.memory_space<vmem>> -> memref<256x16xf32, #tpu.memory_space<vmem>>
        tpu.wait_dma2 semaphore(%run_scoped3A_449 : memref<!tpu.dma_semaphore, #tpu.memory_space<semaphore_mem>>) src(%dma_wait3A_473 : memref<256x16xf32, #tpu.memory_space<vmem>>) dst(%dma_wait3A_469 : memref<256x16xf32, #tpu.memory_space<hbm>>)
        tpu.yield
      }) : () -> ()
    }
    %scan3A_17 = arith.constant 10 : i32
    %scan3A_18 = arith.constant 0 : i32
    %scan3A_19 = arith.constant 0 : i32
    %scan3A_20 = arith.constant 10 : i32
    %scan3A_21 = arith.addi %scan3A_19, %scan3A_20 : i32
    %scan3A_22 = arith.constant 1 : i32
    scf.for %scan3A_24 = %scan3A_19 to %scan3A_21 step %scan3A_22  : i32 {
      %mul3A_25 = arith.constant 2560 : i32
      %mul3A_26 = arith.muli %add3A, %mul3A_25 : i32
      %mul3A_27 = arith.constant 256 : i32
      %mul3A_28 = arith.muli %scan3A_24, %mul3A_27 : i32
      %add3A_29 = arith.addi %mul3A_26, %mul3A_28 : i32
      %jit3A = arith.constant 4096 : i32
      %div3A = arith.divsi %add3A_29, %jit3A : i32
      %sign3A = arith.constant 0 : i32
      %sign3A_30 = arith.cmpi sgt, %add3A_29, %sign3A : i32
      %sign3A_31 = arith.extui %sign3A_30 : i1 to i32
      %sign3A_32 = arith.constant 0 : i32
      %sign3A_33 = arith.cmpi slt, %add3A_29, %sign3A_32 : i32
      %sign3A_34 = arith.extui %sign3A_33 : i1 to i32
      %sign3A_35 = arith.subi %sign3A_31, %sign3A_34 : i32
      %sign3A_36 = arith.constant 0 : i32
      %sign3A_37 = arith.cmpi sgt, %jit3A, %sign3A_36 : i32
      %sign3A_38 = arith.extui %sign3A_37 : i1 to i32
      %sign3A_39 = arith.constant 0 : i32
      %sign3A_40 = arith.cmpi slt, %jit3A, %sign3A_39 : i32
      %sign3A_41 = arith.extui %sign3A_40 : i1 to i32
      %sign3A_42 = arith.subi %sign3A_38, %sign3A_41 : i32
      %ne3A = arith.cmpi ne, %sign3A_35, %sign3A_42 : i32
      %rem3A = arith.remsi %add3A_29, %jit3A : i32
      %ne3A_43 = arith.constant 0 : i32
      %ne3A_44 = arith.cmpi ne, %rem3A, %ne3A_43 : i32
      %and3A = arith.andi %ne3A, %ne3A_44 : i1
      %sub3A = arith.constant 1 : i32
      %sub3A_45 = arith.subi %div3A, %sub3A : i32
      %select_n3A = arith.select %and3A, %sub3A_45, %div3A : i32
      %jit3A_46 = arith.constant 4096 : i32
      %eq3A = arith.constant 0 : i32
      %eq3A_47 = arith.cmpi eq, %jit3A_46, %eq3A : i32
      %jit3A_48 = arith.constant 1 : i32
      %select_n3A_49 = arith.select %eq3A_47, %jit3A_48, %jit3A_46 : i32
      %rem3A_50 = arith.remsi %add3A_29, %select_n3A_49 : i32
      %ne3A_51 = arith.constant 0 : i32
      %ne3A_52 = arith.cmpi ne, %rem3A_50, %ne3A_51 : i32
      %lt3A = arith.constant 0 : i32
      %lt3A_53 = arith.cmpi slt, %rem3A_50, %lt3A : i32
      %lt3A_54 = arith.constant 0 : i32
      %lt3A_55 = arith.cmpi slt, %select_n3A_49, %lt3A_54 : i32
      %ne3A_56 = arith.xori %lt3A_53, %lt3A_55 : i1
      %and3A_57 = arith.andi %ne3A_56, %ne3A_52 : i1
      %add3A_58 = arith.addi %rem3A_50, %select_n3A_49 : i32
      %select_n3A_59 = arith.select %and3A_57, %add3A_58, %rem3A_50 : i32
      "tpu.region"() ({
        %run_scoped3A_449 = tpu.sem_alloc : memref<!tpu.dma_semaphore, #tpu.memory_space<semaphore_mem>>
        %dma_start3A_450 = arith.constant 24 : i32
        %dma_start3A_451 = tpu.memref_slice %arg3[%dma_start3A_450, %select_n3A, %select_n3A_59] : memref<32x20x4096xi32, #tpu.memory_space<hbm>> -> memref<8x1x256xi32, #tpu.memory_space<hbm>>
        %dma_start3A_452 = tpu.memref_squeeze %dma_start3A_451 : memref<8x1x256xi32, #tpu.memory_space<hbm>> -> memref<8x256xi32, #tpu.memory_space<hbm>>
        %dma_start3A_453 = arith.constant 24 : i32
        %dma_start3A_454 = tpu.memref_slice %arg3[%dma_start3A_453, %select_n3A, %select_n3A_59] : memref<32x20x4096xi32, #tpu.memory_space<hbm>> -> memref<8x1x256xi32, #tpu.memory_space<hbm>>
        %dma_start3A_455 = tpu.memref_squeeze %dma_start3A_454 : memref<8x1x256xi32, #tpu.memory_space<hbm>> -> memref<8x256xi32, #tpu.memory_space<hbm>>
        tpu.enqueue_dma source(%dma_start3A_455 : memref<8x256xi32, #tpu.memory_space<hbm>>) target(%arg8 : memref<8x256xi32, #tpu.memory_space<vmem>>) target_semaphore(%run_scoped3A_449 : memref<!tpu.dma_semaphore, #tpu.memory_space<semaphore_mem>>)
        %dma_wait3A_456 = arith.constant 24 : i32
        %dma_wait3A_457 = tpu.memref_slice %arg3[%dma_wait3A_456, %select_n3A, %select_n3A_59] : memref<32x20x4096xi32, #tpu.memory_space<hbm>> -> memref<8x1x256xi32, #tpu.memory_space<hbm>>
        %dma_wait3A_458 = tpu.memref_squeeze %dma_wait3A_457 : memref<8x1x256xi32, #tpu.memory_space<hbm>> -> memref<8x256xi32, #tpu.memory_space<hbm>>
        %dma_wait3A_459 = arith.constant 24 : i32
        %dma_wait3A_460 = tpu.memref_slice %arg3[%dma_wait3A_459, %select_n3A, %select_n3A_59] : memref<32x20x4096xi32, #tpu.memory_space<hbm>> -> memref<8x1x256xi32, #tpu.memory_space<hbm>>
        %dma_wait3A_461 = tpu.memref_squeeze %dma_wait3A_460 : memref<8x1x256xi32, #tpu.memory_space<hbm>> -> memref<8x256xi32, #tpu.memory_space<hbm>>
        tpu.wait_dma2 semaphore(%run_scoped3A_449 : memref<!tpu.dma_semaphore, #tpu.memory_space<semaphore_mem>>) src(%dma_wait3A_461 : memref<8x256xi32, #tpu.memory_space<hbm>>) dst(%arg8 : memref<8x256xi32, #tpu.memory_space<vmem>>)
        tpu.yield
      }) : () -> ()
      %dma_start3A = arith.constant 0 : i32
      %dma_start3A_60 = arith.constant 0 : i32
      %dma_start3A_61 = arith.constant 0 : i32
      %dma_start3A_62 = arith.constant 0 : i32
      %dma_start3A_63 = tpu.memref_slice %arg9[%dma_start3A_60, %dma_start3A_61, %dma_start3A_62] : memref<8x256x16xf32, #tpu.memory_space<vmem>> -> memref<1x128x16xf32, #tpu.memory_space<vmem>>
      %dma_start3A_64 = tpu.memref_squeeze %dma_start3A_63 : memref<1x128x16xf32, #tpu.memory_space<vmem>> -> memref<128x16xf32, #tpu.memory_space<vmem>>
      %dma_start3A_65 = arith.constant 0 : i32
      %dma_start3A_66 = tpu.memref_slice %arg8[%dma_start3A, %dma_start3A_65] : memref<8x256xi32, #tpu.memory_space<vmem>> -> memref<1x128xi32, #tpu.memory_space<vmem>>
      %dma_start3A_67 = tpu.memref_squeeze %dma_start3A_66 : memref<1x128xi32, #tpu.memory_space<vmem>> -> memref<128xi32, #tpu.memory_space<vmem>>
      %dma_start3A_68 = arith.constant 0 : i32
      %dma_start3A_69 = arith.constant 0 : i32
      %dma_start3A_70 = tpu.memref_slice %arg2[%dma_start3A_68, %dma_start3A_69] : memref<3203072x16xf32, #tpu.memory_space<hbm>> -> memref<3203072x16xf32, #tpu.memory_space<hbm>>
      tpu.enqueue_indirect_dma source(%dma_start3A_70 : memref<3203072x16xf32, #tpu.memory_space<hbm>>) target(%dma_start3A_64 : memref<128x16xf32, #tpu.memory_space<vmem>>) offsets(%dma_start3A_67 : memref<128xi32, #tpu.memory_space<vmem>>) semaphore(%arg10 : memref<!tpu.dma_semaphore, #tpu.memory_space<semaphore_mem>>)
      %dma_start3A_71 = arith.constant 0 : i32
      %dma_start3A_72 = arith.constant 0 : i32
      %dma_start3A_73 = arith.constant 128 : i32
      %dma_start3A_74 = arith.constant 0 : i32
      %dma_start3A_75 = tpu.memref_slice %arg9[%dma_start3A_72, %dma_start3A_73, %dma_start3A_74] : memref<8x256x16xf32, #tpu.memory_space<vmem>> -> memref<1x128x16xf32, #tpu.memory_space<vmem>>
      %dma_start3A_76 = tpu.memref_squeeze %dma_start3A_75 : memref<1x128x16xf32, #tpu.memory_space<vmem>> -> memref<128x16xf32, #tpu.memory_space<vmem>>
      %dma_start3A_77 = arith.constant 128 : i32
      %dma_start3A_78 = tpu.memref_slice %arg8[%dma_start3A_71, %dma_start3A_77] : memref<8x256xi32, #tpu.memory_space<vmem>> -> memref<1x128xi32, #tpu.memory_space<vmem>>
      %dma_start3A_79 = tpu.memref_squeeze %dma_start3A_78 : memref<1x128xi32, #tpu.memory_space<vmem>> -> memref<128xi32, #tpu.memory_space<vmem>>
      %dma_start3A_80 = arith.constant 0 : i32
      %dma_start3A_81 = arith.constant 0 : i32
      %dma_start3A_82 = tpu.memref_slice %arg2[%dma_start3A_80, %dma_start3A_81] : memref<3203072x16xf32, #tpu.memory_space<hbm>> -> memref<3203072x16xf32, #tpu.memory_space<hbm>>
      tpu.enqueue_indirect_dma source(%dma_start3A_82 : memref<3203072x16xf32, #tpu.memory_space<hbm>>) target(%dma_start3A_76 : memref<128x16xf32, #tpu.memory_space<vmem>>) offsets(%dma_start3A_79 : memref<128xi32, #tpu.memory_space<vmem>>) semaphore(%arg10 : memref<!tpu.dma_semaphore, #tpu.memory_space<semaphore_mem>>)
      %dma_start3A_83 = arith.constant 1 : i32
      %dma_start3A_84 = arith.constant 1 : i32
      %dma_start3A_85 = arith.constant 0 : i32
      %dma_start3A_86 = arith.constant 0 : i32
      %dma_start3A_87 = tpu.memref_slice %arg9[%dma_start3A_84, %dma_start3A_85, %dma_start3A_86] : memref<8x256x16xf32, #tpu.memory_space<vmem>> -> memref<1x128x16xf32, #tpu.memory_space<vmem>>
      %dma_start3A_88 = tpu.memref_squeeze %dma_start3A_87 : memref<1x128x16xf32, #tpu.memory_space<vmem>> -> memref<128x16xf32, #tpu.memory_space<vmem>>
      %dma_start3A_89 = arith.constant 0 : i32
      %dma_start3A_90 = tpu.memref_slice %arg8[%dma_start3A_83, %dma_start3A_89] : memref<8x256xi32, #tpu.memory_space<vmem>> -> memref<1x128xi32, #tpu.memory_space<vmem>>
      %dma_start3A_91 = tpu.memref_squeeze %dma_start3A_90 : memref<1x128xi32, #tpu.memory_space<vmem>> -> memref<128xi32, #tpu.memory_space<vmem>>
      %dma_start3A_92 = arith.constant 0 : i32
      %dma_start3A_93 = arith.constant 0 : i32
      %dma_start3A_94 = tpu.memref_slice %arg2[%dma_start3A_92, %dma_start3A_93] : memref<3203072x16xf32, #tpu.memory_space<hbm>> -> memref<3203072x16xf32, #tpu.memory_space<hbm>>
      tpu.enqueue_indirect_dma source(%dma_start3A_94 : memref<3203072x16xf32, #tpu.memory_space<hbm>>) target(%dma_start3A_88 : memref<128x16xf32, #tpu.memory_space<vmem>>) offsets(%dma_start3A_91 : memref<128xi32, #tpu.memory_space<vmem>>) semaphore(%arg10 : memref<!tpu.dma_semaphore, #tpu.memory_space<semaphore_mem>>)
      %dma_start3A_95 = arith.constant 1 : i32
      %dma_start3A_96 = arith.constant 1 : i32
      %dma_start3A_97 = arith.constant 128 : i32
      %dma_start3A_98 = arith.constant 0 : i32
      %dma_start3A_99 = tpu.memref_slice %arg9[%dma_start3A_96, %dma_start3A_97, %dma_start3A_98] : memref<8x256x16xf32, #tpu.memory_space<vmem>> -> memref<1x128x16xf32, #tpu.memory_space<vmem>>
      %dma_start3A_100 = tpu.memref_squeeze %dma_start3A_99 : memref<1x128x16xf32, #tpu.memory_space<vmem>> -> memref<128x16xf32, #tpu.memory_space<vmem>>
      %dma_start3A_101 = arith.constant 128 : i32
      %dma_start3A_102 = tpu.memref_slice %arg8[%dma_start3A_95, %dma_start3A_101] : memref<8x256xi32, #tpu.memory_space<vmem>> -> memref<1x128xi32, #tpu.memory_space<vmem>>
      %dma_start3A_103 = tpu.memref_squeeze %dma_start3A_102 : memref<1x128xi32, #tpu.memory_space<vmem>> -> memref<128xi32, #tpu.memory_space<vmem>>
      %dma_start3A_104 = arith.constant 0 : i32
      %dma_start3A_105 = arith.constant 0 : i32
      %dma_start3A_106 = tpu.memref_slice %arg2[%dma_start3A_104, %dma_start3A_105] : memref<3203072x16xf32, #tpu.memory_space<hbm>> -> memref<3203072x16xf32, #tpu.memory_space<hbm>>
      tpu.enqueue_indirect_dma source(%dma_start3A_106 : memref<3203072x16xf32, #tpu.memory_space<hbm>>) target(%dma_start3A_100 : memref<128x16xf32, #tpu.memory_space<vmem>>) offsets(%dma_start3A_103 : memref<128xi32, #tpu.memory_space<vmem>>) semaphore(%arg10 : memref<!tpu.dma_semaphore, #tpu.memory_space<semaphore_mem>>)
      %dma_start3A_107 = arith.constant 2 : i32
      %dma_start3A_108 = arith.constant 2 : i32
      %dma_start3A_109 = arith.constant 0 : i32
      %dma_start3A_110 = arith.constant 0 : i32
      %dma_start3A_111 = tpu.memref_slice %arg9[%dma_start3A_108, %dma_start3A_109, %dma_start3A_110] : memref<8x256x16xf32, #tpu.memory_space<vmem>> -> memref<1x128x16xf32, #tpu.memory_space<vmem>>
      %dma_start3A_112 = tpu.memref_squeeze %dma_start3A_111 : memref<1x128x16xf32, #tpu.memory_space<vmem>> -> memref<128x16xf32, #tpu.memory_space<vmem>>
      %dma_start3A_113 = arith.constant 0 : i32
      %dma_start3A_114 = tpu.memref_slice %arg8[%dma_start3A_107, %dma_start3A_113] : memref<8x256xi32, #tpu.memory_space<vmem>> -> memref<1x128xi32, #tpu.memory_space<vmem>>
      %dma_start3A_115 = tpu.memref_squeeze %dma_start3A_114 : memref<1x128xi32, #tpu.memory_space<vmem>> -> memref<128xi32, #tpu.memory_space<vmem>>
      %dma_start3A_116 = arith.constant 0 : i32
      %dma_start3A_117 = arith.constant 0 : i32
      %dma_start3A_118 = tpu.memref_slice %arg2[%dma_start3A_116, %dma_start3A_117] : memref<3203072x16xf32, #tpu.memory_space<hbm>> -> memref<3203072x16xf32, #tpu.memory_space<hbm>>
      tpu.enqueue_indirect_dma source(%dma_start3A_118 : memref<3203072x16xf32, #tpu.memory_space<hbm>>) target(%dma_start3A_112 : memref<128x16xf32, #tpu.memory_space<vmem>>) offsets(%dma_start3A_115 : memref<128xi32, #tpu.memory_space<vmem>>) semaphore(%arg10 : memref<!tpu.dma_semaphore, #tpu.memory_space<semaphore_mem>>)
      %dma_start3A_119 = arith.constant 2 : i32
      %dma_start3A_120 = arith.constant 2 : i32
      %dma_start3A_121 = arith.constant 128 : i32
      %dma_start3A_122 = arith.constant 0 : i32
      %dma_start3A_123 = tpu.memref_slice %arg9[%dma_start3A_120, %dma_start3A_121, %dma_start3A_122] : memref<8x256x16xf32, #tpu.memory_space<vmem>> -> memref<1x128x16xf32, #tpu.memory_space<vmem>>
      %dma_start3A_124 = tpu.memref_squeeze %dma_start3A_123 : memref<1x128x16xf32, #tpu.memory_space<vmem>> -> memref<128x16xf32, #tpu.memory_space<vmem>>
      %dma_start3A_125 = arith.constant 128 : i32
      %dma_start3A_126 = tpu.memref_slice %arg8[%dma_start3A_119, %dma_start3A_125] : memref<8x256xi32, #tpu.memory_space<vmem>> -> memref<1x128xi32, #tpu.memory_space<vmem>>
      %dma_start3A_127 = tpu.memref_squeeze %dma_start3A_126 : memref<1x128xi32, #tpu.memory_space<vmem>> -> memref<128xi32, #tpu.memory_space<vmem>>
      %dma_start3A_128 = arith.constant 0 : i32
      %dma_start3A_129 = arith.constant 0 : i32
      %dma_start3A_130 = tpu.memref_slice %arg2[%dma_start3A_128, %dma_start3A_129] : memref<3203072x16xf32, #tpu.memory_space<hbm>> -> memref<3203072x16xf32, #tpu.memory_space<hbm>>
      tpu.enqueue_indirect_dma source(%dma_start3A_130 : memref<3203072x16xf32, #tpu.memory_space<hbm>>) target(%dma_start3A_124 : memref<128x16xf32, #tpu.memory_space<vmem>>) offsets(%dma_start3A_127 : memref<128xi32, #tpu.memory_space<vmem>>) semaphore(%arg10 : memref<!tpu.dma_semaphore, #tpu.memory_space<semaphore_mem>>)
      %dma_start3A_131 = arith.constant 3 : i32
      %dma_start3A_132 = arith.constant 3 : i32
      %dma_start3A_133 = arith.constant 0 : i32
      %dma_start3A_134 = arith.constant 0 : i32
      %dma_start3A_135 = tpu.memref_slice %arg9[%dma_start3A_132, %dma_start3A_133, %dma_start3A_134] : memref<8x256x16xf32, #tpu.memory_space<vmem>> -> memref<1x128x16xf32, #tpu.memory_space<vmem>>
      %dma_start3A_136 = tpu.memref_squeeze %dma_start3A_135 : memref<1x128x16xf32, #tpu.memory_space<vmem>> -> memref<128x16xf32, #tpu.memory_space<vmem>>
      %dma_start3A_137 = arith.constant 0 : i32
      %dma_start3A_138 = tpu.memref_slice %arg8[%dma_start3A_131, %dma_start3A_137] : memref<8x256xi32, #tpu.memory_space<vmem>> -> memref<1x128xi32, #tpu.memory_space<vmem>>
      %dma_start3A_139 = tpu.memref_squeeze %dma_start3A_138 : memref<1x128xi32, #tpu.memory_space<vmem>> -> memref<128xi32, #tpu.memory_space<vmem>>
      %dma_start3A_140 = arith.constant 0 : i32
      %dma_start3A_141 = arith.constant 0 : i32
      %dma_start3A_142 = tpu.memref_slice %arg2[%dma_start3A_140, %dma_start3A_141] : memref<3203072x16xf32, #tpu.memory_space<hbm>> -> memref<3203072x16xf32, #tpu.memory_space<hbm>>
      tpu.enqueue_indirect_dma source(%dma_start3A_142 : memref<3203072x16xf32, #tpu.memory_space<hbm>>) target(%dma_start3A_136 : memref<128x16xf32, #tpu.memory_space<vmem>>) offsets(%dma_start3A_139 : memref<128xi32, #tpu.memory_space<vmem>>) semaphore(%arg10 : memref<!tpu.dma_semaphore, #tpu.memory_space<semaphore_mem>>)
      %dma_start3A_143 = arith.constant 3 : i32
      %dma_start3A_144 = arith.constant 3 : i32
      %dma_start3A_145 = arith.constant 128 : i32
      %dma_start3A_146 = arith.constant 0 : i32
      %dma_start3A_147 = tpu.memref_slice %arg9[%dma_start3A_144, %dma_start3A_145, %dma_start3A_146] : memref<8x256x16xf32, #tpu.memory_space<vmem>> -> memref<1x128x16xf32, #tpu.memory_space<vmem>>
      %dma_start3A_148 = tpu.memref_squeeze %dma_start3A_147 : memref<1x128x16xf32, #tpu.memory_space<vmem>> -> memref<128x16xf32, #tpu.memory_space<vmem>>
      %dma_start3A_149 = arith.constant 128 : i32
      %dma_start3A_150 = tpu.memref_slice %arg8[%dma_start3A_143, %dma_start3A_149] : memref<8x256xi32, #tpu.memory_space<vmem>> -> memref<1x128xi32, #tpu.memory_space<vmem>>
      %dma_start3A_151 = tpu.memref_squeeze %dma_start3A_150 : memref<1x128xi32, #tpu.memory_space<vmem>> -> memref<128xi32, #tpu.memory_space<vmem>>
      %dma_start3A_152 = arith.constant 0 : i32
      %dma_start3A_153 = arith.constant 0 : i32
      %dma_start3A_154 = tpu.memref_slice %arg2[%dma_start3A_152, %dma_start3A_153] : memref<3203072x16xf32, #tpu.memory_space<hbm>> -> memref<3203072x16xf32, #tpu.memory_space<hbm>>
      tpu.enqueue_indirect_dma source(%dma_start3A_154 : memref<3203072x16xf32, #tpu.memory_space<hbm>>) target(%dma_start3A_148 : memref<128x16xf32, #tpu.memory_space<vmem>>) offsets(%dma_start3A_151 : memref<128xi32, #tpu.memory_space<vmem>>) semaphore(%arg10 : memref<!tpu.dma_semaphore, #tpu.memory_space<semaphore_mem>>)
      %dma_start3A_155 = arith.constant 4 : i32
      %dma_start3A_156 = arith.constant 4 : i32
      %dma_start3A_157 = arith.constant 0 : i32
      %dma_start3A_158 = arith.constant 0 : i32
      %dma_start3A_159 = tpu.memref_slice %arg9[%dma_start3A_156, %dma_start3A_157, %dma_start3A_158] : memref<8x256x16xf32, #tpu.memory_space<vmem>> -> memref<1x128x16xf32, #tpu.memory_space<vmem>>
      %dma_start3A_160 = tpu.memref_squeeze %dma_start3A_159 : memref<1x128x16xf32, #tpu.memory_space<vmem>> -> memref<128x16xf32, #tpu.memory_space<vmem>>
      %dma_start3A_161 = arith.constant 0 : i32
      %dma_start3A_162 = tpu.memref_slice %arg8[%dma_start3A_155, %dma_start3A_161] : memref<8x256xi32, #tpu.memory_space<vmem>> -> memref<1x128xi32, #tpu.memory_space<vmem>>
      %dma_start3A_163 = tpu.memref_squeeze %dma_start3A_162 : memref<1x128xi32, #tpu.memory_space<vmem>> -> memref<128xi32, #tpu.memory_space<vmem>>
      %dma_start3A_164 = arith.constant 0 : i32
      %dma_start3A_165 = arith.constant 0 : i32
      %dma_start3A_166 = tpu.memref_slice %arg2[%dma_start3A_164, %dma_start3A_165] : memref<3203072x16xf32, #tpu.memory_space<hbm>> -> memref<3203072x16xf32, #tpu.memory_space<hbm>>
      tpu.enqueue_indirect_dma source(%dma_start3A_166 : memref<3203072x16xf32, #tpu.memory_space<hbm>>) target(%dma_start3A_160 : memref<128x16xf32, #tpu.memory_space<vmem>>) offsets(%dma_start3A_163 : memref<128xi32, #tpu.memory_space<vmem>>) semaphore(%arg10 : memref<!tpu.dma_semaphore, #tpu.memory_space<semaphore_mem>>)
      %dma_start3A_167 = arith.constant 4 : i32
      %dma_start3A_168 = arith.constant 4 : i32
      %dma_start3A_169 = arith.constant 128 : i32
      %dma_start3A_170 = arith.constant 0 : i32
      %dma_start3A_171 = tpu.memref_slice %arg9[%dma_start3A_168, %dma_start3A_169, %dma_start3A_170] : memref<8x256x16xf32, #tpu.memory_space<vmem>> -> memref<1x128x16xf32, #tpu.memory_space<vmem>>
      %dma_start3A_172 = tpu.memref_squeeze %dma_start3A_171 : memref<1x128x16xf32, #tpu.memory_space<vmem>> -> memref<128x16xf32, #tpu.memory_space<vmem>>
      %dma_start3A_173 = arith.constant 128 : i32
      %dma_start3A_174 = tpu.memref_slice %arg8[%dma_start3A_167, %dma_start3A_173] : memref<8x256xi32, #tpu.memory_space<vmem>> -> memref<1x128xi32, #tpu.memory_space<vmem>>
      %dma_start3A_175 = tpu.memref_squeeze %dma_start3A_174 : memref<1x128xi32, #tpu.memory_space<vmem>> -> memref<128xi32, #tpu.memory_space<vmem>>
      %dma_start3A_176 = arith.constant 0 : i32
      %dma_start3A_177 = arith.constant 0 : i32
      %dma_start3A_178 = tpu.memref_slice %arg2[%dma_start3A_176, %dma_start3A_177] : memref<3203072x16xf32, #tpu.memory_space<hbm>> -> memref<3203072x16xf32, #tpu.memory_space<hbm>>
      tpu.enqueue_indirect_dma source(%dma_start3A_178 : memref<3203072x16xf32, #tpu.memory_space<hbm>>) target(%dma_start3A_172 : memref<128x16xf32, #tpu.memory_space<vmem>>) offsets(%dma_start3A_175 : memref<128xi32, #tpu.memory_space<vmem>>) semaphore(%arg10 : memref<!tpu.dma_semaphore, #tpu.memory_space<semaphore_mem>>)
      %dma_start3A_179 = arith.constant 5 : i32
      %dma_start3A_180 = arith.constant 5 : i32
      %dma_start3A_181 = arith.constant 0 : i32
      %dma_start3A_182 = arith.constant 0 : i32
      %dma_start3A_183 = tpu.memref_slice %arg9[%dma_start3A_180, %dma_start3A_181, %dma_start3A_182] : memref<8x256x16xf32, #tpu.memory_space<vmem>> -> memref<1x128x16xf32, #tpu.memory_space<vmem>>
      %dma_start3A_184 = tpu.memref_squeeze %dma_start3A_183 : memref<1x128x16xf32, #tpu.memory_space<vmem>> -> memref<128x16xf32, #tpu.memory_space<vmem>>
      %dma_start3A_185 = arith.constant 0 : i32
      %dma_start3A_186 = tpu.memref_slice %arg8[%dma_start3A_179, %dma_start3A_185] : memref<8x256xi32, #tpu.memory_space<vmem>> -> memref<1x128xi32, #tpu.memory_space<vmem>>
      %dma_start3A_187 = tpu.memref_squeeze %dma_start3A_186 : memref<1x128xi32, #tpu.memory_space<vmem>> -> memref<128xi32, #tpu.memory_space<vmem>>
      %dma_start3A_188 = arith.constant 0 : i32
      %dma_start3A_189 = arith.constant 0 : i32
      %dma_start3A_190 = tpu.memref_slice %arg2[%dma_start3A_188, %dma_start3A_189] : memref<3203072x16xf32, #tpu.memory_space<hbm>> -> memref<3203072x16xf32, #tpu.memory_space<hbm>>
      tpu.enqueue_indirect_dma source(%dma_start3A_190 : memref<3203072x16xf32, #tpu.memory_space<hbm>>) target(%dma_start3A_184 : memref<128x16xf32, #tpu.memory_space<vmem>>) offsets(%dma_start3A_187 : memref<128xi32, #tpu.memory_space<vmem>>) semaphore(%arg10 : memref<!tpu.dma_semaphore, #tpu.memory_space<semaphore_mem>>)
      %dma_start3A_191 = arith.constant 5 : i32
      %dma_start3A_192 = arith.constant 5 : i32
      %dma_start3A_193 = arith.constant 128 : i32
      %dma_start3A_194 = arith.constant 0 : i32
      %dma_start3A_195 = tpu.memref_slice %arg9[%dma_start3A_192, %dma_start3A_193, %dma_start3A_194] : memref<8x256x16xf32, #tpu.memory_space<vmem>> -> memref<1x128x16xf32, #tpu.memory_space<vmem>>
      %dma_start3A_196 = tpu.memref_squeeze %dma_start3A_195 : memref<1x128x16xf32, #tpu.memory_space<vmem>> -> memref<128x16xf32, #tpu.memory_space<vmem>>
      %dma_start3A_197 = arith.constant 128 : i32
      %dma_start3A_198 = tpu.memref_slice %arg8[%dma_start3A_191, %dma_start3A_197] : memref<8x256xi32, #tpu.memory_space<vmem>> -> memref<1x128xi32, #tpu.memory_space<vmem>>
      %dma_start3A_199 = tpu.memref_squeeze %dma_start3A_198 : memref<1x128xi32, #tpu.memory_space<vmem>> -> memref<128xi32, #tpu.memory_space<vmem>>
      %dma_start3A_200 = arith.constant 0 : i32
      %dma_start3A_201 = arith.constant 0 : i32
      %dma_start3A_202 = tpu.memref_slice %arg2[%dma_start3A_200, %dma_start3A_201] : memref<3203072x16xf32, #tpu.memory_space<hbm>> -> memref<3203072x16xf32, #tpu.memory_space<hbm>>
      tpu.enqueue_indirect_dma source(%dma_start3A_202 : memref<3203072x16xf32, #tpu.memory_space<hbm>>) target(%dma_start3A_196 : memref<128x16xf32, #tpu.memory_space<vmem>>) offsets(%dma_start3A_199 : memref<128xi32, #tpu.memory_space<vmem>>) semaphore(%arg10 : memref<!tpu.dma_semaphore, #tpu.memory_space<semaphore_mem>>)
      %dma_start3A_203 = arith.constant 6 : i32
      %dma_start3A_204 = arith.constant 6 : i32
      %dma_start3A_205 = arith.constant 0 : i32
      %dma_start3A_206 = arith.constant 0 : i32
      %dma_start3A_207 = tpu.memref_slice %arg9[%dma_start3A_204, %dma_start3A_205, %dma_start3A_206] : memref<8x256x16xf32, #tpu.memory_space<vmem>> -> memref<1x128x16xf32, #tpu.memory_space<vmem>>
      %dma_start3A_208 = tpu.memref_squeeze %dma_start3A_207 : memref<1x128x16xf32, #tpu.memory_space<vmem>> -> memref<128x16xf32, #tpu.memory_space<vmem>>
      %dma_start3A_209 = arith.constant 0 : i32
      %dma_start3A_210 = tpu.memref_slice %arg8[%dma_start3A_203, %dma_start3A_209] : memref<8x256xi32, #tpu.memory_space<vmem>> -> memref<1x128xi32, #tpu.memory_space<vmem>>
      %dma_start3A_211 = tpu.memref_squeeze %dma_start3A_210 : memref<1x128xi32, #tpu.memory_space<vmem>> -> memref<128xi32, #tpu.memory_space<vmem>>
      %dma_start3A_212 = arith.constant 0 : i32
      %dma_start3A_213 = arith.constant 0 : i32
      %dma_start3A_214 = tpu.memref_slice %arg2[%dma_start3A_212, %dma_start3A_213] : memref<3203072x16xf32, #tpu.memory_space<hbm>> -> memref<3203072x16xf32, #tpu.memory_space<hbm>>
      tpu.enqueue_indirect_dma source(%dma_start3A_214 : memref<3203072x16xf32, #tpu.memory_space<hbm>>) target(%dma_start3A_208 : memref<128x16xf32, #tpu.memory_space<vmem>>) offsets(%dma_start3A_211 : memref<128xi32, #tpu.memory_space<vmem>>) semaphore(%arg10 : memref<!tpu.dma_semaphore, #tpu.memory_space<semaphore_mem>>)
      %dma_start3A_215 = arith.constant 6 : i32
      %dma_start3A_216 = arith.constant 6 : i32
      %dma_start3A_217 = arith.constant 128 : i32
      %dma_start3A_218 = arith.constant 0 : i32
      %dma_start3A_219 = tpu.memref_slice %arg9[%dma_start3A_216, %dma_start3A_217, %dma_start3A_218] : memref<8x256x16xf32, #tpu.memory_space<vmem>> -> memref<1x128x16xf32, #tpu.memory_space<vmem>>
      %dma_start3A_220 = tpu.memref_squeeze %dma_start3A_219 : memref<1x128x16xf32, #tpu.memory_space<vmem>> -> memref<128x16xf32, #tpu.memory_space<vmem>>
      %dma_start3A_221 = arith.constant 128 : i32
      %dma_start3A_222 = tpu.memref_slice %arg8[%dma_start3A_215, %dma_start3A_221] : memref<8x256xi32, #tpu.memory_space<vmem>> -> memref<1x128xi32, #tpu.memory_space<vmem>>
      %dma_start3A_223 = tpu.memref_squeeze %dma_start3A_222 : memref<1x128xi32, #tpu.memory_space<vmem>> -> memref<128xi32, #tpu.memory_space<vmem>>
      %dma_start3A_224 = arith.constant 0 : i32
      %dma_start3A_225 = arith.constant 0 : i32
      %dma_start3A_226 = tpu.memref_slice %arg2[%dma_start3A_224, %dma_start3A_225] : memref<3203072x16xf32, #tpu.memory_space<hbm>> -> memref<3203072x16xf32, #tpu.memory_space<hbm>>
      tpu.enqueue_indirect_dma source(%dma_start3A_226 : memref<3203072x16xf32, #tpu.memory_space<hbm>>) target(%dma_start3A_220 : memref<128x16xf32, #tpu.memory_space<vmem>>) offsets(%dma_start3A_223 : memref<128xi32, #tpu.memory_space<vmem>>) semaphore(%arg10 : memref<!tpu.dma_semaphore, #tpu.memory_space<semaphore_mem>>)
      %dma_start3A_227 = arith.constant 7 : i32
      %dma_start3A_228 = arith.constant 7 : i32
      %dma_start3A_229 = arith.constant 0 : i32
      %dma_start3A_230 = arith.constant 0 : i32
      %dma_start3A_231 = tpu.memref_slice %arg9[%dma_start3A_228, %dma_start3A_229, %dma_start3A_230] : memref<8x256x16xf32, #tpu.memory_space<vmem>> -> memref<1x128x16xf32, #tpu.memory_space<vmem>>
      %dma_start3A_232 = tpu.memref_squeeze %dma_start3A_231 : memref<1x128x16xf32, #tpu.memory_space<vmem>> -> memref<128x16xf32, #tpu.memory_space<vmem>>
      %dma_start3A_233 = arith.constant 0 : i32
      %dma_start3A_234 = tpu.memref_slice %arg8[%dma_start3A_227, %dma_start3A_233] : memref<8x256xi32, #tpu.memory_space<vmem>> -> memref<1x128xi32, #tpu.memory_space<vmem>>
      %dma_start3A_235 = tpu.memref_squeeze %dma_start3A_234 : memref<1x128xi32, #tpu.memory_space<vmem>> -> memref<128xi32, #tpu.memory_space<vmem>>
      %dma_start3A_236 = arith.constant 0 : i32
      %dma_start3A_237 = arith.constant 0 : i32
      %dma_start3A_238 = tpu.memref_slice %arg2[%dma_start3A_236, %dma_start3A_237] : memref<3203072x16xf32, #tpu.memory_space<hbm>> -> memref<3203072x16xf32, #tpu.memory_space<hbm>>
      tpu.enqueue_indirect_dma source(%dma_start3A_238 : memref<3203072x16xf32, #tpu.memory_space<hbm>>) target(%dma_start3A_232 : memref<128x16xf32, #tpu.memory_space<vmem>>) offsets(%dma_start3A_235 : memref<128xi32, #tpu.memory_space<vmem>>) semaphore(%arg10 : memref<!tpu.dma_semaphore, #tpu.memory_space<semaphore_mem>>)
      %dma_start3A_239 = arith.constant 7 : i32
      %dma_start3A_240 = arith.constant 7 : i32
      %dma_start3A_241 = arith.constant 128 : i32
      %dma_start3A_242 = arith.constant 0 : i32
      %dma_start3A_243 = tpu.memref_slice %arg9[%dma_start3A_240, %dma_start3A_241, %dma_start3A_242] : memref<8x256x16xf32, #tpu.memory_space<vmem>> -> memref<1x128x16xf32, #tpu.memory_space<vmem>>
      %dma_start3A_244 = tpu.memref_squeeze %dma_start3A_243 : memref<1x128x16xf32, #tpu.memory_space<vmem>> -> memref<128x16xf32, #tpu.memory_space<vmem>>
      %dma_start3A_245 = arith.constant 128 : i32
      %dma_start3A_246 = tpu.memref_slice %arg8[%dma_start3A_239, %dma_start3A_245] : memref<8x256xi32, #tpu.memory_space<vmem>> -> memref<1x128xi32, #tpu.memory_space<vmem>>
      %dma_start3A_247 = tpu.memref_squeeze %dma_start3A_246 : memref<1x128xi32, #tpu.memory_space<vmem>> -> memref<128xi32, #tpu.memory_space<vmem>>
      %dma_start3A_248 = arith.constant 0 : i32
      %dma_start3A_249 = arith.constant 0 : i32
      %dma_start3A_250 = tpu.memref_slice %arg2[%dma_start3A_248, %dma_start3A_249] : memref<3203072x16xf32, #tpu.memory_space<hbm>> -> memref<3203072x16xf32, #tpu.memory_space<hbm>>
      tpu.enqueue_indirect_dma source(%dma_start3A_250 : memref<3203072x16xf32, #tpu.memory_space<hbm>>) target(%dma_start3A_244 : memref<128x16xf32, #tpu.memory_space<vmem>>) offsets(%dma_start3A_247 : memref<128xi32, #tpu.memory_space<vmem>>) semaphore(%arg10 : memref<!tpu.dma_semaphore, #tpu.memory_space<semaphore_mem>>)
      %dma_wait3A = arith.constant 0 : i32
      %dma_wait3A_251 = arith.constant 0 : i32
      %dma_wait3A_252 = arith.constant 0 : i32
      %dma_wait3A_253 = arith.constant 0 : i32
      %dma_wait3A_254 = tpu.memref_slice %arg9[%dma_wait3A_251, %dma_wait3A_252, %dma_wait3A_253] : memref<8x256x16xf32, #tpu.memory_space<vmem>> -> memref<1x128x16xf32, #tpu.memory_space<vmem>>
      %dma_wait3A_255 = tpu.memref_squeeze %dma_wait3A_254 : memref<1x128x16xf32, #tpu.memory_space<vmem>> -> memref<128x16xf32, #tpu.memory_space<vmem>>
      %dma_wait3A_256 = arith.constant 0 : i32
      %dma_wait3A_257 = tpu.memref_slice %arg8[%dma_wait3A, %dma_wait3A_256] : memref<8x256xi32, #tpu.memory_space<vmem>> -> memref<1x128xi32, #tpu.memory_space<vmem>>
      %dma_wait3A_258 = tpu.memref_squeeze %dma_wait3A_257 : memref<1x128xi32, #tpu.memory_space<vmem>> -> memref<128xi32, #tpu.memory_space<vmem>>
      %dma_wait3A_259 = arith.constant 0 : i32
      %dma_wait3A_260 = arith.constant 0 : i32
      %dma_wait3A_261 = tpu.memref_slice %arg2[%dma_wait3A_259, %dma_wait3A_260] : memref<3203072x16xf32, #tpu.memory_space<hbm>> -> memref<3203072x16xf32, #tpu.memory_space<hbm>>
      tpu.wait_indirect_dma semaphore(%arg10 : memref<!tpu.dma_semaphore, #tpu.memory_space<semaphore_mem>>) src(%dma_wait3A_261 : memref<3203072x16xf32, #tpu.memory_space<hbm>>) dst(%dma_wait3A_255 : memref<128x16xf32, #tpu.memory_space<vmem>>)
      %dma_wait3A_262 = arith.constant 0 : i32
      %dma_wait3A_263 = arith.constant 0 : i32
      %dma_wait3A_264 = arith.constant 128 : i32
      %dma_wait3A_265 = arith.constant 0 : i32
      %dma_wait3A_266 = tpu.memref_slice %arg9[%dma_wait3A_263, %dma_wait3A_264, %dma_wait3A_265] : memref<8x256x16xf32, #tpu.memory_space<vmem>> -> memref<1x128x16xf32, #tpu.memory_space<vmem>>
      %dma_wait3A_267 = tpu.memref_squeeze %dma_wait3A_266 : memref<1x128x16xf32, #tpu.memory_space<vmem>> -> memref<128x16xf32, #tpu.memory_space<vmem>>
      %dma_wait3A_268 = arith.constant 128 : i32
      %dma_wait3A_269 = tpu.memref_slice %arg8[%dma_wait3A_262, %dma_wait3A_268] : memref<8x256xi32, #tpu.memory_space<vmem>> -> memref<1x128xi32, #tpu.memory_space<vmem>>
      %dma_wait3A_270 = tpu.memref_squeeze %dma_wait3A_269 : memref<1x128xi32, #tpu.memory_space<vmem>> -> memref<128xi32, #tpu.memory_space<vmem>>
      %dma_wait3A_271 = arith.constant 0 : i32
      %dma_wait3A_272 = arith.constant 0 : i32
      %dma_wait3A_273 = tpu.memref_slice %arg2[%dma_wait3A_271, %dma_wait3A_272] : memref<3203072x16xf32, #tpu.memory_space<hbm>> -> memref<3203072x16xf32, #tpu.memory_space<hbm>>
      tpu.wait_indirect_dma semaphore(%arg10 : memref<!tpu.dma_semaphore, #tpu.memory_space<semaphore_mem>>) src(%dma_wait3A_273 : memref<3203072x16xf32, #tpu.memory_space<hbm>>) dst(%dma_wait3A_267 : memref<128x16xf32, #tpu.memory_space<vmem>>)
      %dma_wait3A_274 = arith.constant 1 : i32
      %dma_wait3A_275 = arith.constant 1 : i32
      %dma_wait3A_276 = arith.constant 0 : i32
      %dma_wait3A_277 = arith.constant 0 : i32
      %dma_wait3A_278 = tpu.memref_slice %arg9[%dma_wait3A_275, %dma_wait3A_276, %dma_wait3A_277] : memref<8x256x16xf32, #tpu.memory_space<vmem>> -> memref<1x128x16xf32, #tpu.memory_space<vmem>>
      %dma_wait3A_279 = tpu.memref_squeeze %dma_wait3A_278 : memref<1x128x16xf32, #tpu.memory_space<vmem>> -> memref<128x16xf32, #tpu.memory_space<vmem>>
      %dma_wait3A_280 = arith.constant 0 : i32
      %dma_wait3A_281 = tpu.memref_slice %arg8[%dma_wait3A_274, %dma_wait3A_280] : memref<8x256xi32, #tpu.memory_space<vmem>> -> memref<1x128xi32, #tpu.memory_space<vmem>>
      %dma_wait3A_282 = tpu.memref_squeeze %dma_wait3A_281 : memref<1x128xi32, #tpu.memory_space<vmem>> -> memref<128xi32, #tpu.memory_space<vmem>>
      %dma_wait3A_283 = arith.constant 0 : i32
      %dma_wait3A_284 = arith.constant 0 : i32
      %dma_wait3A_285 = tpu.memref_slice %arg2[%dma_wait3A_283, %dma_wait3A_284] : memref<3203072x16xf32, #tpu.memory_space<hbm>> -> memref<3203072x16xf32, #tpu.memory_space<hbm>>
      tpu.wait_indirect_dma semaphore(%arg10 : memref<!tpu.dma_semaphore, #tpu.memory_space<semaphore_mem>>) src(%dma_wait3A_285 : memref<3203072x16xf32, #tpu.memory_space<hbm>>) dst(%dma_wait3A_279 : memref<128x16xf32, #tpu.memory_space<vmem>>)
      %dma_wait3A_286 = arith.constant 1 : i32
      %dma_wait3A_287 = arith.constant 1 : i32
      %dma_wait3A_288 = arith.constant 128 : i32
      %dma_wait3A_289 = arith.constant 0 : i32
      %dma_wait3A_290 = tpu.memref_slice %arg9[%dma_wait3A_287, %dma_wait3A_288, %dma_wait3A_289] : memref<8x256x16xf32, #tpu.memory_space<vmem>> -> memref<1x128x16xf32, #tpu.memory_space<vmem>>
      %dma_wait3A_291 = tpu.memref_squeeze %dma_wait3A_290 : memref<1x128x16xf32, #tpu.memory_space<vmem>> -> memref<128x16xf32, #tpu.memory_space<vmem>>
      %dma_wait3A_292 = arith.constant 128 : i32
      %dma_wait3A_293 = tpu.memref_slice %arg8[%dma_wait3A_286, %dma_wait3A_292] : memref<8x256xi32, #tpu.memory_space<vmem>> -> memref<1x128xi32, #tpu.memory_space<vmem>>
      %dma_wait3A_294 = tpu.memref_squeeze %dma_wait3A_293 : memref<1x128xi32, #tpu.memory_space<vmem>> -> memref<128xi32, #tpu.memory_space<vmem>>
      %dma_wait3A_295 = arith.constant 0 : i32
      %dma_wait3A_296 = arith.constant 0 : i32
      %dma_wait3A_297 = tpu.memref_slice %arg2[%dma_wait3A_295, %dma_wait3A_296] : memref<3203072x16xf32, #tpu.memory_space<hbm>> -> memref<3203072x16xf32, #tpu.memory_space<hbm>>
      tpu.wait_indirect_dma semaphore(%arg10 : memref<!tpu.dma_semaphore, #tpu.memory_space<semaphore_mem>>) src(%dma_wait3A_297 : memref<3203072x16xf32, #tpu.memory_space<hbm>>) dst(%dma_wait3A_291 : memref<128x16xf32, #tpu.memory_space<vmem>>)
      %dma_wait3A_298 = arith.constant 2 : i32
      %dma_wait3A_299 = arith.constant 2 : i32
      %dma_wait3A_300 = arith.constant 0 : i32
      %dma_wait3A_301 = arith.constant 0 : i32
      %dma_wait3A_302 = tpu.memref_slice %arg9[%dma_wait3A_299, %dma_wait3A_300, %dma_wait3A_301] : memref<8x256x16xf32, #tpu.memory_space<vmem>> -> memref<1x128x16xf32, #tpu.memory_space<vmem>>
      %dma_wait3A_303 = tpu.memref_squeeze %dma_wait3A_302 : memref<1x128x16xf32, #tpu.memory_space<vmem>> -> memref<128x16xf32, #tpu.memory_space<vmem>>
      %dma_wait3A_304 = arith.constant 0 : i32
      %dma_wait3A_305 = tpu.memref_slice %arg8[%dma_wait3A_298, %dma_wait3A_304] : memref<8x256xi32, #tpu.memory_space<vmem>> -> memref<1x128xi32, #tpu.memory_space<vmem>>
      %dma_wait3A_306 = tpu.memref_squeeze %dma_wait3A_305 : memref<1x128xi32, #tpu.memory_space<vmem>> -> memref<128xi32, #tpu.memory_space<vmem>>
      %dma_wait3A_307 = arith.constant 0 : i32
      %dma_wait3A_308 = arith.constant 0 : i32
      %dma_wait3A_309 = tpu.memref_slice %arg2[%dma_wait3A_307, %dma_wait3A_308] : memref<3203072x16xf32, #tpu.memory_space<hbm>> -> memref<3203072x16xf32, #tpu.memory_space<hbm>>
      tpu.wait_indirect_dma semaphore(%arg10 : memref<!tpu.dma_semaphore, #tpu.memory_space<semaphore_mem>>) src(%dma_wait3A_309 : memref<3203072x16xf32, #tpu.memory_space<hbm>>) dst(%dma_wait3A_303 : memref<128x16xf32, #tpu.memory_space<vmem>>)
      %dma_wait3A_310 = arith.constant 2 : i32
      %dma_wait3A_311 = arith.constant 2 : i32
      %dma_wait3A_312 = arith.constant 128 : i32
      %dma_wait3A_313 = arith.constant 0 : i32
      %dma_wait3A_314 = tpu.memref_slice %arg9[%dma_wait3A_311, %dma_wait3A_312, %dma_wait3A_313] : memref<8x256x16xf32, #tpu.memory_space<vmem>> -> memref<1x128x16xf32, #tpu.memory_space<vmem>>
      %dma_wait3A_315 = tpu.memref_squeeze %dma_wait3A_314 : memref<1x128x16xf32, #tpu.memory_space<vmem>> -> memref<128x16xf32, #tpu.memory_space<vmem>>
      %dma_wait3A_316 = arith.constant 128 : i32
      %dma_wait3A_317 = tpu.memref_slice %arg8[%dma_wait3A_310, %dma_wait3A_316] : memref<8x256xi32, #tpu.memory_space<vmem>> -> memref<1x128xi32, #tpu.memory_space<vmem>>
      %dma_wait3A_318 = tpu.memref_squeeze %dma_wait3A_317 : memref<1x128xi32, #tpu.memory_space<vmem>> -> memref<128xi32, #tpu.memory_space<vmem>>
      %dma_wait3A_319 = arith.constant 0 : i32
      %dma_wait3A_320 = arith.constant 0 : i32
      %dma_wait3A_321 = tpu.memref_slice %arg2[%dma_wait3A_319, %dma_wait3A_320] : memref<3203072x16xf32, #tpu.memory_space<hbm>> -> memref<3203072x16xf32, #tpu.memory_space<hbm>>
      tpu.wait_indirect_dma semaphore(%arg10 : memref<!tpu.dma_semaphore, #tpu.memory_space<semaphore_mem>>) src(%dma_wait3A_321 : memref<3203072x16xf32, #tpu.memory_space<hbm>>) dst(%dma_wait3A_315 : memref<128x16xf32, #tpu.memory_space<vmem>>)
      %dma_wait3A_322 = arith.constant 3 : i32
      %dma_wait3A_323 = arith.constant 3 : i32
      %dma_wait3A_324 = arith.constant 0 : i32
      %dma_wait3A_325 = arith.constant 0 : i32
      %dma_wait3A_326 = tpu.memref_slice %arg9[%dma_wait3A_323, %dma_wait3A_324, %dma_wait3A_325] : memref<8x256x16xf32, #tpu.memory_space<vmem>> -> memref<1x128x16xf32, #tpu.memory_space<vmem>>
      %dma_wait3A_327 = tpu.memref_squeeze %dma_wait3A_326 : memref<1x128x16xf32, #tpu.memory_space<vmem>> -> memref<128x16xf32, #tpu.memory_space<vmem>>
      %dma_wait3A_328 = arith.constant 0 : i32
      %dma_wait3A_329 = tpu.memref_slice %arg8[%dma_wait3A_322, %dma_wait3A_328] : memref<8x256xi32, #tpu.memory_space<vmem>> -> memref<1x128xi32, #tpu.memory_space<vmem>>
      %dma_wait3A_330 = tpu.memref_squeeze %dma_wait3A_329 : memref<1x128xi32, #tpu.memory_space<vmem>> -> memref<128xi32, #tpu.memory_space<vmem>>
      %dma_wait3A_331 = arith.constant 0 : i32
      %dma_wait3A_332 = arith.constant 0 : i32
      %dma_wait3A_333 = tpu.memref_slice %arg2[%dma_wait3A_331, %dma_wait3A_332] : memref<3203072x16xf32, #tpu.memory_space<hbm>> -> memref<3203072x16xf32, #tpu.memory_space<hbm>>
      tpu.wait_indirect_dma semaphore(%arg10 : memref<!tpu.dma_semaphore, #tpu.memory_space<semaphore_mem>>) src(%dma_wait3A_333 : memref<3203072x16xf32, #tpu.memory_space<hbm>>) dst(%dma_wait3A_327 : memref<128x16xf32, #tpu.memory_space<vmem>>)
      %dma_wait3A_334 = arith.constant 3 : i32
      %dma_wait3A_335 = arith.constant 3 : i32
      %dma_wait3A_336 = arith.constant 128 : i32
      %dma_wait3A_337 = arith.constant 0 : i32
      %dma_wait3A_338 = tpu.memref_slice %arg9[%dma_wait3A_335, %dma_wait3A_336, %dma_wait3A_337] : memref<8x256x16xf32, #tpu.memory_space<vmem>> -> memref<1x128x16xf32, #tpu.memory_space<vmem>>
      %dma_wait3A_339 = tpu.memref_squeeze %dma_wait3A_338 : memref<1x128x16xf32, #tpu.memory_space<vmem>> -> memref<128x16xf32, #tpu.memory_space<vmem>>
      %dma_wait3A_340 = arith.constant 128 : i32
      %dma_wait3A_341 = tpu.memref_slice %arg8[%dma_wait3A_334, %dma_wait3A_340] : memref<8x256xi32, #tpu.memory_space<vmem>> -> memref<1x128xi32, #tpu.memory_space<vmem>>
      %dma_wait3A_342 = tpu.memref_squeeze %dma_wait3A_341 : memref<1x128xi32, #tpu.memory_space<vmem>> -> memref<128xi32, #tpu.memory_space<vmem>>
      %dma_wait3A_343 = arith.constant 0 : i32
      %dma_wait3A_344 = arith.constant 0 : i32
      %dma_wait3A_345 = tpu.memref_slice %arg2[%dma_wait3A_343, %dma_wait3A_344] : memref<3203072x16xf32, #tpu.memory_space<hbm>> -> memref<3203072x16xf32, #tpu.memory_space<hbm>>
      tpu.wait_indirect_dma semaphore(%arg10 : memref<!tpu.dma_semaphore, #tpu.memory_space<semaphore_mem>>) src(%dma_wait3A_345 : memref<3203072x16xf32, #tpu.memory_space<hbm>>) dst(%dma_wait3A_339 : memref<128x16xf32, #tpu.memory_space<vmem>>)
      %dma_wait3A_346 = arith.constant 4 : i32
      %dma_wait3A_347 = arith.constant 4 : i32
      %dma_wait3A_348 = arith.constant 0 : i32
      %dma_wait3A_349 = arith.constant 0 : i32
      %dma_wait3A_350 = tpu.memref_slice %arg9[%dma_wait3A_347, %dma_wait3A_348, %dma_wait3A_349] : memref<8x256x16xf32, #tpu.memory_space<vmem>> -> memref<1x128x16xf32, #tpu.memory_space<vmem>>
      %dma_wait3A_351 = tpu.memref_squeeze %dma_wait3A_350 : memref<1x128x16xf32, #tpu.memory_space<vmem>> -> memref<128x16xf32, #tpu.memory_space<vmem>>
      %dma_wait3A_352 = arith.constant 0 : i32
      %dma_wait3A_353 = tpu.memref_slice %arg8[%dma_wait3A_346, %dma_wait3A_352] : memref<8x256xi32, #tpu.memory_space<vmem>> -> memref<1x128xi32, #tpu.memory_space<vmem>>
      %dma_wait3A_354 = tpu.memref_squeeze %dma_wait3A_353 : memref<1x128xi32, #tpu.memory_space<vmem>> -> memref<128xi32, #tpu.memory_space<vmem>>
      %dma_wait3A_355 = arith.constant 0 : i32
      %dma_wait3A_356 = arith.constant 0 : i32
      %dma_wait3A_357 = tpu.memref_slice %arg2[%dma_wait3A_355, %dma_wait3A_356] : memref<3203072x16xf32, #tpu.memory_space<hbm>> -> memref<3203072x16xf32, #tpu.memory_space<hbm>>
      tpu.wait_indirect_dma semaphore(%arg10 : memref<!tpu.dma_semaphore, #tpu.memory_space<semaphore_mem>>) src(%dma_wait3A_357 : memref<3203072x16xf32, #tpu.memory_space<hbm>>) dst(%dma_wait3A_351 : memref<128x16xf32, #tpu.memory_space<vmem>>)
      %dma_wait3A_358 = arith.constant 4 : i32
      %dma_wait3A_359 = arith.constant 4 : i32
      %dma_wait3A_360 = arith.constant 128 : i32
      %dma_wait3A_361 = arith.constant 0 : i32
      %dma_wait3A_362 = tpu.memref_slice %arg9[%dma_wait3A_359, %dma_wait3A_360, %dma_wait3A_361] : memref<8x256x16xf32, #tpu.memory_space<vmem>> -> memref<1x128x16xf32, #tpu.memory_space<vmem>>
      %dma_wait3A_363 = tpu.memref_squeeze %dma_wait3A_362 : memref<1x128x16xf32, #tpu.memory_space<vmem>> -> memref<128x16xf32, #tpu.memory_space<vmem>>
      %dma_wait3A_364 = arith.constant 128 : i32
      %dma_wait3A_365 = tpu.memref_slice %arg8[%dma_wait3A_358, %dma_wait3A_364] : memref<8x256xi32, #tpu.memory_space<vmem>> -> memref<1x128xi32, #tpu.memory_space<vmem>>
      %dma_wait3A_366 = tpu.memref_squeeze %dma_wait3A_365 : memref<1x128xi32, #tpu.memory_space<vmem>> -> memref<128xi32, #tpu.memory_space<vmem>>
      %dma_wait3A_367 = arith.constant 0 : i32
      %dma_wait3A_368 = arith.constant 0 : i32
      %dma_wait3A_369 = tpu.memref_slice %arg2[%dma_wait3A_367, %dma_wait3A_368] : memref<3203072x16xf32, #tpu.memory_space<hbm>> -> memref<3203072x16xf32, #tpu.memory_space<hbm>>
      tpu.wait_indirect_dma semaphore(%arg10 : memref<!tpu.dma_semaphore, #tpu.memory_space<semaphore_mem>>) src(%dma_wait3A_369 : memref<3203072x16xf32, #tpu.memory_space<hbm>>) dst(%dma_wait3A_363 : memref<128x16xf32, #tpu.memory_space<vmem>>)
      %dma_wait3A_370 = arith.constant 5 : i32
      %dma_wait3A_371 = arith.constant 5 : i32
      %dma_wait3A_372 = arith.constant 0 : i32
      %dma_wait3A_373 = arith.constant 0 : i32
      %dma_wait3A_374 = tpu.memref_slice %arg9[%dma_wait3A_371, %dma_wait3A_372, %dma_wait3A_373] : memref<8x256x16xf32, #tpu.memory_space<vmem>> -> memref<1x128x16xf32, #tpu.memory_space<vmem>>
      %dma_wait3A_375 = tpu.memref_squeeze %dma_wait3A_374 : memref<1x128x16xf32, #tpu.memory_space<vmem>> -> memref<128x16xf32, #tpu.memory_space<vmem>>
      %dma_wait3A_376 = arith.constant 0 : i32
      %dma_wait3A_377 = tpu.memref_slice %arg8[%dma_wait3A_370, %dma_wait3A_376] : memref<8x256xi32, #tpu.memory_space<vmem>> -> memref<1x128xi32, #tpu.memory_space<vmem>>
      %dma_wait3A_378 = tpu.memref_squeeze %dma_wait3A_377 : memref<1x128xi32, #tpu.memory_space<vmem>> -> memref<128xi32, #tpu.memory_space<vmem>>
      %dma_wait3A_379 = arith.constant 0 : i32
      %dma_wait3A_380 = arith.constant 0 : i32
      %dma_wait3A_381 = tpu.memref_slice %arg2[%dma_wait3A_379, %dma_wait3A_380] : memref<3203072x16xf32, #tpu.memory_space<hbm>> -> memref<3203072x16xf32, #tpu.memory_space<hbm>>
      tpu.wait_indirect_dma semaphore(%arg10 : memref<!tpu.dma_semaphore, #tpu.memory_space<semaphore_mem>>) src(%dma_wait3A_381 : memref<3203072x16xf32, #tpu.memory_space<hbm>>) dst(%dma_wait3A_375 : memref<128x16xf32, #tpu.memory_space<vmem>>)
      %dma_wait3A_382 = arith.constant 5 : i32
      %dma_wait3A_383 = arith.constant 5 : i32
      %dma_wait3A_384 = arith.constant 128 : i32
      %dma_wait3A_385 = arith.constant 0 : i32
      %dma_wait3A_386 = tpu.memref_slice %arg9[%dma_wait3A_383, %dma_wait3A_384, %dma_wait3A_385] : memref<8x256x16xf32, #tpu.memory_space<vmem>> -> memref<1x128x16xf32, #tpu.memory_space<vmem>>
      %dma_wait3A_387 = tpu.memref_squeeze %dma_wait3A_386 : memref<1x128x16xf32, #tpu.memory_space<vmem>> -> memref<128x16xf32, #tpu.memory_space<vmem>>
      %dma_wait3A_388 = arith.constant 128 : i32
      %dma_wait3A_389 = tpu.memref_slice %arg8[%dma_wait3A_382, %dma_wait3A_388] : memref<8x256xi32, #tpu.memory_space<vmem>> -> memref<1x128xi32, #tpu.memory_space<vmem>>
      %dma_wait3A_390 = tpu.memref_squeeze %dma_wait3A_389 : memref<1x128xi32, #tpu.memory_space<vmem>> -> memref<128xi32, #tpu.memory_space<vmem>>
      %dma_wait3A_391 = arith.constant 0 : i32
      %dma_wait3A_392 = arith.constant 0 : i32
      %dma_wait3A_393 = tpu.memref_slice %arg2[%dma_wait3A_391, %dma_wait3A_392] : memref<3203072x16xf32, #tpu.memory_space<hbm>> -> memref<3203072x16xf32, #tpu.memory_space<hbm>>
      tpu.wait_indirect_dma semaphore(%arg10 : memref<!tpu.dma_semaphore, #tpu.memory_space<semaphore_mem>>) src(%dma_wait3A_393 : memref<3203072x16xf32, #tpu.memory_space<hbm>>) dst(%dma_wait3A_387 : memref<128x16xf32, #tpu.memory_space<vmem>>)
      %dma_wait3A_394 = arith.constant 6 : i32
      %dma_wait3A_395 = arith.constant 6 : i32
      %dma_wait3A_396 = arith.constant 0 : i32
      %dma_wait3A_397 = arith.constant 0 : i32
      %dma_wait3A_398 = tpu.memref_slice %arg9[%dma_wait3A_395, %dma_wait3A_396, %dma_wait3A_397] : memref<8x256x16xf32, #tpu.memory_space<vmem>> -> memref<1x128x16xf32, #tpu.memory_space<vmem>>
      %dma_wait3A_399 = tpu.memref_squeeze %dma_wait3A_398 : memref<1x128x16xf32, #tpu.memory_space<vmem>> -> memref<128x16xf32, #tpu.memory_space<vmem>>
      %dma_wait3A_400 = arith.constant 0 : i32
      %dma_wait3A_401 = tpu.memref_slice %arg8[%dma_wait3A_394, %dma_wait3A_400] : memref<8x256xi32, #tpu.memory_space<vmem>> -> memref<1x128xi32, #tpu.memory_space<vmem>>
      %dma_wait3A_402 = tpu.memref_squeeze %dma_wait3A_401 : memref<1x128xi32, #tpu.memory_space<vmem>> -> memref<128xi32, #tpu.memory_space<vmem>>
      %dma_wait3A_403 = arith.constant 0 : i32
      %dma_wait3A_404 = arith.constant 0 : i32
      %dma_wait3A_405 = tpu.memref_slice %arg2[%dma_wait3A_403, %dma_wait3A_404] : memref<3203072x16xf32, #tpu.memory_space<hbm>> -> memref<3203072x16xf32, #tpu.memory_space<hbm>>
      tpu.wait_indirect_dma semaphore(%arg10 : memref<!tpu.dma_semaphore, #tpu.memory_space<semaphore_mem>>) src(%dma_wait3A_405 : memref<3203072x16xf32, #tpu.memory_space<hbm>>) dst(%dma_wait3A_399 : memref<128x16xf32, #tpu.memory_space<vmem>>)
      %dma_wait3A_406 = arith.constant 6 : i32
      %dma_wait3A_407 = arith.constant 6 : i32
      %dma_wait3A_408 = arith.constant 128 : i32
      %dma_wait3A_409 = arith.constant 0 : i32
      %dma_wait3A_410 = tpu.memref_slice %arg9[%dma_wait3A_407, %dma_wait3A_408, %dma_wait3A_409] : memref<8x256x16xf32, #tpu.memory_space<vmem>> -> memref<1x128x16xf32, #tpu.memory_space<vmem>>
      %dma_wait3A_411 = tpu.memref_squeeze %dma_wait3A_410 : memref<1x128x16xf32, #tpu.memory_space<vmem>> -> memref<128x16xf32, #tpu.memory_space<vmem>>
      %dma_wait3A_412 = arith.constant 128 : i32
      %dma_wait3A_413 = tpu.memref_slice %arg8[%dma_wait3A_406, %dma_wait3A_412] : memref<8x256xi32, #tpu.memory_space<vmem>> -> memref<1x128xi32, #tpu.memory_space<vmem>>
      %dma_wait3A_414 = tpu.memref_squeeze %dma_wait3A_413 : memref<1x128xi32, #tpu.memory_space<vmem>> -> memref<128xi32, #tpu.memory_space<vmem>>
      %dma_wait3A_415 = arith.constant 0 : i32
      %dma_wait3A_416 = arith.constant 0 : i32
      %dma_wait3A_417 = tpu.memref_slice %arg2[%dma_wait3A_415, %dma_wait3A_416] : memref<3203072x16xf32, #tpu.memory_space<hbm>> -> memref<3203072x16xf32, #tpu.memory_space<hbm>>
      tpu.wait_indirect_dma semaphore(%arg10 : memref<!tpu.dma_semaphore, #tpu.memory_space<semaphore_mem>>) src(%dma_wait3A_417 : memref<3203072x16xf32, #tpu.memory_space<hbm>>) dst(%dma_wait3A_411 : memref<128x16xf32, #tpu.memory_space<vmem>>)
      %dma_wait3A_418 = arith.constant 7 : i32
      %dma_wait3A_419 = arith.constant 7 : i32
      %dma_wait3A_420 = arith.constant 0 : i32
      %dma_wait3A_421 = arith.constant 0 : i32
      %dma_wait3A_422 = tpu.memref_slice %arg9[%dma_wait3A_419, %dma_wait3A_420, %dma_wait3A_421] : memref<8x256x16xf32, #tpu.memory_space<vmem>> -> memref<1x128x16xf32, #tpu.memory_space<vmem>>
      %dma_wait3A_423 = tpu.memref_squeeze %dma_wait3A_422 : memref<1x128x16xf32, #tpu.memory_space<vmem>> -> memref<128x16xf32, #tpu.memory_space<vmem>>
      %dma_wait3A_424 = arith.constant 0 : i32
      %dma_wait3A_425 = tpu.memref_slice %arg8[%dma_wait3A_418, %dma_wait3A_424] : memref<8x256xi32, #tpu.memory_space<vmem>> -> memref<1x128xi32, #tpu.memory_space<vmem>>
      %dma_wait3A_426 = tpu.memref_squeeze %dma_wait3A_425 : memref<1x128xi32, #tpu.memory_space<vmem>> -> memref<128xi32, #tpu.memory_space<vmem>>
      %dma_wait3A_427 = arith.constant 0 : i32
      %dma_wait3A_428 = arith.constant 0 : i32
      %dma_wait3A_429 = tpu.memref_slice %arg2[%dma_wait3A_427, %dma_wait3A_428] : memref<3203072x16xf32, #tpu.memory_space<hbm>> -> memref<3203072x16xf32, #tpu.memory_space<hbm>>
      tpu.wait_indirect_dma semaphore(%arg10 : memref<!tpu.dma_semaphore, #tpu.memory_space<semaphore_mem>>) src(%dma_wait3A_429 : memref<3203072x16xf32, #tpu.memory_space<hbm>>) dst(%dma_wait3A_423 : memref<128x16xf32, #tpu.memory_space<vmem>>)
      %dma_wait3A_430 = arith.constant 7 : i32
      %dma_wait3A_431 = arith.constant 7 : i32
      %dma_wait3A_432 = arith.constant 128 : i32
      %dma_wait3A_433 = arith.constant 0 : i32
      %dma_wait3A_434 = tpu.memref_slice %arg9[%dma_wait3A_431, %dma_wait3A_432, %dma_wait3A_433] : memref<8x256x16xf32, #tpu.memory_space<vmem>> -> memref<1x128x16xf32, #tpu.memory_space<vmem>>
      %dma_wait3A_435 = tpu.memref_squeeze %dma_wait3A_434 : memref<1x128x16xf32, #tpu.memory_space<vmem>> -> memref<128x16xf32, #tpu.memory_space<vmem>>
      %dma_wait3A_436 = arith.constant 128 : i32
      %dma_wait3A_437 = tpu.memref_slice %arg8[%dma_wait3A_430, %dma_wait3A_436] : memref<8x256xi32, #tpu.memory_space<vmem>> -> memref<1x128xi32, #tpu.memory_space<vmem>>
      %dma_wait3A_438 = tpu.memref_squeeze %dma_wait3A_437 : memref<1x128xi32, #tpu.memory_space<vmem>> -> memref<128xi32, #tpu.memory_space<vmem>>
      %dma_wait3A_439 = arith.constant 0 : i32
      %dma_wait3A_440 = arith.constant 0 : i32
      %dma_wait3A_441 = tpu.memref_slice %arg2[%dma_wait3A_439, %dma_wait3A_440] : memref<3203072x16xf32, #tpu.memory_space<hbm>> -> memref<3203072x16xf32, #tpu.memory_space<hbm>>
      tpu.wait_indirect_dma semaphore(%arg10 : memref<!tpu.dma_semaphore, #tpu.memory_space<semaphore_mem>>) src(%dma_wait3A_441 : memref<3203072x16xf32, #tpu.memory_space<hbm>>) dst(%dma_wait3A_435 : memref<128x16xf32, #tpu.memory_space<vmem>>)
      %run_scoped3A = arith.constant 0 : i32
      "tpu.region"() ({
        %run_scoped3A_449 = tpu.sem_alloc : memref<!tpu.dma_semaphore, #tpu.memory_space<semaphore_mem>>
        %dma_start3A_450 = arith.constant 0 : i32
        %dma_start3A_451 = arith.constant 0 : i32
        %dma_start3A_452 = tpu.memref_slice %arg9[%run_scoped3A, %dma_start3A_450, %dma_start3A_451] : memref<8x256x16xf32, #tpu.memory_space<vmem>> -> memref<1x256x16xf32, #tpu.memory_space<vmem>>
        %dma_start3A_453 = tpu.memref_squeeze %dma_start3A_452 : memref<1x256x16xf32, #tpu.memory_space<vmem>> -> memref<256x16xf32, #tpu.memory_space<vmem>>
        %dma_start3A_454 = arith.constant 0 : i32
        %dma_start3A_455 = tpu.memref_slice %arg7[%add3A_29, %dma_start3A_454] : memref<81920x128xf32, #tpu.memory_space<hbm>> -> memref<256x16xf32, #tpu.memory_space<hbm>>
        %dma_start3A_456 = arith.constant 0 : i32
        %dma_start3A_457 = tpu.memref_slice %arg7[%add3A_29, %dma_start3A_456] : memref<81920x128xf32, #tpu.memory_space<hbm>> -> memref<256x16xf32, #tpu.memory_space<hbm>>
        %dma_start3A_458 = arith.constant 0 : i32
        %dma_start3A_459 = arith.constant 0 : i32
        %dma_start3A_460 = tpu.memref_slice %arg9[%run_scoped3A, %dma_start3A_458, %dma_start3A_459] : memref<8x256x16xf32, #tpu.memory_space<vmem>> -> memref<1x256x16xf32, #tpu.memory_space<vmem>>
        %dma_start3A_461 = tpu.memref_squeeze %dma_start3A_460 : memref<1x256x16xf32, #tpu.memory_space<vmem>> -> memref<256x16xf32, #tpu.memory_space<vmem>>
        tpu.enqueue_dma source(%dma_start3A_461 : memref<256x16xf32, #tpu.memory_space<vmem>>) target(%dma_start3A_457 : memref<256x16xf32, #tpu.memory_space<hbm>>) target_semaphore(%run_scoped3A_449 : memref<!tpu.dma_semaphore, #tpu.memory_space<semaphore_mem>>)
        %dma_wait3A_462 = arith.constant 0 : i32
        %dma_wait3A_463 = arith.constant 0 : i32
        %dma_wait3A_464 = tpu.memref_slice %arg9[%run_scoped3A, %dma_wait3A_462, %dma_wait3A_463] : memref<8x256x16xf32, #tpu.memory_space<vmem>> -> memref<1x256x16xf32, #tpu.memory_space<vmem>>
        %dma_wait3A_465 = tpu.memref_squeeze %dma_wait3A_464 : memref<1x256x16xf32, #tpu.memory_space<vmem>> -> memref<256x16xf32, #tpu.memory_space<vmem>>
        %dma_wait3A_466 = arith.constant 0 : i32
        %dma_wait3A_467 = tpu.memref_slice %arg7[%add3A_29, %dma_wait3A_466] : memref<81920x128xf32, #tpu.memory_space<hbm>> -> memref<256x16xf32, #tpu.memory_space<hbm>>
        %dma_wait3A_468 = arith.constant 0 : i32
        %dma_wait3A_469 = tpu.memref_slice %arg7[%add3A_29, %dma_wait3A_468] : memref<81920x128xf32, #tpu.memory_space<hbm>> -> memref<256x16xf32, #tpu.memory_space<hbm>>
        %dma_wait3A_470 = arith.constant 0 : i32
        %dma_wait3A_471 = arith.constant 0 : i32
        %dma_wait3A_472 = tpu.memref_slice %arg9[%run_scoped3A, %dma_wait3A_470, %dma_wait3A_471] : memref<8x256x16xf32, #tpu.memory_space<vmem>> -> memref<1x256x16xf32, #tpu.memory_space<vmem>>
        %dma_wait3A_473 = tpu.memref_squeeze %dma_wait3A_472 : memref<1x256x16xf32, #tpu.memory_space<vmem>> -> memref<256x16xf32, #tpu.memory_space<vmem>>
        tpu.wait_dma2 semaphore(%run_scoped3A_449 : memref<!tpu.dma_semaphore, #tpu.memory_space<semaphore_mem>>) src(%dma_wait3A_473 : memref<256x16xf32, #tpu.memory_space<vmem>>) dst(%dma_wait3A_469 : memref<256x16xf32, #tpu.memory_space<hbm>>)
        tpu.yield
      }) : () -> ()
      %run_scoped3A_442 = arith.constant 1 : i32
      "tpu.region"() ({
        %run_scoped3A_449 = tpu.sem_alloc : memref<!tpu.dma_semaphore, #tpu.memory_space<semaphore_mem>>
        %dma_start3A_450 = arith.constant 0 : i32
        %dma_start3A_451 = arith.constant 0 : i32
        %dma_start3A_452 = tpu.memref_slice %arg9[%run_scoped3A_442, %dma_start3A_450, %dma_start3A_451] : memref<8x256x16xf32, #tpu.memory_space<vmem>> -> memref<1x256x16xf32, #tpu.memory_space<vmem>>
        %dma_start3A_453 = tpu.memref_squeeze %dma_start3A_452 : memref<1x256x16xf32, #tpu.memory_space<vmem>> -> memref<256x16xf32, #tpu.memory_space<vmem>>
        %dma_start3A_454 = arith.constant 16 : i32
        %dma_start3A_455 = tpu.memref_slice %arg7[%add3A_29, %dma_start3A_454] : memref<81920x128xf32, #tpu.memory_space<hbm>> -> memref<256x16xf32, #tpu.memory_space<hbm>>
        %dma_start3A_456 = arith.constant 16 : i32
        %dma_start3A_457 = tpu.memref_slice %arg7[%add3A_29, %dma_start3A_456] : memref<81920x128xf32, #tpu.memory_space<hbm>> -> memref<256x16xf32, #tpu.memory_space<hbm>>
        %dma_start3A_458 = arith.constant 0 : i32
        %dma_start3A_459 = arith.constant 0 : i32
        %dma_start3A_460 = tpu.memref_slice %arg9[%run_scoped3A_442, %dma_start3A_458, %dma_start3A_459] : memref<8x256x16xf32, #tpu.memory_space<vmem>> -> memref<1x256x16xf32, #tpu.memory_space<vmem>>
        %dma_start3A_461 = tpu.memref_squeeze %dma_start3A_460 : memref<1x256x16xf32, #tpu.memory_space<vmem>> -> memref<256x16xf32, #tpu.memory_space<vmem>>
        tpu.enqueue_dma source(%dma_start3A_461 : memref<256x16xf32, #tpu.memory_space<vmem>>) target(%dma_start3A_457 : memref<256x16xf32, #tpu.memory_space<hbm>>) target_semaphore(%run_scoped3A_449 : memref<!tpu.dma_semaphore, #tpu.memory_space<semaphore_mem>>)
        %dma_wait3A_462 = arith.constant 0 : i32
        %dma_wait3A_463 = arith.constant 0 : i32
        %dma_wait3A_464 = tpu.memref_slice %arg9[%run_scoped3A_442, %dma_wait3A_462, %dma_wait3A_463] : memref<8x256x16xf32, #tpu.memory_space<vmem>> -> memref<1x256x16xf32, #tpu.memory_space<vmem>>
        %dma_wait3A_465 = tpu.memref_squeeze %dma_wait3A_464 : memref<1x256x16xf32, #tpu.memory_space<vmem>> -> memref<256x16xf32, #tpu.memory_space<vmem>>
        %dma_wait3A_466 = arith.constant 16 : i32
        %dma_wait3A_467 = tpu.memref_slice %arg7[%add3A_29, %dma_wait3A_466] : memref<81920x128xf32, #tpu.memory_space<hbm>> -> memref<256x16xf32, #tpu.memory_space<hbm>>
        %dma_wait3A_468 = arith.constant 16 : i32
        %dma_wait3A_469 = tpu.memref_slice %arg7[%add3A_29, %dma_wait3A_468] : memref<81920x128xf32, #tpu.memory_space<hbm>> -> memref<256x16xf32, #tpu.memory_space<hbm>>
        %dma_wait3A_470 = arith.constant 0 : i32
        %dma_wait3A_471 = arith.constant 0 : i32
        %dma_wait3A_472 = tpu.memref_slice %arg9[%run_scoped3A_442, %dma_wait3A_470, %dma_wait3A_471] : memref<8x256x16xf32, #tpu.memory_space<vmem>> -> memref<1x256x16xf32, #tpu.memory_space<vmem>>
        %dma_wait3A_473 = tpu.memref_squeeze %dma_wait3A_472 : memref<1x256x16xf32, #tpu.memory_space<vmem>> -> memref<256x16xf32, #tpu.memory_space<vmem>>
        tpu.wait_dma2 semaphore(%run_scoped3A_449 : memref<!tpu.dma_semaphore, #tpu.memory_space<semaphore_mem>>) src(%dma_wait3A_473 : memref<256x16xf32, #tpu.memory_space<vmem>>) dst(%dma_wait3A_469 : memref<256x16xf32, #tpu.memory_space<hbm>>)
        tpu.yield
      }) : () -> ()
      %run_scoped3A_443 = arith.constant 2 : i32
      "tpu.region"() ({
        %run_scoped3A_449 = tpu.sem_alloc : memref<!tpu.dma_semaphore, #tpu.memory_space<semaphore_mem>>
        %dma_start3A_450 = arith.constant 0 : i32
        %dma_start3A_451 = arith.constant 0 : i32
        %dma_start3A_452 = tpu.memref_slice %arg9[%run_scoped3A_443, %dma_start3A_450, %dma_start3A_451] : memref<8x256x16xf32, #tpu.memory_space<vmem>> -> memref<1x256x16xf32, #tpu.memory_space<vmem>>
        %dma_start3A_453 = tpu.memref_squeeze %dma_start3A_452 : memref<1x256x16xf32, #tpu.memory_space<vmem>> -> memref<256x16xf32, #tpu.memory_space<vmem>>
        %dma_start3A_454 = arith.constant 32 : i32
        %dma_start3A_455 = tpu.memref_slice %arg7[%add3A_29, %dma_start3A_454] : memref<81920x128xf32, #tpu.memory_space<hbm>> -> memref<256x16xf32, #tpu.memory_space<hbm>>
        %dma_start3A_456 = arith.constant 32 : i32
        %dma_start3A_457 = tpu.memref_slice %arg7[%add3A_29, %dma_start3A_456] : memref<81920x128xf32, #tpu.memory_space<hbm>> -> memref<256x16xf32, #tpu.memory_space<hbm>>
        %dma_start3A_458 = arith.constant 0 : i32
        %dma_start3A_459 = arith.constant 0 : i32
        %dma_start3A_460 = tpu.memref_slice %arg9[%run_scoped3A_443, %dma_start3A_458, %dma_start3A_459] : memref<8x256x16xf32, #tpu.memory_space<vmem>> -> memref<1x256x16xf32, #tpu.memory_space<vmem>>
        %dma_start3A_461 = tpu.memref_squeeze %dma_start3A_460 : memref<1x256x16xf32, #tpu.memory_space<vmem>> -> memref<256x16xf32, #tpu.memory_space<vmem>>
        tpu.enqueue_dma source(%dma_start3A_461 : memref<256x16xf32, #tpu.memory_space<vmem>>) target(%dma_start3A_457 : memref<256x16xf32, #tpu.memory_space<hbm>>) target_semaphore(%run_scoped3A_449 : memref<!tpu.dma_semaphore, #tpu.memory_space<semaphore_mem>>)
        %dma_wait3A_462 = arith.constant 0 : i32
        %dma_wait3A_463 = arith.constant 0 : i32
        %dma_wait3A_464 = tpu.memref_slice %arg9[%run_scoped3A_443, %dma_wait3A_462, %dma_wait3A_463] : memref<8x256x16xf32, #tpu.memory_space<vmem>> -> memref<1x256x16xf32, #tpu.memory_space<vmem>>
        %dma_wait3A_465 = tpu.memref_squeeze %dma_wait3A_464 : memref<1x256x16xf32, #tpu.memory_space<vmem>> -> memref<256x16xf32, #tpu.memory_space<vmem>>
        %dma_wait3A_466 = arith.constant 32 : i32
        %dma_wait3A_467 = tpu.memref_slice %arg7[%add3A_29, %dma_wait3A_466] : memref<81920x128xf32, #tpu.memory_space<hbm>> -> memref<256x16xf32, #tpu.memory_space<hbm>>
        %dma_wait3A_468 = arith.constant 32 : i32
        %dma_wait3A_469 = tpu.memref_slice %arg7[%add3A_29, %dma_wait3A_468] : memref<81920x128xf32, #tpu.memory_space<hbm>> -> memref<256x16xf32, #tpu.memory_space<hbm>>
        %dma_wait3A_470 = arith.constant 0 : i32
        %dma_wait3A_471 = arith.constant 0 : i32
        %dma_wait3A_472 = tpu.memref_slice %arg9[%run_scoped3A_443, %dma_wait3A_470, %dma_wait3A_471] : memref<8x256x16xf32, #tpu.memory_space<vmem>> -> memref<1x256x16xf32, #tpu.memory_space<vmem>>
        %dma_wait3A_473 = tpu.memref_squeeze %dma_wait3A_472 : memref<1x256x16xf32, #tpu.memory_space<vmem>> -> memref<256x16xf32, #tpu.memory_space<vmem>>
        tpu.wait_dma2 semaphore(%run_scoped3A_449 : memref<!tpu.dma_semaphore, #tpu.memory_space<semaphore_mem>>) src(%dma_wait3A_473 : memref<256x16xf32, #tpu.memory_space<vmem>>) dst(%dma_wait3A_469 : memref<256x16xf32, #tpu.memory_space<hbm>>)
        tpu.yield
      }) : () -> ()
      %run_scoped3A_444 = arith.constant 3 : i32
      "tpu.region"() ({
        %run_scoped3A_449 = tpu.sem_alloc : memref<!tpu.dma_semaphore, #tpu.memory_space<semaphore_mem>>
        %dma_start3A_450 = arith.constant 0 : i32
        %dma_start3A_451 = arith.constant 0 : i32
        %dma_start3A_452 = tpu.memref_slice %arg9[%run_scoped3A_444, %dma_start3A_450, %dma_start3A_451] : memref<8x256x16xf32, #tpu.memory_space<vmem>> -> memref<1x256x16xf32, #tpu.memory_space<vmem>>
        %dma_start3A_453 = tpu.memref_squeeze %dma_start3A_452 : memref<1x256x16xf32, #tpu.memory_space<vmem>> -> memref<256x16xf32, #tpu.memory_space<vmem>>
        %dma_start3A_454 = arith.constant 48 : i32
        %dma_start3A_455 = tpu.memref_slice %arg7[%add3A_29, %dma_start3A_454] : memref<81920x128xf32, #tpu.memory_space<hbm>> -> memref<256x16xf32, #tpu.memory_space<hbm>>
        %dma_start3A_456 = arith.constant 48 : i32
        %dma_start3A_457 = tpu.memref_slice %arg7[%add3A_29, %dma_start3A_456] : memref<81920x128xf32, #tpu.memory_space<hbm>> -> memref<256x16xf32, #tpu.memory_space<hbm>>
        %dma_start3A_458 = arith.constant 0 : i32
        %dma_start3A_459 = arith.constant 0 : i32
        %dma_start3A_460 = tpu.memref_slice %arg9[%run_scoped3A_444, %dma_start3A_458, %dma_start3A_459] : memref<8x256x16xf32, #tpu.memory_space<vmem>> -> memref<1x256x16xf32, #tpu.memory_space<vmem>>
        %dma_start3A_461 = tpu.memref_squeeze %dma_start3A_460 : memref<1x256x16xf32, #tpu.memory_space<vmem>> -> memref<256x16xf32, #tpu.memory_space<vmem>>
        tpu.enqueue_dma source(%dma_start3A_461 : memref<256x16xf32, #tpu.memory_space<vmem>>) target(%dma_start3A_457 : memref<256x16xf32, #tpu.memory_space<hbm>>) target_semaphore(%run_scoped3A_449 : memref<!tpu.dma_semaphore, #tpu.memory_space<semaphore_mem>>)
        %dma_wait3A_462 = arith.constant 0 : i32
        %dma_wait3A_463 = arith.constant 0 : i32
        %dma_wait3A_464 = tpu.memref_slice %arg9[%run_scoped3A_444, %dma_wait3A_462, %dma_wait3A_463] : memref<8x256x16xf32, #tpu.memory_space<vmem>> -> memref<1x256x16xf32, #tpu.memory_space<vmem>>
        %dma_wait3A_465 = tpu.memref_squeeze %dma_wait3A_464 : memref<1x256x16xf32, #tpu.memory_space<vmem>> -> memref<256x16xf32, #tpu.memory_space<vmem>>
        %dma_wait3A_466 = arith.constant 48 : i32
        %dma_wait3A_467 = tpu.memref_slice %arg7[%add3A_29, %dma_wait3A_466] : memref<81920x128xf32, #tpu.memory_space<hbm>> -> memref<256x16xf32, #tpu.memory_space<hbm>>
        %dma_wait3A_468 = arith.constant 48 : i32
        %dma_wait3A_469 = tpu.memref_slice %arg7[%add3A_29, %dma_wait3A_468] : memref<81920x128xf32, #tpu.memory_space<hbm>> -> memref<256x16xf32, #tpu.memory_space<hbm>>
        %dma_wait3A_470 = arith.constant 0 : i32
        %dma_wait3A_471 = arith.constant 0 : i32
        %dma_wait3A_472 = tpu.memref_slice %arg9[%run_scoped3A_444, %dma_wait3A_470, %dma_wait3A_471] : memref<8x256x16xf32, #tpu.memory_space<vmem>> -> memref<1x256x16xf32, #tpu.memory_space<vmem>>
        %dma_wait3A_473 = tpu.memref_squeeze %dma_wait3A_472 : memref<1x256x16xf32, #tpu.memory_space<vmem>> -> memref<256x16xf32, #tpu.memory_space<vmem>>
        tpu.wait_dma2 semaphore(%run_scoped3A_449 : memref<!tpu.dma_semaphore, #tpu.memory_space<semaphore_mem>>) src(%dma_wait3A_473 : memref<256x16xf32, #tpu.memory_space<vmem>>) dst(%dma_wait3A_469 : memref<256x16xf32, #tpu.memory_space<hbm>>)
        tpu.yield
      }) : () -> ()
      %run_scoped3A_445 = arith.constant 4 : i32
      "tpu.region"() ({
        %run_scoped3A_449 = tpu.sem_alloc : memref<!tpu.dma_semaphore, #tpu.memory_space<semaphore_mem>>
        %dma_start3A_450 = arith.constant 0 : i32
        %dma_start3A_451 = arith.constant 0 : i32
        %dma_start3A_452 = tpu.memref_slice %arg9[%run_scoped3A_445, %dma_start3A_450, %dma_start3A_451] : memref<8x256x16xf32, #tpu.memory_space<vmem>> -> memref<1x256x16xf32, #tpu.memory_space<vmem>>
        %dma_start3A_453 = tpu.memref_squeeze %dma_start3A_452 : memref<1x256x16xf32, #tpu.memory_space<vmem>> -> memref<256x16xf32, #tpu.memory_space<vmem>>
        %dma_start3A_454 = arith.constant 64 : i32
        %dma_start3A_455 = tpu.memref_slice %arg7[%add3A_29, %dma_start3A_454] : memref<81920x128xf32, #tpu.memory_space<hbm>> -> memref<256x16xf32, #tpu.memory_space<hbm>>
        %dma_start3A_456 = arith.constant 64 : i32
        %dma_start3A_457 = tpu.memref_slice %arg7[%add3A_29, %dma_start3A_456] : memref<81920x128xf32, #tpu.memory_space<hbm>> -> memref<256x16xf32, #tpu.memory_space<hbm>>
        %dma_start3A_458 = arith.constant 0 : i32
        %dma_start3A_459 = arith.constant 0 : i32
        %dma_start3A_460 = tpu.memref_slice %arg9[%run_scoped3A_445, %dma_start3A_458, %dma_start3A_459] : memref<8x256x16xf32, #tpu.memory_space<vmem>> -> memref<1x256x16xf32, #tpu.memory_space<vmem>>
        %dma_start3A_461 = tpu.memref_squeeze %dma_start3A_460 : memref<1x256x16xf32, #tpu.memory_space<vmem>> -> memref<256x16xf32, #tpu.memory_space<vmem>>
        tpu.enqueue_dma source(%dma_start3A_461 : memref<256x16xf32, #tpu.memory_space<vmem>>) target(%dma_start3A_457 : memref<256x16xf32, #tpu.memory_space<hbm>>) target_semaphore(%run_scoped3A_449 : memref<!tpu.dma_semaphore, #tpu.memory_space<semaphore_mem>>)
        %dma_wait3A_462 = arith.constant 0 : i32
        %dma_wait3A_463 = arith.constant 0 : i32
        %dma_wait3A_464 = tpu.memref_slice %arg9[%run_scoped3A_445, %dma_wait3A_462, %dma_wait3A_463] : memref<8x256x16xf32, #tpu.memory_space<vmem>> -> memref<1x256x16xf32, #tpu.memory_space<vmem>>
        %dma_wait3A_465 = tpu.memref_squeeze %dma_wait3A_464 : memref<1x256x16xf32, #tpu.memory_space<vmem>> -> memref<256x16xf32, #tpu.memory_space<vmem>>
        %dma_wait3A_466 = arith.constant 64 : i32
        %dma_wait3A_467 = tpu.memref_slice %arg7[%add3A_29, %dma_wait3A_466] : memref<81920x128xf32, #tpu.memory_space<hbm>> -> memref<256x16xf32, #tpu.memory_space<hbm>>
        %dma_wait3A_468 = arith.constant 64 : i32
        %dma_wait3A_469 = tpu.memref_slice %arg7[%add3A_29, %dma_wait3A_468] : memref<81920x128xf32, #tpu.memory_space<hbm>> -> memref<256x16xf32, #tpu.memory_space<hbm>>
        %dma_wait3A_470 = arith.constant 0 : i32
        %dma_wait3A_471 = arith.constant 0 : i32
        %dma_wait3A_472 = tpu.memref_slice %arg9[%run_scoped3A_445, %dma_wait3A_470, %dma_wait3A_471] : memref<8x256x16xf32, #tpu.memory_space<vmem>> -> memref<1x256x16xf32, #tpu.memory_space<vmem>>
        %dma_wait3A_473 = tpu.memref_squeeze %dma_wait3A_472 : memref<1x256x16xf32, #tpu.memory_space<vmem>> -> memref<256x16xf32, #tpu.memory_space<vmem>>
        tpu.wait_dma2 semaphore(%run_scoped3A_449 : memref<!tpu.dma_semaphore, #tpu.memory_space<semaphore_mem>>) src(%dma_wait3A_473 : memref<256x16xf32, #tpu.memory_space<vmem>>) dst(%dma_wait3A_469 : memref<256x16xf32, #tpu.memory_space<hbm>>)
        tpu.yield
      }) : () -> ()
      %run_scoped3A_446 = arith.constant 5 : i32
      "tpu.region"() ({
        %run_scoped3A_449 = tpu.sem_alloc : memref<!tpu.dma_semaphore, #tpu.memory_space<semaphore_mem>>
        %dma_start3A_450 = arith.constant 0 : i32
        %dma_start3A_451 = arith.constant 0 : i32
        %dma_start3A_452 = tpu.memref_slice %arg9[%run_scoped3A_446, %dma_start3A_450, %dma_start3A_451] : memref<8x256x16xf32, #tpu.memory_space<vmem>> -> memref<1x256x16xf32, #tpu.memory_space<vmem>>
        %dma_start3A_453 = tpu.memref_squeeze %dma_start3A_452 : memref<1x256x16xf32, #tpu.memory_space<vmem>> -> memref<256x16xf32, #tpu.memory_space<vmem>>
        %dma_start3A_454 = arith.constant 80 : i32
        %dma_start3A_455 = tpu.memref_slice %arg7[%add3A_29, %dma_start3A_454] : memref<81920x128xf32, #tpu.memory_space<hbm>> -> memref<256x16xf32, #tpu.memory_space<hbm>>
        %dma_start3A_456 = arith.constant 80 : i32
        %dma_start3A_457 = tpu.memref_slice %arg7[%add3A_29, %dma_start3A_456] : memref<81920x128xf32, #tpu.memory_space<hbm>> -> memref<256x16xf32, #tpu.memory_space<hbm>>
        %dma_start3A_458 = arith.constant 0 : i32
        %dma_start3A_459 = arith.constant 0 : i32
        %dma_start3A_460 = tpu.memref_slice %arg9[%run_scoped3A_446, %dma_start3A_458, %dma_start3A_459] : memref<8x256x16xf32, #tpu.memory_space<vmem>> -> memref<1x256x16xf32, #tpu.memory_space<vmem>>
        %dma_start3A_461 = tpu.memref_squeeze %dma_start3A_460 : memref<1x256x16xf32, #tpu.memory_space<vmem>> -> memref<256x16xf32, #tpu.memory_space<vmem>>
        tpu.enqueue_dma source(%dma_start3A_461 : memref<256x16xf32, #tpu.memory_space<vmem>>) target(%dma_start3A_457 : memref<256x16xf32, #tpu.memory_space<hbm>>) target_semaphore(%run_scoped3A_449 : memref<!tpu.dma_semaphore, #tpu.memory_space<semaphore_mem>>)
        %dma_wait3A_462 = arith.constant 0 : i32
        %dma_wait3A_463 = arith.constant 0 : i32
        %dma_wait3A_464 = tpu.memref_slice %arg9[%run_scoped3A_446, %dma_wait3A_462, %dma_wait3A_463] : memref<8x256x16xf32, #tpu.memory_space<vmem>> -> memref<1x256x16xf32, #tpu.memory_space<vmem>>
        %dma_wait3A_465 = tpu.memref_squeeze %dma_wait3A_464 : memref<1x256x16xf32, #tpu.memory_space<vmem>> -> memref<256x16xf32, #tpu.memory_space<vmem>>
        %dma_wait3A_466 = arith.constant 80 : i32
        %dma_wait3A_467 = tpu.memref_slice %arg7[%add3A_29, %dma_wait3A_466] : memref<81920x128xf32, #tpu.memory_space<hbm>> -> memref<256x16xf32, #tpu.memory_space<hbm>>
        %dma_wait3A_468 = arith.constant 80 : i32
        %dma_wait3A_469 = tpu.memref_slice %arg7[%add3A_29, %dma_wait3A_468] : memref<81920x128xf32, #tpu.memory_space<hbm>> -> memref<256x16xf32, #tpu.memory_space<hbm>>
        %dma_wait3A_470 = arith.constant 0 : i32
        %dma_wait3A_471 = arith.constant 0 : i32
        %dma_wait3A_472 = tpu.memref_slice %arg9[%run_scoped3A_446, %dma_wait3A_470, %dma_wait3A_471] : memref<8x256x16xf32, #tpu.memory_space<vmem>> -> memref<1x256x16xf32, #tpu.memory_space<vmem>>
        %dma_wait3A_473 = tpu.memref_squeeze %dma_wait3A_472 : memref<1x256x16xf32, #tpu.memory_space<vmem>> -> memref<256x16xf32, #tpu.memory_space<vmem>>
        tpu.wait_dma2 semaphore(%run_scoped3A_449 : memref<!tpu.dma_semaphore, #tpu.memory_space<semaphore_mem>>) src(%dma_wait3A_473 : memref<256x16xf32, #tpu.memory_space<vmem>>) dst(%dma_wait3A_469 : memref<256x16xf32, #tpu.memory_space<hbm>>)
        tpu.yield
      }) : () -> ()
      %run_scoped3A_447 = arith.constant 6 : i32
      "tpu.region"() ({
        %run_scoped3A_449 = tpu.sem_alloc : memref<!tpu.dma_semaphore, #tpu.memory_space<semaphore_mem>>
        %dma_start3A_450 = arith.constant 0 : i32
        %dma_start3A_451 = arith.constant 0 : i32
        %dma_start3A_452 = tpu.memref_slice %arg9[%run_scoped3A_447, %dma_start3A_450, %dma_start3A_451] : memref<8x256x16xf32, #tpu.memory_space<vmem>> -> memref<1x256x16xf32, #tpu.memory_space<vmem>>
        %dma_start3A_453 = tpu.memref_squeeze %dma_start3A_452 : memref<1x256x16xf32, #tpu.memory_space<vmem>> -> memref<256x16xf32, #tpu.memory_space<vmem>>
        %dma_start3A_454 = arith.constant 96 : i32
        %dma_start3A_455 = tpu.memref_slice %arg7[%add3A_29, %dma_start3A_454] : memref<81920x128xf32, #tpu.memory_space<hbm>> -> memref<256x16xf32, #tpu.memory_space<hbm>>
        %dma_start3A_456 = arith.constant 96 : i32
        %dma_start3A_457 = tpu.memref_slice %arg7[%add3A_29, %dma_start3A_456] : memref<81920x128xf32, #tpu.memory_space<hbm>> -> memref<256x16xf32, #tpu.memory_space<hbm>>
        %dma_start3A_458 = arith.constant 0 : i32
        %dma_start3A_459 = arith.constant 0 : i32
        %dma_start3A_460 = tpu.memref_slice %arg9[%run_scoped3A_447, %dma_start3A_458, %dma_start3A_459] : memref<8x256x16xf32, #tpu.memory_space<vmem>> -> memref<1x256x16xf32, #tpu.memory_space<vmem>>
        %dma_start3A_461 = tpu.memref_squeeze %dma_start3A_460 : memref<1x256x16xf32, #tpu.memory_space<vmem>> -> memref<256x16xf32, #tpu.memory_space<vmem>>
        tpu.enqueue_dma source(%dma_start3A_461 : memref<256x16xf32, #tpu.memory_space<vmem>>) target(%dma_start3A_457 : memref<256x16xf32, #tpu.memory_space<hbm>>) target_semaphore(%run_scoped3A_449 : memref<!tpu.dma_semaphore, #tpu.memory_space<semaphore_mem>>)
        %dma_wait3A_462 = arith.constant 0 : i32
        %dma_wait3A_463 = arith.constant 0 : i32
        %dma_wait3A_464 = tpu.memref_slice %arg9[%run_scoped3A_447, %dma_wait3A_462, %dma_wait3A_463] : memref<8x256x16xf32, #tpu.memory_space<vmem>> -> memref<1x256x16xf32, #tpu.memory_space<vmem>>
        %dma_wait3A_465 = tpu.memref_squeeze %dma_wait3A_464 : memref<1x256x16xf32, #tpu.memory_space<vmem>> -> memref<256x16xf32, #tpu.memory_space<vmem>>
        %dma_wait3A_466 = arith.constant 96 : i32
        %dma_wait3A_467 = tpu.memref_slice %arg7[%add3A_29, %dma_wait3A_466] : memref<81920x128xf32, #tpu.memory_space<hbm>> -> memref<256x16xf32, #tpu.memory_space<hbm>>
        %dma_wait3A_468 = arith.constant 96 : i32
        %dma_wait3A_469 = tpu.memref_slice %arg7[%add3A_29, %dma_wait3A_468] : memref<81920x128xf32, #tpu.memory_space<hbm>> -> memref<256x16xf32, #tpu.memory_space<hbm>>
        %dma_wait3A_470 = arith.constant 0 : i32
        %dma_wait3A_471 = arith.constant 0 : i32
        %dma_wait3A_472 = tpu.memref_slice %arg9[%run_scoped3A_447, %dma_wait3A_470, %dma_wait3A_471] : memref<8x256x16xf32, #tpu.memory_space<vmem>> -> memref<1x256x16xf32, #tpu.memory_space<vmem>>
        %dma_wait3A_473 = tpu.memref_squeeze %dma_wait3A_472 : memref<1x256x16xf32, #tpu.memory_space<vmem>> -> memref<256x16xf32, #tpu.memory_space<vmem>>
        tpu.wait_dma2 semaphore(%run_scoped3A_449 : memref<!tpu.dma_semaphore, #tpu.memory_space<semaphore_mem>>) src(%dma_wait3A_473 : memref<256x16xf32, #tpu.memory_space<vmem>>) dst(%dma_wait3A_469 : memref<256x16xf32, #tpu.memory_space<hbm>>)
        tpu.yield
      }) : () -> ()
      %run_scoped3A_448 = arith.constant 7 : i32
      "tpu.region"() ({
        %run_scoped3A_449 = tpu.sem_alloc : memref<!tpu.dma_semaphore, #tpu.memory_space<semaphore_mem>>
        %dma_start3A_450 = arith.constant 0 : i32
        %dma_start3A_451 = arith.constant 0 : i32
        %dma_start3A_452 = tpu.memref_slice %arg9[%run_scoped3A_448, %dma_start3A_450, %dma_start3A_451] : memref<8x256x16xf32, #tpu.memory_space<vmem>> -> memref<1x256x16xf32, #tpu.memory_space<vmem>>
        %dma_start3A_453 = tpu.memref_squeeze %dma_start3A_452 : memref<1x256x16xf32, #tpu.memory_space<vmem>> -> memref<256x16xf32, #tpu.memory_space<vmem>>
        %dma_start3A_454 = arith.constant 112 : i32
        %dma_start3A_455 = tpu.memref_slice %arg7[%add3A_29, %dma_start3A_454] : memref<81920x128xf32, #tpu.memory_space<hbm>> -> memref<256x16xf32, #tpu.memory_space<hbm>>
        %dma_start3A_456 = arith.constant 112 : i32
        %dma_start3A_457 = tpu.memref_slice %arg7[%add3A_29, %dma_start3A_456] : memref<81920x128xf32, #tpu.memory_space<hbm>> -> memref<256x16xf32, #tpu.memory_space<hbm>>
        %dma_start3A_458 = arith.constant 0 : i32
        %dma_start3A_459 = arith.constant 0 : i32
        %dma_start3A_460 = tpu.memref_slice %arg9[%run_scoped3A_448, %dma_start3A_458, %dma_start3A_459] : memref<8x256x16xf32, #tpu.memory_space<vmem>> -> memref<1x256x16xf32, #tpu.memory_space<vmem>>
        %dma_start3A_461 = tpu.memref_squeeze %dma_start3A_460 : memref<1x256x16xf32, #tpu.memory_space<vmem>> -> memref<256x16xf32, #tpu.memory_space<vmem>>
        tpu.enqueue_dma source(%dma_start3A_461 : memref<256x16xf32, #tpu.memory_space<vmem>>) target(%dma_start3A_457 : memref<256x16xf32, #tpu.memory_space<hbm>>) target_semaphore(%run_scoped3A_449 : memref<!tpu.dma_semaphore, #tpu.memory_space<semaphore_mem>>)
        %dma_wait3A_462 = arith.constant 0 : i32
        %dma_wait3A_463 = arith.constant 0 : i32
        %dma_wait3A_464 = tpu.memref_slice %arg9[%run_scoped3A_448, %dma_wait3A_462, %dma_wait3A_463] : memref<8x256x16xf32, #tpu.memory_space<vmem>> -> memref<1x256x16xf32, #tpu.memory_space<vmem>>
        %dma_wait3A_465 = tpu.memref_squeeze %dma_wait3A_464 : memref<1x256x16xf32, #tpu.memory_space<vmem>> -> memref<256x16xf32, #tpu.memory_space<vmem>>
        %dma_wait3A_466 = arith.constant 112 : i32
        %dma_wait3A_467 = tpu.memref_slice %arg7[%add3A_29, %dma_wait3A_466] : memref<81920x128xf32, #tpu.memory_space<hbm>> -> memref<256x16xf32, #tpu.memory_space<hbm>>
        %dma_wait3A_468 = arith.constant 112 : i32
        %dma_wait3A_469 = tpu.memref_slice %arg7[%add3A_29, %dma_wait3A_468] : memref<81920x128xf32, #tpu.memory_space<hbm>> -> memref<256x16xf32, #tpu.memory_space<hbm>>
        %dma_wait3A_470 = arith.constant 0 : i32
        %dma_wait3A_471 = arith.constant 0 : i32
        %dma_wait3A_472 = tpu.memref_slice %arg9[%run_scoped3A_448, %dma_wait3A_470, %dma_wait3A_471] : memref<8x256x16xf32, #tpu.memory_space<vmem>> -> memref<1x256x16xf32, #tpu.memory_space<vmem>>
        %dma_wait3A_473 = tpu.memref_squeeze %dma_wait3A_472 : memref<1x256x16xf32, #tpu.memory_space<vmem>> -> memref<256x16xf32, #tpu.memory_space<vmem>>
        tpu.wait_dma2 semaphore(%run_scoped3A_449 : memref<!tpu.dma_semaphore, #tpu.memory_space<semaphore_mem>>) src(%dma_wait3A_473 : memref<256x16xf32, #tpu.memory_space<vmem>>) dst(%dma_wait3A_469 : memref<256x16xf32, #tpu.memory_space<hbm>>)
        tpu.yield
      }) : () -> ()
    }
    %scan3A_23 = arith.constant 10 : i32
    return
  }
}

module attributes {stable_mosaic.version = 14 : i64} {
  func.func @_detile_body(%arg0: i32, %arg1: i32, %arg2: memref<8x16x5888xf32, #tpu.memory_space<vmem>>, %arg3: memref<5888x128xf32, #tpu.memory_space<vmem>>) attributes {dimension_semantics = [#tpu.dimension_semantics<arbitrary>, #tpu.dimension_semantics<arbitrary>], iteration_bounds = array<i64: 4, 17>, scalar_prefetch = 0 : i64, scratch_operands = 0 : i64, tpu.core_type = #tpu.core_type<tc>, window_params = [{transform_indices = @transform_0, window_bounds = array<i64: 8, 16, 5888>}, {transform_indices = @transform_1, window_bounds = array<i64: 5888, 128>}]} {
    %get3A = arith.constant 0 : index
    %get3A_0 = arith.constant 0 : index
    %get3A_1 = arith.constant 0 : index
    %get3A_2 = vector.load %arg2[%get3A, %get3A_0, %get3A_1] : memref<8x16x5888xf32, #tpu.memory_space<vmem>>, vector<8x16x5888xf32>
    %reshape3A = vector.shape_cast %get3A_2 : vector<8x16x5888xf32> to vector<128x5888xf32>
    %transpose3A = tpu.transpose %reshape3A, [1, 0] : vector<128x5888xf32> -> vector<5888x128xf32>
    %swap3A = arith.constant 0 : index
    %swap3A_3 = arith.constant 0 : index
    %swap3A_4 = vector.load %arg3[%swap3A, %swap3A_3] : memref<5888x128xf32, #tpu.memory_space<vmem>>, vector<5888x128xf32>
    tpu.vector_store %arg3[%swap3A, %swap3A_3], %transpose3A {strides = array<i32>} : memref<5888x128xf32, #tpu.memory_space<vmem>>, vector<5888x128xf32>,
    return
  }
  func.func @transform_0(%arg0: i32, %arg1: i32) -> (i32, i32, i32) {
    %c0_i32 = arith.constant 0 : i32
    %c0_i32_0 = arith.constant 0 : i32
    return %arg0, %c0_i32, %arg1 : i32, i32, i32
  }
  func.func @transform_1(%arg0: i32, %arg1: i32) -> (i32, i32) {
    %mul3A = arith.constant 17 : i32
    %mul3A_0 = arith.muli %arg0, %mul3A : i32
    %add3A = arith.addi %mul3A_0, %arg1 : i32
    %c0_i32 = arith.constant 0 : i32
    %c0_i32_1 = arith.constant 0 : i32
    return %add3A, %c0_i32 : i32, i32
  }
}

module attributes {stable_mosaic.version = 14 : i64} {
  func.func @_proj_body(%arg0: i32, %arg1: memref<1024x128xf32, #tpu.memory_space<vmem>>, %arg2: memref<1024x128xf32, #tpu.memory_space<vmem>>, %arg3: memref<1024x128xf32, #tpu.memory_space<vmem>>, %arg4: memref<1024x128xf32, #tpu.memory_space<vmem>>, %arg5: memref<128x128xf32, #tpu.memory_space<vmem>>, %arg6: memref<128x128xf32, #tpu.memory_space<vmem>>, %arg7: memref<128x128xf32, #tpu.memory_space<vmem>>, %arg8: memref<128x128xf32, #tpu.memory_space<vmem>>, %arg9: memref<1x128xf32, #tpu.memory_space<vmem>>, %arg10: memref<1x128xf32, #tpu.memory_space<vmem>>, %arg11: memref<1x128xf32, #tpu.memory_space<vmem>>, %arg12: memref<1024x128xf32, #tpu.memory_space<vmem>>) attributes {dimension_semantics = [#tpu.dimension_semantics<arbitrary>], iteration_bounds = array<i64: 80>, scalar_prefetch = 0 : i64, scratch_operands = 0 : i64, tpu.core_type = #tpu.core_type<tc>, window_params = [{transform_indices = @transform_0, window_bounds = array<i64: 1024, 128>}, {transform_indices = @transform_1, window_bounds = array<i64: 1024, 128>}, {transform_indices = @transform_2, window_bounds = array<i64: 1024, 128>}, {transform_indices = @transform_3, window_bounds = array<i64: 1024, 128>}, {pipeline_mode = #tpu.pipeline_mode<synchronous>, transform_indices = @transform_4, window_bounds = array<i64: 128, 128>}, {pipeline_mode = #tpu.pipeline_mode<synchronous>, transform_indices = @transform_5, window_bounds = array<i64: 128, 128>}, {pipeline_mode = #tpu.pipeline_mode<synchronous>, transform_indices = @transform_6, window_bounds = array<i64: 128, 128>}, {pipeline_mode = #tpu.pipeline_mode<synchronous>, transform_indices = @transform_7, window_bounds = array<i64: 128, 128>}, {pipeline_mode = #tpu.pipeline_mode<synchronous>, transform_indices = @transform_8, window_bounds = array<i64: 1, 128>}, {pipeline_mode = #tpu.pipeline_mode<synchronous>, transform_indices = @transform_9, window_bounds = array<i64: 1, 128>}, {pipeline_mode = #tpu.pipeline_mode<synchronous>, transform_indices = @transform_10, window_bounds = array<i64: 1, 128>}, {transform_indices = @transform_11, window_bounds = array<i64: 1024, 128>}]} {
    %get3A = arith.constant 0 : index
    %get3A_0 = arith.constant 0 : index
    %get3A_1 = vector.load %arg1[%get3A, %get3A_0] : memref<1024x128xf32, #tpu.memory_space<vmem>>, vector<1024x128xf32>
    %get3A_2 = arith.constant 0 : index
    %get3A_3 = arith.constant 0 : index
    %get3A_4 = vector.load %arg5[%get3A_2, %get3A_3] : memref<128x128xf32, #tpu.memory_space<vmem>>, vector<128x128xf32>
    %dot_general3A = arith.constant dense<0.000000e+00> : vector<1024x128xf32>
    %dot_general3A_5 = tpu.matmul %get3A_1, %get3A_4, %dot_general3A {dimension_numbers = #tpu.dot_dimension_numbers<[1], [0], [0], [1], [0, 0, 1, 1], [], []>, transpose_lhs_hint = false} : vector<1024x128xf32>, vector<128x128xf32>, vector<1024x128xf32> -> vector<1024x128xf32>
    %get3A_6 = arith.constant 0 : index
    %get3A_7 = arith.constant 0 : index
    %get3A_8 = vector.load %arg2[%get3A_6, %get3A_7] : memref<1024x128xf32, #tpu.memory_space<vmem>>, vector<1024x128xf32>
    %get3A_9 = arith.constant 0 : index
    %get3A_10 = arith.constant 0 : index
    %get3A_11 = vector.load %arg6[%get3A_9, %get3A_10] : memref<128x128xf32, #tpu.memory_space<vmem>>, vector<128x128xf32>
    %dot_general3A_12 = arith.constant dense<0.000000e+00> : vector<1024x128xf32>
    %dot_general3A_13 = tpu.matmul %get3A_8, %get3A_11, %dot_general3A_12 {dimension_numbers = #tpu.dot_dimension_numbers<[1], [0], [0], [1], [0, 0, 1, 1], [], []>, transpose_lhs_hint = false} : vector<1024x128xf32>, vector<128x128xf32>, vector<1024x128xf32> -> vector<1024x128xf32>
    %add3A = arith.addf %dot_general3A_5, %dot_general3A_13 : vector<1024x128xf32>
    %get3A_14 = arith.constant 0 : index
    %get3A_15 = arith.constant 0 : index
    %get3A_16 = vector.load %arg3[%get3A_14, %get3A_15] : memref<1024x128xf32, #tpu.memory_space<vmem>>, vector<1024x128xf32>
    %get3A_17 = arith.constant 0 : index
    %get3A_18 = arith.constant 0 : index
    %get3A_19 = vector.load %arg7[%get3A_17, %get3A_18] : memref<128x128xf32, #tpu.memory_space<vmem>>, vector<128x128xf32>
    %dot_general3A_20 = arith.constant dense<0.000000e+00> : vector<1024x128xf32>
    %dot_general3A_21 = tpu.matmul %get3A_16, %get3A_19, %dot_general3A_20 {dimension_numbers = #tpu.dot_dimension_numbers<[1], [0], [0], [1], [0, 0, 1, 1], [], []>, transpose_lhs_hint = false} : vector<1024x128xf32>, vector<128x128xf32>, vector<1024x128xf32> -> vector<1024x128xf32>
    %add3A_22 = arith.addf %add3A, %dot_general3A_21 : vector<1024x128xf32>
    %get3A_23 = arith.constant 0 : index
    %get3A_24 = arith.constant 0 : index
    %get3A_25 = vector.load %arg4[%get3A_23, %get3A_24] : memref<1024x128xf32, #tpu.memory_space<vmem>>, vector<1024x128xf32>
    %get3A_26 = arith.constant 0 : index
    %get3A_27 = arith.constant 0 : index
    %get3A_28 = vector.load %arg8[%get3A_26, %get3A_27] : memref<128x128xf32, #tpu.memory_space<vmem>>, vector<128x128xf32>
    %dot_general3A_29 = arith.constant dense<0.000000e+00> : vector<1024x128xf32>
    %dot_general3A_30 = tpu.matmul %get3A_25, %get3A_28, %dot_general3A_29 {dimension_numbers = #tpu.dot_dimension_numbers<[1], [0], [0], [1], [0, 0, 1, 1], [], []>, transpose_lhs_hint = false} : vector<1024x128xf32>, vector<128x128xf32>, vector<1024x128xf32> -> vector<1024x128xf32>
    %add3A_31 = arith.addf %add3A_22, %dot_general3A_30 : vector<1024x128xf32>
    %get3A_32 = arith.constant 0 : index
    %get3A_33 = arith.constant 0 : index
    %get3A_34 = vector.load %arg9[%get3A_32, %get3A_33] : memref<1x128xf32, #tpu.memory_space<vmem>>, vector<1x128xf32>
    %add3A_35 = vector.broadcast %get3A_34 : vector<1x128xf32> to vector<1024x128xf32>
    %add3A_36 = arith.addf %add3A_31, %add3A_35 : vector<1024x128xf32>
    %logistic3A = arith.negf %add3A_36 : vector<1024x128xf32>
    %logistic3A_37 = math.exp %logistic3A : vector<1024x128xf32>
    %logistic3A_38 = arith.constant 1.000000e+00 : f32
    %logistic3A_39 = vector.broadcast %logistic3A_38 : f32 to vector<1024x128xf32>
    %logistic3A_40 = arith.addf %logistic3A_39, %logistic3A_37 : vector<1024x128xf32>
    %logistic3A_41 = arith.divf %logistic3A_39, %logistic3A_40 : vector<1024x128xf32>
    %mul3A = arith.mulf %add3A_36, %logistic3A_41 : vector<1024x128xf32>
    %reduce_sum3A = arith.constant dense<0.000000e+00> : vector<1024xf32>
    %reduce_sum3A_42 = vector.multi_reduction <add>, %mul3A, %reduce_sum3A [1] : vector<1024x128xf32> to vector<1024xf32>
    %broadcast_in_dim3A = vector.shape_cast %reduce_sum3A_42 : vector<1024xf32> to vector<1024x1xf32>
    %div3A = arith.constant 1.280000e+02 : f32
    %div3A_43 = vector.broadcast %div3A : f32 to vector<1024x1xf32>
    %div3A_44 = arith.divf %broadcast_in_dim3A, %div3A_43 : vector<1024x1xf32>
    %sub3A = vector.broadcast %div3A_44 : vector<1024x1xf32> to vector<1024x128xf32>
    %sub3A_45 = arith.subf %mul3A, %sub3A : vector<1024x128xf32>
    %mul3A_46 = arith.mulf %sub3A_45, %sub3A_45 : vector<1024x128xf32>
    %reduce_sum3A_47 = arith.constant dense<0.000000e+00> : vector<1024xf32>
    %reduce_sum3A_48 = vector.multi_reduction <add>, %mul3A_46, %reduce_sum3A_47 [1] : vector<1024x128xf32> to vector<1024xf32>
    %broadcast_in_dim3A_49 = vector.shape_cast %reduce_sum3A_48 : vector<1024xf32> to vector<1024x1xf32>
    %div3A_50 = arith.constant 1.280000e+02 : f32
    %div3A_51 = vector.broadcast %div3A_50 : f32 to vector<1024x1xf32>
    %div3A_52 = arith.divf %broadcast_in_dim3A_49, %div3A_51 : vector<1024x1xf32>
    %add3A_53 = arith.constant 9.99999974E-6 : f32
    %add3A_54 = vector.broadcast %add3A_53 : f32 to vector<1024x1xf32>
    %add3A_55 = arith.addf %div3A_52, %add3A_54 : vector<1024x1xf32>
    %rsqrt3A = math.rsqrt %add3A_55 : vector<1024x1xf32>
    %mul3A_56 = vector.broadcast %rsqrt3A : vector<1024x1xf32> to vector<1024x128xf32>
    %mul3A_57 = arith.mulf %sub3A_45, %mul3A_56 : vector<1024x128xf32>
    %get3A_58 = arith.constant 0 : index
    %get3A_59 = arith.constant 0 : index
    %get3A_60 = vector.load %arg10[%get3A_58, %get3A_59] : memref<1x128xf32, #tpu.memory_space<vmem>>, vector<1x128xf32>
    %mul3A_61 = vector.broadcast %get3A_60 : vector<1x128xf32> to vector<1024x128xf32>
    %mul3A_62 = arith.mulf %mul3A_57, %mul3A_61 : vector<1024x128xf32>
    %get3A_63 = arith.constant 0 : index
    %get3A_64 = arith.constant 0 : index
    %get3A_65 = vector.load %arg11[%get3A_63, %get3A_64] : memref<1x128xf32, #tpu.memory_space<vmem>>, vector<1x128xf32>
    %add3A_66 = vector.broadcast %get3A_65 : vector<1x128xf32> to vector<1024x128xf32>
    %add3A_67 = arith.addf %mul3A_62, %add3A_66 : vector<1024x128xf32>
    %swap3A = arith.constant 0 : index
    %swap3A_68 = arith.constant 0 : index
    %swap3A_69 = vector.load %arg12[%swap3A, %swap3A_68] : memref<1024x128xf32, #tpu.memory_space<vmem>>, vector<1024x128xf32>
    tpu.vector_store %arg12[%swap3A, %swap3A_68], %add3A_67 {strides = array<i32>} : memref<1024x128xf32, #tpu.memory_space<vmem>>, vector<1024x128xf32>,
    return
  }
  func.func @transform_0(%arg0: i32) -> (i32, i32) {
    %c0_i32 = arith.constant 0 : i32
    %c0_i32_0 = arith.constant 0 : i32
    return %arg0, %c0_i32 : i32, i32
  }
  func.func @transform_1(%arg0: i32) -> (i32, i32) {
    %c0_i32 = arith.constant 0 : i32
    %c0_i32_0 = arith.constant 0 : i32
    return %arg0, %c0_i32 : i32, i32
  }
  func.func @transform_2(%arg0: i32) -> (i32, i32) {
    %c0_i32 = arith.constant 0 : i32
    %c0_i32_0 = arith.constant 0 : i32
    return %arg0, %c0_i32 : i32, i32
  }
  func.func @transform_3(%arg0: i32) -> (i32, i32) {
    %c0_i32 = arith.constant 0 : i32
    %c0_i32_0 = arith.constant 0 : i32
    return %arg0, %c0_i32 : i32, i32
  }
  func.func @transform_4(%arg0: i32) -> (i32, i32) {
    %c0_i32 = arith.constant 0 : i32
    %c0_i32_0 = arith.constant 0 : i32
    %c0_i32_1 = arith.constant 0 : i32
    return %c0_i32, %c0_i32_0 : i32, i32
  }
  func.func @transform_5(%arg0: i32) -> (i32, i32) {
    %c0_i32 = arith.constant 0 : i32
    %c0_i32_0 = arith.constant 0 : i32
    %c0_i32_1 = arith.constant 0 : i32
    return %c0_i32, %c0_i32_0 : i32, i32
  }
  func.func @transform_6(%arg0: i32) -> (i32, i32) {
    %c0_i32 = arith.constant 0 : i32
    %c0_i32_0 = arith.constant 0 : i32
    %c0_i32_1 = arith.constant 0 : i32
    return %c0_i32, %c0_i32_0 : i32, i32
  }
  func.func @transform_7(%arg0: i32) -> (i32, i32) {
    %c0_i32 = arith.constant 0 : i32
    %c0_i32_0 = arith.constant 0 : i32
    %c0_i32_1 = arith.constant 0 : i32
    return %c0_i32, %c0_i32_0 : i32, i32
  }
  func.func @transform_8(%arg0: i32) -> (i32, i32) {
    %c0_i32 = arith.constant 0 : i32
    %c0_i32_0 = arith.constant 0 : i32
    %c0_i32_1 = arith.constant 0 : i32
    return %c0_i32, %c0_i32_0 : i32, i32
  }
  func.func @transform_9(%arg0: i32) -> (i32, i32) {
    %c0_i32 = arith.constant 0 : i32
    %c0_i32_0 = arith.constant 0 : i32
    %c0_i32_1 = arith.constant 0 : i32
    return %c0_i32, %c0_i32_0 : i32, i32
  }
  func.func @transform_10(%arg0: i32) -> (i32, i32) {
    %c0_i32 = arith.constant 0 : i32
    %c0_i32_0 = arith.constant 0 : i32
    %c0_i32_1 = arith.constant 0 : i32
    return %c0_i32, %c0_i32_0 : i32, i32
  }
  func.func @transform_11(%arg0: i32) -> (i32, i32) {
    %c0_i32 = arith.constant 0 : i32
    %c0_i32_0 = arith.constant 0 : i32
    return %arg0, %c0_i32 : i32, i32
  }
}

</mosaic_0001>

<sc_bundles>
// kernel: kernel.5.cloned.1.call-start
scs
__scs_entry_jumppad:
0x0: {  	(pc) =	sbr.rel $0x88, $3  }
0x1: {  	(tag) =	ssettag $0x0;
	lr =	simm.s32 $0x1  }
0x2: {  	[smem:$0x3F9B] =	sst lr;
	_ =	strace $0xD0000000  }
0x3: {  	_ = 	snop  }
0x4: {  	_ = 	snop  }
0x5: {  	_ = 	snop  }
0x6: {  	_ = 	snop  }
0x7: {  	_ = 	snop  }
__scs_overlays_trampoline_lowered:
0x8: {  	[smem:$0x3FAA] =	sst s0  }
0x9: {  	[smem:$0x3FAB] =	sst s1  }
0xa: {  	[smem:$0x3FAC] =	sst s2  }
0xb: {  	[smem:$0x3FAD] =	sst s3  }
0xc: {  	[smem:$0x3FAE] =	sst s4  }
0xd: {  	[smem:$0x3FAF] =	sst s5  }
0xe: {  	[smem:$0x3FB0] =	sst s6  }
0xf: {  	[smem:$0x3FB1] =	sst s7  }
0x10: {  	[smem:$0x3FB2] =	sst s8  }
0x11: {  	[smem:$0x3FB3] =	sst s9;
	s0 =	simm.s32 @!p0 $0x0  }
0x12: {  	s1 =	sld [smem:$0x3F99];
	s0 =	simm.s32 @p0 $0x1  }
0x13: {  	[smem:$0x3FB4] =	sst s0;
	s0 =	simm.s32 @!p1 $0x0  }
0x14: {  	s2 =	sld [smem:$0x3F98];
	s0 =	simm.s32 @p1 $0x1  }
0x15: {  	[smem:$0x3FB5] =	sst s0;
	s0 =	simm.s32 @!p2 $0x0  }
0x16: {  	s3 =	sld [smem:$0x3FDB];
	s0 =	simm.s32 @p2 $0x1  }
0x17: {  	s4 =	simm.s32 $0x1BF5;
	[smem:$0x3FB7] =	sst s0  }
0x18: {  	s0 =	sld [smem:$0x3F9A];
	_ =	swait.ge [sflag:s4], $0x0  }
0x19: {  	s7 =	sld [smem:$0x3F9B]  }
0x1a: {  	s8 =	sadd.s32 $0xFFFFE003, lr  }
0x1b: {  	s9 =	sadd.s32 $0xFFFFFEF7, lr;
	s5 =	simm.s32 $0xFFFFFFFF;
	p2 =	slt.u32 s8, $0xFFFFF086  }
0x1c: {  	p1 =	slt.u32 s9, $0xF7A;
	s5 =	simm.s32 @!p2 $0x0  }
0x1d: {  	s5 =	simm.s32 @p1 $0x1;
	p0 =	seq.s32 s7, s2  }
0x1e: {  	s7 =	smul.u32 @!p0 $0xF7A, s2;
	p2 =	seq.s32 @!p0 s5, $0x0  }
0x1f: {  	s9 =	smul.u32 $0xF7A, s1;
	s8 =	simm.s32 @!p0 $0x1BF5;
	p2 =	por !p2, p0  }
0x20: {  	[sflag:s8] =	ssyncset.s32 @!p0 $0xFFFFF086;
	s6 =	sadd.s32 @!p0 s3, s7;
	s7 =	simm.s32 @!p0 $0x108  }
0x21: {  	s3 =	sadd.s32 s3, s9;
	s6 =	sadd.s32 @!p0 $0x88, s6;
	s7 =	simm.s32 @p2 $0x1082  }
0x22: {  	[simem:s7], [sflag:s8] =	dma.local @!p0 [hbm:s6], $0xF7A  }
0x23: {  	s9 =	sor.u32 $0xD0000000, s2;
	s6 =	simm.s32 $0x108;
	_ =	swait.ge @!p0 [sflag:s8], $0x0  }
0x24: {  	s3 =	sadd.s32 $0x88, s3;
	s6 =	simm.s32 @!p1 $0x1082;
	[sflag:s4] =	ssyncset.s32 $0xFFFFF086  }
0x25: {  	[simem:s6], [sflag:s4] =	dma.local [hbm:s3], $0xF7A  }
0x26: {  	[smem:$0x3F9B] =	sst s1;
	(tag) =	ssettag s2;
	_ =	strace s9  }
0x27: {  	s1 =	sld [smem:$0x3FAB]  }
0x28: {  	s2 =	sld [smem:$0x3FAC]  }
0x29: {  	s4 =	sld [smem:$0x3FAE]  }
0x2a: {  	p0 =	seq.s32 s5, $0x0;
	s5 =	sld [smem:$0x3FAF]  }
0x2b: {  	s6 =	sld [smem:$0x3FB0]  }
0x2c: {  	s7 =	sld [smem:$0x3FB1]  }
0x2d: {  	s3 =	simm.s32 $0x108;
	s8 =	sld [smem:$0x3FB2]  }
0x2e: {  	s3 =	simm.s32 @!p0 $0x1082;
	s9 =	sld [smem:$0x3FB3]  }
0x2f: {  	lr =	sadd.s32 s0, s3;
	s0 =	sld [smem:$0x3FAA]  }
0x30: {  	s3 =	sld [smem:$0x3FAD]  }
0x31: {  	[smem:$0x3FB6] =	sst s10  }
0x32: {  	s10 =	sld [smem:$0x3FB4];
	_ =	sdelay $0x3  }
0x33: {  	p0 =	seq.s32 s10, $0x1;
	s10 =	sld [smem:$0x3FB6];
	_ =	sdelay $0x3  }
0x34: {  	[smem:$0x3FB6] =	sst s10  }
0x35: {  	s10 =	sld [smem:$0x3FB5];
	_ =	sdelay $0x3  }
0x36: {  	p1 =	seq.s32 s10, $0x1;
	s10 =	sld [smem:$0x3FB6];
	_ =	sdelay $0x3  }
0x37: {  	[smem:$0x3FB6] =	sst s10  }
0x38: {  	s10 =	sld [smem:$0x3FB7]  }
0x39: {  	_ = 	snop;
	(pc) =	sbr.ind lr, $3  }
0x3a: {  	_ = 	snop  }
0x3b: {  	_ = 	snop  }
0x3c: {  	p2 =	seq.s32 s10, $0x1;
	s10 =	sld [smem:$0x3FB6]  }
0x3d: {  	_ =	shalt  }
0x3e: {  	_ =	shalt  }
0x3f: {  	_ =	shalt  }
0x40: {  	_ =	shalt  }
0x41: {  	_ =	shalt  }
0x42: {  	_ =	shalt  }
0x43: {  	_ =	shalt  }
0x44: {  	_ =	shalt  }
0x45: {  	_ =	shalt  }
0x46: {  	_ =	shalt  }
0x47: {  	_ =	shalt  }
0x48: {  	_ =	shalt  }
0x49: {  	_ =	shalt  }
0x4a: {  	_ =	shalt  }
0x4b: {  	_ =	shalt  }
0x4c: {  	_ =	shalt  }
0x4d: {  	_ =	shalt  }
0x4e: {  	_ =	shalt  }
0x4f: {  	_ =	shalt  }
0x50: {  	_ =	shalt  }
0x51: {  	_ =	shalt  }
0x52: {  	_ =	shalt  }
0x53: {  	_ =	shalt  }
0x54: {  	_ =	shalt  }
0x55: {  	_ =	shalt  }
0x56: {  	_ =	shalt  }
0x57: {  	_ =	shalt  }
0x58: {  	_ =	shalt  }
0x59: {  	_ =	shalt  }
0x5a: {  	_ =	shalt  }
0x5b: {  	_ =	shalt  }
0x5c: {  	_ =	shalt  }
0x5d: {  	_ =	shalt  }
0x5e: {  	_ =	shalt  }
0x5f: {  	_ =	shalt  }
0x60: {  	_ =	shalt  }
0x61: {  	_ =	shalt  }
0x62: {  	_ =	shalt  }
0x63: {  	_ =	shalt  }
0x64: {  	_ =	shalt  }
0x65: {  	_ =	shalt  }
0x66: {  	_ =	shalt  }
0x67: {  	_ =	shalt  }
0x68: {  	_ =	shalt  }
0x69: {  	_ =	shalt  }
0x6a: {  	_ =	shalt  }
0x6b: {  	_ =	shalt  }
0x6c: {  	_ =	shalt  }
0x6d: {  	_ =	shalt  }
0x6e: {  	_ =	shalt  }
0x6f: {  	_ =	shalt  }
0x70: {  	_ =	shalt  }
0x71: {  	_ =	shalt  }
0x72: {  	_ =	shalt  }
0x73: {  	_ =	shalt  }
0x74: {  	_ =	shalt  }
0x75: {  	_ =	shalt  }
0x76: {  	_ =	shalt  }
0x77: {  	_ =	shalt  }
0x78: {  	_ =	shalt  }
0x79: {  	_ =	shalt  }
0x7a: {  	_ =	shalt  }
0x7b: {  	_ =	shalt  }
0x7c: {  	_ =	shalt  }
0x7d: {  	_ =	shalt  }
0x7e: {  	_ =	shalt  }
0x7f: {  	_ =	shalt  }
0x80: {  	_ =	shalt  }
0x81: {  	_ =	shalt  }
0x82: {  	_ =	shalt  }
0x83: {  	_ =	shalt  }
0x84: {  	_ =	shalt  }
0x85: {  	_ =	shalt  }
0x86: {  	_ =	shalt  }
0x87: {  	_ =	shalt  }
.Lfunc_end0:
.L_simem_size_0:
called_computation_lowered:
.L_overlay_start_0:
0x88: {  	s2 =	sld [smem:$0x3FD9]  }
0x89: {  	s3 =	sld [smem:$0x3FFE];
	_ =	sdelay $0x1  }
0x8a: {  	s1 =	srdreg.scid  }
0x8b: {  	s0 =	sand.u32 $0x1, s1  }
0x8c: {  	s17 =	sshll.u32 s0, $0xA;
	s2 =	sadd.s32 s3, s2  }
0x8d: {  	s2 =	sadd.s32 s2, s17  }
0x8e: {  	[smem:$0x3FC2] =	sst s2  }
0x8f: {  	_ = 	snop  }
0x90: {  	s2 =	sld [smem:$0x3FD0];
	(tm) =	ssettm $0x1  }
0x91: {  	s18 =	sld [smem:$0x3FFB];
	_ =	sdelay $0x3  }
0x92: {  	_ =	strace s18  }
0x93: {  	s3 =	sld [smem:$0x3FFC];
	_ =	sdelay $0x3  }
0x94: {  	_ =	strace s3  }
0x95: {  	s3 =	sld [smem:$0x3FFD];
	_ =	sdelay $0x3  }
0x96: {  	_ =	strace s3  }
0x97: {  	_ =	strace $0x8FFFFFFF  }
0x98: {  	s19 =	sld [smem:$0x3FDB];
	_ =	sdelay $0x1  }
0x99: {  	s4 =	simm.s32 $_scs_section_size  }
0x9a: {  	s5 =	simm.s32 $_size__tile_overlayer_lowered;
	s6 =	simm.s32 $_tile_overlayer_lowered  }
0x9b: {  	s22 =	simm.s32 $0x1BFF;
	s21 =	sshll.u32 s6, $0x1;
	s3 =	sadd.s32 s4, s19  }
0x9c: {  	s7 =	simm.s32 $0x0;
	s20 =	sshll.u32 s5, $0x1;
	s5 =	sadd.s32 s21, s3  }
0x9d: {  	[timem:s7], [sflag:s22] =	dma.local [hbm:s5], s20  }
0x9e: {  	_ =	swait.ge [sflag:s22], s20  }
0x9f: {  	s4 =	ssub.s32 $0x0, s20;
	[sflag:s22] =	ssyncset.done $0x0  }
0xa0: {  	[sflag:s22] =	ssyncadd.s32 s4;
	_ =	sdelay $0x1  }
0xa1: {  	s23 =	simm.s32 $0x1B8B  }
0xa2: {  	_ =	swait.ge [sflag:s23], $0x1  }
0xa3: {  	[sflag:s23] =	ssyncset.done $0x0  }
0xa4: {  	s25 =	simm.s32 $0x1B8E;
	s24 =	sld [smem:$0x3FFE];
	[sflag:s23] =	ssyncadd.s32 $0xFFFFFFFF  }
0xa5: {  	s26 =	simm.s32 $execute0_lowered;
	[smem:$0x3FD2] =	sst s25  }
0xa6: {  	s5 =	sshll.u32 s26, $0x1;
	_ =	strace $0x80000046;
	[dreg:$0x1] =	wrdreg $0xFFFFFFFF  }
0xa7: {  	s28 =	simm.s32 $_size_execute0_lowered;
	s3 =	sadd.s32 s3, s5;
	[dreg:$0x0] =	wrdreg $0x0  }
0xa8: {  	s5 =	sshll.u32 s28, $0x1;
	[dreg:$0x2] =	wrdreg s3  }
0xa9: {  	[dreg:$0x3] =	wrdreg s5  }
0xaa: {  	[dreg:$0x4] =	wrdreg $0xC0  }
0xab: {  	_ =	task [dreg:s7], $0x5FFFF  }
0xac: {  	[dreg:$0x1] =	wrdreg $0xFFFFFFFF  }
0xad: {  	[dreg:$0x0] =	wrdreg $0x60  }
0xae: {  	[dreg:$0x2] =	wrdreg s24  }
0xaf: {  	[dreg:$0x3] =	wrdreg s2  }
0xb0: {  	[dreg:$0x4] =	wrdreg $0x9  }
0xb1: {  	_ =	task.clear_ibuf [dreg:s7], $0x5FFFF;
	_ =	strace $0x90000046  }
0xb2: {  	s29 =	simm.s32 $0x9;
	_ =	strace $0x80000048  }
0xb3: {  	_ =	swait.ge [sflag:s29], $0x1  }
0xb4: {  	[sflag:s29] =	ssyncadd.s32 $0xFFFFFFFF  }
0xb5: {  	_ =	strace $0x90000048  }
0xb6: {  	_ =	sfence  }
0xb7: {  	s30 =	sld [smem:$0x0];
	_ =	sdelay $0x2  }
0xb8: {  	s31 =	sshll.u32 s1, $0xD;
	s1 =	sshrl.u32 s1, $0x2  }
0xb9: {  	s3 =	sand.u32 $0x4000, s31;
	s1 =	sadd.s32 s1, s30  }
0xba: {  	s0 =	sor.u32 s3, s0;
	s1 =	sshll.u32 s1, $0x11  }
0xbb: {  	s0 =	sor.u32 s1, s0  }
0xbc: {  	s0 =	sadd.s32 $0x8F2B, s0  }
0xbd: {  	[sflag:s0] =	ssyncadd.remote.s32 $0x1  }
0xbe: {  	_ =	sfence.sel $0xFFFF  }
0xbf: {  	[dreg:$0x0] =	wrdreg $0xFFFFFFFF;
	(pc) =	sbr.abs _section_cstart, $3  }
0xc0: {  	[dreg:$0x1] =	wrdreg $0xFFFFFFFF  }
0xc1: {  	_ =	task.clear_ibuf [dreg:s7], $0x2FFFF;
	_ =	strace $0x9FFFFFFF  }
0xc2: {  	(tm) =	ssettm $0x7FFFFFFF  }
0xc3: {  	_ =	shalt  }
tec
execute0_lowered:
.L_overlay_start_1:
0x0: {  	(tag) =	ssettag $0x1  }
0x1: {  	s0 =	rddreg [dreg:$0x0]  }
0x2: {  	s30 =	rddreg [dreg:$0x1];
	s3 =	stileid.u32  }
0x3: {  	s31 =	simm.s32 $0x0;
	s2 =	srdreg.scid;
	s10 =	simm.s32 $0x100  }
0x4: {  	s28 =	simm.s32 $0x14000;
	s12 =	simm.s32 $0x2;
	s13 =	simm.s32 $0x80  }
0x5: {  	s14 =	simm.s32 $0x800;
	s16 =	simm.s32 $0x1800;
	s9 =	simm.s32 $0x280  }
0x6: {  	s15 =	simm.s32 $0x380;
	s17 =	simm.s32 $0x4000;
	s29 =	simm.s32 $0x4800  }
0x7: {  	s8 =	simm.s32 $0x6800;
	s11 =	simm.s32 $0x7800;
	s1 =	smul.u32 $0x14000, s3  }
0x8: {  	[smem:$0x7FF] =	sst s31;
	s2 =	sand.u32 $0x1, s2;
	s3 =	smul.u32 $0x1400, s3  }
0x9: {  	s4 =	sadd.s32 $0x1400, s0;
	s5 =	ssub.s32 $0x2, s2;
	s6 =	smul.u32 $0xA00, s2  }
0xa: {  	_ =	strace $0x80000047;
	s2 =	smul.u32 $0xA000, s2;
	s7 =	sshrl.u32 s5, $0x1  }
0xb: {  	s0 =	sadd.s32 s1, s0;
	s18 =	ssub.s32 s5, s7;
	s3 =	sadd.s32 s6, s3  }
0xc: {  	s0 =	sadd.s32 s2, s0;
	s5 =	simm.s32 $0x180;
	s7 =	simm.s32 $0x2000  }
0xd: {  	s6 =	simm.s32 $0x200;
	s2 =	simm.s32 $0x3000;
	s1 =	smax.u32 s18, $0x1  }
0xe: {  	s19 =	sshrl.u32 s3, $0x3;
	s20 =	sadd.s32 $0x61D400, s0;
	[dreg:$0x7] =	wrdreg s1  }
0xf: {  	s21 =	sadd.s32 $0xA0000, s3;
	s23 =	sadd.s32 $0x75D400, s0;
	[dreg:$0x8] =	wrdreg s19  }
0x10: {  	s24 =	sadd.s32 $0x89D400, s0;
	s3 =	sadd.s32 $0x1E0000, s3;
	[dreg:$0x3] =	wrdreg s20  }
0x11: {  	s0 =	sadd.s32 $0x9DD400, s0;
	s18 =	simm.s32 $0x1;
	[dreg:$0x4] =	wrdreg s23  }
0x12: {  	s1 =	sadd.s32 s19, s30;
	s22 =	sshrl.u32 s21, $0x3;
	[dreg:$0x5] =	wrdreg s24  }
0x13: {  	s25 =	sshrl.u32 s3, $0x3;
	[dreg:$0x6] =	wrdreg s0;
	s0 =	simm.s32 $0x1000  }
0x14: {  	s20 =	simm.s32 $0x2800;
	s3 =	simm.s32 $0x300;
	s24 =	simm.s32 $0x3800  }
0x15: {  	s21 =	simm.s32 $0x400;
	s19 =	simm.s32 $0x10;
	s23 =	simm.s32 $0x0  }
0x16: {  	[dreg:$0x9] =	wrdreg s1;
	s1 =	sadd.s32 s22, s30;
	s26 =	sadd.s32 s25, s30  }
0x17: {  	s22 =	simm.s32 $0x480;
	s25 =	simm.s32 $0x5000;
	[dreg:$0xa] =	wrdreg s1  }
0x18: {  	[dreg:$0xb] =	wrdreg s26;
	s26 =	simm.s32 $0x500;
	s1 =	simm.s32 $0x5800  }
.LBB2_1:
0x19: {  	[dreg:$0xc] =	wrdreg s23  }
0x1a: {  	s23 =	rddreg [dreg:$0x9]  }
0x1b: {  	[tilespmem:s31], [sflag:$0x2] =	stream.strided.gather [hbm4b:s23+s10], $0x800, s28, s10, $0x38;
	[tilespmem:$0x8800] =	vst v63  }
0x1c: {  	_ =	swait.ge [sflag:s12], $0x800  }
0x1d: {  	[sflag:s12] =	ssyncset.done $0x0  }
0x1e: {  	[sflag:s12] =	ssyncadd.s32 $0xFFFFF800  }
0x1f: {  	[tilespmem:s14], [sflag:$0x1] =	stream.indirect.gather [hbm4b:s4+s13], $0x10, s31, s13, $0xb8;
	[tilespmem:$0x8800] =	vst v63  }
0x20: {  	_ = 	snop  }
0x21: {  	[tilespmem:s0], [sflag:$0x1] =	stream.indirect.gather [hbm4b:s4+s13], $0x10, s13, s13, $0xb8;
	[tilespmem:$0x8800] =	vst v63  }
0x22: {  	_ = 	snop  }
0x23: {  	[tilespmem:s16], [sflag:$0x1] =	stream.indirect.gather [hbm4b:s4+s13], $0x10, s10, s13, $0xb8;
	[tilespmem:$0x8800] =	vst v63  }
0x24: {  	_ = 	snop  }
0x25: {  	[tilespmem:s7], [sflag:$0x1] =	stream.indirect.gather [hbm4b:s4+s13], $0x10, s5, s13, $0xb8;
	[tilespmem:$0x8800] =	vst v63  }
0x26: {  	_ = 	snop  }
0x27: {  	[tilespmem:s20], [sflag:$0x1] =	stream.indirect.gather [hbm4b:s4+s13], $0x10, s6, s13, $0xb8;
	[tilespmem:$0x8800] =	vst v63  }
0x28: {  	_ = 	snop  }
0x29: {  	[tilespmem:s2], [sflag:$0x1] =	stream.indirect.gather [hbm4b:s4+s13], $0x10, s9, s13, $0xb8;
	[tilespmem:$0x8800] =	vst v63  }
0x2a: {  	_ = 	snop  }
0x2b: {  	[tilespmem:s24], [sflag:$0x1] =	stream.indirect.gather [hbm4b:s4+s13], $0x10, s3, s13, $0xb8;
	[tilespmem:$0x8800] =	vst v63  }
0x2c: {  	_ = 	snop  }
0x2d: {  	[tilespmem:s17], [sflag:$0x1] =	stream.indirect.gather [hbm4b:s4+s13], $0x10, s15, s13, $0xb8;
	[tilespmem:$0x8800] =	vst v63  }
0x2e: {  	_ = 	snop  }
0x2f: {  	[tilespmem:s29], [sflag:$0x1] =	stream.indirect.gather [hbm4b:s4+s13], $0x10, s21, s13, $0xb8;
	[tilespmem:$0x8800] =	vst v63  }
0x30: {  	_ = 	snop  }
0x31: {  	[tilespmem:s25], [sflag:$0x1] =	stream.indirect.gather [hbm4b:s4+s13], $0x10, s22, s13, $0xb8;
	[tilespmem:$0x8800] =	vst v63  }
0x32: {  	_ = 	snop  }
0x33: {  	[tilespmem:s1], [sflag:$0x1] =	stream.indirect.gather [hbm4b:s4+s13], $0x10, s26, s13, $0xb8;
	[tilespmem:$0x8800] =	vst v63  }
0x34: {  	s31 =	simm.s32 $0x6000;
	s26 =	simm.s32 $0x580  }
0x35: {  	[tilespmem:s31], [sflag:$0x1] =	stream.indirect.gather [hbm4b:s4+s13], $0x10, s26, s13, $0xb8;
	[tilespmem:$0x8800] =	vst v63  }
0x36: {  	s25 =	simm.s32 $0x600  }
0x37: {  	[tilespmem:s8], [sflag:$0x1] =	stream.indirect.gather [hbm4b:s4+s13], $0x10, s25, s13, $0xb8;
	[tilespmem:$0x8800] =	vst v63  }
0x38: {  	s26 =	simm.s32 $0x680;
	s31 =	simm.s32 $0x7000  }
0x39: {  	[tilespmem:s31], [sflag:$0x1] =	stream.indirect.gather [hbm4b:s4+s13], $0x10, s26, s13, $0xb8;
	[tilespmem:$0x8800] =	vst v63  }
0x3a: {  	s25 =	simm.s32 $0x700  }
0x3b: {  	[tilespmem:s11], [sflag:$0x1] =	stream.indirect.gather [hbm4b:s4+s13], $0x10, s25, s13, $0xb8;
	[tilespmem:$0x8800] =	vst v63  }
0x3c: {  	s26 =	simm.s32 $0x780;
	s31 =	simm.s32 $0x8000  }
0x3d: {  	[tilespmem:s31], [sflag:$0x1] =	stream.indirect.gather [hbm4b:s4+s13], $0x10, s26, s13, $0xb8;
	[tilespmem:$0x8800] =	vst v63  }
0x3e: {  	_ =	swait.ge [sflag:s18], $0x800  }
0x3f: {  	[sflag:s18] =	ssyncset.done $0x0  }
0x40: {  	[sflag:s18] =	ssyncadd.s32 $0xFFFFF800  }
0x41: {  	_ =	swait.ge [sflag:s18], $0x800  }
0x42: {  	[sflag:s18] =	ssyncset.done $0x0  }
0x43: {  	[sflag:s18] =	ssyncadd.s32 $0xFFFFF800  }
0x44: {  	_ =	swait.ge [sflag:s18], $0x800  }
0x45: {  	[sflag:s18] =	ssyncset.done $0x0  }
0x46: {  	[sflag:s18] =	ssyncadd.s32 $0xFFFFF800  }
0x47: {  	_ =	swait.ge [sflag:s18], $0x800  }
0x48: {  	[sflag:s18] =	ssyncset.done $0x0  }
0x49: {  	[sflag:s18] =	ssyncadd.s32 $0xFFFFF800  }
0x4a: {  	_ =	swait.ge [sflag:s18], $0x800  }
0x4b: {  	[sflag:s18] =	ssyncset.done $0x0  }
0x4c: {  	[sflag:s18] =	ssyncadd.s32 $0xFFFFF800  }
0x4d: {  	_ =	swait.ge [sflag:s18], $0x800  }
0x4e: {  	[sflag:s18] =	ssyncset.done $0x0  }
0x4f: {  	[sflag:s18] =	ssyncadd.s32 $0xFFFFF800  }
0x50: {  	_ =	swait.ge [sflag:s18], $0x800  }
0x51: {  	[sflag:s18] =	ssyncset.done $0x0  }
0x52: {  	[sflag:s18] =	ssyncadd.s32 $0xFFFFF800  }
0x53: {  	_ =	swait.ge [sflag:s18], $0x800  }
0x54: {  	[sflag:s18] =	ssyncset.done $0x0  }
0x55: {  	[sflag:s18] =	ssyncadd.s32 $0xFFFFF800  }
0x56: {  	_ =	swait.ge [sflag:s18], $0x800  }
0x57: {  	[sflag:s18] =	ssyncset.done $0x0  }
0x58: {  	[sflag:s18] =	ssyncadd.s32 $0xFFFFF800  }
0x59: {  	_ =	swait.ge [sflag:s18], $0x800  }
0x5a: {  	[sflag:s18] =	ssyncset.done $0x0  }
0x5b: {  	[sflag:s18] =	ssyncadd.s32 $0xFFFFF800  }
0x5c: {  	_ =	swait.ge [sflag:s18], $0x800  }
0x5d: {  	[sflag:s18] =	ssyncset.done $0x0  }
0x5e: {  	[sflag:s18] =	ssyncadd.s32 $0xFFFFF800  }
0x5f: {  	_ =	swait.ge [sflag:s18], $0x800  }
0x60: {  	[sflag:s18] =	ssyncset.done $0x0  }
0x61: {  	[sflag:s18] =	ssyncadd.s32 $0xFFFFF800  }
0x62: {  	_ =	swait.ge [sflag:s18], $0x800  }
0x63: {  	[sflag:s18] =	ssyncset.done $0x0  }
0x64: {  	[sflag:s18] =	ssyncadd.s32 $0xFFFFF800  }
0x65: {  	_ =	swait.ge [sflag:s18], $0x800  }
0x66: {  	[sflag:s18] =	ssyncset.done $0x0  }
0x67: {  	[sflag:s18] =	ssyncadd.s32 $0xFFFFF800  }
0x68: {  	_ =	swait.ge [sflag:s18], $0x800  }
0x69: {  	[sflag:s18] =	ssyncset.done $0x0  }
0x6a: {  	[sflag:s18] =	ssyncadd.s32 $0xFFFFF800  }
0x6b: {  	_ =	swait.ge [sflag:s18], $0x800  }
0x6c: {  	s22 =	rddreg [dreg:$0x3];
	[sflag:s18] =	ssyncset.done $0x0  }
0x6d: {  	[sflag:s18] =	ssyncadd.s32 $0xFFFFF800;
	s21 =	sadd.s32 $0x0, s22  }
0x6e: {  	[hbm4b:s21+s19] =	stream.strided.scatter [tilespmem:s14], [sflag:$0x2], $0x1000, s13, s19, $0x38;
	[tilespmem:$0x8800] =	vst v63  }
0x6f: {  	_ =	swait.ge [sflag:s12], $0x1000  }
0x70: {  	[sflag:s12] =	ssyncset.done $0x0  }
0x71: {  	s25 =	sadd.s32 $0x2, s21;
	[sflag:s12] =	ssyncadd.s32 $0xFFFFF000  }
0x72: {  	[hbm4b:s25+s19] =	stream.strided.scatter [tilespmem:s16], [sflag:$0x2], $0x1000, s13, s19, $0x38;
	[tilespmem:$0x8800] =	vst v63  }
0x73: {  	_ =	swait.ge [sflag:s12], $0x1000  }
0x74: {  	[sflag:s12] =	ssyncset.done $0x0  }
0x75: {  	s26 =	sadd.s32 $0x4, s21;
	[sflag:s12] =	ssyncadd.s32 $0xFFFFF000  }
0x76: {  	[hbm4b:s26+s19] =	stream.strided.scatter [tilespmem:s20], [sflag:$0x2], $0x1000, s13, s19, $0x38;
	[tilespmem:$0x8800] =	vst v63  }
0x77: {  	_ =	swait.ge [sflag:s12], $0x1000  }
0x78: {  	[sflag:s12] =	ssyncset.done $0x0  }
0x79: {  	s31 =	sadd.s32 $0x6, s21;
	[sflag:s12] =	ssyncadd.s32 $0xFFFFF000  }
0x7a: {  	[hbm4b:s31+s19] =	stream.strided.scatter [tilespmem:s24], [sflag:$0x2], $0x1000, s13, s19, $0x38;
	[tilespmem:$0x8800] =	vst v63  }
0x7b: {  	_ =	swait.ge [sflag:s12], $0x1000  }
0x7c: {  	[sflag:s12] =	ssyncset.done $0x0  }
0x7d: {  	s25 =	sadd.s32 $0x8, s21;
	[sflag:s12] =	ssyncadd.s32 $0xFFFFF000  }
0x7e: {  	[hbm4b:s25+s19] =	stream.strided.scatter [tilespmem:s29], [sflag:$0x2], $0x1000, s13, s19, $0x38;
	[tilespmem:$0x8800] =	vst v63  }
0x7f: {  	_ =	swait.ge [sflag:s12], $0x1000  }
0x80: {  	[sflag:s12] =	ssyncset.done $0x0  }
0x81: {  	s26 =	sadd.s32 $0xA, s21;
	[sflag:s12] =	ssyncadd.s32 $0xFFFFF000  }
0x82: {  	[hbm4b:s26+s19] =	stream.strided.scatter [tilespmem:s1], [sflag:$0x2], $0x1000, s13, s19, $0x38;
	[tilespmem:$0x8800] =	vst v63  }
0x83: {  	_ =	swait.ge [sflag:s12], $0x1000  }
0x84: {  	[sflag:s12] =	ssyncset.done $0x0  }
0x85: {  	s31 =	sadd.s32 $0xC, s21;
	[sflag:s12] =	ssyncadd.s32 $0xFFFFF000  }
0x86: {  	[hbm4b:s31+s19] =	stream.strided.scatter [tilespmem:s8], [sflag:$0x2], $0x1000, s13, s19, $0x38;
	[tilespmem:$0x8800] =	vst v63  }
0x87: {  	_ =	swait.ge [sflag:s12], $0x1000  }
0x88: {  	[sflag:s12] =	ssyncset.done $0x0  }
0x89: {  	s21 =	sadd.s32 $0xE, s21;
	[sflag:s12] =	ssyncadd.s32 $0xFFFFF000  }
0x8a: {  	[hbm4b:s21+s19] =	stream.strided.scatter [tilespmem:s11], [sflag:$0x2], $0x1000, s13, s19, $0x38;
	[tilespmem:$0x8800] =	vst v63  }
0x8b: {  	s22 =	smov.u32 s23;
	_ =	swait.ge [sflag:s12], $0x1000  }
0x8c: {  	s25 =	simm.s32 $0x2000;
	s21 =	simm.s32 $0x1000;
	[sflag:s12] =	ssyncset.done $0x0  }
.LBB2_2:
0x8d: {  	s23 =	simm.s32 $0x0;
	[sflag:s12] =	ssyncadd.s32 $0xFFFFF000;
	s22 =	sadd.s32 $0x20, s22  }
0x8e: {  	[tilespmem:s23], [sflag:$0x2] =	stream.strided.gather [hbm4b:s22+s10], $0x800, s28, s10, $0x38;
	[tilespmem:$0x8800] =	vst v63  }
0x8f: {  	_ =	swait.ge [sflag:s12], $0x800  }
0x90: {  	[sflag:s12] =	ssyncset.done $0x0  }
0x91: {  	[sflag:s12] =	ssyncadd.s32 $0xFFFFF800  }
0x92: {  	[tilespmem:s14], [sflag:$0x1] =	stream.indirect.gather [hbm4b:s4+s13], $0x10, s23, s13, $0xb8;
	[tilespmem:$0x8800] =	vst v63  }
0x93: {  	_ = 	snop  }
0x94: {  	[tilespmem:s0], [sflag:$0x1] =	stream.indirect.gather [hbm4b:s4+s13], $0x10, s13, s13, $0xb8;
	[tilespmem:$0x8800] =	vst v63  }
0x95: {  	_ = 	snop  }
0x96: {  	[tilespmem:s16], [sflag:$0x1] =	stream.indirect.gather [hbm4b:s4+s13], $0x10, s10, s13, $0xb8;
	[tilespmem:$0x8800] =	vst v63  }
0x97: {  	_ = 	snop  }
0x98: {  	[tilespmem:s7], [sflag:$0x1] =	stream.indirect.gather [hbm4b:s4+s13], $0x10, s5, s13, $0xb8;
	[tilespmem:$0x8800] =	vst v63  }
0x99: {  	_ = 	snop  }
0x9a: {  	[tilespmem:s20], [sflag:$0x1] =	stream.indirect.gather [hbm4b:s4+s13], $0x10, s6, s13, $0xb8;
	[tilespmem:$0x8800] =	vst v63  }
0x9b: {  	_ = 	snop  }
0x9c: {  	[tilespmem:s2], [sflag:$0x1] =	stream.indirect.gather [hbm4b:s4+s13], $0x10, s9, s13, $0xb8;
	[tilespmem:$0x8800] =	vst v63  }
0x9d: {  	_ = 	snop  }
0x9e: {  	[tilespmem:s24], [sflag:$0x1] =	stream.indirect.gather [hbm4b:s4+s13], $0x10, s3, s13, $0xb8;
	[tilespmem:$0x8800] =	vst v63  }
0x9f: {  	_ = 	snop  }
0xa0: {  	[tilespmem:s17], [sflag:$0x1] =	stream.indirect.gather [hbm4b:s4+s13], $0x10, s15, s13, $0xb8;
	[tilespmem:$0x8800] =	vst v63  }
0xa1: {  	s28 =	simm.s32 $0x400  }
0xa2: {  	[tilespmem:s29], [sflag:$0x1] =	stream.indirect.gather [hbm4b:s4+s13], $0x10, s28, s13, $0xb8;
	[tilespmem:$0x8800] =	vst v63  }
0xa3: {  	s31 =	simm.s32 $0x480;
	s28 =	simm.s32 $0x5000  }
0xa4: {  	[tilespmem:s28], [sflag:$0x1] =	stream.indirect.gather [hbm4b:s4+s13], $0x10, s31, s13, $0xb8;
	[tilespmem:$0x8800] =	vst v63  }
0xa5: {  	s28 =	simm.s32 $0x500  }
0xa6: {  	[tilespmem:s1], [sflag:$0x1] =	stream.indirect.gather [hbm4b:s4+s13], $0x10, s28, s13, $0xb8;
	[tilespmem:$0x8800] =	vst v63  }
0xa7: {  	s31 =	simm.s32 $0x6000;
	s28 =	simm.s32 $0x580  }
0xa8: {  	[tilespmem:s31], [sflag:$0x1] =	stream.indirect.gather [hbm4b:s4+s13], $0x10, s28, s13, $0xb8;
	[tilespmem:$0x8800] =	vst v63  }
0xa9: {  	s28 =	simm.s32 $0x600  }
0xaa: {  	[tilespmem:s8], [sflag:$0x1] =	stream.indirect.gather [hbm4b:s4+s13], $0x10, s28, s13, $0xb8;
	[tilespmem:$0x8800] =	vst v63  }
0xab: {  	s31 =	simm.s32 $0x7000;
	s28 =	simm.s32 $0x680  }
0xac: {  	[tilespmem:s31], [sflag:$0x1] =	stream.indirect.gather [hbm4b:s4+s13], $0x10, s28, s13, $0xb8;
	[tilespmem:$0x8800] =	vst v63  }
0xad: {  	s28 =	simm.s32 $0x700  }
0xae: {  	[tilespmem:s11], [sflag:$0x1] =	stream.indirect.gather [hbm4b:s4+s13], $0x10, s28, s13, $0xb8;
	[tilespmem:$0x8800] =	vst v63  }
0xaf: {  	s31 =	simm.s32 $0x8000;
	s28 =	simm.s32 $0x780  }
0xb0: {  	[tilespmem:s31], [sflag:$0x1] =	stream.indirect.gather [hbm4b:s4+s13], $0x10, s28, s13, $0xb8;
	[tilespmem:$0x8800] =	vst v63  }
0xb1: {  	_ =	swait.ge [sflag:s18], $0x800  }
0xb2: {  	[sflag:s18] =	ssyncset.done $0x0  }
0xb3: {  	[sflag:s18] =	ssyncadd.s32 $0xFFFFF800  }
0xb4: {  	_ =	swait.ge [sflag:s18], $0x800  }
0xb5: {  	[sflag:s18] =	ssyncset.done $0x0  }
0xb6: {  	[sflag:s18] =	ssyncadd.s32 $0xFFFFF800  }
0xb7: {  	_ =	swait.ge [sflag:s18], $0x800  }
0xb8: {  	[sflag:s18] =	ssyncset.done $0x0  }
0xb9: {  	[sflag:s18] =	ssyncadd.s32 $0xFFFFF800  }
0xba: {  	_ =	swait.ge [sflag:s18], $0x800  }
0xbb: {  	[sflag:s18] =	ssyncset.done $0x0  }
0xbc: {  	[sflag:s18] =	ssyncadd.s32 $0xFFFFF800  }
0xbd: {  	_ =	swait.ge [sflag:s18], $0x800  }
0xbe: {  	[sflag:s18] =	ssyncset.done $0x0  }
0xbf: {  	[sflag:s18] =	ssyncadd.s32 $0xFFFFF800  }
0xc0: {  	_ =	swait.ge [sflag:s18], $0x800  }
0xc1: {  	[sflag:s18] =	ssyncset.done $0x0  }
0xc2: {  	[sflag:s18] =	ssyncadd.s32 $0xFFFFF800  }
0xc3: {  	_ =	swait.ge [sflag:s18], $0x800  }
0xc4: {  	[sflag:s18] =	ssyncset.done $0x0  }
0xc5: {  	[sflag:s18] =	ssyncadd.s32 $0xFFFFF800  }
0xc6: {  	_ =	swait.ge [sflag:s18], $0x800  }
0xc7: {  	[sflag:s18] =	ssyncset.done $0x0  }
0xc8: {  	[sflag:s18] =	ssyncadd.s32 $0xFFFFF800  }
0xc9: {  	_ =	swait.ge [sflag:s18], $0x800  }
0xca: {  	[sflag:s18] =	ssyncset.done $0x0  }
0xcb: {  	[sflag:s18] =	ssyncadd.s32 $0xFFFFF800  }
0xcc: {  	_ =	swait.ge [sflag:s18], $0x800  }
0xcd: {  	[sflag:s18] =	ssyncset.done $0x0  }
0xce: {  	[sflag:s18] =	ssyncadd.s32 $0xFFFFF800  }
0xcf: {  	_ =	swait.ge [sflag:s18], $0x800  }
0xd0: {  	[sflag:s18] =	ssyncset.done $0x0  }
0xd1: {  	[sflag:s18] =	ssyncadd.s32 $0xFFFFF800  }
0xd2: {  	_ =	swait.ge [sflag:s18], $0x800  }
0xd3: {  	[sflag:s18] =	ssyncset.done $0x0  }
0xd4: {  	[sflag:s18] =	ssyncadd.s32 $0xFFFFF800  }
0xd5: {  	_ =	swait.ge [sflag:s18], $0x800  }
0xd6: {  	[sflag:s18] =	ssyncset.done $0x0  }
0xd7: {  	[sflag:s18] =	ssyncadd.s32 $0xFFFFF800  }
0xd8: {  	_ =	swait.ge [sflag:s18], $0x800  }
0xd9: {  	[sflag:s18] =	ssyncset.done $0x0  }
0xda: {  	[sflag:s18] =	ssyncadd.s32 $0xFFFFF800  }
0xdb: {  	_ =	swait.ge [sflag:s18], $0x800  }
0xdc: {  	[sflag:s18] =	ssyncset.done $0x0  }
0xdd: {  	[sflag:s18] =	ssyncadd.s32 $0xFFFFF800  }
0xde: {  	_ =	swait.ge [sflag:s18], $0x800  }
0xdf: {  	s28 =	rddreg [dreg:$0x3];
	[sflag:s18] =	ssyncset.done $0x0  }
0xe0: {  	[sflag:s18] =	ssyncadd.s32 $0xFFFFF800;
	s28 =	sadd.s32 s21, s28  }
0xe1: {  	[hbm4b:s28+s19] =	stream.strided.scatter [tilespmem:s14], [sflag:$0x2], $0x1000, s13, s19, $0x38;
	[tilespmem:$0x8800] =	vst v63  }
0xe2: {  	_ =	swait.ge [sflag:s12], $0x1000  }
0xe3: {  	[sflag:s12] =	ssyncset.done $0x0  }
0xe4: {  	s31 =	sadd.s32 $0x2, s28;
	[sflag:s12] =	ssyncadd.s32 $0xFFFFF000  }
0xe5: {  	[hbm4b:s31+s19] =	stream.strided.scatter [tilespmem:s16], [sflag:$0x2], $0x1000, s13, s19, $0x38;
	[tilespmem:$0x8800] =	vst v63  }
0xe6: {  	_ =	swait.ge [sflag:s12], $0x1000  }
0xe7: {  	[sflag:s12] =	ssyncset.done $0x0  }
0xe8: {  	s31 =	sadd.s32 $0x4, s28;
	[sflag:s12] =	ssyncadd.s32 $0xFFFFF000  }
0xe9: {  	[hbm4b:s31+s19] =	stream.strided.scatter [tilespmem:s20], [sflag:$0x2], $0x1000, s13, s19, $0x38;
	[tilespmem:$0x8800] =	vst v63  }
0xea: {  	_ =	swait.ge [sflag:s12], $0x1000  }
0xeb: {  	[sflag:s12] =	ssyncset.done $0x0  }
0xec: {  	s31 =	sadd.s32 $0x6, s28;
	[sflag:s12] =	ssyncadd.s32 $0xFFFFF000  }
0xed: {  	[hbm4b:s31+s19] =	stream.strided.scatter [tilespmem:s24], [sflag:$0x2], $0x1000, s13, s19, $0x38;
	[tilespmem:$0x8800] =	vst v63  }
0xee: {  	_ =	swait.ge [sflag:s12], $0x1000  }
0xef: {  	[sflag:s12] =	ssyncset.done $0x0  }
0xf0: {  	s31 =	sadd.s32 $0x8, s28;
	[sflag:s12] =	ssyncadd.s32 $0xFFFFF000  }
0xf1: {  	[hbm4b:s31+s19] =	stream.strided.scatter [tilespmem:s29], [sflag:$0x2], $0x1000, s13, s19, $0x38;
	[tilespmem:$0x8800] =	vst v63  }
0xf2: {  	_ =	swait.ge [sflag:s12], $0x1000  }
0xf3: {  	[sflag:s12] =	ssyncset.done $0x0  }
0xf4: {  	s31 =	sadd.s32 $0xA, s28;
	[sflag:s12] =	ssyncadd.s32 $0xFFFFF000  }
0xf5: {  	[hbm4b:s31+s19] =	stream.strided.scatter [tilespmem:s1], [sflag:$0x2], $0x1000, s13, s19, $0x38;
	[tilespmem:$0x8800] =	vst v63  }
0xf6: {  	_ =	swait.ge [sflag:s12], $0x1000  }
0xf7: {  	[sflag:s12] =	ssyncset.done $0x0  }
0xf8: {  	s31 =	sadd.s32 $0xC, s28;
	[sflag:s12] =	ssyncadd.s32 $0xFFFFF000  }
0xf9: {  	[hbm4b:s31+s19] =	stream.strided.scatter [tilespmem:s8], [sflag:$0x2], $0x1000, s13, s19, $0x38;
	[tilespmem:$0x8800] =	vst v63  }
0xfa: {  	p0 =	sne.s32 s25, $0x9000;
	_ =	swait.ge [sflag:s12], $0x1000  }
.Ltmp0:
0xfb: {  	[sflag:s12] =	ssyncset.done $0x0;
	(pc) =	sbr.rel @p0 .LBB2_2-.Ltmp0, $4  }
0xfc: {  	s31 =	sadd.s32 $0xE, s28;
	[sflag:s12] =	ssyncadd.s32 $0xFFFFF000  }
0xfd: {  	[hbm4b:s31+s19] =	stream.strided.scatter [tilespmem:s11], [sflag:$0x2], $0x1000, s13, s19, $0x38;
	[tilespmem:$0x8800] =	vst v63  }
0xfe: {  	s26 =	smov.u32 s25;
	s25 =	sadd.s32 $0x1000, s25;
	_ =	swait.ge [sflag:s12], $0x1000  }
0xff: {  	s21 =	smov.u32 s26;
	s28 =	simm.s32 $0x14000;
	[sflag:s12] =	ssyncset.done $0x0  }
0x100: {  	[sflag:s12] =	ssyncadd.s32 $0xFFFFF000;
	s22 =	sadd.s32 $0x20, s22  }
0x101: {  	[tilespmem:s23], [sflag:$0x2] =	stream.strided.gather [hbm4b:s22+s10], $0x800, s28, s10, $0x38;
	[tilespmem:$0x8800] =	vst v63  }
0x102: {  	_ =	swait.ge [sflag:s12], $0x800  }
0x103: {  	[sflag:s12] =	ssyncset.done $0x0  }
0x104: {  	[sflag:s12] =	ssyncadd.s32 $0xFFFFF800  }
0x105: {  	[tilespmem:s14], [sflag:$0x1] =	stream.indirect.gather [hbm4b:s4+s13], $0x10, s23, s13, $0xb8;
	[tilespmem:$0x8800] =	vst v63  }
0x106: {  	_ = 	snop  }
0x107: {  	[tilespmem:s0], [sflag:$0x1] =	stream.indirect.gather [hbm4b:s4+s13], $0x10, s13, s13, $0xb8;
	[tilespmem:$0x8800] =	vst v63  }
0x108: {  	_ = 	snop  }
0x109: {  	[tilespmem:s16], [sflag:$0x1] =	stream.indirect.gather [hbm4b:s4+s13], $0x10, s10, s13, $0xb8;
	[tilespmem:$0x8800] =	vst v63  }
0x10a: {  	_ = 	snop  }
0x10b: {  	[tilespmem:s7], [sflag:$0x1] =	stream.indirect.gather [hbm4b:s4+s13], $0x10, s5, s13, $0xb8;
	[tilespmem:$0x8800] =	vst v63  }
0x10c: {  	_ = 	snop  }
0x10d: {  	[tilespmem:s20], [sflag:$0x1] =	stream.indirect.gather [hbm4b:s4+s13], $0x10, s6, s13, $0xb8;
	[tilespmem:$0x8800] =	vst v63  }
0x10e: {  	_ = 	snop  }
0x10f: {  	[tilespmem:s2], [sflag:$0x1] =	stream.indirect.gather [hbm4b:s4+s13], $0x10, s9, s13, $0xb8;
	[tilespmem:$0x8800] =	vst v63  }
0x110: {  	_ = 	snop  }
0x111: {  	[tilespmem:s24], [sflag:$0x1] =	stream.indirect.gather [hbm4b:s4+s13], $0x10, s3, s13, $0xb8;
	[tilespmem:$0x8800] =	vst v63  }
0x112: {  	_ = 	snop  }
0x113: {  	[tilespmem:s17], [sflag:$0x1] =	stream.indirect.gather [hbm4b:s4+s13], $0x10, s15, s13, $0xb8;
	[tilespmem:$0x8800] =	vst v63  }
0x114: {  	s25 =	simm.s32 $0x400  }
0x115: {  	[tilespmem:s29], [sflag:$0x1] =	stream.indirect.gather [hbm4b:s4+s13], $0x10, s25, s13, $0xb8;
	[tilespmem:$0x8800] =	vst v63  }
0x116: {  	s26 =	simm.s32 $0x5000;
	s25 =	simm.s32 $0x480  }
0x117: {  	[tilespmem:s26], [sflag:$0x1] =	stream.indirect.gather [hbm4b:s4+s13], $0x10, s25, s13, $0xb8;
	[tilespmem:$0x8800] =	vst v63  }
0x118: {  	s31 =	simm.s32 $0x500  }
0x119: {  	[tilespmem:s1], [sflag:$0x1] =	stream.indirect.gather [hbm4b:s4+s13], $0x10, s31, s13, $0xb8;
	[tilespmem:$0x8800] =	vst v63  }
0x11a: {  	s25 =	simm.s32 $0x580;
	s26 =	simm.s32 $0x6000  }
0x11b: {  	[tilespmem:s26], [sflag:$0x1] =	stream.indirect.gather [hbm4b:s4+s13], $0x10, s25, s13, $0xb8;
	[tilespmem:$0x8800] =	vst v63  }
0x11c: {  	s31 =	simm.s32 $0x600  }
0x11d: {  	[tilespmem:s8], [sflag:$0x1] =	stream.indirect.gather [hbm4b:s4+s13], $0x10, s31, s13, $0xb8;
	[tilespmem:$0x8800] =	vst v63  }
0x11e: {  	s25 =	simm.s32 $0x680;
	s31 =	simm.s32 $0x7000  }
0x11f: {  	[tilespmem:s31], [sflag:$0x1] =	stream.indirect.gather [hbm4b:s4+s13], $0x10, s25, s13, $0xb8;
	[tilespmem:$0x8800] =	vst v63  }
0x120: {  	s25 =	simm.s32 $0x700  }
0x121: {  	[tilespmem:s11], [sflag:$0x1] =	stream.indirect.gather [hbm4b:s4+s13], $0x10, s25, s13, $0xb8;
	[tilespmem:$0x8800] =	vst v63  }
0x122: {  	s22 =	simm.s32 $0x780;
	s25 =	simm.s32 $0x8000  }
0x123: {  	[tilespmem:s25], [sflag:$0x1] =	stream.indirect.gather [hbm4b:s4+s13], $0x10, s22, s13, $0xb8;
	[tilespmem:$0x8800] =	vst v63  }
0x124: {  	_ =	swait.ge [sflag:s18], $0x800  }
0x125: {  	[sflag:s18] =	ssyncset.done $0x0  }
0x126: {  	[sflag:s18] =	ssyncadd.s32 $0xFFFFF800  }
0x127: {  	_ =	swait.ge [sflag:s18], $0x800  }
0x128: {  	[sflag:s18] =	ssyncset.done $0x0  }
0x129: {  	[sflag:s18] =	ssyncadd.s32 $0xFFFFF800  }
0x12a: {  	_ =	swait.ge [sflag:s18], $0x800  }
0x12b: {  	[sflag:s18] =	ssyncset.done $0x0  }
0x12c: {  	[sflag:s18] =	ssyncadd.s32 $0xFFFFF800  }
0x12d: {  	_ =	swait.ge [sflag:s18], $0x800  }
0x12e: {  	[sflag:s18] =	ssyncset.done $0x0  }
0x12f: {  	[sflag:s18] =	ssyncadd.s32 $0xFFFFF800  }
0x130: {  	_ =	swait.ge [sflag:s18], $0x800  }
0x131: {  	[sflag:s18] =	ssyncset.done $0x0  }
0x132: {  	[sflag:s18] =	ssyncadd.s32 $0xFFFFF800  }
0x133: {  	_ =	swait.ge [sflag:s18], $0x800  }
0x134: {  	[sflag:s18] =	ssyncset.done $0x0  }
0x135: {  	[sflag:s18] =	ssyncadd.s32 $0xFFFFF800  }
0x136: {  	_ =	swait.ge [sflag:s18], $0x800  }
0x137: {  	[sflag:s18] =	ssyncset.done $0x0  }
0x138: {  	[sflag:s18] =	ssyncadd.s32 $0xFFFFF800  }
0x139: {  	_ =	swait.ge [sflag:s18], $0x800  }
0x13a: {  	[sflag:s18] =	ssyncset.done $0x0  }
0x13b: {  	[sflag:s18] =	ssyncadd.s32 $0xFFFFF800  }
0x13c: {  	_ =	swait.ge [sflag:s18], $0x800  }
0x13d: {  	[sflag:s18] =	ssyncset.done $0x0  }
0x13e: {  	[sflag:s18] =	ssyncadd.s32 $0xFFFFF800  }
0x13f: {  	_ =	swait.ge [sflag:s18], $0x800  }
0x140: {  	[sflag:s18] =	ssyncset.done $0x0  }
0x141: {  	[sflag:s18] =	ssyncadd.s32 $0xFFFFF800  }
0x142: {  	_ =	swait.ge [sflag:s18], $0x800  }
0x143: {  	[sflag:s18] =	ssyncset.done $0x0  }
0x144: {  	[sflag:s18] =	ssyncadd.s32 $0xFFFFF800  }
0x145: {  	_ =	swait.ge [sflag:s18], $0x800  }
0x146: {  	[sflag:s18] =	ssyncset.done $0x0  }
0x147: {  	[sflag:s18] =	ssyncadd.s32 $0xFFFFF800  }
0x148: {  	_ =	swait.ge [sflag:s18], $0x800  }
0x149: {  	[sflag:s18] =	ssyncset.done $0x0  }
0x14a: {  	[sflag:s18] =	ssyncadd.s32 $0xFFFFF800  }
0x14b: {  	_ =	swait.ge [sflag:s18], $0x800  }
0x14c: {  	[sflag:s18] =	ssyncset.done $0x0  }
0x14d: {  	[sflag:s18] =	ssyncadd.s32 $0xFFFFF800  }
0x14e: {  	_ =	swait.ge [sflag:s18], $0x800  }
0x14f: {  	[sflag:s18] =	ssyncset.done $0x0  }
0x150: {  	[sflag:s18] =	ssyncadd.s32 $0xFFFFF800  }
0x151: {  	_ =	swait.ge [sflag:s18], $0x800  }
0x152: {  	s25 =	rddreg [dreg:$0x3];
	[sflag:s18] =	ssyncset.done $0x0  }
0x153: {  	[sflag:s18] =	ssyncadd.s32 $0xFFFFF800;
	s21 =	sadd.s32 s21, s25  }
0x154: {  	[hbm4b:s21+s19] =	stream.strided.scatter [tilespmem:s14], [sflag:$0x2], $0x1000, s13, s19, $0x38;
	[tilespmem:$0x8800] =	vst v63  }
0x155: {  	_ =	swait.ge [sflag:s12], $0x1000  }
0x156: {  	[sflag:s12] =	ssyncset.done $0x0  }
0x157: {  	s22 =	sadd.s32 $0x2, s21;
	[sflag:s12] =	ssyncadd.s32 $0xFFFFF000  }
0x158: {  	[hbm4b:s22+s19] =	stream.strided.scatter [tilespmem:s16], [sflag:$0x2], $0x1000, s13, s19, $0x38;
	[tilespmem:$0x8800] =	vst v63  }
0x159: {  	_ =	swait.ge [sflag:s12], $0x1000  }
0x15a: {  	[sflag:s12] =	ssyncset.done $0x0  }
0x15b: {  	s25 =	sadd.s32 $0x4, s21;
	[sflag:s12] =	ssyncadd.s32 $0xFFFFF000  }
0x15c: {  	[hbm4b:s25+s19] =	stream.strided.scatter [tilespmem:s20], [sflag:$0x2], $0x1000, s13, s19, $0x38;
	[tilespmem:$0x8800] =	vst v63  }
0x15d: {  	_ =	swait.ge [sflag:s12], $0x1000  }
0x15e: {  	[sflag:s12] =	ssyncset.done $0x0  }
0x15f: {  	s25 =	sadd.s32 $0x6, s21;
	[sflag:s12] =	ssyncadd.s32 $0xFFFFF000  }
0x160: {  	[hbm4b:s25+s19] =	stream.strided.scatter [tilespmem:s24], [sflag:$0x2], $0x1000, s13, s19, $0x38;
	[tilespmem:$0x8800] =	vst v63  }
0x161: {  	_ =	swait.ge [sflag:s12], $0x1000  }
0x162: {  	[sflag:s12] =	ssyncset.done $0x0  }
0x163: {  	s25 =	sadd.s32 $0x8, s21;
	[sflag:s12] =	ssyncadd.s32 $0xFFFFF000  }
0x164: {  	[hbm4b:s25+s19] =	stream.strided.scatter [tilespmem:s29], [sflag:$0x2], $0x1000, s13, s19, $0x38;
	[tilespmem:$0x8800] =	vst v63  }
0x165: {  	_ =	swait.ge [sflag:s12], $0x1000  }
0x166: {  	[sflag:s12] =	ssyncset.done $0x0  }
0x167: {  	s25 =	sadd.s32 $0xA, s21;
	[sflag:s12] =	ssyncadd.s32 $0xFFFFF000  }
0x168: {  	[hbm4b:s25+s19] =	stream.strided.scatter [tilespmem:s1], [sflag:$0x2], $0x1000, s13, s19, $0x38;
	[tilespmem:$0x8800] =	vst v63  }
0x169: {  	_ =	swait.ge [sflag:s12], $0x1000  }
0x16a: {  	[sflag:s12] =	ssyncset.done $0x0  }
0x16b: {  	s25 =	sadd.s32 $0xC, s21;
	[sflag:s12] =	ssyncadd.s32 $0xFFFFF000  }
0x16c: {  	[hbm4b:s25+s19] =	stream.strided.scatter [tilespmem:s8], [sflag:$0x2], $0x1000, s13, s19, $0x38;
	[tilespmem:$0x8800] =	vst v63  }
0x16d: {  	_ =	swait.ge [sflag:s12], $0x1000  }
0x16e: {  	[sflag:s12] =	ssyncset.done $0x0  }
0x16f: {  	s21 =	sadd.s32 $0xE, s21;
	[sflag:s12] =	ssyncadd.s32 $0xFFFFF000  }
0x170: {  	[hbm4b:s21+s19] =	stream.strided.scatter [tilespmem:s11], [sflag:$0x2], $0x1000, s13, s19, $0x38;
	[tilespmem:$0x8800] =	vst v63  }
0x171: {  	_ =	swait.ge [sflag:s12], $0x1000  }
0x172: {  	[sflag:s12] =	ssyncset.done $0x0  }
0x173: {  	s25 =	rddreg [dreg:$0xa];
	[sflag:s12] =	ssyncadd.s32 $0xFFFFF000  }
0x174: {  	[tilespmem:s23], [sflag:$0x2] =	stream.strided.gather [hbm4b:s25+s10], $0x800, s28, s10, $0x38;
	[tilespmem:$0x8800] =	vst v63  }
0x175: {  	_ =	swait.ge [sflag:s12], $0x800  }
0x176: {  	[sflag:s12] =	ssyncset.done $0x0  }
0x177: {  	[sflag:s12] =	ssyncadd.s32 $0xFFFFF800  }
0x178: {  	[tilespmem:s14], [sflag:$0x1] =	stream.indirect.gather [hbm4b:s4+s13], $0x10, s23, s13, $0xb8;
	[tilespmem:$0x8800] =	vst v63  }
0x179: {  	_ = 	snop  }
0x17a: {  	[tilespmem:s0], [sflag:$0x1] =	stream.indirect.gather [hbm4b:s4+s13], $0x10, s13, s13, $0xb8;
	[tilespmem:$0x8800] =	vst v63  }
0x17b: {  	_ = 	snop  }
0x17c: {  	[tilespmem:s16], [sflag:$0x1] =	stream.indirect.gather [hbm4b:s4+s13], $0x10, s10, s13, $0xb8;
	[tilespmem:$0x8800] =	vst v63  }
0x17d: {  	_ = 	snop  }
0x17e: {  	[tilespmem:s7], [sflag:$0x1] =	stream.indirect.gather [hbm4b:s4+s13], $0x10, s5, s13, $0xb8;
	[tilespmem:$0x8800] =	vst v63  }
0x17f: {  	_ = 	snop  }
0x180: {  	[tilespmem:s20], [sflag:$0x1] =	stream.indirect.gather [hbm4b:s4+s13], $0x10, s6, s13, $0xb8;
	[tilespmem:$0x8800] =	vst v63  }
0x181: {  	_ = 	snop  }
0x182: {  	[tilespmem:s2], [sflag:$0x1] =	stream.indirect.gather [hbm4b:s4+s13], $0x10, s9, s13, $0xb8;
	[tilespmem:$0x8800] =	vst v63  }
0x183: {  	_ = 	snop  }
0x184: {  	[tilespmem:s24], [sflag:$0x1] =	stream.indirect.gather [hbm4b:s4+s13], $0x10, s3, s13, $0xb8;
	[tilespmem:$0x8800] =	vst v63  }
0x185: {  	_ = 	snop  }
0x186: {  	[tilespmem:s17], [sflag:$0x1] =	stream.indirect.gather [hbm4b:s4+s13], $0x10, s15, s13, $0xb8;
	[tilespmem:$0x8800] =	vst v63  }
0x187: {  	s22 =	simm.s32 $0x400  }
0x188: {  	[tilespmem:s29], [sflag:$0x1] =	stream.indirect.gather [hbm4b:s4+s13], $0x10, s22, s13, $0xb8;
	[tilespmem:$0x8800] =	vst v63  }
0x189: {  	s21 =	simm.s32 $0x5000;
	s22 =	simm.s32 $0x480  }
0x18a: {  	[tilespmem:s21], [sflag:$0x1] =	stream.indirect.gather [hbm4b:s4+s13], $0x10, s22, s13, $0xb8;
	[tilespmem:$0x8800] =	vst v63  }
0x18b: {  	s22 =	simm.s32 $0x500  }
0x18c: {  	[tilespmem:s1], [sflag:$0x1] =	stream.indirect.gather [hbm4b:s4+s13], $0x10, s22, s13, $0xb8;
	[tilespmem:$0x8800] =	vst v63  }
0x18d: {  	s22 =	simm.s32 $0x580  }
0x18e: {  	[tilespmem:s26], [sflag:$0x1] =	stream.indirect.gather [hbm4b:s4+s13], $0x10, s22, s13, $0xb8;
	[tilespmem:$0x8800] =	vst v63  }
0x18f: {  	s22 =	simm.s32 $0x600  }
0x190: {  	[tilespmem:s8], [sflag:$0x1] =	stream.indirect.gather [hbm4b:s4+s13], $0x10, s22, s13, $0xb8;
	[tilespmem:$0x8800] =	vst v63  }
0x191: {  	s26 =	simm.s32 $0x680  }
0x192: {  	[tilespmem:s31], [sflag:$0x1] =	stream.indirect.gather [hbm4b:s4+s13], $0x10, s26, s13, $0xb8;
	[tilespmem:$0x8800] =	vst v63  }
0x193: {  	s22 =	simm.s32 $0x700  }
0x194: {  	[tilespmem:s11], [sflag:$0x1] =	stream.indirect.gather [hbm4b:s4+s13], $0x10, s22, s13, $0xb8;
	[tilespmem:$0x8800] =	vst v63  }
0x195: {  	s26 =	simm.s32 $0x8000;
	s31 =	simm.s32 $0x780  }
0x196: {  	[tilespmem:s26], [sflag:$0x1] =	stream.indirect.gather [hbm4b:s4+s13], $0x10, s31, s13, $0xb8;
	[tilespmem:$0x8800] =	vst v63  }
0x197: {  	_ =	swait.ge [sflag:s18], $0x800  }
0x198: {  	[sflag:s18] =	ssyncset.done $0x0  }
0x199: {  	[sflag:s18] =	ssyncadd.s32 $0xFFFFF800  }
0x19a: {  	_ =	swait.ge [sflag:s18], $0x800  }
0x19b: {  	[sflag:s18] =	ssyncset.done $0x0  }
0x19c: {  	[sflag:s18] =	ssyncadd.s32 $0xFFFFF800  }
0x19d: {  	_ =	swait.ge [sflag:s18], $0x800  }
0x19e: {  	[sflag:s18] =	ssyncset.done $0x0  }
0x19f: {  	[sflag:s18] =	ssyncadd.s32 $0xFFFFF800  }
0x1a0: {  	_ =	swait.ge [sflag:s18], $0x800  }
0x1a1: {  	[sflag:s18] =	ssyncset.done $0x0  }
0x1a2: {  	[sflag:s18] =	ssyncadd.s32 $0xFFFFF800  }
0x1a3: {  	_ =	swait.ge [sflag:s18], $0x800  }
0x1a4: {  	[sflag:s18] =	ssyncset.done $0x0  }
0x1a5: {  	[sflag:s18] =	ssyncadd.s32 $0xFFFFF800  }
0x1a6: {  	_ =	swait.ge [sflag:s18], $0x800  }
0x1a7: {  	[sflag:s18] =	ssyncset.done $0x0  }
0x1a8: {  	[sflag:s18] =	ssyncadd.s32 $0xFFFFF800  }
0x1a9: {  	_ =	swait.ge [sflag:s18], $0x800  }
0x1aa: {  	[sflag:s18] =	ssyncset.done $0x0  }
0x1ab: {  	[sflag:s18] =	ssyncadd.s32 $0xFFFFF800  }
0x1ac: {  	_ =	swait.ge [sflag:s18], $0x800  }
0x1ad: {  	[sflag:s18] =	ssyncset.done $0x0  }
0x1ae: {  	[sflag:s18] =	ssyncadd.s32 $0xFFFFF800  }
0x1af: {  	_ =	swait.ge [sflag:s18], $0x800  }
0x1b0: {  	[sflag:s18] =	ssyncset.done $0x0  }
0x1b1: {  	[sflag:s18] =	ssyncadd.s32 $0xFFFFF800  }
0x1b2: {  	_ =	swait.ge [sflag:s18], $0x800  }
0x1b3: {  	[sflag:s18] =	ssyncset.done $0x0  }
0x1b4: {  	[sflag:s18] =	ssyncadd.s32 $0xFFFFF800  }
0x1b5: {  	_ =	swait.ge [sflag:s18], $0x800  }
0x1b6: {  	[sflag:s18] =	ssyncset.done $0x0  }
0x1b7: {  	[sflag:s18] =	ssyncadd.s32 $0xFFFFF800  }
0x1b8: {  	_ =	swait.ge [sflag:s18], $0x800  }
0x1b9: {  	[sflag:s18] =	ssyncset.done $0x0  }
0x1ba: {  	[sflag:s18] =	ssyncadd.s32 $0xFFFFF800  }
0x1bb: {  	_ =	swait.ge [sflag:s18], $0x800  }
0x1bc: {  	[sflag:s18] =	ssyncset.done $0x0  }
0x1bd: {  	[sflag:s18] =	ssyncadd.s32 $0xFFFFF800  }
0x1be: {  	_ =	swait.ge [sflag:s18], $0x800  }
0x1bf: {  	[sflag:s18] =	ssyncset.done $0x0  }
0x1c0: {  	[sflag:s18] =	ssyncadd.s32 $0xFFFFF800  }
0x1c1: {  	_ =	swait.ge [sflag:s18], $0x800  }
0x1c2: {  	[sflag:s18] =	ssyncset.done $0x0  }
0x1c3: {  	[sflag:s18] =	ssyncadd.s32 $0xFFFFF800  }
0x1c4: {  	_ =	swait.ge [sflag:s18], $0x800  }
0x1c5: {  	s22 =	rddreg [dreg:$0x4];
	[sflag:s18] =	ssyncset.done $0x0  }
0x1c6: {  	[sflag:s18] =	ssyncadd.s32 $0xFFFFF800;
	s21 =	sadd.s32 $0x0, s22  }
0x1c7: {  	[hbm4b:s21+s19] =	stream.strided.scatter [tilespmem:s14], [sflag:$0x2], $0x1000, s13, s19, $0x38;
	[tilespmem:$0x8800] =	vst v63  }
0x1c8: {  	_ =	swait.ge [sflag:s12], $0x1000  }
0x1c9: {  	[sflag:s12] =	ssyncset.done $0x0  }
0x1ca: {  	s26 =	sadd.s32 $0x2, s21;
	[sflag:s12] =	ssyncadd.s32 $0xFFFFF000  }
0x1cb: {  	[hbm4b:s26+s19] =	stream.strided.scatter [tilespmem:s16], [sflag:$0x2], $0x1000, s13, s19, $0x38;
	[tilespmem:$0x8800] =	vst v63  }
0x1cc: {  	_ =	swait.ge [sflag:s12], $0x1000  }
0x1cd: {  	[sflag:s12] =	ssyncset.done $0x0  }
0x1ce: {  	s31 =	sadd.s32 $0x4, s21;
	[sflag:s12] =	ssyncadd.s32 $0xFFFFF000  }
0x1cf: {  	[hbm4b:s31+s19] =	stream.strided.scatter [tilespmem:s20], [sflag:$0x2], $0x1000, s13, s19, $0x38;
	[tilespmem:$0x8800] =	vst v63  }
0x1d0: {  	_ =	swait.ge [sflag:s12], $0x1000  }
0x1d1: {  	[sflag:s12] =	ssyncset.done $0x0  }
0x1d2: {  	s26 =	sadd.s32 $0x6, s21;
	[sflag:s12] =	ssyncadd.s32 $0xFFFFF000  }
0x1d3: {  	[hbm4b:s26+s19] =	stream.strided.scatter [tilespmem:s24], [sflag:$0x2], $0x1000, s13, s19, $0x38;
	[tilespmem:$0x8800] =	vst v63  }
0x1d4: {  	_ =	swait.ge [sflag:s12], $0x1000  }
0x1d5: {  	[sflag:s12] =	ssyncset.done $0x0  }
0x1d6: {  	s31 =	sadd.s32 $0x8, s21;
	[sflag:s12] =	ssyncadd.s32 $0xFFFFF000  }
0x1d7: {  	[hbm4b:s31+s19] =	stream.strided.scatter [tilespmem:s29], [sflag:$0x2], $0x1000, s13, s19, $0x38;
	[tilespmem:$0x8800] =	vst v63  }
0x1d8: {  	_ =	swait.ge [sflag:s12], $0x1000  }
0x1d9: {  	[sflag:s12] =	ssyncset.done $0x0  }
0x1da: {  	s26 =	sadd.s32 $0xA, s21;
	[sflag:s12] =	ssyncadd.s32 $0xFFFFF000  }
0x1db: {  	[hbm4b:s26+s19] =	stream.strided.scatter [tilespmem:s1], [sflag:$0x2], $0x1000, s13, s19, $0x38;
	[tilespmem:$0x8800] =	vst v63  }
0x1dc: {  	_ =	swait.ge [sflag:s12], $0x1000  }
0x1dd: {  	[sflag:s12] =	ssyncset.done $0x0  }
0x1de: {  	s31 =	sadd.s32 $0xC, s21;
	[sflag:s12] =	ssyncadd.s32 $0xFFFFF000  }
0x1df: {  	[hbm4b:s31+s19] =	stream.strided.scatter [tilespmem:s8], [sflag:$0x2], $0x1000, s13, s19, $0x38;
	[tilespmem:$0x8800] =	vst v63  }
0x1e0: {  	p1 =	por $0x1, $0x1;
	_ =	swait.ge [sflag:s12], $0x1000  }
.Ltmp1:
0x1e1: {  	[sflag:s12] =	ssyncset.done $0x0;
	(pc) =	sbr.rel @!p1 .LBB2_5-.Ltmp1, $4  }
0x1e2: {  	s21 =	sadd.s32 $0xE, s21;
	[sflag:s12] =	ssyncadd.s32 $0xFFFFF000  }
0x1e3: {  	[hbm4b:s21+s19] =	stream.strided.scatter [tilespmem:s11], [sflag:$0x2], $0x1000, s13, s19, $0x38;
	[tilespmem:$0x8800] =	vst v63  }
0x1e4: {  	s22 =	smov.u32 s25;
	_ =	swait.ge [sflag:s12], $0x1000  }
0x1e5: {  	s26 =	simm.s32 $0x480;
	s21 =	simm.s32 $0x1000;
	[sflag:s12] =	ssyncset.done $0x0  }
.LBB2_4:
0x1e6: {  	[sflag:s12] =	ssyncadd.s32 $0xFFFFF000;
	s22 =	sadd.s32 $0x20, s22  }
0x1e7: {  	[tilespmem:s23], [sflag:$0x2] =	stream.strided.gather [hbm4b:s22+s10], $0x800, s28, s10, $0x38;
	[tilespmem:$0x8800] =	vst v63  }
0x1e8: {  	_ =	swait.ge [sflag:s12], $0x800  }
0x1e9: {  	[sflag:s12] =	ssyncset.done $0x0  }
0x1ea: {  	[sflag:s12] =	ssyncadd.s32 $0xFFFFF800  }
0x1eb: {  	[tilespmem:s14], [sflag:$0x1] =	stream.indirect.gather [hbm4b:s4+s13], $0x10, s23, s13, $0xb8;
	[tilespmem:$0x8800] =	vst v63  }
0x1ec: {  	_ = 	snop  }
0x1ed: {  	[tilespmem:s0], [sflag:$0x1] =	stream.indirect.gather [hbm4b:s4+s13], $0x10, s13, s13, $0xb8;
	[tilespmem:$0x8800] =	vst v63  }
0x1ee: {  	_ = 	snop  }
0x1ef: {  	[tilespmem:s16], [sflag:$0x1] =	stream.indirect.gather [hbm4b:s4+s13], $0x10, s10, s13, $0xb8;
	[tilespmem:$0x8800] =	vst v63  }
0x1f0: {  	_ = 	snop  }
0x1f1: {  	[tilespmem:s7], [sflag:$0x1] =	stream.indirect.gather [hbm4b:s4+s13], $0x10, s5, s13, $0xb8;
	[tilespmem:$0x8800] =	vst v63  }
0x1f2: {  	_ = 	snop  }
0x1f3: {  	[tilespmem:s20], [sflag:$0x1] =	stream.indirect.gather [hbm4b:s4+s13], $0x10, s6, s13, $0xb8;
	[tilespmem:$0x8800] =	vst v63  }
0x1f4: {  	_ = 	snop  }
0x1f5: {  	[tilespmem:s2], [sflag:$0x1] =	stream.indirect.gather [hbm4b:s4+s13], $0x10, s9, s13, $0xb8;
	[tilespmem:$0x8800] =	vst v63  }
0x1f6: {  	_ = 	snop  }
0x1f7: {  	[tilespmem:s24], [sflag:$0x1] =	stream.indirect.gather [hbm4b:s4+s13], $0x10, s3, s13, $0xb8;
	[tilespmem:$0x8800] =	vst v63  }
0x1f8: {  	_ = 	snop  }
0x1f9: {  	[tilespmem:s17], [sflag:$0x1] =	stream.indirect.gather [hbm4b:s4+s13], $0x10, s15, s13, $0xb8;
	[tilespmem:$0x8800] =	vst v63  }
0x1fa: {  	s31 =	simm.s32 $0x400  }
0x1fb: {  	[tilespmem:s29], [sflag:$0x1] =	stream.indirect.gather [hbm4b:s4+s13], $0x10, s31, s13, $0xb8;
	[tilespmem:$0x8800] =	vst v63  }
0x1fc: {  	s31 =	simm.s32 $0x5000  }
0x1fd: {  	[tilespmem:s31], [sflag:$0x1] =	stream.indirect.gather [hbm4b:s4+s13], $0x10, s26, s13, $0xb8;
	[tilespmem:$0x8800] =	vst v63  }
0x1fe: {  	s31 =	simm.s32 $0x500  }
0x1ff: {  	[tilespmem:s1], [sflag:$0x1] =	stream.indirect.gather [hbm4b:s4+s13], $0x10, s31, s13, $0xb8;
	[tilespmem:$0x8800] =	vst v63  }
0x200: {  	s26 =	simm.s32 $0x580;
	s31 =	simm.s32 $0x6000  }
0x201: {  	[tilespmem:s31], [sflag:$0x1] =	stream.indirect.gather [hbm4b:s4+s13], $0x10, s26, s13, $0xb8;
	[tilespmem:$0x8800] =	vst v63  }
0x202: {  	s31 =	simm.s32 $0x600  }
0x203: {  	[tilespmem:s8], [sflag:$0x1] =	stream.indirect.gather [hbm4b:s4+s13], $0x10, s31, s13, $0xb8;
	[tilespmem:$0x8800] =	vst v63  }
0x204: {  	s26 =	simm.s32 $0x680;
	s31 =	simm.s32 $0x7000  }
0x205: {  	[tilespmem:s31], [sflag:$0x1] =	stream.indirect.gather [hbm4b:s4+s13], $0x10, s26, s13, $0xb8;
	[tilespmem:$0x8800] =	vst v63  }
0x206: {  	s31 =	simm.s32 $0x700  }
0x207: {  	[tilespmem:s11], [sflag:$0x1] =	stream.indirect.gather [hbm4b:s4+s13], $0x10, s31, s13, $0xb8;
	[tilespmem:$0x8800] =	vst v63  }
0x208: {  	s26 =	simm.s32 $0x780;
	s31 =	simm.s32 $0x8000  }
0x209: {  	[tilespmem:s31], [sflag:$0x1] =	stream.indirect.gather [hbm4b:s4+s13], $0x10, s26, s13, $0xb8;
	[tilespmem:$0x8800] =	vst v63  }
0x20a: {  	_ =	swait.ge [sflag:s18], $0x800  }
0x20b: {  	[sflag:s18] =	ssyncset.done $0x0  }
0x20c: {  	[sflag:s18] =	ssyncadd.s32 $0xFFFFF800  }
0x20d: {  	_ =	swait.ge [sflag:s18], $0x800  }
0x20e: {  	[sflag:s18] =	ssyncset.done $0x0  }
0x20f: {  	[sflag:s18] =	ssyncadd.s32 $0xFFFFF800  }
0x210: {  	_ =	swait.ge [sflag:s18], $0x800  }
0x211: {  	[sflag:s18] =	ssyncset.done $0x0  }
0x212: {  	[sflag:s18] =	ssyncadd.s32 $0xFFFFF800  }
0x213: {  	_ =	swait.ge [sflag:s18], $0x800  }
0x214: {  	[sflag:s18] =	ssyncset.done $0x0  }
0x215: {  	[sflag:s18] =	ssyncadd.s32 $0xFFFFF800  }
0x216: {  	_ =	swait.ge [sflag:s18], $0x800  }
0x217: {  	[sflag:s18] =	ssyncset.done $0x0  }
0x218: {  	[sflag:s18] =	ssyncadd.s32 $0xFFFFF800  }
0x219: {  	_ =	swait.ge [sflag:s18], $0x800  }
0x21a: {  	[sflag:s18] =	ssyncset.done $0x0  }
0x21b: {  	[sflag:s18] =	ssyncadd.s32 $0xFFFFF800  }
0x21c: {  	_ =	swait.ge [sflag:s18], $0x800  }
0x21d: {  	[sflag:s18] =	ssyncset.done $0x0  }
0x21e: {  	[sflag:s18] =	ssyncadd.s32 $0xFFFFF800  }
0x21f: {  	_ =	swait.ge [sflag:s18], $0x800  }
0x220: {  	[sflag:s18] =	ssyncset.done $0x0  }
0x221: {  	[sflag:s18] =	ssyncadd.s32 $0xFFFFF800  }
0x222: {  	_ =	swait.ge [sflag:s18], $0x800  }
0x223: {  	[sflag:s18] =	ssyncset.done $0x0  }
0x224: {  	[sflag:s18] =	ssyncadd.s32 $0xFFFFF800  }
0x225: {  	_ =	swait.ge [sflag:s18], $0x800  }
0x226: {  	[sflag:s18] =	ssyncset.done $0x0  }
0x227: {  	[sflag:s18] =	ssyncadd.s32 $0xFFFFF800  }
0x228: {  	_ =	swait.ge [sflag:s18], $0x800  }
0x229: {  	[sflag:s18] =	ssyncset.done $0x0  }
0x22a: {  	[sflag:s18] =	ssyncadd.s32 $0xFFFFF800  }
0x22b: {  	_ =	swait.ge [sflag:s18], $0x800  }
0x22c: {  	[sflag:s18] =	ssyncset.done $0x0  }
0x22d: {  	[sflag:s18] =	ssyncadd.s32 $0xFFFFF800  }
0x22e: {  	_ =	swait.ge [sflag:s18], $0x800  }
0x22f: {  	[sflag:s18] =	ssyncset.done $0x0  }
0x230: {  	[sflag:s18] =	ssyncadd.s32 $0xFFFFF800  }
0x231: {  	_ =	swait.ge [sflag:s18], $0x800  }
0x232: {  	[sflag:s18] =	ssyncset.done $0x0  }
0x233: {  	[sflag:s18] =	ssyncadd.s32 $0xFFFFF800  }
0x234: {  	_ =	swait.ge [sflag:s18], $0x800  }
0x235: {  	[sflag:s18] =	ssyncset.done $0x0  }
0x236: {  	[sflag:s18] =	ssyncadd.s32 $0xFFFFF800  }
0x237: {  	_ =	swait.ge [sflag:s18], $0x800  }
0x238: {  	s25 =	smov.u32 s21;
	s31 =	rddreg [dreg:$0x4];
	[sflag:s18] =	ssyncset.done $0x0  }
0x239: {  	[sflag:s18] =	ssyncadd.s32 $0xFFFFF800;
	s25 =	sadd.s32 s25, s31  }
0x23a: {  	[hbm4b:s25+s19] =	stream.strided.scatter [tilespmem:s14], [sflag:$0x2], $0x1000, s13, s19, $0x38;
	[tilespmem:$0x8800] =	vst v63  }
0x23b: {  	_ =	swait.ge [sflag:s12], $0x1000  }
0x23c: {  	[sflag:s12] =	ssyncset.done $0x0  }
0x23d: {  	s26 =	sadd.s32 $0x2, s25;
	[sflag:s12] =	ssyncadd.s32 $0xFFFFF000  }
0x23e: {  	[hbm4b:s26+s19] =	stream.strided.scatter [tilespmem:s16], [sflag:$0x2], $0x1000, s13, s19, $0x38;
	[tilespmem:$0x8800] =	vst v63  }
0x23f: {  	_ =	swait.ge [sflag:s12], $0x1000  }
0x240: {  	[sflag:s12] =	ssyncset.done $0x0  }
0x241: {  	s31 =	sadd.s32 $0x4, s25;
	[sflag:s12] =	ssyncadd.s32 $0xFFFFF000  }
0x242: {  	[hbm4b:s31+s19] =	stream.strided.scatter [tilespmem:s20], [sflag:$0x2], $0x1000, s13, s19, $0x38;
	[tilespmem:$0x8800] =	vst v63  }
0x243: {  	_ =	swait.ge [sflag:s12], $0x1000  }
0x244: {  	[sflag:s12] =	ssyncset.done $0x0  }
0x245: {  	s31 =	sadd.s32 $0x6, s25;
	[sflag:s12] =	ssyncadd.s32 $0xFFFFF000  }
0x246: {  	[hbm4b:s31+s19] =	stream.strided.scatter [tilespmem:s24], [sflag:$0x2], $0x1000, s13, s19, $0x38;
	[tilespmem:$0x8800] =	vst v63  }
0x247: {  	_ =	swait.ge [sflag:s12], $0x1000  }
0x248: {  	[sflag:s12] =	ssyncset.done $0x0  }
0x249: {  	s31 =	sadd.s32 $0x8, s25;
	[sflag:s12] =	ssyncadd.s32 $0xFFFFF000  }
0x24a: {  	[hbm4b:s31+s19] =	stream.strided.scatter [tilespmem:s29], [sflag:$0x2], $0x1000, s13, s19, $0x38;
	[tilespmem:$0x8800] =	vst v63  }
0x24b: {  	_ =	swait.ge [sflag:s12], $0x1000  }
0x24c: {  	[sflag:s12] =	ssyncset.done $0x0  }
0x24d: {  	s31 =	sadd.s32 $0xA, s25;
	[sflag:s12] =	ssyncadd.s32 $0xFFFFF000  }
0x24e: {  	[hbm4b:s31+s19] =	stream.strided.scatter [tilespmem:s1], [sflag:$0x2], $0x1000, s13, s19, $0x38;
	[tilespmem:$0x8800] =	vst v63  }
0x24f: {  	_ =	swait.ge [sflag:s12], $0x1000  }
0x250: {  	[sflag:s12] =	ssyncset.done $0x0  }
0x251: {  	s31 =	sadd.s32 $0xC, s25;
	[sflag:s12] =	ssyncadd.s32 $0xFFFFF000  }
0x252: {  	[hbm4b:s31+s19] =	stream.strided.scatter [tilespmem:s8], [sflag:$0x2], $0x1000, s13, s19, $0x38;
	[tilespmem:$0x8800] =	vst v63  }
0x253: {  	p0 =	sne.s32 s21, $0x9000;
	_ =	swait.ge [sflag:s12], $0x1000  }
.Ltmp2:
0x254: {  	[sflag:s12] =	ssyncset.done $0x0;
	(pc) =	sbr.rel @p0 .LBB2_4-.Ltmp2, $4  }
0x255: {  	s25 =	sadd.s32 $0xE, s25;
	[sflag:s12] =	ssyncadd.s32 $0xFFFFF000  }
0x256: {  	[hbm4b:s25+s19] =	stream.strided.scatter [tilespmem:s11], [sflag:$0x2], $0x1000, s13, s19, $0x38;
	[tilespmem:$0x8800] =	vst v63  }
0x257: {  	_ =	swait.ge [sflag:s12], $0x1000  }
0x258: {  	s21 =	sadd.s32 $0x1000, s21;
	s26 =	simm.s32 $0x480;
	[sflag:s12] =	ssyncset.done $0x0  }
.LBB2_5:
.Ltmp3:
0x259: {  	(pc) =	sbr.rel @!p1 .LBB2_6-.Ltmp3, $3  }
0x25a: {  	_ =	sdelay $0x1  }
0x25b: {  	[sflag:s12] =	ssyncadd.s32 $0xFFFFF000;
	s25 =	simm.s32 $0x0;
	s31 =	rddreg [dreg:$0x8]  }
0x25c: {  	s21 =	simm.s32 $0x1000;
	p0 =	por $0x0, $0x0;
	s28 =	sor.u32 $0x28000, s31  }
0x25d: {  	s22 =	sadd.s32 s30, s28;
	s7 =	simm.s32 $0x14000  }
0x25e: {  	[tilespmem:s25], [sflag:$0x2] =	stream.strided.gather [hbm4b:s22+s10], $0x800, s7, s10, $0x38;
	[tilespmem:$0x8800] =	vst v63  }
0x25f: {  	_ =	swait.ge [sflag:s12], $0x800  }
0x260: {  	[sflag:s12] =	ssyncset.done $0x0  }
0x261: {  	[sflag:s12] =	ssyncadd.s32 $0xFFFFF800  }
0x262: {  	[tilespmem:s14], [sflag:$0x1] =	stream.indirect.gather [hbm4b:s4+s13], $0x10, s25, s13, $0xb8;
	[tilespmem:$0x8800] =	vst v63  }
0x263: {  	s3 =	simm.s32 $0x1000  }
0x264: {  	[tilespmem:s3], [sflag:$0x1] =	stream.indirect.gather [hbm4b:s4+s13], $0x10, s13, s13, $0xb8;
	[tilespmem:$0x8800] =	vst v63  }
0x265: {  	_ = 	snop  }
0x266: {  	[tilespmem:s16], [sflag:$0x1] =	stream.indirect.gather [hbm4b:s4+s13], $0x10, s10, s13, $0xb8;
	[tilespmem:$0x8800] =	vst v63  }
0x267: {  	s0 =	simm.s32 $0x2000;
	s2 =	simm.s32 $0x180  }
0x268: {  	[tilespmem:s0], [sflag:$0x1] =	stream.indirect.gather [hbm4b:s4+s13], $0x10, s2, s13, $0xb8;
	[tilespmem:$0x8800] =	vst v63  }
0x269: {  	s9 =	simm.s32 $0x200  }
0x26a: {  	[tilespmem:s20], [sflag:$0x1] =	stream.indirect.gather [hbm4b:s4+s13], $0x10, s9, s13, $0xb8;
	[tilespmem:$0x8800] =	vst v63  }
0x26b: {  	s15 =	simm.s32 $0x3000;
	s5 =	simm.s32 $0x280  }
0x26c: {  	[tilespmem:s15], [sflag:$0x1] =	stream.indirect.gather [hbm4b:s4+s13], $0x10, s5, s13, $0xb8;
	[tilespmem:$0x8800] =	vst v63  }
0x26d: {  	s6 =	simm.s32 $0x300  }
0x26e: {  	[tilespmem:s24], [sflag:$0x1] =	stream.indirect.gather [hbm4b:s4+s13], $0x10, s6, s13, $0xb8;
	[tilespmem:$0x8800] =	vst v63  }
0x26f: {  	s23 =	simm.s32 $0x4000;
	s17 =	simm.s32 $0x380  }
0x270: {  	[tilespmem:s23], [sflag:$0x1] =	stream.indirect.gather [hbm4b:s4+s13], $0x10, s17, s13, $0xb8;
	[tilespmem:$0x8800] =	vst v63  }
0x271: {  	s23 =	simm.s32 $0x400  }
0x272: {  	[tilespmem:s29], [sflag:$0x1] =	stream.indirect.gather [hbm4b:s4+s13], $0x10, s23, s13, $0xb8;
	[tilespmem:$0x8800] =	vst v63  }
0x273: {  	s25 =	simm.s32 $0x5000  }
0x274: {  	[tilespmem:s25], [sflag:$0x1] =	stream.indirect.gather [hbm4b:s4+s13], $0x10, s26, s13, $0xb8;
	[tilespmem:$0x8800] =	vst v63  }
0x275: {  	s26 =	simm.s32 $0x500  }
0x276: {  	[tilespmem:s1], [sflag:$0x1] =	stream.indirect.gather [hbm4b:s4+s13], $0x10, s26, s13, $0xb8;
	[tilespmem:$0x8800] =	vst v63  }
0x277: {  	s2 =	simm.s32 $0x580;
	s5 =	simm.s32 $0x6000  }
0x278: {  	[tilespmem:s5], [sflag:$0x1] =	stream.indirect.gather [hbm4b:s4+s13], $0x10, s2, s13, $0xb8;
	[tilespmem:$0x8800] =	vst v63  }
0x279: {  	s6 =	simm.s32 $0x600  }
0x27a: {  	[tilespmem:s8], [sflag:$0x1] =	stream.indirect.gather [hbm4b:s4+s13], $0x10, s6, s13, $0xb8;
	[tilespmem:$0x8800] =	vst v63  }
0x27b: {  	s7 =	simm.s32 $0x680;
	s9 =	simm.s32 $0x7000  }
0x27c: {  	[tilespmem:s9], [sflag:$0x1] =	stream.indirect.gather [hbm4b:s4+s13], $0x10, s7, s13, $0xb8;
	[tilespmem:$0x8800] =	vst v63  }
0x27d: {  	s22 =	simm.s32 $0x700  }
0x27e: {  	[tilespmem:s11], [sflag:$0x1] =	stream.indirect.gather [hbm4b:s4+s13], $0x10, s22, s13, $0xb8;
	[tilespmem:$0x8800] =	vst v63  }
0x27f: {  	s6 =	simm.s32 $0x780;
	s9 =	simm.s32 $0x8000  }
0x280: {  	[tilespmem:s9], [sflag:$0x1] =	stream.indirect.gather [hbm4b:s4+s13], $0x10, s6, s13, $0xb8;
	[tilespmem:$0x8800] =	vst v63  }
0x281: {  	_ =	swait.ge [sflag:s18], $0x800  }
0x282: {  	[sflag:s18] =	ssyncset.done $0x0  }
0x283: {  	[sflag:s18] =	ssyncadd.s32 $0xFFFFF800  }
0x284: {  	_ =	swait.ge [sflag:s18], $0x800  }
0x285: {  	[sflag:s18] =	ssyncset.done $0x0  }
0x286: {  	[sflag:s18] =	ssyncadd.s32 $0xFFFFF800  }
0x287: {  	_ =	swait.ge [sflag:s18], $0x800  }
0x288: {  	[sflag:s18] =	ssyncset.done $0x0  }
0x289: {  	[sflag:s18] =	ssyncadd.s32 $0xFFFFF800  }
0x28a: {  	_ =	swait.ge [sflag:s18], $0x800  }
0x28b: {  	[sflag:s18] =	ssyncset.done $0x0  }
0x28c: {  	[sflag:s18] =	ssyncadd.s32 $0xFFFFF800  }
0x28d: {  	_ =	swait.ge [sflag:s18], $0x800  }
0x28e: {  	[sflag:s18] =	ssyncset.done $0x0  }
0x28f: {  	[sflag:s18] =	ssyncadd.s32 $0xFFFFF800  }
0x290: {  	_ =	swait.ge [sflag:s18], $0x800  }
0x291: {  	[sflag:s18] =	ssyncset.done $0x0  }
0x292: {  	[sflag:s18] =	ssyncadd.s32 $0xFFFFF800  }
0x293: {  	_ =	swait.ge [sflag:s18], $0x800  }
0x294: {  	[sflag:s18] =	ssyncset.done $0x0  }
0x295: {  	[sflag:s18] =	ssyncadd.s32 $0xFFFFF800  }
0x296: {  	_ =	swait.ge [sflag:s18], $0x800  }
0x297: {  	[sflag:s18] =	ssyncset.done $0x0  }
0x298: {  	[sflag:s18] =	ssyncadd.s32 $0xFFFFF800  }
0x299: {  	_ =	swait.ge [sflag:s18], $0x800  }
0x29a: {  	[sflag:s18] =	ssyncset.done $0x0  }
0x29b: {  	[sflag:s18] =	ssyncadd.s32 $0xFFFFF800  }
0x29c: {  	_ =	swait.ge [sflag:s18], $0x800  }
0x29d: {  	[sflag:s18] =	ssyncset.done $0x0  }
0x29e: {  	[sflag:s18] =	ssyncadd.s32 $0xFFFFF800  }
0x29f: {  	_ =	swait.ge [sflag:s18], $0x800  }
0x2a0: {  	[sflag:s18] =	ssyncset.done $0x0  }
0x2a1: {  	[sflag:s18] =	ssyncadd.s32 $0xFFFFF800  }
0x2a2: {  	_ =	swait.ge [sflag:s18], $0x800  }
0x2a3: {  	[sflag:s18] =	ssyncset.done $0x0  }
0x2a4: {  	[sflag:s18] =	ssyncadd.s32 $0xFFFFF800  }
0x2a5: {  	_ =	swait.ge [sflag:s18], $0x800  }
0x2a6: {  	[sflag:s18] =	ssyncset.done $0x0  }
0x2a7: {  	[sflag:s18] =	ssyncadd.s32 $0xFFFFF800  }
0x2a8: {  	_ =	swait.ge [sflag:s18], $0x800  }
0x2a9: {  	[sflag:s18] =	ssyncset.done $0x0  }
0x2aa: {  	[sflag:s18] =	ssyncadd.s32 $0xFFFFF800  }
0x2ab: {  	_ =	swait.ge [sflag:s18], $0x800  }
0x2ac: {  	[sflag:s18] =	ssyncset.done $0x0  }
0x2ad: {  	[sflag:s18] =	ssyncadd.s32 $0xFFFFF800  }
0x2ae: {  	_ =	swait.ge [sflag:s18], $0x800  }
0x2af: {  	s23 =	rddreg [dreg:$0x5];
	[sflag:s18] =	ssyncset.done $0x0  }
0x2b0: {  	[sflag:s18] =	ssyncadd.s32 $0xFFFFF800;
	s22 =	sadd.s32 $0x0, s23  }
0x2b1: {  	[hbm4b:s22+s19] =	stream.strided.scatter [tilespmem:s14], [sflag:$0x2], $0x1000, s13, s19, $0x38;
	[tilespmem:$0x8800] =	vst v63  }
0x2b2: {  	_ =	swait.ge [sflag:s12], $0x1000  }
0x2b3: {  	[sflag:s12] =	ssyncset.done $0x0  }
0x2b4: {  	s25 =	sadd.s32 $0x2, s22;
	[sflag:s12] =	ssyncadd.s32 $0xFFFFF000  }
0x2b5: {  	[hbm4b:s25+s19] =	stream.strided.scatter [tilespmem:s16], [sflag:$0x2], $0x1000, s13, s19, $0x38;
	[tilespmem:$0x8800] =	vst v63  }
0x2b6: {  	_ =	swait.ge [sflag:s12], $0x1000  }
0x2b7: {  	[sflag:s12] =	ssyncset.done $0x0  }
0x2b8: {  	s26 =	sadd.s32 $0x4, s22;
	[sflag:s12] =	ssyncadd.s32 $0xFFFFF000  }
0x2b9: {  	[hbm4b:s26+s19] =	stream.strided.scatter [tilespmem:s20], [sflag:$0x2], $0x1000, s13, s19, $0x38;
	[tilespmem:$0x8800] =	vst v63  }
0x2ba: {  	_ =	swait.ge [sflag:s12], $0x1000  }
0x2bb: {  	[sflag:s12] =	ssyncset.done $0x0  }
0x2bc: {  	s2 =	sadd.s32 $0x6, s22;
	[sflag:s12] =	ssyncadd.s32 $0xFFFFF000  }
0x2bd: {  	[hbm4b:s2+s19] =	stream.strided.scatter [tilespmem:s24], [sflag:$0x2], $0x1000, s13, s19, $0x38;
	[tilespmem:$0x8800] =	vst v63  }
0x2be: {  	_ =	swait.ge [sflag:s12], $0x1000  }
0x2bf: {  	[sflag:s12] =	ssyncset.done $0x0  }
0x2c0: {  	s7 =	sadd.s32 $0x8, s22;
	[sflag:s12] =	ssyncadd.s32 $0xFFFFF000  }
0x2c1: {  	[hbm4b:s7+s19] =	stream.strided.scatter [tilespmem:s29], [sflag:$0x2], $0x1000, s13, s19, $0x38;
	[tilespmem:$0x8800] =	vst v63  }
0x2c2: {  	_ =	swait.ge [sflag:s12], $0x1000  }
0x2c3: {  	[sflag:s12] =	ssyncset.done $0x0  }
0x2c4: {  	s25 =	sadd.s32 $0xA, s22;
	[sflag:s12] =	ssyncadd.s32 $0xFFFFF000  }
0x2c5: {  	[hbm4b:s25+s19] =	stream.strided.scatter [tilespmem:s1], [sflag:$0x2], $0x1000, s13, s19, $0x38;
	[tilespmem:$0x8800] =	vst v63  }
0x2c6: {  	p1 =	por $0x1, $0x1;
	_ =	swait.ge [sflag:s12], $0x1000  }
0x2c7: {  	p0 =	por $0x1, $0x1;
	s3 =	simm.s32 $0x6000;
	[sflag:s12] =	ssyncset.done $0x0  }
0x2c8: {  	s0 =	simm.s32 $0x680;
	s26 =	sadd.s32 $0xC, s22;
	[sflag:s12] =	ssyncadd.s32 $0xFFFFF000  }
0x2c9: {  	[hbm4b:s26+s19] =	stream.strided.scatter [tilespmem:s8], [sflag:$0x2], $0x1000, s13, s19, $0x38;
	[tilespmem:$0x8800] =	vst v63  }
0x2ca: {  	s15 =	simm.s32 $0x600;
	s17 =	simm.s32 $0x7000;
	_ =	swait.ge [sflag:s12], $0x1000  }
.Ltmp4:
0x2cb: {  	s5 =	simm.s32 $0x700;
	[sflag:s12] =	ssyncset.done $0x0;
	(pc) =	sbr.rel @!p1 .LBB2_8-.Ltmp4, $4  }
0x2cc: {  	s23 =	simm.s32 $0x0;
	s22 =	sadd.s32 $0xE, s22;
	[sflag:s12] =	ssyncadd.s32 $0xFFFFF000  }
0x2cd: {  	[hbm4b:s22+s19] =	stream.strided.scatter [tilespmem:s11], [sflag:$0x2], $0x1000, s13, s19, $0x38;
	[tilespmem:$0x8800] =	vst v63  }
0x2ce: {  	s7 =	simm.s32 $0x480;
	s26 =	sadd.s32 $0x20, s31;
	_ =	swait.ge [sflag:s12], $0x1000  }
0x2cf: {  	s25 =	simm.s32 $0x2000;
	s28 =	sor.u32 $0x28000, s26;
	[sflag:s12] =	ssyncset.done $0x0  }
.LBB2_9:
0x2d0: {  	s31 =	smov.u32 s30  }
0x2d1: {  	s30 =	sadd.s32 s30, s28;
	[sflag:s12] =	ssyncadd.s32 $0xFFFFF000;
	s2 =	simm.s32 $0x14000  }
0x2d2: {  	[tilespmem:s23], [sflag:$0x2] =	stream.strided.gather [hbm4b:s30+s10], $0x800, s2, s10, $0x38;
	[tilespmem:$0x8800] =	vst v63  }
0x2d3: {  	_ =	swait.ge [sflag:s12], $0x800  }
0x2d4: {  	[sflag:s12] =	ssyncset.done $0x0  }
0x2d5: {  	[sflag:s12] =	ssyncadd.s32 $0xFFFFF800  }
0x2d6: {  	[tilespmem:s14], [sflag:$0x1] =	stream.indirect.gather [hbm4b:s4+s13], $0x10, s23, s13, $0xb8;
	[tilespmem:$0x8800] =	vst v63  }
0x2d7: {  	s2 =	simm.s32 $0x1000  }
0x2d8: {  	[tilespmem:s2], [sflag:$0x1] =	stream.indirect.gather [hbm4b:s4+s13], $0x10, s13, s13, $0xb8;
	[tilespmem:$0x8800] =	vst v63  }
0x2d9: {  	_ = 	snop  }
0x2da: {  	[tilespmem:s16], [sflag:$0x1] =	stream.indirect.gather [hbm4b:s4+s13], $0x10, s10, s13, $0xb8;
	[tilespmem:$0x8800] =	vst v63  }
0x2db: {  	s30 =	simm.s32 $0x2000;
	s2 =	simm.s32 $0x180  }
0x2dc: {  	[tilespmem:s30], [sflag:$0x1] =	stream.indirect.gather [hbm4b:s4+s13], $0x10, s2, s13, $0xb8;
	[tilespmem:$0x8800] =	vst v63  }
0x2dd: {  	s2 =	simm.s32 $0x200  }
0x2de: {  	[tilespmem:s20], [sflag:$0x1] =	stream.indirect.gather [hbm4b:s4+s13], $0x10, s2, s13, $0xb8;
	[tilespmem:$0x8800] =	vst v63  }
0x2df: {  	s30 =	simm.s32 $0x3000;
	s2 =	simm.s32 $0x280  }
0x2e0: {  	[tilespmem:s30], [sflag:$0x1] =	stream.indirect.gather [hbm4b:s4+s13], $0x10, s2, s13, $0xb8;
	[tilespmem:$0x8800] =	vst v63  }
0x2e1: {  	s2 =	simm.s32 $0x300  }
0x2e2: {  	[tilespmem:s24], [sflag:$0x1] =	stream.indirect.gather [hbm4b:s4+s13], $0x10, s2, s13, $0xb8;
	[tilespmem:$0x8800] =	vst v63  }
0x2e3: {  	s30 =	simm.s32 $0x4000;
	s2 =	simm.s32 $0x380  }
0x2e4: {  	[tilespmem:s30], [sflag:$0x1] =	stream.indirect.gather [hbm4b:s4+s13], $0x10, s2, s13, $0xb8;
	[tilespmem:$0x8800] =	vst v63  }
0x2e5: {  	s2 =	simm.s32 $0x400  }
0x2e6: {  	[tilespmem:s29], [sflag:$0x1] =	stream.indirect.gather [hbm4b:s4+s13], $0x10, s2, s13, $0xb8;
	[tilespmem:$0x8800] =	vst v63  }
0x2e7: {  	s2 =	simm.s32 $0x5000  }
0x2e8: {  	[tilespmem:s2], [sflag:$0x1] =	stream.indirect.gather [hbm4b:s4+s13], $0x10, s7, s13, $0xb8;
	[tilespmem:$0x8800] =	vst v63  }
0x2e9: {  	s2 =	simm.s32 $0x500  }
0x2ea: {  	[tilespmem:s1], [sflag:$0x1] =	stream.indirect.gather [hbm4b:s4+s13], $0x10, s2, s13, $0xb8;
	[tilespmem:$0x8800] =	vst v63  }
0x2eb: {  	s2 =	simm.s32 $0x580  }
0x2ec: {  	[tilespmem:s3], [sflag:$0x1] =	stream.indirect.gather [hbm4b:s4+s13], $0x10, s2, s13, $0xb8;
	[tilespmem:$0x8800] =	vst v63  }
0x2ed: {  	_ = 	snop  }
0x2ee: {  	[tilespmem:s8], [sflag:$0x1] =	stream.indirect.gather [hbm4b:s4+s13], $0x10, s15, s13, $0xb8;
	[tilespmem:$0x8800] =	vst v63  }
0x2ef: {  	_ = 	snop  }
0x2f0: {  	[tilespmem:s17], [sflag:$0x1] =	stream.indirect.gather [hbm4b:s4+s13], $0x10, s0, s13, $0xb8;
	[tilespmem:$0x8800] =	vst v63  }
0x2f1: {  	_ = 	snop  }
0x2f2: {  	[tilespmem:s11], [sflag:$0x1] =	stream.indirect.gather [hbm4b:s4+s13], $0x10, s5, s13, $0xb8;
	[tilespmem:$0x8800] =	vst v63  }
0x2f3: {  	_ = 	snop  }
0x2f4: {  	[tilespmem:s9], [sflag:$0x1] =	stream.indirect.gather [hbm4b:s4+s13], $0x10, s6, s13, $0xb8;
	[tilespmem:$0x8800] =	vst v63  }
0x2f5: {  	_ =	swait.ge [sflag:s18], $0x800  }
0x2f6: {  	[sflag:s18] =	ssyncset.done $0x0  }
0x2f7: {  	[sflag:s18] =	ssyncadd.s32 $0xFFFFF800  }
0x2f8: {  	_ =	swait.ge [sflag:s18], $0x800  }
0x2f9: {  	[sflag:s18] =	ssyncset.done $0x0  }
0x2fa: {  	[sflag:s18] =	ssyncadd.s32 $0xFFFFF800  }
0x2fb: {  	_ =	swait.ge [sflag:s18], $0x800  }
0x2fc: {  	[sflag:s18] =	ssyncset.done $0x0  }
0x2fd: {  	[sflag:s18] =	ssyncadd.s32 $0xFFFFF800  }
0x2fe: {  	_ =	swait.ge [sflag:s18], $0x800  }
0x2ff: {  	[sflag:s18] =	ssyncset.done $0x0  }
0x300: {  	[sflag:s18] =	ssyncadd.s32 $0xFFFFF800  }
0x301: {  	_ =	swait.ge [sflag:s18], $0x800  }
0x302: {  	[sflag:s18] =	ssyncset.done $0x0  }
0x303: {  	[sflag:s18] =	ssyncadd.s32 $0xFFFFF800  }
0x304: {  	_ =	swait.ge [sflag:s18], $0x800  }
0x305: {  	[sflag:s18] =	ssyncset.done $0x0  }
0x306: {  	[sflag:s18] =	ssyncadd.s32 $0xFFFFF800  }
0x307: {  	_ =	swait.ge [sflag:s18], $0x800  }
0x308: {  	[sflag:s18] =	ssyncset.done $0x0  }
0x309: {  	[sflag:s18] =	ssyncadd.s32 $0xFFFFF800  }
0x30a: {  	_ =	swait.ge [sflag:s18], $0x800  }
0x30b: {  	[sflag:s18] =	ssyncset.done $0x0  }
0x30c: {  	[sflag:s18] =	ssyncadd.s32 $0xFFFFF800  }
0x30d: {  	_ =	swait.ge [sflag:s18], $0x800  }
0x30e: {  	[sflag:s18] =	ssyncset.done $0x0  }
0x30f: {  	[sflag:s18] =	ssyncadd.s32 $0xFFFFF800  }
0x310: {  	_ =	swait.ge [sflag:s18], $0x800  }
0x311: {  	[sflag:s18] =	ssyncset.done $0x0  }
0x312: {  	[sflag:s18] =	ssyncadd.s32 $0xFFFFF800  }
0x313: {  	_ =	swait.ge [sflag:s18], $0x800  }
0x314: {  	[sflag:s18] =	ssyncset.done $0x0  }
0x315: {  	[sflag:s18] =	ssyncadd.s32 $0xFFFFF800  }
0x316: {  	_ =	swait.ge [sflag:s18], $0x800  }
0x317: {  	[sflag:s18] =	ssyncset.done $0x0  }
0x318: {  	[sflag:s18] =	ssyncadd.s32 $0xFFFFF800  }
0x319: {  	_ =	swait.ge [sflag:s18], $0x800  }
0x31a: {  	[sflag:s18] =	ssyncset.done $0x0  }
0x31b: {  	[sflag:s18] =	ssyncadd.s32 $0xFFFFF800  }
0x31c: {  	_ =	swait.ge [sflag:s18], $0x800  }
0x31d: {  	[sflag:s18] =	ssyncset.done $0x0  }
0x31e: {  	[sflag:s18] =	ssyncadd.s32 $0xFFFFF800  }
0x31f: {  	_ =	swait.ge [sflag:s18], $0x800  }
0x320: {  	[sflag:s18] =	ssyncset.done $0x0  }
0x321: {  	[sflag:s18] =	ssyncadd.s32 $0xFFFFF800  }
0x322: {  	_ =	swait.ge [sflag:s18], $0x800  }
0x323: {  	s30 =	rddreg [dreg:$0x5];
	[sflag:s18] =	ssyncset.done $0x0  }
0x324: {  	[sflag:s18] =	ssyncadd.s32 $0xFFFFF800;
	s30 =	sadd.s32 s21, s30  }
0x325: {  	[hbm4b:s30+s19] =	stream.strided.scatter [tilespmem:s14], [sflag:$0x2], $0x1000, s13, s19, $0x38;
	[tilespmem:$0x8800] =	vst v63  }
0x326: {  	_ =	swait.ge [sflag:s12], $0x1000  }
0x327: {  	s28 =	smov.u32 s25;
	[sflag:s12] =	ssyncset.done $0x0  }
0x328: {  	s21 =	smov.u32 s28;
	s28 =	sadd.s32 $0x2, s30;
	[sflag:s12] =	ssyncadd.s32 $0xFFFFF000  }
0x329: {  	[hbm4b:s28+s19] =	stream.strided.scatter [tilespmem:s16], [sflag:$0x2], $0x1000, s13, s19, $0x38;
	[tilespmem:$0x8800] =	vst v63  }
0x32a: {  	_ =	swait.ge [sflag:s12], $0x1000  }
0x32b: {  	[sflag:s12] =	ssyncset.done $0x0  }
0x32c: {  	s28 =	sadd.s32 $0x4, s30;
	[sflag:s12] =	ssyncadd.s32 $0xFFFFF000  }
0x32d: {  	[hbm4b:s28+s19] =	stream.strided.scatter [tilespmem:s20], [sflag:$0x2], $0x1000, s13, s19, $0x38;
	[tilespmem:$0x8800] =	vst v63  }
0x32e: {  	_ =	swait.ge [sflag:s12], $0x1000  }
0x32f: {  	[sflag:s12] =	ssyncset.done $0x0  }
0x330: {  	s28 =	sadd.s32 $0x6, s30;
	[sflag:s12] =	ssyncadd.s32 $0xFFFFF000  }
0x331: {  	[hbm4b:s28+s19] =	stream.strided.scatter [tilespmem:s24], [sflag:$0x2], $0x1000, s13, s19, $0x38;
	[tilespmem:$0x8800] =	vst v63  }
0x332: {  	_ =	swait.ge [sflag:s12], $0x1000  }
0x333: {  	[sflag:s12] =	ssyncset.done $0x0  }
0x334: {  	s28 =	sadd.s32 $0x8, s30;
	[sflag:s12] =	ssyncadd.s32 $0xFFFFF000  }
0x335: {  	[hbm4b:s28+s19] =	stream.strided.scatter [tilespmem:s29], [sflag:$0x2], $0x1000, s13, s19, $0x38;
	[tilespmem:$0x8800] =	vst v63  }
0x336: {  	_ =	swait.ge [sflag:s12], $0x1000  }
0x337: {  	[sflag:s12] =	ssyncset.done $0x0  }
0x338: {  	s28 =	sadd.s32 $0xA, s30;
	[sflag:s12] =	ssyncadd.s32 $0xFFFFF000  }
0x339: {  	[hbm4b:s28+s19] =	stream.strided.scatter [tilespmem:s1], [sflag:$0x2], $0x1000, s13, s19, $0x38;
	[tilespmem:$0x8800] =	vst v63  }
0x33a: {  	_ =	swait.ge [sflag:s12], $0x1000  }
0x33b: {  	[sflag:s12] =	ssyncset.done $0x0  }
0x33c: {  	s28 =	sadd.s32 $0xC, s30;
	[sflag:s12] =	ssyncadd.s32 $0xFFFFF000  }
0x33d: {  	[hbm4b:s28+s19] =	stream.strided.scatter [tilespmem:s8], [sflag:$0x2], $0x1000, s13, s19, $0x38;
	[tilespmem:$0x8800] =	vst v63  }
0x33e: {  	p1 =	sne.s32 s25, $0x9000;
	_ =	swait.ge [sflag:s12], $0x1000  }
.Ltmp5:
0x33f: {  	s22 =	simm.s32 $0x0;
	[sflag:s12] =	ssyncset.done $0x0;
	(pc) =	sbr.rel @p1 .LBB2_9-.Ltmp5, $4  }
0x340: {  	s25 =	sadd.s32 $0x1000, s25;
	s28 =	sadd.s32 $0xE, s30;
	[sflag:s12] =	ssyncadd.s32 $0xFFFFF000  }
0x341: {  	[hbm4b:s28+s19] =	stream.strided.scatter [tilespmem:s11], [sflag:$0x2], $0x1000, s13, s19, $0x38;
	[tilespmem:$0x8800] =	vst v63  }
0x342: {  	s26 =	sadd.s32 $0x20, s26;
	s23 =	smov.u32 s22;
	_ =	swait.ge [sflag:s12], $0x1000  }
0x343: {  	s30 =	smov.u32 s31;
	s28 =	sor.u32 $0x28000, s26;
	[sflag:s12] =	ssyncset.done $0x0  }
0x344: {  	s25 =	smov.u32 s23;
	s23 =	smov.u32 s21;
	s31 =	simm.s32 $0x0  }
0x345: {  	s0 =	simm.s32 $0x1000;
	s5 =	simm.s32 $0x180;
	s7 =	simm.s32 $0x2000  }
0x346: {  	s6 =	simm.s32 $0x200;
	s9 =	simm.s32 $0x280;
	s2 =	simm.s32 $0x3000  }
0x347: {  	s3 =	simm.s32 $0x300;
	s15 =	simm.s32 $0x380;
	s17 =	simm.s32 $0x4000  }
.LBB2_11:
0x348: {  	s21 =	sadd.s32 s30, s28;
	[sflag:s12] =	ssyncadd.s32 @p0 $0xFFFFF000;
	s28 =	simm.s32 $0x14000  }
0x349: {  	[tilespmem:s25], [sflag:$0x2] =	stream.strided.gather [hbm4b:s21+s10], $0x800, s28, s10, $0x38;
	[tilespmem:$0x8800] =	vst v63  }
0x34a: {  	_ =	swait.ge [sflag:s12], $0x800  }
0x34b: {  	[sflag:s12] =	ssyncset.done $0x0  }
0x34c: {  	[sflag:s12] =	ssyncadd.s32 $0xFFFFF800  }
0x34d: {  	[tilespmem:s14], [sflag:$0x1] =	stream.indirect.gather [hbm4b:s4+s13], $0x10, s25, s13, $0xb8;
	[tilespmem:$0x8800] =	vst v63  }
0x34e: {  	_ = 	snop  }
0x34f: {  	[tilespmem:s0], [sflag:$0x1] =	stream.indirect.gather [hbm4b:s4+s13], $0x10, s13, s13, $0xb8;
	[tilespmem:$0x8800] =	vst v63  }
0x350: {  	_ = 	snop  }
0x351: {  	[tilespmem:s16], [sflag:$0x1] =	stream.indirect.gather [hbm4b:s4+s13], $0x10, s10, s13, $0xb8;
	[tilespmem:$0x8800] =	vst v63  }
0x352: {  	_ = 	snop  }
0x353: {  	[tilespmem:s7], [sflag:$0x1] =	stream.indirect.gather [hbm4b:s4+s13], $0x10, s5, s13, $0xb8;
	[tilespmem:$0x8800] =	vst v63  }
0x354: {  	_ = 	snop  }
0x355: {  	[tilespmem:s20], [sflag:$0x1] =	stream.indirect.gather [hbm4b:s4+s13], $0x10, s6, s13, $0xb8;
	[tilespmem:$0x8800] =	vst v63  }
0x356: {  	_ = 	snop  }
0x357: {  	[tilespmem:s2], [sflag:$0x1] =	stream.indirect.gather [hbm4b:s4+s13], $0x10, s9, s13, $0xb8;
	[tilespmem:$0x8800] =	vst v63  }
0x358: {  	_ = 	snop  }
0x359: {  	[tilespmem:s24], [sflag:$0x1] =	stream.indirect.gather [hbm4b:s4+s13], $0x10, s3, s13, $0xb8;
	[tilespmem:$0x8800] =	vst v63  }
0x35a: {  	_ = 	snop  }
0x35b: {  	[tilespmem:s17], [sflag:$0x1] =	stream.indirect.gather [hbm4b:s4+s13], $0x10, s15, s13, $0xb8;
	[tilespmem:$0x8800] =	vst v63  }
0x35c: {  	s26 =	simm.s32 $0x400  }
0x35d: {  	[tilespmem:s29], [sflag:$0x1] =	stream.indirect.gather [hbm4b:s4+s13], $0x10, s26, s13, $0xb8;
	[tilespmem:$0x8800] =	vst v63  }
0x35e: {  	s25 =	simm.s32 $0x480;
	s26 =	simm.s32 $0x5000  }
0x35f: {  	[tilespmem:s26], [sflag:$0x1] =	stream.indirect.gather [hbm4b:s4+s13], $0x10, s25, s13, $0xb8;
	[tilespmem:$0x8800] =	vst v63  }
0x360: {  	s26 =	simm.s32 $0x500  }
0x361: {  	[tilespmem:s1], [sflag:$0x1] =	stream.indirect.gather [hbm4b:s4+s13], $0x10, s26, s13, $0xb8;
	[tilespmem:$0x8800] =	vst v63  }
0x362: {  	s25 =	simm.s32 $0x580;
	s26 =	simm.s32 $0x6000  }
0x363: {  	[tilespmem:s26], [sflag:$0x1] =	stream.indirect.gather [hbm4b:s4+s13], $0x10, s25, s13, $0xb8;
	[tilespmem:$0x8800] =	vst v63  }
0x364: {  	s26 =	simm.s32 $0x600  }
0x365: {  	[tilespmem:s8], [sflag:$0x1] =	stream.indirect.gather [hbm4b:s4+s13], $0x10, s26, s13, $0xb8;
	[tilespmem:$0x8800] =	vst v63  }
0x366: {  	s25 =	simm.s32 $0x680;
	s26 =	simm.s32 $0x7000  }
0x367: {  	[tilespmem:s26], [sflag:$0x1] =	stream.indirect.gather [hbm4b:s4+s13], $0x10, s25, s13, $0xb8;
	[tilespmem:$0x8800] =	vst v63  }
0x368: {  	s26 =	simm.s32 $0x700  }
0x369: {  	[tilespmem:s11], [sflag:$0x1] =	stream.indirect.gather [hbm4b:s4+s13], $0x10, s26, s13, $0xb8;
	[tilespmem:$0x8800] =	vst v63  }
0x36a: {  	s25 =	simm.s32 $0x780;
	s26 =	simm.s32 $0x8000  }
0x36b: {  	[tilespmem:s26], [sflag:$0x1] =	stream.indirect.gather [hbm4b:s4+s13], $0x10, s25, s13, $0xb8;
	[tilespmem:$0x8800] =	vst v63  }
0x36c: {  	_ =	swait.ge [sflag:s18], $0x800  }
0x36d: {  	[sflag:s18] =	ssyncset.done $0x0  }
0x36e: {  	[sflag:s18] =	ssyncadd.s32 $0xFFFFF800  }
0x36f: {  	_ =	swait.ge [sflag:s18], $0x800  }
0x370: {  	[sflag:s18] =	ssyncset.done $0x0  }
0x371: {  	[sflag:s18] =	ssyncadd.s32 $0xFFFFF800  }
0x372: {  	_ =	swait.ge [sflag:s18], $0x800  }
0x373: {  	[sflag:s18] =	ssyncset.done $0x0  }
0x374: {  	[sflag:s18] =	ssyncadd.s32 $0xFFFFF800  }
0x375: {  	_ =	swait.ge [sflag:s18], $0x800  }
0x376: {  	[sflag:s18] =	ssyncset.done $0x0  }
0x377: {  	[sflag:s18] =	ssyncadd.s32 $0xFFFFF800  }
0x378: {  	_ =	swait.ge [sflag:s18], $0x800  }
0x379: {  	[sflag:s18] =	ssyncset.done $0x0  }
0x37a: {  	[sflag:s18] =	ssyncadd.s32 $0xFFFFF800  }
0x37b: {  	_ =	swait.ge [sflag:s18], $0x800  }
0x37c: {  	[sflag:s18] =	ssyncset.done $0x0  }
0x37d: {  	[sflag:s18] =	ssyncadd.s32 $0xFFFFF800  }
0x37e: {  	_ =	swait.ge [sflag:s18], $0x800  }
0x37f: {  	[sflag:s18] =	ssyncset.done $0x0  }
0x380: {  	[sflag:s18] =	ssyncadd.s32 $0xFFFFF800  }
0x381: {  	_ =	swait.ge [sflag:s18], $0x800  }
0x382: {  	[sflag:s18] =	ssyncset.done $0x0  }
0x383: {  	[sflag:s18] =	ssyncadd.s32 $0xFFFFF800  }
0x384: {  	_ =	swait.ge [sflag:s18], $0x800  }
0x385: {  	[sflag:s18] =	ssyncset.done $0x0  }
0x386: {  	[sflag:s18] =	ssyncadd.s32 $0xFFFFF800  }
0x387: {  	_ =	swait.ge [sflag:s18], $0x800  }
0x388: {  	[sflag:s18] =	ssyncset.done $0x0  }
0x389: {  	[sflag:s18] =	ssyncadd.s32 $0xFFFFF800  }
0x38a: {  	_ =	swait.ge [sflag:s18], $0x800  }
0x38b: {  	[sflag:s18] =	ssyncset.done $0x0  }
0x38c: {  	[sflag:s18] =	ssyncadd.s32 $0xFFFFF800  }
0x38d: {  	_ =	swait.ge [sflag:s18], $0x800  }
0x38e: {  	[sflag:s18] =	ssyncset.done $0x0  }
0x38f: {  	[sflag:s18] =	ssyncadd.s32 $0xFFFFF800  }
0x390: {  	_ =	swait.ge [sflag:s18], $0x800  }
0x391: {  	[sflag:s18] =	ssyncset.done $0x0  }
0x392: {  	[sflag:s18] =	ssyncadd.s32 $0xFFFFF800  }
0x393: {  	_ =	swait.ge [sflag:s18], $0x800  }
0x394: {  	[sflag:s18] =	ssyncset.done $0x0  }
0x395: {  	[sflag:s18] =	ssyncadd.s32 $0xFFFFF800  }
0x396: {  	_ =	swait.ge [sflag:s18], $0x800  }
0x397: {  	[sflag:s18] =	ssyncset.done $0x0  }
0x398: {  	[sflag:s18] =	ssyncadd.s32 $0xFFFFF800  }
0x399: {  	_ =	swait.ge [sflag:s18], $0x800  }
0x39a: {  	s25 =	rddreg [dreg:$0x5];
	[sflag:s18] =	ssyncset.done $0x0  }
0x39b: {  	[sflag:s18] =	ssyncadd.s32 $0xFFFFF800;
	s21 =	sadd.s32 s23, s25  }
0x39c: {  	[hbm4b:s21+s19] =	stream.strided.scatter [tilespmem:s14], [sflag:$0x2], $0x1000, s13, s19, $0x38;
	[tilespmem:$0x8800] =	vst v63  }
0x39d: {  	_ =	swait.ge [sflag:s12], $0x1000  }
0x39e: {  	[sflag:s12] =	ssyncset.done $0x0  }
0x39f: {  	s23 =	sadd.s32 $0x2, s21;
	[sflag:s12] =	ssyncadd.s32 $0xFFFFF000  }
0x3a0: {  	[hbm4b:s23+s19] =	stream.strided.scatter [tilespmem:s16], [sflag:$0x2], $0x1000, s13, s19, $0x38;
	[tilespmem:$0x8800] =	vst v63  }
0x3a1: {  	_ =	swait.ge [sflag:s12], $0x1000  }
0x3a2: {  	[sflag:s12] =	ssyncset.done $0x0  }
0x3a3: {  	s25 =	sadd.s32 $0x4, s21;
	[sflag:s12] =	ssyncadd.s32 $0xFFFFF000  }
0x3a4: {  	[hbm4b:s25+s19] =	stream.strided.scatter [tilespmem:s20], [sflag:$0x2], $0x1000, s13, s19, $0x38;
	[tilespmem:$0x8800] =	vst v63  }
0x3a5: {  	_ =	swait.ge [sflag:s12], $0x1000  }
0x3a6: {  	[sflag:s12] =	ssyncset.done $0x0  }
0x3a7: {  	s25 =	sadd.s32 $0x6, s21;
	[sflag:s12] =	ssyncadd.s32 $0xFFFFF000  }
0x3a8: {  	[hbm4b:s25+s19] =	stream.strided.scatter [tilespmem:s24], [sflag:$0x2], $0x1000, s13, s19, $0x38;
	[tilespmem:$0x8800] =	vst v63  }
0x3a9: {  	_ =	swait.ge [sflag:s12], $0x1000  }
0x3aa: {  	[sflag:s12] =	ssyncset.done $0x0  }
0x3ab: {  	s25 =	sadd.s32 $0x8, s21;
	[sflag:s12] =	ssyncadd.s32 $0xFFFFF000  }
0x3ac: {  	[hbm4b:s25+s19] =	stream.strided.scatter [tilespmem:s29], [sflag:$0x2], $0x1000, s13, s19, $0x38;
	[tilespmem:$0x8800] =	vst v63  }
0x3ad: {  	_ =	swait.ge [sflag:s12], $0x1000  }
0x3ae: {  	[sflag:s12] =	ssyncset.done $0x0  }
0x3af: {  	s25 =	sadd.s32 $0xA, s21;
	[sflag:s12] =	ssyncadd.s32 $0xFFFFF000  }
0x3b0: {  	[hbm4b:s25+s19] =	stream.strided.scatter [tilespmem:s1], [sflag:$0x2], $0x1000, s13, s19, $0x38;
	[tilespmem:$0x8800] =	vst v63  }
0x3b1: {  	_ =	swait.ge [sflag:s12], $0x1000  }
0x3b2: {  	[sflag:s12] =	ssyncset.done $0x0  }
0x3b3: {  	s25 =	sadd.s32 $0xC, s21;
	[sflag:s12] =	ssyncadd.s32 $0xFFFFF000  }
0x3b4: {  	[hbm4b:s25+s19] =	stream.strided.scatter [tilespmem:s8], [sflag:$0x2], $0x1000, s13, s19, $0x38;
	[tilespmem:$0x8800] =	vst v63  }
0x3b5: {  	_ =	swait.ge [sflag:s12], $0x1000  }
0x3b6: {  	[sflag:s12] =	ssyncset.done $0x0  }
0x3b7: {  	s21 =	sadd.s32 $0xE, s21;
	[sflag:s12] =	ssyncadd.s32 $0xFFFFF000  }
0x3b8: {  	[hbm4b:s21+s19] =	stream.strided.scatter [tilespmem:s11], [sflag:$0x2], $0x1000, s13, s19, $0x38;
	[tilespmem:$0x8800] =	vst v63  }
0x3b9: {  	_ =	swait.ge [sflag:s12], $0x1000  }
0x3ba: {  	[sflag:s12] =	ssyncset.done $0x0  }
0x3bb: {  	s25 =	rddreg [dreg:$0xb];
	[sflag:s12] =	ssyncadd.s32 $0xFFFFF000  }
0x3bc: {  	[tilespmem:s31], [sflag:$0x2] =	stream.strided.gather [hbm4b:s25+s10], $0x800, s28, s10, $0x38;
	[tilespmem:$0x8800] =	vst v63  }
0x3bd: {  	_ =	swait.ge [sflag:s12], $0x800  }
0x3be: {  	[sflag:s12] =	ssyncset.done $0x0  }
0x3bf: {  	[sflag:s12] =	ssyncadd.s32 $0xFFFFF800  }
0x3c0: {  	[tilespmem:s14], [sflag:$0x1] =	stream.indirect.gather [hbm4b:s4+s13], $0x10, s31, s13, $0xb8;
	[tilespmem:$0x8800] =	vst v63  }
0x3c1: {  	_ = 	snop  }
0x3c2: {  	[tilespmem:s0], [sflag:$0x1] =	stream.indirect.gather [hbm4b:s4+s13], $0x10, s13, s13, $0xb8;
	[tilespmem:$0x8800] =	vst v63  }
0x3c3: {  	_ = 	snop  }
0x3c4: {  	[tilespmem:s16], [sflag:$0x1] =	stream.indirect.gather [hbm4b:s4+s13], $0x10, s10, s13, $0xb8;
	[tilespmem:$0x8800] =	vst v63  }
0x3c5: {  	_ = 	snop  }
0x3c6: {  	[tilespmem:s7], [sflag:$0x1] =	stream.indirect.gather [hbm4b:s4+s13], $0x10, s5, s13, $0xb8;
	[tilespmem:$0x8800] =	vst v63  }
0x3c7: {  	_ = 	snop  }
0x3c8: {  	[tilespmem:s20], [sflag:$0x1] =	stream.indirect.gather [hbm4b:s4+s13], $0x10, s6, s13, $0xb8;
	[tilespmem:$0x8800] =	vst v63  }
0x3c9: {  	_ = 	snop  }
0x3ca: {  	[tilespmem:s2], [sflag:$0x1] =	stream.indirect.gather [hbm4b:s4+s13], $0x10, s9, s13, $0xb8;
	[tilespmem:$0x8800] =	vst v63  }
0x3cb: {  	_ = 	snop  }
0x3cc: {  	[tilespmem:s24], [sflag:$0x1] =	stream.indirect.gather [hbm4b:s4+s13], $0x10, s3, s13, $0xb8;
	[tilespmem:$0x8800] =	vst v63  }
0x3cd: {  	_ = 	snop  }
0x3ce: {  	[tilespmem:s17], [sflag:$0x1] =	stream.indirect.gather [hbm4b:s4+s13], $0x10, s15, s13, $0xb8;
	[tilespmem:$0x8800] =	vst v63  }
0x3cf: {  	s23 =	simm.s32 $0x400  }
0x3d0: {  	[tilespmem:s29], [sflag:$0x1] =	stream.indirect.gather [hbm4b:s4+s13], $0x10, s23, s13, $0xb8;
	[tilespmem:$0x8800] =	vst v63  }
0x3d1: {  	s21 =	simm.s32 $0x480;
	s23 =	simm.s32 $0x5000  }
0x3d2: {  	[tilespmem:s23], [sflag:$0x1] =	stream.indirect.gather [hbm4b:s4+s13], $0x10, s21, s13, $0xb8;
	[tilespmem:$0x8800] =	vst v63  }
0x3d3: {  	s23 =	simm.s32 $0x500  }
0x3d4: {  	[tilespmem:s1], [sflag:$0x1] =	stream.indirect.gather [hbm4b:s4+s13], $0x10, s23, s13, $0xb8;
	[tilespmem:$0x8800] =	vst v63  }
0x3d5: {  	s21 =	simm.s32 $0x580;
	s23 =	simm.s32 $0x6000  }
0x3d6: {  	[tilespmem:s23], [sflag:$0x1] =	stream.indirect.gather [hbm4b:s4+s13], $0x10, s21, s13, $0xb8;
	[tilespmem:$0x8800] =	vst v63  }
0x3d7: {  	s23 =	simm.s32 $0x600  }
0x3d8: {  	[tilespmem:s8], [sflag:$0x1] =	stream.indirect.gather [hbm4b:s4+s13], $0x10, s23, s13, $0xb8;
	[tilespmem:$0x8800] =	vst v63  }
0x3d9: {  	s21 =	simm.s32 $0x680;
	s23 =	simm.s32 $0x7000  }
0x3da: {  	[tilespmem:s23], [sflag:$0x1] =	stream.indirect.gather [hbm4b:s4+s13], $0x10, s21, s13, $0xb8;
	[tilespmem:$0x8800] =	vst v63  }
0x3db: {  	s23 =	simm.s32 $0x700  }
0x3dc: {  	[tilespmem:s11], [sflag:$0x1] =	stream.indirect.gather [hbm4b:s4+s13], $0x10, s23, s13, $0xb8;
	[tilespmem:$0x8800] =	vst v63  }
0x3dd: {  	s23 =	simm.s32 $0x780  }
0x3de: {  	[tilespmem:s26], [sflag:$0x1] =	stream.indirect.gather [hbm4b:s4+s13], $0x10, s23, s13, $0xb8;
	[tilespmem:$0x8800] =	vst v63  }
0x3df: {  	_ =	swait.ge [sflag:s18], $0x800  }
0x3e0: {  	[sflag:s18] =	ssyncset.done $0x0  }
0x3e1: {  	[sflag:s18] =	ssyncadd.s32 $0xFFFFF800  }
0x3e2: {  	_ =	swait.ge [sflag:s18], $0x800  }
0x3e3: {  	[sflag:s18] =	ssyncset.done $0x0  }
0x3e4: {  	[sflag:s18] =	ssyncadd.s32 $0xFFFFF800  }
0x3e5: {  	_ =	swait.ge [sflag:s18], $0x800  }
0x3e6: {  	[sflag:s18] =	ssyncset.done $0x0  }
0x3e7: {  	[sflag:s18] =	ssyncadd.s32 $0xFFFFF800  }
0x3e8: {  	_ =	swait.ge [sflag:s18], $0x800  }
0x3e9: {  	[sflag:s18] =	ssyncset.done $0x0  }
0x3ea: {  	[sflag:s18] =	ssyncadd.s32 $0xFFFFF800  }
0x3eb: {  	_ =	swait.ge [sflag:s18], $0x800  }
0x3ec: {  	[sflag:s18] =	ssyncset.done $0x0  }
0x3ed: {  	[sflag:s18] =	ssyncadd.s32 $0xFFFFF800  }
0x3ee: {  	_ =	swait.ge [sflag:s18], $0x800  }
0x3ef: {  	[sflag:s18] =	ssyncset.done $0x0  }
0x3f0: {  	[sflag:s18] =	ssyncadd.s32 $0xFFFFF800  }
0x3f1: {  	_ =	swait.ge [sflag:s18], $0x800  }
0x3f2: {  	[sflag:s18] =	ssyncset.done $0x0  }
0x3f3: {  	[sflag:s18] =	ssyncadd.s32 $0xFFFFF800  }
0x3f4: {  	_ =	swait.ge [sflag:s18], $0x800  }
0x3f5: {  	[sflag:s18] =	ssyncset.done $0x0  }
0x3f6: {  	[sflag:s18] =	ssyncadd.s32 $0xFFFFF800  }
0x3f7: {  	_ =	swait.ge [sflag:s18], $0x800  }
0x3f8: {  	[sflag:s18] =	ssyncset.done $0x0  }
0x3f9: {  	[sflag:s18] =	ssyncadd.s32 $0xFFFFF800  }
0x3fa: {  	_ =	swait.ge [sflag:s18], $0x800  }
0x3fb: {  	[sflag:s18] =	ssyncset.done $0x0  }
0x3fc: {  	[sflag:s18] =	ssyncadd.s32 $0xFFFFF800  }
0x3fd: {  	_ =	swait.ge [sflag:s18], $0x800  }
0x3fe: {  	[sflag:s18] =	ssyncset.done $0x0  }
0x3ff: {  	[sflag:s18] =	ssyncadd.s32 $0xFFFFF800  }
0x400: {  	_ =	swait.ge [sflag:s18], $0x800  }
0x401: {  	[sflag:s18] =	ssyncset.done $0x0  }
0x402: {  	[sflag:s18] =	ssyncadd.s32 $0xFFFFF800  }
0x403: {  	_ =	swait.ge [sflag:s18], $0x800  }
0x404: {  	[sflag:s18] =	ssyncset.done $0x0  }
0x405: {  	[sflag:s18] =	ssyncadd.s32 $0xFFFFF800  }
0x406: {  	_ =	swait.ge [sflag:s18], $0x800  }
0x407: {  	[sflag:s18] =	ssyncset.done $0x0  }
0x408: {  	[sflag:s18] =	ssyncadd.s32 $0xFFFFF800  }
0x409: {  	_ =	swait.ge [sflag:s18], $0x800  }
0x40a: {  	[sflag:s18] =	ssyncset.done $0x0  }
0x40b: {  	[sflag:s18] =	ssyncadd.s32 $0xFFFFF800  }
0x40c: {  	_ =	swait.ge [sflag:s18], $0x800  }
0x40d: {  	s23 =	rddreg [dreg:$0x6];
	[sflag:s18] =	ssyncset.done $0x0  }
0x40e: {  	[sflag:s18] =	ssyncadd.s32 $0xFFFFF800;
	s21 =	sadd.s32 s22, s23  }
0x40f: {  	[hbm4b:s21+s19] =	stream.strided.scatter [tilespmem:s14], [sflag:$0x2], $0x1000, s13, s19, $0x38;
	[tilespmem:$0x8800] =	vst v63  }
0x410: {  	_ =	swait.ge [sflag:s12], $0x1000  }
0x411: {  	[sflag:s12] =	ssyncset.done $0x0  }
0x412: {  	s26 =	sadd.s32 $0x2, s21;
	[sflag:s12] =	ssyncadd.s32 $0xFFFFF000  }
0x413: {  	[hbm4b:s26+s19] =	stream.strided.scatter [tilespmem:s16], [sflag:$0x2], $0x1000, s13, s19, $0x38;
	[tilespmem:$0x8800] =	vst v63  }
0x414: {  	_ =	swait.ge [sflag:s12], $0x1000  }
0x415: {  	[sflag:s12] =	ssyncset.done $0x0  }
0x416: {  	s26 =	sadd.s32 $0x4, s21;
	[sflag:s12] =	ssyncadd.s32 $0xFFFFF000  }
0x417: {  	[hbm4b:s26+s19] =	stream.strided.scatter [tilespmem:s20], [sflag:$0x2], $0x1000, s13, s19, $0x38;
	[tilespmem:$0x8800] =	vst v63  }
0x418: {  	_ =	swait.ge [sflag:s12], $0x1000  }
0x419: {  	[sflag:s12] =	ssyncset.done $0x0  }
0x41a: {  	s26 =	sadd.s32 $0x6, s21;
	[sflag:s12] =	ssyncadd.s32 $0xFFFFF000  }
0x41b: {  	[hbm4b:s26+s19] =	stream.strided.scatter [tilespmem:s24], [sflag:$0x2], $0x1000, s13, s19, $0x38;
	[tilespmem:$0x8800] =	vst v63  }
0x41c: {  	_ =	swait.ge [sflag:s12], $0x1000  }
0x41d: {  	[sflag:s12] =	ssyncset.done $0x0  }
0x41e: {  	s26 =	sadd.s32 $0x8, s21;
	[sflag:s12] =	ssyncadd.s32 $0xFFFFF000  }
0x41f: {  	[hbm4b:s26+s19] =	stream.strided.scatter [tilespmem:s29], [sflag:$0x2], $0x1000, s13, s19, $0x38;
	[tilespmem:$0x8800] =	vst v63  }
0x420: {  	_ =	swait.ge [sflag:s12], $0x1000  }
0x421: {  	[sflag:s12] =	ssyncset.done $0x0  }
0x422: {  	s26 =	sadd.s32 $0xA, s21;
	[sflag:s12] =	ssyncadd.s32 $0xFFFFF000  }
0x423: {  	[hbm4b:s26+s19] =	stream.strided.scatter [tilespmem:s1], [sflag:$0x2], $0x1000, s13, s19, $0x38;
	[tilespmem:$0x8800] =	vst v63  }
0x424: {  	_ =	swait.ge [sflag:s12], $0x1000  }
0x425: {  	[sflag:s12] =	ssyncset.done $0x0  }
0x426: {  	s26 =	sadd.s32 $0xC, s21;
	[sflag:s12] =	ssyncadd.s32 $0xFFFFF000  }
0x427: {  	[hbm4b:s26+s19] =	stream.strided.scatter [tilespmem:s8], [sflag:$0x2], $0x1000, s13, s19, $0x38;
	[tilespmem:$0x8800] =	vst v63  }
0x428: {  	p0 =	sne.s32 s22, $0x9000;
	_ =	swait.ge [sflag:s12], $0x1000  }
.Ltmp6:
0x429: {  	[sflag:s12] =	ssyncset.done $0x0;
	(pc) =	sbr.rel @!p0 .LBB2_13-.Ltmp6, $4  }
0x42a: {  	s21 =	sadd.s32 $0xE, s21;
	[sflag:s12] =	ssyncadd.s32 $0xFFFFF000  }
0x42b: {  	[hbm4b:s21+s19] =	stream.strided.scatter [tilespmem:s11], [sflag:$0x2], $0x1000, s13, s19, $0x38;
	[tilespmem:$0x8800] =	vst v63  }
0x42c: {  	_ =	swait.ge [sflag:s12], $0x1000  }
0x42d: {  	s21 =	sadd.s32 $0x1000, s22;
	s22 =	smov.u32 s25;
	[sflag:s12] =	ssyncset.done $0x0  }
.LBB2_12:
0x42e: {  	[sflag:s12] =	ssyncadd.s32 $0xFFFFF000;
	s22 =	sadd.s32 $0x20, s22  }
0x42f: {  	[tilespmem:s31], [sflag:$0x2] =	stream.strided.gather [hbm4b:s22+s10], $0x800, s28, s10, $0x38;
	[tilespmem:$0x8800] =	vst v63  }
0x430: {  	_ =	swait.ge [sflag:s12], $0x800  }
0x431: {  	[sflag:s12] =	ssyncset.done $0x0  }
0x432: {  	[sflag:s12] =	ssyncadd.s32 $0xFFFFF800  }
0x433: {  	[tilespmem:s14], [sflag:$0x1] =	stream.indirect.gather [hbm4b:s4+s13], $0x10, s31, s13, $0xb8;
	[tilespmem:$0x8800] =	vst v63  }
0x434: {  	_ = 	snop  }
0x435: {  	[tilespmem:s0], [sflag:$0x1] =	stream.indirect.gather [hbm4b:s4+s13], $0x10, s13, s13, $0xb8;
	[tilespmem:$0x8800] =	vst v63  }
0x436: {  	_ = 	snop  }
0x437: {  	[tilespmem:s16], [sflag:$0x1] =	stream.indirect.gather [hbm4b:s4+s13], $0x10, s10, s13, $0xb8;
	[tilespmem:$0x8800] =	vst v63  }
0x438: {  	_ = 	snop  }
0x439: {  	[tilespmem:s7], [sflag:$0x1] =	stream.indirect.gather [hbm4b:s4+s13], $0x10, s5, s13, $0xb8;
	[tilespmem:$0x8800] =	vst v63  }
0x43a: {  	_ = 	snop  }
0x43b: {  	[tilespmem:s20], [sflag:$0x1] =	stream.indirect.gather [hbm4b:s4+s13], $0x10, s6, s13, $0xb8;
	[tilespmem:$0x8800] =	vst v63  }
0x43c: {  	_ = 	snop  }
0x43d: {  	[tilespmem:s2], [sflag:$0x1] =	stream.indirect.gather [hbm4b:s4+s13], $0x10, s9, s13, $0xb8;
	[tilespmem:$0x8800] =	vst v63  }
0x43e: {  	_ = 	snop  }
0x43f: {  	[tilespmem:s24], [sflag:$0x1] =	stream.indirect.gather [hbm4b:s4+s13], $0x10, s3, s13, $0xb8;
	[tilespmem:$0x8800] =	vst v63  }
0x440: {  	_ = 	snop  }
0x441: {  	[tilespmem:s17], [sflag:$0x1] =	stream.indirect.gather [hbm4b:s4+s13], $0x10, s15, s13, $0xb8;
	[tilespmem:$0x8800] =	vst v63  }
0x442: {  	s25 =	simm.s32 $0x400  }
0x443: {  	[tilespmem:s29], [sflag:$0x1] =	stream.indirect.gather [hbm4b:s4+s13], $0x10, s25, s13, $0xb8;
	[tilespmem:$0x8800] =	vst v63  }
0x444: {  	s26 =	simm.s32 $0x5000;
	s25 =	simm.s32 $0x480  }
0x445: {  	[tilespmem:s26], [sflag:$0x1] =	stream.indirect.gather [hbm4b:s4+s13], $0x10, s25, s13, $0xb8;
	[tilespmem:$0x8800] =	vst v63  }
0x446: {  	s26 =	simm.s32 $0x500  }
0x447: {  	[tilespmem:s1], [sflag:$0x1] =	stream.indirect.gather [hbm4b:s4+s13], $0x10, s26, s13, $0xb8;
	[tilespmem:$0x8800] =	vst v63  }
0x448: {  	s25 =	simm.s32 $0x580;
	s26 =	simm.s32 $0x6000  }
0x449: {  	[tilespmem:s26], [sflag:$0x1] =	stream.indirect.gather [hbm4b:s4+s13], $0x10, s25, s13, $0xb8;
	[tilespmem:$0x8800] =	vst v63  }
0x44a: {  	s26 =	simm.s32 $0x600  }
0x44b: {  	[tilespmem:s8], [sflag:$0x1] =	stream.indirect.gather [hbm4b:s4+s13], $0x10, s26, s13, $0xb8;
	[tilespmem:$0x8800] =	vst v63  }
0x44c: {  	s25 =	simm.s32 $0x680;
	s26 =	simm.s32 $0x7000  }
0x44d: {  	[tilespmem:s26], [sflag:$0x1] =	stream.indirect.gather [hbm4b:s4+s13], $0x10, s25, s13, $0xb8;
	[tilespmem:$0x8800] =	vst v63  }
0x44e: {  	s26 =	simm.s32 $0x700  }
0x44f: {  	[tilespmem:s11], [sflag:$0x1] =	stream.indirect.gather [hbm4b:s4+s13], $0x10, s26, s13, $0xb8;
	[tilespmem:$0x8800] =	vst v63  }
0x450: {  	s25 =	simm.s32 $0x780;
	s26 =	simm.s32 $0x8000  }
0x451: {  	[tilespmem:s26], [sflag:$0x1] =	stream.indirect.gather [hbm4b:s4+s13], $0x10, s25, s13, $0xb8;
	[tilespmem:$0x8800] =	vst v63  }
0x452: {  	_ =	swait.ge [sflag:s18], $0x800  }
0x453: {  	[sflag:s18] =	ssyncset.done $0x0  }
0x454: {  	[sflag:s18] =	ssyncadd.s32 $0xFFFFF800  }
0x455: {  	_ =	swait.ge [sflag:s18], $0x800  }
0x456: {  	[sflag:s18] =	ssyncset.done $0x0  }
0x457: {  	[sflag:s18] =	ssyncadd.s32 $0xFFFFF800  }
0x458: {  	_ =	swait.ge [sflag:s18], $0x800  }
0x459: {  	[sflag:s18] =	ssyncset.done $0x0  }
0x45a: {  	[sflag:s18] =	ssyncadd.s32 $0xFFFFF800  }
0x45b: {  	_ =	swait.ge [sflag:s18], $0x800  }
0x45c: {  	[sflag:s18] =	ssyncset.done $0x0  }
0x45d: {  	[sflag:s18] =	ssyncadd.s32 $0xFFFFF800  }
0x45e: {  	_ =	swait.ge [sflag:s18], $0x800  }
0x45f: {  	[sflag:s18] =	ssyncset.done $0x0  }
0x460: {  	[sflag:s18] =	ssyncadd.s32 $0xFFFFF800  }
0x461: {  	_ =	swait.ge [sflag:s18], $0x800  }
0x462: {  	[sflag:s18] =	ssyncset.done $0x0  }
0x463: {  	[sflag:s18] =	ssyncadd.s32 $0xFFFFF800  }
0x464: {  	_ =	swait.ge [sflag:s18], $0x800  }
0x465: {  	[sflag:s18] =	ssyncset.done $0x0  }
0x466: {  	[sflag:s18] =	ssyncadd.s32 $0xFFFFF800  }
0x467: {  	_ =	swait.ge [sflag:s18], $0x800  }
0x468: {  	[sflag:s18] =	ssyncset.done $0x0  }
0x469: {  	[sflag:s18] =	ssyncadd.s32 $0xFFFFF800  }
0x46a: {  	_ =	swait.ge [sflag:s18], $0x800  }
0x46b: {  	[sflag:s18] =	ssyncset.done $0x0  }
0x46c: {  	[sflag:s18] =	ssyncadd.s32 $0xFFFFF800  }
0x46d: {  	_ =	swait.ge [sflag:s18], $0x800  }
0x46e: {  	[sflag:s18] =	ssyncset.done $0x0  }
0x46f: {  	[sflag:s18] =	ssyncadd.s32 $0xFFFFF800  }
0x470: {  	_ =	swait.ge [sflag:s18], $0x800  }
0x471: {  	[sflag:s18] =	ssyncset.done $0x0  }
0x472: {  	[sflag:s18] =	ssyncadd.s32 $0xFFFFF800  }
0x473: {  	_ =	swait.ge [sflag:s18], $0x800  }
0x474: {  	[sflag:s18] =	ssyncset.done $0x0  }
0x475: {  	[sflag:s18] =	ssyncadd.s32 $0xFFFFF800  }
0x476: {  	_ =	swait.ge [sflag:s18], $0x800  }
0x477: {  	[sflag:s18] =	ssyncset.done $0x0  }
0x478: {  	[sflag:s18] =	ssyncadd.s32 $0xFFFFF800  }
0x479: {  	_ =	swait.ge [sflag:s18], $0x800  }
0x47a: {  	[sflag:s18] =	ssyncset.done $0x0  }
0x47b: {  	[sflag:s18] =	ssyncadd.s32 $0xFFFFF800  }
0x47c: {  	_ =	swait.ge [sflag:s18], $0x800  }
0x47d: {  	[sflag:s18] =	ssyncset.done $0x0  }
0x47e: {  	[sflag:s18] =	ssyncadd.s32 $0xFFFFF800  }
0x47f: {  	_ =	swait.ge [sflag:s18], $0x800  }
0x480: {  	s23 =	smov.u32 s21;
	s26 =	rddreg [dreg:$0x6];
	[sflag:s18] =	ssyncset.done $0x0  }
0x481: {  	[sflag:s18] =	ssyncadd.s32 $0xFFFFF800;
	s23 =	sadd.s32 s23, s26  }
0x482: {  	[hbm4b:s23+s19] =	stream.strided.scatter [tilespmem:s14], [sflag:$0x2], $0x1000, s13, s19, $0x38;
	[tilespmem:$0x8800] =	vst v63  }
0x483: {  	_ =	swait.ge [sflag:s12], $0x1000  }
0x484: {  	[sflag:s12] =	ssyncset.done $0x0  }
0x485: {  	s25 =	sadd.s32 $0x2, s23;
	[sflag:s12] =	ssyncadd.s32 $0xFFFFF000  }
0x486: {  	[hbm4b:s25+s19] =	stream.strided.scatter [tilespmem:s16], [sflag:$0x2], $0x1000, s13, s19, $0x38;
	[tilespmem:$0x8800] =	vst v63  }
0x487: {  	_ =	swait.ge [sflag:s12], $0x1000  }
0x488: {  	[sflag:s12] =	ssyncset.done $0x0  }
0x489: {  	s26 =	sadd.s32 $0x4, s23;
	[sflag:s12] =	ssyncadd.s32 $0xFFFFF000  }
0x48a: {  	[hbm4b:s26+s19] =	stream.strided.scatter [tilespmem:s20], [sflag:$0x2], $0x1000, s13, s19, $0x38;
	[tilespmem:$0x8800] =	vst v63  }
0x48b: {  	_ =	swait.ge [sflag:s12], $0x1000  }
0x48c: {  	[sflag:s12] =	ssyncset.done $0x0  }
0x48d: {  	s26 =	sadd.s32 $0x6, s23;
	[sflag:s12] =	ssyncadd.s32 $0xFFFFF000  }
0x48e: {  	[hbm4b:s26+s19] =	stream.strided.scatter [tilespmem:s24], [sflag:$0x2], $0x1000, s13, s19, $0x38;
	[tilespmem:$0x8800] =	vst v63  }
0x48f: {  	_ =	swait.ge [sflag:s12], $0x1000  }
0x490: {  	[sflag:s12] =	ssyncset.done $0x0  }
0x491: {  	s26 =	sadd.s32 $0x8, s23;
	[sflag:s12] =	ssyncadd.s32 $0xFFFFF000  }
0x492: {  	[hbm4b:s26+s19] =	stream.strided.scatter [tilespmem:s29], [sflag:$0x2], $0x1000, s13, s19, $0x38;
	[tilespmem:$0x8800] =	vst v63  }
0x493: {  	_ =	swait.ge [sflag:s12], $0x1000  }
0x494: {  	[sflag:s12] =	ssyncset.done $0x0  }
0x495: {  	s26 =	sadd.s32 $0xA, s23;
	[sflag:s12] =	ssyncadd.s32 $0xFFFFF000  }
0x496: {  	[hbm4b:s26+s19] =	stream.strided.scatter [tilespmem:s1], [sflag:$0x2], $0x1000, s13, s19, $0x38;
	[tilespmem:$0x8800] =	vst v63  }
0x497: {  	_ =	swait.ge [sflag:s12], $0x1000  }
0x498: {  	[sflag:s12] =	ssyncset.done $0x0  }
0x499: {  	s26 =	sadd.s32 $0xC, s23;
	[sflag:s12] =	ssyncadd.s32 $0xFFFFF000  }
0x49a: {  	[hbm4b:s26+s19] =	stream.strided.scatter [tilespmem:s8], [sflag:$0x2], $0x1000, s13, s19, $0x38;
	[tilespmem:$0x8800] =	vst v63  }
0x49b: {  	p0 =	sne.s32 s21, $0x9000;
	_ =	swait.ge [sflag:s12], $0x1000  }
.Ltmp7:
0x49c: {  	[sflag:s12] =	ssyncset.done $0x0;
	(pc) =	sbr.rel @p0 .LBB2_12-.Ltmp7, $4  }
0x49d: {  	s23 =	sadd.s32 $0xE, s23;
	[sflag:s12] =	ssyncadd.s32 $0xFFFFF000  }
0x49e: {  	[hbm4b:s23+s19] =	stream.strided.scatter [tilespmem:s11], [sflag:$0x2], $0x1000, s13, s19, $0x38;
	[tilespmem:$0x8800] =	vst v63  }
0x49f: {  	_ =	swait.ge [sflag:s12], $0x1000  }
0x4a0: {  	s21 =	sadd.s32 $0x1000, s21;
	[sflag:s12] =	ssyncset.done $0x0  }
.LBB2_13:
0x4a1: {  	s23 =	rddreg [dreg:$0xc]  }
0x4a2: {  	s21 =	rddreg [dreg:$0x7];
	s23 =	sadd.s32 $0x1, s23  }
0x4a3: {  	p0 =	sne.s32 s23, s21  }
.Ltmp8:
0x4a4: {  	_ = 	snop;
	(pc) =	sbr.rel @p0 .LBB2_1-.Ltmp8, $4  }
.Ltmp9:
0x4a5: {  	_ = 	snop;
	(pc) =	sbr.rel @!p0 .LBB2_14-.Ltmp9, $4  }
0x4a6: {  	_ = 	snop  }
0x4a7: {  	[sflag:s12] =	ssyncadd.s32 $0xFFFFF000;
	s22 =	simm.s32 $0x480  }
0x4a8: {  	s25 =	simm.s32 $0x5000;
	s26 =	simm.s32 $0x500;
	s21 =	simm.s32 $0x400  }
0x4a9: {  	_ = 	snop  }
.LBB2_6:
.Ltmp10:
0x4aa: {  	(pc) =	sbr.rel .LBB2_11-.Ltmp10, $2  }
0x4ab: {  	_ =	sdelay $0x2  }
0x4ac: {  	s22 =	simm.s32 $0x0;
	s31 =	simm.s32 $0x0  }
.LBB2_8:
.Ltmp11:
0x4ad: {  	s25 =	simm.s32 $0x0;
	(pc) =	sbr.rel .LBB2_11-.Ltmp11, $4  }
0x4ae: {  	s23 =	simm.s32 $0x1000;
	s22 =	simm.s32 $0x0;
	s31 =	simm.s32 $0x0  }
0x4af: {  	s0 =	simm.s32 $0x1000;
	s5 =	simm.s32 $0x180;
	s7 =	simm.s32 $0x2000  }
0x4b0: {  	s6 =	simm.s32 $0x200;
	s9 =	simm.s32 $0x280;
	s2 =	simm.s32 $0x3000  }
0x4b1: {  	s3 =	simm.s32 $0x300;
	s15 =	simm.s32 $0x380;
	s17 =	simm.s32 $0x4000  }
.LBB2_14:
0x4b2: {  	_ =	sfence.sel $0x180000  }
0x4b3: {  	[bflag:$0x0] =	sbarrier.arrive $0xFFFF  }
0x4b4: {  	_ =	strace $0x90000047  }
0x4b5: {  	s0 =	stileid.u32;
	[bflag:$0x2] =	sbarrier.arrive $0xFFFF  }
0x4b6: {  	p0 =	sne.s32 s0, $0x0;
	s0 =	rddreg [dreg:$0x2]  }
0x4b7: {  	s0 =	sadd.s32 @!p0 $0x100000, s0  }
0x4b8: {  	[sflag:s0] =	ssyncadd.tile.s32 @!p0 $0x1;
	_ =	shalt  }
.Lfunc_end2:
_tile_overlayer_lowered:
.L_overlay_start_2:
0x4b9: {  	(tag) =	ssettag $0x2  }
0x4ba: {  	s0 =	rddreg [dreg:$0x0];
	s2 =	stileid.u32  }
0x4bb: {  	s1 =	rddreg [dreg:$0x1];
	p0 =	sne.s32 s2, $0x0  }
0x4bc: {  	s3 =	rddreg [dreg:$0x2];
	[bflag:$0x3] =	sbarrier.arrive $0xFFFF;
	s2 =	simm.s32 @!p0 $0x1C02  }
0x4bd: {  	[timem:s3], [sflag:s2] =	dma.local @!p0 [hbm:s0], s1  }
0x4be: {  	s0 =	simm.s32 @!p0 $0x2  }
0x4bf: {  	_ =	swait.ge @!p0 [sflag:s0], s1  }
0x4c0: {  	s1 =	ssub.s32 @!p0 $0x0, s1;
	[sflag:s0] =	ssyncset.done @!p0 $0x0  }
0x4c1: {  	[sflag:s0] =	ssyncadd.s32 @!p0 s1  }
0x4c2: {  	[bflag:$0x3] =	sbarrier.arrive $0xFFFF  }
0x4c3: {  	_ =	shalt  }

</sc_bundles>
